<compile_context>
chip_gen: v7x
topology: tpu7x:2x2x1
jax: 0.10.2.dev20260603
libtpu: 0.0.44.dev20260713+nightly
codegen_flags: <defaults>
</compile_context>

<pallas_src>
import functools

import jax
import jax.numpy as jnp
from jax import lax
from jax.experimental import pallas as pl
from jax.experimental.pallas import tpu as pltpu
from jax.experimental.pallas import tpu_sc as plsc

_N = 10000
_E = 320000
_D = 128
_C = 47
_C_PAD = 48

_NC = 2
_NS = 16
_NW = _NC * _NS

_CH = 96
_NCHUNK = 108
_EPW = _NCHUNK * _CH
_EPAD = _NW * _EPW

_NROWS = 10240
_RPS = _NROWS // _NS
_ZCH = 128

_mesh = plsc.VectorSubcoreMesh(core_axis_name="c", subcore_axis_name="s")
_sc_params = pltpu.CompilerParams(use_tc_tiling_on_sc=False)


def _zero_vmem(ref, rows, width):
    def body(i, carry):
        for j in range(width // 16):
            ref[i, pl.ds(j * 16, 16)] = jnp.zeros((16,), jnp.float32)
        return carry
    lax.fori_loop(0, rows, body, 0)


@functools.partial(
    pl.kernel,
    mesh=_mesh,
    out_type=[
        jax.ShapeDtypeStruct((_NC, _NROWS, 16), jnp.float32),
    ],
    scratch_types=[
        pltpu.VMEM((_NCHUNK, _CH), jnp.int32),
        pltpu.VMEM((_CH, 16), jnp.float32),
        pltpu.VMEM_SHARED((_NROWS, 16), jnp.float32),
        pltpu.SemaphoreType.DMA,
    ],
    compiler_params=_sc_params,
)
def _sc_pass0(dst_hbm, out_cnt, dst_v, ones_v, cnt_s, sem):
    c = lax.axis_index("c")
    s = lax.axis_index("s")
    wid = s * _NC + c

    _zero_vmem(ones_v, _CH, 16)
    for k in range(_RPS // _CH):
        pltpu.sync_copy(ones_v, cnt_s.at[pl.ds(s * _RPS + k * _CH, _CH)])
    if _RPS % _CH:
        pltpu.sync_copy(
            ones_v.at[pl.ds(0, _RPS % _CH)],
            cnt_s.at[pl.ds(s * _RPS + (_RPS // _CH) * _CH, _RPS % _CH)])

    def fill_ones(i, carry):
        ones_v[i, pl.ds(0, 16)] = jnp.ones((16,), jnp.float32)
        return carry
    lax.fori_loop(0, _CH, fill_ones, 0)
    plsc.subcore_barrier()

    pltpu.sync_copy(dst_hbm.at[wid], dst_v)

    def chunk(j, carry):
        for b in range(6):
            pltpu.async_copy(ones_v, cnt_s.at[dst_v.at[j * 6 + b]], sem,
                             add=True)
        for b in range(6):
            pltpu.make_async_copy(ones_v, cnt_s.at[dst_v.at[j * 6 + b]],
                                  sem).wait()
        return carry
    lax.fori_loop(0, _NCHUNK // 6, chunk, 0)

    plsc.subcore_barrier()
    rbase = s * _RPS
    pltpu.sync_copy(cnt_s.at[pl.ds(rbase, _RPS)],
                    out_cnt.at[c].at[pl.ds(rbase, _RPS)])


def _make_sum_pass(width, ch, nchunk, nbuf, nseg):
    ih = nchunk // nseg
    nj = ih // nbuf

    @functools.partial(
        pl.kernel,
        mesh=_mesh,
        out_type=[
            jax.ShapeDtypeStruct((_NC, _NROWS, width), jnp.float32),
        ],
        scratch_types=[
            pltpu.VMEM((ih, ch), jnp.int32),
            pltpu.VMEM((ih, ch), jnp.int32),
            pltpu.VMEM((nbuf, ch, width), jnp.float32),
            pltpu.VMEM_SHARED((_NROWS, width), jnp.float32),
            [pltpu.SemaphoreType.DMA] * nbuf,
        ],
        compiler_params=_sc_params,
    )
    def sum_pass(tab_hbm, src_hbm, dst_hbm, out_sum,
                 src_v, dst_v, rows_v, acc_s, gsem):
        c = lax.axis_index("c")
        s = lax.axis_index("s")
        wid = s * _NC + c

        _zero_vmem(rows_v.at[0], ch, width)
        for k in range(_RPS // ch):
            pltpu.sync_copy(rows_v.at[0], acc_s.at[pl.ds(s * _RPS + k * ch, ch)])
        if _RPS % ch:
            pltpu.sync_copy(
                rows_v.at[0].at[pl.ds(0, _RPS % ch)],
                acc_s.at[pl.ds(s * _RPS + (_RPS // ch) * ch, _RPS % ch)])
        plsc.subcore_barrier()

        for h in range(nseg):
            pltpu.sync_copy(src_hbm.at[wid].at[pl.ds(h * ih, ih)], src_v)
            pltpu.sync_copy(dst_hbm.at[wid].at[pl.ds(h * ih, ih)], dst_v)
            for b in range(nbuf - 1):
                pltpu.async_copy(tab_hbm.at[src_v.at[b]], rows_v.at[b],
                                 gsem[b])

            def group(j, carry):
                for b in range(nbuf):
                    i = j * nbuf + b
                    bn = (b + nbuf - 1) % nbuf
                    pltpu.make_async_copy(tab_hbm.at[src_v.at[i]],
                                          rows_v.at[b], gsem[b]).wait()
                    if b == 0:
                        pltpu.async_copy(tab_hbm.at[src_v.at[i + nbuf - 1]],
                                         rows_v.at[bn], gsem[bn])
                    else:
                        @pl.when(j < nj - 1)
                        def _fire():
                            pltpu.async_copy(
                                tab_hbm.at[src_v.at[i + nbuf - 1]],
                                rows_v.at[bn], gsem[bn])
                    pltpu.sync_copy(rows_v.at[b], acc_s.at[dst_v.at[i]],
                                    add=True)
                return carry
            lax.fori_loop(0, nj, group, 0)

        plsc.subcore_barrier()
        rbase = s * _RPS
        pltpu.sync_copy(acc_s.at[pl.ds(rbase, _RPS)],
                        out_sum.at[c].at[pl.ds(rbase, _RPS)])
    return sum_pass


_sc_pass1 = _make_sum_pass(_D, _CH, _NCHUNK, 3, 2)
_sc_pass2 = _make_sum_pass(_C_PAD, _CH, _NCHUNK, 6, 1)

_R = 1000


def _tc0_body(x, w1r, b1, xr_out):
    xr_out[...] = jnp.dot(x[...], w1r[...],
                          preferred_element_type=jnp.float32) + b1[...]


def _tc1_body(p0, p1, c0, c1, xr, w1l, w2l, w2r, b2, g_out, r_out):
    cnt = jnp.maximum(c0[0, :, 0:1] + c1[0, :, 0:1], 1.0)
    mean = (p0[0] + p1[0]) / cnt
    h = jnp.dot(mean, w1l[...], preferred_element_type=jnp.float32)
    h = jnp.maximum(h + xr[...], 0.0)
    g_out[...] = jnp.dot(h, w2l[...], preferred_element_type=jnp.float32)
    r_out[...] = jnp.dot(h, w2r[...], preferred_element_type=jnp.float32) + b2[...]


def _tc2_body(q0, q1, c0, c1, r, o_out):
    cnt = jnp.maximum(c0[0, :, 0:1] + c1[0, :, 0:1], 1.0)
    z = (q0[0] + q1[0]) / cnt + r[...]
    col = lax.broadcasted_iota(jnp.int32, (_R, _C_PAD), 1)
    valid = col < _C
    zm = jnp.where(valid, z, -1e30)
    m = jnp.max(zm, axis=1, keepdims=True)
    e = jnp.where(valid, jnp.exp(z - m), 0.0)
    lse = jnp.log(jnp.sum(e, axis=1, keepdims=True))
    o_out[...] = (z - m - lse)[:, :_C]


def _row_spec(w):
    return pl.BlockSpec((_R, w), lambda i: (i, 0))


def _core_spec(core, w):
    return pl.BlockSpec((1, _R, w), lambda i, _core=core: (_core, i, 0))


def _full_spec(shape):
    return pl.BlockSpec(shape, lambda i: (0,) * len(shape))


_tc0 = pl.pallas_call(
    _tc0_body,
    grid=(_N // _R,),
    in_specs=[
        _row_spec(_D), _full_spec((_D, _D)), _full_spec((1, _D)),
    ],
    out_specs=[_row_spec(_D)],
    out_shape=[jax.ShapeDtypeStruct((_N, _D), jnp.float32)],
)

_tc1 = pl.pallas_call(
    _tc1_body,
    grid=(_N // _R,),
    in_specs=[
        _core_spec(0, _D), _core_spec(1, _D),
        _core_spec(0, 16), _core_spec(1, 16),
        _row_spec(_D),
        _full_spec((_D, _D)),
        _full_spec((_D, _C_PAD)), _full_spec((_D, _C_PAD)),
        _full_spec((1, _C_PAD)),
    ],
    out_specs=[_row_spec(_C_PAD), _row_spec(_C_PAD)],
    out_shape=[
        jax.ShapeDtypeStruct((_N, _C_PAD), jnp.float32),
        jax.ShapeDtypeStruct((_N, _C_PAD), jnp.float32),
    ],
)

_tc2 = pl.pallas_call(
    _tc2_body,
    grid=(_N // _R,),
    in_specs=[
        _core_spec(0, _C_PAD), _core_spec(1, _C_PAD),
        _core_spec(0, 16), _core_spec(1, 16),
        _row_spec(_C_PAD),
    ],
    out_specs=[_row_spec(_C)],
    out_shape=[jax.ShapeDtypeStruct((_N, _C), jnp.float32)],
)


def kernel(x, edge_index, W1_l, W1_r, b1, W2_l, W2_r, b2):
    src = edge_index[0].astype(jnp.int32)
    dst = edge_index[1].astype(jnp.int32)

    npad = _EPAD - _E
    ar = jnp.arange(npad, dtype=jnp.int32)
    pad_src = ar % _N
    pad_dst = _N + ar % (_NROWS - _N)
    src_p = jnp.concatenate([src, pad_src]).reshape(_NW, _NCHUNK, _CH)
    dst_p = jnp.concatenate([dst, pad_dst]).reshape(_NW, _NCHUNK, _CH)

    (cnt1,) = _sc_pass0(dst_p)
    (sum1,) = _sc_pass1(x, src_p, dst_p)
    (xr,) = _tc0(x, W1_r, b1.reshape(1, _D))

    w2l = jnp.pad(W2_l, ((0, 0), (0, _C_PAD - _C)))
    w2r = jnp.pad(W2_r, ((0, 0), (0, _C_PAD - _C)))
    b2p = jnp.pad(b2, (0, _C_PAD - _C)).reshape(1, _C_PAD)

    g, r = _tc1(sum1, sum1, cnt1, cnt1, xr, W1_l, w2l, w2r, b2p)

    (sum2,) = _sc_pass2(g, src_p, dst_p)

    (o,) = _tc2(sum2, sum2, cnt1, cnt1, r)
    return o

# --- scband reference (transcript-rebuilt; emitter-appended) ---
"""Pipeline reference for scband-sage-49495203119781 (READ-ONLY COPY).

The authoritative reference and input builder live on the scoring server;
editing this copy changes nothing except your own understanding.
"""

import jax, jax.numpy as jnp
import numpy as np

N = 10000
E = 320000
D = 128
H = 128
C = 47

def setup_inputs(seed: int = 0) -> dict:
    key = jax.random.key(seed)
    ks = jax.random.split(key, 8)
    x = jax.random.normal(ks[0], (N, D), dtype=jnp.float32)
    edge_index = jax.random.randint(ks[1], (2, E), 0, N, dtype=jnp.int64)
    W1_l = jax.random.normal(ks[2], (D, H), dtype=jnp.float32) * (1.0 / np.sqrt(D))
    W1_r = jax.random.normal(ks[3], (D, H), dtype=jnp.float32) * (1.0 / np.sqrt(D))
    b1 = jnp.zeros((H,), dtype=jnp.float32)
    W2_l = jax.random.normal(ks[4], (H, C), dtype=jnp.float32) * (1.0 / np.sqrt(H))
    W2_r = jax.random.normal(ks[5], (H, C), dtype=jnp.float32) * (1.0 / np.sqrt(H))
    b2 = jnp.zeros((C,), dtype=jnp.float32)
    return {"x": x, "edge_index": edge_index, "W1_l": W1_l, "W1_r": W1_r, "b1": b1, "W2_l": W2_l, "W2_r": W2_r, "b2": b2}


def _sage_conv(x, src, dst, Wl, Wr, b, num_nodes):
    # PyG SAGEConv with mean aggregation: out = lin_l(mean_j x_j) + lin_r(x_i)
    msgs = jnp.take(x, src, axis=0)                       # gather source features [E, d]
    summed = jax.ops.segment_sum(msgs, dst, num_segments=num_nodes)
    ones = jnp.ones((src.shape[0],), dtype=x.dtype)
    cnt = jax.ops.segment_sum(ones, dst, num_segments=num_nodes)
    mean = summed / jnp.clip(cnt, 1.0)[:, None]
    return mean @ Wl + b + x @ Wr


def reference(x, edge_index, W1_l, W1_r, b1, W2_l, W2_r, b2):
    src = edge_index[0]
    dst = edge_index[1]
    h = _sage_conv(x, src, dst, W1_l, W1_r, b1, N)
    h = jax.nn.relu(h)
    # dropout p=0.5 is identity in eval mode
    out = _sage_conv(h, src, dst, W2_l, W2_r, b2, N)
    return jax.nn.log_softmax(out, axis=-1)

if __name__ == "__main__":
    import jax
    _d = setup_inputs()
    print(jax.jit(kernel)(*tuple(_d.values())))

</pallas_src>

<mosaic_0001>
#map = affine_map<(d0, d1) -> (0, 0)>
#map1 = affine_map<(d0, d1) -> (0, 0, 0)>
module attributes {stable_mosaic.version = 14 : i64} {
  func.func @sum_pass(%arg0: i32, %arg1: i32, %arg2: memref<10000x48xf32, #tpu.memory_space<hbm>>, %arg3: memref<32x108x96xi32, #tpu.memory_space<hbm>>, %arg4: memref<32x108x96xi32, #tpu.memory_space<hbm>>, %arg5: memref<2x10240x48xf32, #tpu.memory_space<hbm>>, %arg6: memref<108x96xi32, #tpu.memory_space<vmem>>, %arg7: memref<108x96xi32, #tpu.memory_space<vmem>>, %arg8: memref<6x96x48xf32, #tpu.memory_space<vmem>>, %arg9: memref<10240x48xf32, #tpu.memory_space<vmem_shared>>, %arg10: memref<!tpu.dma_semaphore, #tpu.memory_space<semaphore_mem>>, %arg11: memref<!tpu.dma_semaphore, #tpu.memory_space<semaphore_mem>>, %arg12: memref<!tpu.dma_semaphore, #tpu.memory_space<semaphore_mem>>, %arg13: memref<!tpu.dma_semaphore, #tpu.memory_space<semaphore_mem>>, %arg14: memref<!tpu.dma_semaphore, #tpu.memory_space<semaphore_mem>>, %arg15: memref<!tpu.dma_semaphore, #tpu.memory_space<semaphore_mem>>) attributes {dimension_semantics = [#tpu.dimension_semantics<core_parallel>, #tpu.dimension_semantics<subcore_parallel>], iteration_bounds = array<i64: 2, 16>, scalar_prefetch = 0 : i64, scratch_operands = 10 : i64, tpu.core_type = #tpu.core_type<sc_vector_subcore>, window_params = [{transform_indices = #map}, {transform_indices = #map1}, {transform_indices = #map1}, {transform_indices = #map1}]} {
    %mul3A = arith.constant 2 : i32
    %mul3A_0 = arith.muli %arg1, %mul3A : i32
    %add3A = arith.addi %mul3A_0, %arg0 : i32
    %scan3A = arith.constant 0 : i32
    %scan3A_1 = arith.constant 0 : i32
    %scan3A_2 = arith.constant 0 : i32
    %scan3A_3 = arith.constant 96 : i32
    %scan3A_4 = arith.addi %scan3A_2, %scan3A_3 : i32
    %scan3A_5 = arith.constant 1 : i32
    scf.for %scan3A_109 = %scan3A_2 to %scan3A_4 step %scan3A_5  : i32 {
      %broadcast_in_dim3A = arith.constant 0.000000e+00 : f32
      %broadcast_in_dim3A_110 = vector.broadcast %broadcast_in_dim3A : f32 to vector<16xf32>
      %swap3A = arith.constant 0 : i32
      %swap3A_111 = arith.constant 0 : i32
      %swap3A_112 = tpu.memref_slice %arg8[%scan3A_1, %swap3A, %swap3A_111] : memref<6x96x48xf32, #tpu.memory_space<vmem>> -> memref<1x96x48xf32, #tpu.memory_space<vmem>>
      %swap3A_113 = tpu.memref_squeeze %swap3A_112 : memref<1x96x48xf32, #tpu.memory_space<vmem>> -> memref<96x48xf32, #tpu.memory_space<vmem>>
      %swap3A_114 = arith.index_cast %scan3A_109 : i32 to index
      %swap3A_115 = arith.constant 0 : index
      %swap3A_116 = tpu.vector_load %swap3A_113[%swap3A_114, %swap3A_115] {strides = array<i32>} : memref<96x48xf32, #tpu.memory_space<vmem>>, vector<1x16xf32>,
      %swap3A_117 = vector.shape_cast %swap3A_116 : vector<1x16xf32> to vector<16xf32>
      %swap3A_118 = vector.shape_cast %broadcast_in_dim3A_110 : vector<16xf32> to vector<1x16xf32>
      tpu.vector_store %swap3A_113[%swap3A_114, %swap3A_115], %swap3A_118 {strides = array<i32>} : memref<96x48xf32, #tpu.memory_space<vmem>>, vector<1x16xf32>,
      %broadcast_in_dim3A_119 = arith.constant 0.000000e+00 : f32
      %broadcast_in_dim3A_120 = vector.broadcast %broadcast_in_dim3A_119 : f32 to vector<16xf32>
      %swap3A_121 = arith.constant 0 : i32
      %swap3A_122 = arith.constant 0 : i32
      %swap3A_123 = tpu.memref_slice %arg8[%scan3A_1, %swap3A_121, %swap3A_122] : memref<6x96x48xf32, #tpu.memory_space<vmem>> -> memref<1x96x48xf32, #tpu.memory_space<vmem>>
      %swap3A_124 = tpu.memref_squeeze %swap3A_123 : memref<1x96x48xf32, #tpu.memory_space<vmem>> -> memref<96x48xf32, #tpu.memory_space<vmem>>
      %swap3A_125 = arith.index_cast %scan3A_109 : i32 to index
      %swap3A_126 = arith.constant 16 : index
      %swap3A_127 = tpu.vector_load %swap3A_124[%swap3A_125, %swap3A_126] {strides = array<i32>} : memref<96x48xf32, #tpu.memory_space<vmem>>, vector<1x16xf32>,
      %swap3A_128 = vector.shape_cast %swap3A_127 : vector<1x16xf32> to vector<16xf32>
      %swap3A_129 = vector.shape_cast %broadcast_in_dim3A_120 : vector<16xf32> to vector<1x16xf32>
      tpu.vector_store %swap3A_124[%swap3A_125, %swap3A_126], %swap3A_129 {strides = array<i32>} : memref<96x48xf32, #tpu.memory_space<vmem>>, vector<1x16xf32>,
      %broadcast_in_dim3A_130 = arith.constant 0.000000e+00 : f32
      %broadcast_in_dim3A_131 = vector.broadcast %broadcast_in_dim3A_130 : f32 to vector<16xf32>
      %swap3A_132 = arith.constant 0 : i32
      %swap3A_133 = arith.constant 0 : i32
      %swap3A_134 = tpu.memref_slice %arg8[%scan3A_1, %swap3A_132, %swap3A_133] : memref<6x96x48xf32, #tpu.memory_space<vmem>> -> memref<1x96x48xf32, #tpu.memory_space<vmem>>
      %swap3A_135 = tpu.memref_squeeze %swap3A_134 : memref<1x96x48xf32, #tpu.memory_space<vmem>> -> memref<96x48xf32, #tpu.memory_space<vmem>>
      %swap3A_136 = arith.index_cast %scan3A_109 : i32 to index
      %swap3A_137 = arith.constant 32 : index
      %swap3A_138 = tpu.vector_load %swap3A_135[%swap3A_136, %swap3A_137] {strides = array<i32>} : memref<96x48xf32, #tpu.memory_space<vmem>>, vector<1x16xf32>,
      %swap3A_139 = vector.shape_cast %swap3A_138 : vector<1x16xf32> to vector<16xf32>
      %swap3A_140 = vector.shape_cast %broadcast_in_dim3A_131 : vector<16xf32> to vector<1x16xf32>
      tpu.vector_store %swap3A_135[%swap3A_136, %swap3A_137], %swap3A_140 {strides = array<i32>} : memref<96x48xf32, #tpu.memory_space<vmem>>, vector<1x16xf32>,
    }
    %scan3A_6 = arith.constant 96 : i32
    %mul3A_7 = arith.constant 640 : i32
    %mul3A_8 = arith.muli %arg1, %mul3A_7 : i32
    %add3A_9 = arith.constant 0 : i32
    %add3A_10 = arith.addi %mul3A_8, %add3A_9 : i32
    %run_scoped3A = arith.constant 0 : i32
    "tpu.region"() ({
      %run_scoped3A_109 = tpu.sem_alloc : memref<!tpu.dma_semaphore, #tpu.memory_space<semaphore_mem>>
      %dma_start3A_110 = arith.constant 0 : i32
      %dma_start3A_111 = arith.constant 0 : i32
      %dma_start3A_112 = tpu.memref_slice %arg8[%run_scoped3A, %dma_start3A_110, %dma_start3A_111] : memref<6x96x48xf32, #tpu.memory_space<vmem>> -> memref<1x96x48xf32, #tpu.memory_space<vmem>>
      %dma_start3A_113 = tpu.memref_squeeze %dma_start3A_112 : memref<1x96x48xf32, #tpu.memory_space<vmem>> -> memref<96x48xf32, #tpu.memory_space<vmem>>
      %dma_start3A_114 = arith.constant 0 : i32
      %dma_start3A_115 = tpu.memref_slice %arg9[%add3A_10, %dma_start3A_114] : memref<10240x48xf32, #tpu.memory_space<vmem_shared>> -> memref<96x48xf32, #tpu.memory_space<vmem_shared>>
      %dma_start3A_116 = arith.constant 0 : i32
      %dma_start3A_117 = tpu.memref_slice %arg9[%add3A_10, %dma_start3A_116] : memref<10240x48xf32, #tpu.memory_space<vmem_shared>> -> memref<96x48xf32, #tpu.memory_space<vmem_shared>>
      %dma_start3A_118 = arith.constant 0 : i32
      %dma_start3A_119 = arith.constant 0 : i32
      %dma_start3A_120 = tpu.memref_slice %arg8[%run_scoped3A, %dma_start3A_118, %dma_start3A_119] : memref<6x96x48xf32, #tpu.memory_space<vmem>> -> memref<1x96x48xf32, #tpu.memory_space<vmem>>
      %dma_start3A_121 = tpu.memref_squeeze %dma_start3A_120 : memref<1x96x48xf32, #tpu.memory_space<vmem>> -> memref<96x48xf32, #tpu.memory_space<vmem>>
      tpu.enqueue_dma source(%dma_start3A_121 : memref<96x48xf32, #tpu.memory_space<vmem>>) target(%dma_start3A_117 : memref<96x48xf32, #tpu.memory_space<vmem_shared>>) target_semaphore(%run_scoped3A_109 : memref<!tpu.dma_semaphore, #tpu.memory_space<semaphore_mem>>)
      %dma_wait3A = arith.constant 0 : i32
      %dma_wait3A_122 = arith.constant 0 : i32
      %dma_wait3A_123 = tpu.memref_slice %arg8[%run_scoped3A, %dma_wait3A, %dma_wait3A_122] : memref<6x96x48xf32, #tpu.memory_space<vmem>> -> memref<1x96x48xf32, #tpu.memory_space<vmem>>
      %dma_wait3A_124 = tpu.memref_squeeze %dma_wait3A_123 : memref<1x96x48xf32, #tpu.memory_space<vmem>> -> memref<96x48xf32, #tpu.memory_space<vmem>>
      %dma_wait3A_125 = arith.constant 0 : i32
      %dma_wait3A_126 = tpu.memref_slice %arg9[%add3A_10, %dma_wait3A_125] : memref<10240x48xf32, #tpu.memory_space<vmem_shared>> -> memref<96x48xf32, #tpu.memory_space<vmem_shared>>
      %dma_wait3A_127 = arith.constant 0 : i32
      %dma_wait3A_128 = tpu.memref_slice %arg9[%add3A_10, %dma_wait3A_127] : memref<10240x48xf32, #tpu.memory_space<vmem_shared>> -> memref<96x48xf32, #tpu.memory_space<vmem_shared>>
      %dma_wait3A_129 = arith.constant 0 : i32
      %dma_wait3A_130 = arith.constant 0 : i32
      %dma_wait3A_131 = tpu.memref_slice %arg8[%run_scoped3A, %dma_wait3A_129, %dma_wait3A_130] : memref<6x96x48xf32, #tpu.memory_space<vmem>> -> memref<1x96x48xf32, #tpu.memory_space<vmem>>
      %dma_wait3A_132 = tpu.memref_squeeze %dma_wait3A_131 : memref<1x96x48xf32, #tpu.memory_space<vmem>> -> memref<96x48xf32, #tpu.memory_space<vmem>>
      tpu.wait_dma2 semaphore(%run_scoped3A_109 : memref<!tpu.dma_semaphore, #tpu.memory_space<semaphore_mem>>) src(%dma_wait3A_132 : memref<96x48xf32, #tpu.memory_space<vmem>>) dst(%dma_wait3A_128 : memref<96x48xf32, #tpu.memory_space<vmem_shared>>)
      tpu.yield
    }) : () -> ()
    %mul3A_11 = arith.constant 640 : i32
    %mul3A_12 = arith.muli %arg1, %mul3A_11 : i32
    %add3A_13 = arith.constant 96 : i32
    %add3A_14 = arith.addi %mul3A_12, %add3A_13 : i32
    %run_scoped3A_15 = arith.constant 0 : i32
    "tpu.region"() ({
      %run_scoped3A_109 = tpu.sem_alloc : memref<!tpu.dma_semaphore, #tpu.memory_space<semaphore_mem>>
      %dma_start3A_110 = arith.constant 0 : i32
      %dma_start3A_111 = arith.constant 0 : i32
      %dma_start3A_112 = tpu.memref_slice %arg8[%run_scoped3A_15, %dma_start3A_110, %dma_start3A_111] : memref<6x96x48xf32, #tpu.memory_space<vmem>> -> memref<1x96x48xf32, #tpu.memory_space<vmem>>
      %dma_start3A_113 = tpu.memref_squeeze %dma_start3A_112 : memref<1x96x48xf32, #tpu.memory_space<vmem>> -> memref<96x48xf32, #tpu.memory_space<vmem>>
      %dma_start3A_114 = arith.constant 0 : i32
      %dma_start3A_115 = tpu.memref_slice %arg9[%add3A_14, %dma_start3A_114] : memref<10240x48xf32, #tpu.memory_space<vmem_shared>> -> memref<96x48xf32, #tpu.memory_space<vmem_shared>>
      %dma_start3A_116 = arith.constant 0 : i32
      %dma_start3A_117 = tpu.memref_slice %arg9[%add3A_14, %dma_start3A_116] : memref<10240x48xf32, #tpu.memory_space<vmem_shared>> -> memref<96x48xf32, #tpu.memory_space<vmem_shared>>
      %dma_start3A_118 = arith.constant 0 : i32
      %dma_start3A_119 = arith.constant 0 : i32
      %dma_start3A_120 = tpu.memref_slice %arg8[%run_scoped3A_15, %dma_start3A_118, %dma_start3A_119] : memref<6x96x48xf32, #tpu.memory_space<vmem>> -> memref<1x96x48xf32, #tpu.memory_space<vmem>>
      %dma_start3A_121 = tpu.memref_squeeze %dma_start3A_120 : memref<1x96x48xf32, #tpu.memory_space<vmem>> -> memref<96x48xf32, #tpu.memory_space<vmem>>
      tpu.enqueue_dma source(%dma_start3A_121 : memref<96x48xf32, #tpu.memory_space<vmem>>) target(%dma_start3A_117 : memref<96x48xf32, #tpu.memory_space<vmem_shared>>) target_semaphore(%run_scoped3A_109 : memref<!tpu.dma_semaphore, #tpu.memory_space<semaphore_mem>>)
      %dma_wait3A = arith.constant 0 : i32
      %dma_wait3A_122 = arith.constant 0 : i32
      %dma_wait3A_123 = tpu.memref_slice %arg8[%run_scoped3A_15, %dma_wait3A, %dma_wait3A_122] : memref<6x96x48xf32, #tpu.memory_space<vmem>> -> memref<1x96x48xf32, #tpu.memory_space<vmem>>
      %dma_wait3A_124 = tpu.memref_squeeze %dma_wait3A_123 : memref<1x96x48xf32, #tpu.memory_space<vmem>> -> memref<96x48xf32, #tpu.memory_space<vmem>>
      %dma_wait3A_125 = arith.constant 0 : i32
      %dma_wait3A_126 = tpu.memref_slice %arg9[%add3A_14, %dma_wait3A_125] : memref<10240x48xf32, #tpu.memory_space<vmem_shared>> -> memref<96x48xf32, #tpu.memory_space<vmem_shared>>
      %dma_wait3A_127 = arith.constant 0 : i32
      %dma_wait3A_128 = tpu.memref_slice %arg9[%add3A_14, %dma_wait3A_127] : memref<10240x48xf32, #tpu.memory_space<vmem_shared>> -> memref<96x48xf32, #tpu.memory_space<vmem_shared>>
      %dma_wait3A_129 = arith.constant 0 : i32
      %dma_wait3A_130 = arith.constant 0 : i32
      %dma_wait3A_131 = tpu.memref_slice %arg8[%run_scoped3A_15, %dma_wait3A_129, %dma_wait3A_130] : memref<6x96x48xf32, #tpu.memory_space<vmem>> -> memref<1x96x48xf32, #tpu.memory_space<vmem>>
      %dma_wait3A_132 = tpu.memref_squeeze %dma_wait3A_131 : memref<1x96x48xf32, #tpu.memory_space<vmem>> -> memref<96x48xf32, #tpu.memory_space<vmem>>
      tpu.wait_dma2 semaphore(%run_scoped3A_109 : memref<!tpu.dma_semaphore, #tpu.memory_space<semaphore_mem>>) src(%dma_wait3A_132 : memref<96x48xf32, #tpu.memory_space<vmem>>) dst(%dma_wait3A_128 : memref<96x48xf32, #tpu.memory_space<vmem_shared>>)
      tpu.yield
    }) : () -> ()
    %mul3A_16 = arith.constant 640 : i32
    %mul3A_17 = arith.muli %arg1, %mul3A_16 : i32
    %add3A_18 = arith.constant 192 : i32
    %add3A_19 = arith.addi %mul3A_17, %add3A_18 : i32
    %run_scoped3A_20 = arith.constant 0 : i32
    "tpu.region"() ({
      %run_scoped3A_109 = tpu.sem_alloc : memref<!tpu.dma_semaphore, #tpu.memory_space<semaphore_mem>>
      %dma_start3A_110 = arith.constant 0 : i32
      %dma_start3A_111 = arith.constant 0 : i32
      %dma_start3A_112 = tpu.memref_slice %arg8[%run_scoped3A_20, %dma_start3A_110, %dma_start3A_111] : memref<6x96x48xf32, #tpu.memory_space<vmem>> -> memref<1x96x48xf32, #tpu.memory_space<vmem>>
      %dma_start3A_113 = tpu.memref_squeeze %dma_start3A_112 : memref<1x96x48xf32, #tpu.memory_space<vmem>> -> memref<96x48xf32, #tpu.memory_space<vmem>>
      %dma_start3A_114 = arith.constant 0 : i32
      %dma_start3A_115 = tpu.memref_slice %arg9[%add3A_19, %dma_start3A_114] : memref<10240x48xf32, #tpu.memory_space<vmem_shared>> -> memref<96x48xf32, #tpu.memory_space<vmem_shared>>
      %dma_start3A_116 = arith.constant 0 : i32
      %dma_start3A_117 = tpu.memref_slice %arg9[%add3A_19, %dma_start3A_116] : memref<10240x48xf32, #tpu.memory_space<vmem_shared>> -> memref<96x48xf32, #tpu.memory_space<vmem_shared>>
      %dma_start3A_118 = arith.constant 0 : i32
      %dma_start3A_119 = arith.constant 0 : i32
      %dma_start3A_120 = tpu.memref_slice %arg8[%run_scoped3A_20, %dma_start3A_118, %dma_start3A_119] : memref<6x96x48xf32, #tpu.memory_space<vmem>> -> memref<1x96x48xf32, #tpu.memory_space<vmem>>
      %dma_start3A_121 = tpu.memref_squeeze %dma_start3A_120 : memref<1x96x48xf32, #tpu.memory_space<vmem>> -> memref<96x48xf32, #tpu.memory_space<vmem>>
      tpu.enqueue_dma source(%dma_start3A_121 : memref<96x48xf32, #tpu.memory_space<vmem>>) target(%dma_start3A_117 : memref<96x48xf32, #tpu.memory_space<vmem_shared>>) target_semaphore(%run_scoped3A_109 : memref<!tpu.dma_semaphore, #tpu.memory_space<semaphore_mem>>)
      %dma_wait3A = arith.constant 0 : i32
      %dma_wait3A_122 = arith.constant 0 : i32
      %dma_wait3A_123 = tpu.memref_slice %arg8[%run_scoped3A_20, %dma_wait3A, %dma_wait3A_122] : memref<6x96x48xf32, #tpu.memory_space<vmem>> -> memref<1x96x48xf32, #tpu.memory_space<vmem>>
      %dma_wait3A_124 = tpu.memref_squeeze %dma_wait3A_123 : memref<1x96x48xf32, #tpu.memory_space<vmem>> -> memref<96x48xf32, #tpu.memory_space<vmem>>
      %dma_wait3A_125 = arith.constant 0 : i32
      %dma_wait3A_126 = tpu.memref_slice %arg9[%add3A_19, %dma_wait3A_125] : memref<10240x48xf32, #tpu.memory_space<vmem_shared>> -> memref<96x48xf32, #tpu.memory_space<vmem_shared>>
      %dma_wait3A_127 = arith.constant 0 : i32
      %dma_wait3A_128 = tpu.memref_slice %arg9[%add3A_19, %dma_wait3A_127] : memref<10240x48xf32, #tpu.memory_space<vmem_shared>> -> memref<96x48xf32, #tpu.memory_space<vmem_shared>>
      %dma_wait3A_129 = arith.constant 0 : i32
      %dma_wait3A_130 = arith.constant 0 : i32
      %dma_wait3A_131 = tpu.memref_slice %arg8[%run_scoped3A_20, %dma_wait3A_129, %dma_wait3A_130] : memref<6x96x48xf32, #tpu.memory_space<vmem>> -> memref<1x96x48xf32, #tpu.memory_space<vmem>>
      %dma_wait3A_132 = tpu.memref_squeeze %dma_wait3A_131 : memref<1x96x48xf32, #tpu.memory_space<vmem>> -> memref<96x48xf32, #tpu.memory_space<vmem>>
      tpu.wait_dma2 semaphore(%run_scoped3A_109 : memref<!tpu.dma_semaphore, #tpu.memory_space<semaphore_mem>>) src(%dma_wait3A_132 : memref<96x48xf32, #tpu.memory_space<vmem>>) dst(%dma_wait3A_128 : memref<96x48xf32, #tpu.memory_space<vmem_shared>>)
      tpu.yield
    }) : () -> ()
    %mul3A_21 = arith.constant 640 : i32
    %mul3A_22 = arith.muli %arg1, %mul3A_21 : i32
    %add3A_23 = arith.constant 288 : i32
    %add3A_24 = arith.addi %mul3A_22, %add3A_23 : i32
    %run_scoped3A_25 = arith.constant 0 : i32
    "tpu.region"() ({
      %run_scoped3A_109 = tpu.sem_alloc : memref<!tpu.dma_semaphore, #tpu.memory_space<semaphore_mem>>
      %dma_start3A_110 = arith.constant 0 : i32
      %dma_start3A_111 = arith.constant 0 : i32
      %dma_start3A_112 = tpu.memref_slice %arg8[%run_scoped3A_25, %dma_start3A_110, %dma_start3A_111] : memref<6x96x48xf32, #tpu.memory_space<vmem>> -> memref<1x96x48xf32, #tpu.memory_space<vmem>>
      %dma_start3A_113 = tpu.memref_squeeze %dma_start3A_112 : memref<1x96x48xf32, #tpu.memory_space<vmem>> -> memref<96x48xf32, #tpu.memory_space<vmem>>
      %dma_start3A_114 = arith.constant 0 : i32
      %dma_start3A_115 = tpu.memref_slice %arg9[%add3A_24, %dma_start3A_114] : memref<10240x48xf32, #tpu.memory_space<vmem_shared>> -> memref<96x48xf32, #tpu.memory_space<vmem_shared>>
      %dma_start3A_116 = arith.constant 0 : i32
      %dma_start3A_117 = tpu.memref_slice %arg9[%add3A_24, %dma_start3A_116] : memref<10240x48xf32, #tpu.memory_space<vmem_shared>> -> memref<96x48xf32, #tpu.memory_space<vmem_shared>>
      %dma_start3A_118 = arith.constant 0 : i32
      %dma_start3A_119 = arith.constant 0 : i32
      %dma_start3A_120 = tpu.memref_slice %arg8[%run_scoped3A_25, %dma_start3A_118, %dma_start3A_119] : memref<6x96x48xf32, #tpu.memory_space<vmem>> -> memref<1x96x48xf32, #tpu.memory_space<vmem>>
      %dma_start3A_121 = tpu.memref_squeeze %dma_start3A_120 : memref<1x96x48xf32, #tpu.memory_space<vmem>> -> memref<96x48xf32, #tpu.memory_space<vmem>>
      tpu.enqueue_dma source(%dma_start3A_121 : memref<96x48xf32, #tpu.memory_space<vmem>>) target(%dma_start3A_117 : memref<96x48xf32, #tpu.memory_space<vmem_shared>>) target_semaphore(%run_scoped3A_109 : memref<!tpu.dma_semaphore, #tpu.memory_space<semaphore_mem>>)
      %dma_wait3A = arith.constant 0 : i32
      %dma_wait3A_122 = arith.constant 0 : i32
      %dma_wait3A_123 = tpu.memref_slice %arg8[%run_scoped3A_25, %dma_wait3A, %dma_wait3A_122] : memref<6x96x48xf32, #tpu.memory_space<vmem>> -> memref<1x96x48xf32, #tpu.memory_space<vmem>>
      %dma_wait3A_124 = tpu.memref_squeeze %dma_wait3A_123 : memref<1x96x48xf32, #tpu.memory_space<vmem>> -> memref<96x48xf32, #tpu.memory_space<vmem>>
      %dma_wait3A_125 = arith.constant 0 : i32
      %dma_wait3A_126 = tpu.memref_slice %arg9[%add3A_24, %dma_wait3A_125] : memref<10240x48xf32, #tpu.memory_space<vmem_shared>> -> memref<96x48xf32, #tpu.memory_space<vmem_shared>>
      %dma_wait3A_127 = arith.constant 0 : i32
      %dma_wait3A_128 = tpu.memref_slice %arg9[%add3A_24, %dma_wait3A_127] : memref<10240x48xf32, #tpu.memory_space<vmem_shared>> -> memref<96x48xf32, #tpu.memory_space<vmem_shared>>
      %dma_wait3A_129 = arith.constant 0 : i32
      %dma_wait3A_130 = arith.constant 0 : i32
      %dma_wait3A_131 = tpu.memref_slice %arg8[%run_scoped3A_25, %dma_wait3A_129, %dma_wait3A_130] : memref<6x96x48xf32, #tpu.memory_space<vmem>> -> memref<1x96x48xf32, #tpu.memory_space<vmem>>
      %dma_wait3A_132 = tpu.memref_squeeze %dma_wait3A_131 : memref<1x96x48xf32, #tpu.memory_space<vmem>> -> memref<96x48xf32, #tpu.memory_space<vmem>>
      tpu.wait_dma2 semaphore(%run_scoped3A_109 : memref<!tpu.dma_semaphore, #tpu.memory_space<semaphore_mem>>) src(%dma_wait3A_132 : memref<96x48xf32, #tpu.memory_space<vmem>>) dst(%dma_wait3A_128 : memref<96x48xf32, #tpu.memory_space<vmem_shared>>)
      tpu.yield
    }) : () -> ()
    %mul3A_26 = arith.constant 640 : i32
    %mul3A_27 = arith.muli %arg1, %mul3A_26 : i32
    %add3A_28 = arith.constant 384 : i32
    %add3A_29 = arith.addi %mul3A_27, %add3A_28 : i32
    %run_scoped3A_30 = arith.constant 0 : i32
    "tpu.region"() ({
      %run_scoped3A_109 = tpu.sem_alloc : memref<!tpu.dma_semaphore, #tpu.memory_space<semaphore_mem>>
      %dma_start3A_110 = arith.constant 0 : i32
      %dma_start3A_111 = arith.constant 0 : i32
      %dma_start3A_112 = tpu.memref_slice %arg8[%run_scoped3A_30, %dma_start3A_110, %dma_start3A_111] : memref<6x96x48xf32, #tpu.memory_space<vmem>> -> memref<1x96x48xf32, #tpu.memory_space<vmem>>
      %dma_start3A_113 = tpu.memref_squeeze %dma_start3A_112 : memref<1x96x48xf32, #tpu.memory_space<vmem>> -> memref<96x48xf32, #tpu.memory_space<vmem>>
      %dma_start3A_114 = arith.constant 0 : i32
      %dma_start3A_115 = tpu.memref_slice %arg9[%add3A_29, %dma_start3A_114] : memref<10240x48xf32, #tpu.memory_space<vmem_shared>> -> memref<96x48xf32, #tpu.memory_space<vmem_shared>>
      %dma_start3A_116 = arith.constant 0 : i32
      %dma_start3A_117 = tpu.memref_slice %arg9[%add3A_29, %dma_start3A_116] : memref<10240x48xf32, #tpu.memory_space<vmem_shared>> -> memref<96x48xf32, #tpu.memory_space<vmem_shared>>
      %dma_start3A_118 = arith.constant 0 : i32
      %dma_start3A_119 = arith.constant 0 : i32
      %dma_start3A_120 = tpu.memref_slice %arg8[%run_scoped3A_30, %dma_start3A_118, %dma_start3A_119] : memref<6x96x48xf32, #tpu.memory_space<vmem>> -> memref<1x96x48xf32, #tpu.memory_space<vmem>>
      %dma_start3A_121 = tpu.memref_squeeze %dma_start3A_120 : memref<1x96x48xf32, #tpu.memory_space<vmem>> -> memref<96x48xf32, #tpu.memory_space<vmem>>
      tpu.enqueue_dma source(%dma_start3A_121 : memref<96x48xf32, #tpu.memory_space<vmem>>) target(%dma_start3A_117 : memref<96x48xf32, #tpu.memory_space<vmem_shared>>) target_semaphore(%run_scoped3A_109 : memref<!tpu.dma_semaphore, #tpu.memory_space<semaphore_mem>>)
      %dma_wait3A = arith.constant 0 : i32
      %dma_wait3A_122 = arith.constant 0 : i32
      %dma_wait3A_123 = tpu.memref_slice %arg8[%run_scoped3A_30, %dma_wait3A, %dma_wait3A_122] : memref<6x96x48xf32, #tpu.memory_space<vmem>> -> memref<1x96x48xf32, #tpu.memory_space<vmem>>
      %dma_wait3A_124 = tpu.memref_squeeze %dma_wait3A_123 : memref<1x96x48xf32, #tpu.memory_space<vmem>> -> memref<96x48xf32, #tpu.memory_space<vmem>>
      %dma_wait3A_125 = arith.constant 0 : i32
      %dma_wait3A_126 = tpu.memref_slice %arg9[%add3A_29, %dma_wait3A_125] : memref<10240x48xf32, #tpu.memory_space<vmem_shared>> -> memref<96x48xf32, #tpu.memory_space<vmem_shared>>
      %dma_wait3A_127 = arith.constant 0 : i32
      %dma_wait3A_128 = tpu.memref_slice %arg9[%add3A_29, %dma_wait3A_127] : memref<10240x48xf32, #tpu.memory_space<vmem_shared>> -> memref<96x48xf32, #tpu.memory_space<vmem_shared>>
      %dma_wait3A_129 = arith.constant 0 : i32
      %dma_wait3A_130 = arith.constant 0 : i32
      %dma_wait3A_131 = tpu.memref_slice %arg8[%run_scoped3A_30, %dma_wait3A_129, %dma_wait3A_130] : memref<6x96x48xf32, #tpu.memory_space<vmem>> -> memref<1x96x48xf32, #tpu.memory_space<vmem>>
      %dma_wait3A_132 = tpu.memref_squeeze %dma_wait3A_131 : memref<1x96x48xf32, #tpu.memory_space<vmem>> -> memref<96x48xf32, #tpu.memory_space<vmem>>
      tpu.wait_dma2 semaphore(%run_scoped3A_109 : memref<!tpu.dma_semaphore, #tpu.memory_space<semaphore_mem>>) src(%dma_wait3A_132 : memref<96x48xf32, #tpu.memory_space<vmem>>) dst(%dma_wait3A_128 : memref<96x48xf32, #tpu.memory_space<vmem_shared>>)
      tpu.yield
    }) : () -> ()
    %mul3A_31 = arith.constant 640 : i32
    %mul3A_32 = arith.muli %arg1, %mul3A_31 : i32
    %add3A_33 = arith.constant 480 : i32
    %add3A_34 = arith.addi %mul3A_32, %add3A_33 : i32
    %run_scoped3A_35 = arith.constant 0 : i32
    "tpu.region"() ({
      %run_scoped3A_109 = tpu.sem_alloc : memref<!tpu.dma_semaphore, #tpu.memory_space<semaphore_mem>>
      %dma_start3A_110 = arith.constant 0 : i32
      %dma_start3A_111 = arith.constant 0 : i32
      %dma_start3A_112 = tpu.memref_slice %arg8[%run_scoped3A_35, %dma_start3A_110, %dma_start3A_111] : memref<6x96x48xf32, #tpu.memory_space<vmem>> -> memref<1x96x48xf32, #tpu.memory_space<vmem>>
      %dma_start3A_113 = tpu.memref_squeeze %dma_start3A_112 : memref<1x96x48xf32, #tpu.memory_space<vmem>> -> memref<96x48xf32, #tpu.memory_space<vmem>>
      %dma_start3A_114 = arith.constant 0 : i32
      %dma_start3A_115 = tpu.memref_slice %arg9[%add3A_34, %dma_start3A_114] : memref<10240x48xf32, #tpu.memory_space<vmem_shared>> -> memref<96x48xf32, #tpu.memory_space<vmem_shared>>
      %dma_start3A_116 = arith.constant 0 : i32
      %dma_start3A_117 = tpu.memref_slice %arg9[%add3A_34, %dma_start3A_116] : memref<10240x48xf32, #tpu.memory_space<vmem_shared>> -> memref<96x48xf32, #tpu.memory_space<vmem_shared>>
      %dma_start3A_118 = arith.constant 0 : i32
      %dma_start3A_119 = arith.constant 0 : i32
      %dma_start3A_120 = tpu.memref_slice %arg8[%run_scoped3A_35, %dma_start3A_118, %dma_start3A_119] : memref<6x96x48xf32, #tpu.memory_space<vmem>> -> memref<1x96x48xf32, #tpu.memory_space<vmem>>
      %dma_start3A_121 = tpu.memref_squeeze %dma_start3A_120 : memref<1x96x48xf32, #tpu.memory_space<vmem>> -> memref<96x48xf32, #tpu.memory_space<vmem>>
      tpu.enqueue_dma source(%dma_start3A_121 : memref<96x48xf32, #tpu.memory_space<vmem>>) target(%dma_start3A_117 : memref<96x48xf32, #tpu.memory_space<vmem_shared>>) target_semaphore(%run_scoped3A_109 : memref<!tpu.dma_semaphore, #tpu.memory_space<semaphore_mem>>)
      %dma_wait3A = arith.constant 0 : i32
      %dma_wait3A_122 = arith.constant 0 : i32
      %dma_wait3A_123 = tpu.memref_slice %arg8[%run_scoped3A_35, %dma_wait3A, %dma_wait3A_122] : memref<6x96x48xf32, #tpu.memory_space<vmem>> -> memref<1x96x48xf32, #tpu.memory_space<vmem>>
      %dma_wait3A_124 = tpu.memref_squeeze %dma_wait3A_123 : memref<1x96x48xf32, #tpu.memory_space<vmem>> -> memref<96x48xf32, #tpu.memory_space<vmem>>
      %dma_wait3A_125 = arith.constant 0 : i32
      %dma_wait3A_126 = tpu.memref_slice %arg9[%add3A_34, %dma_wait3A_125] : memref<10240x48xf32, #tpu.memory_space<vmem_shared>> -> memref<96x48xf32, #tpu.memory_space<vmem_shared>>
      %dma_wait3A_127 = arith.constant 0 : i32
      %dma_wait3A_128 = tpu.memref_slice %arg9[%add3A_34, %dma_wait3A_127] : memref<10240x48xf32, #tpu.memory_space<vmem_shared>> -> memref<96x48xf32, #tpu.memory_space<vmem_shared>>
      %dma_wait3A_129 = arith.constant 0 : i32
      %dma_wait3A_130 = arith.constant 0 : i32
      %dma_wait3A_131 = tpu.memref_slice %arg8[%run_scoped3A_35, %dma_wait3A_129, %dma_wait3A_130] : memref<6x96x48xf32, #tpu.memory_space<vmem>> -> memref<1x96x48xf32, #tpu.memory_space<vmem>>
      %dma_wait3A_132 = tpu.memref_squeeze %dma_wait3A_131 : memref<1x96x48xf32, #tpu.memory_space<vmem>> -> memref<96x48xf32, #tpu.memory_space<vmem>>
      tpu.wait_dma2 semaphore(%run_scoped3A_109 : memref<!tpu.dma_semaphore, #tpu.memory_space<semaphore_mem>>) src(%dma_wait3A_132 : memref<96x48xf32, #tpu.memory_space<vmem>>) dst(%dma_wait3A_128 : memref<96x48xf32, #tpu.memory_space<vmem_shared>>)
      tpu.yield
    }) : () -> ()
    %mul3A_36 = arith.constant 640 : i32
    %mul3A_37 = arith.muli %arg1, %mul3A_36 : i32
    %add3A_38 = arith.constant 576 : i32
    %add3A_39 = arith.addi %mul3A_37, %add3A_38 : i32
    %run_scoped3A_40 = arith.constant 0 : i32
    "tpu.region"() ({
      %run_scoped3A_109 = tpu.sem_alloc : memref<!tpu.dma_semaphore, #tpu.memory_space<semaphore_mem>>
      %dma_start3A_110 = arith.constant 0 : i32
      %dma_start3A_111 = arith.constant 0 : i32
      %dma_start3A_112 = tpu.memref_slice %arg8[%run_scoped3A_40, %dma_start3A_110, %dma_start3A_111] : memref<6x96x48xf32, #tpu.memory_space<vmem>> -> memref<1x96x48xf32, #tpu.memory_space<vmem>>
      %dma_start3A_113 = tpu.memref_squeeze %dma_start3A_112 : memref<1x96x48xf32, #tpu.memory_space<vmem>> -> memref<96x48xf32, #tpu.memory_space<vmem>>
      %dma_start3A_114 = arith.constant 0 : i32
      %dma_start3A_115 = arith.constant 0 : i32
      %dma_start3A_116 = tpu.memref_slice %dma_start3A_113[%dma_start3A_114, %dma_start3A_115] : memref<96x48xf32, #tpu.memory_space<vmem>> -> memref<64x48xf32, #tpu.memory_space<vmem>>
      %dma_start3A_117 = arith.constant 0 : i32
      %dma_start3A_118 = tpu.memref_slice %arg9[%add3A_39, %dma_start3A_117] : memref<10240x48xf32, #tpu.memory_space<vmem_shared>> -> memref<64x48xf32, #tpu.memory_space<vmem_shared>>
      %dma_start3A_119 = arith.constant 0 : i32
      %dma_start3A_120 = tpu.memref_slice %arg9[%add3A_39, %dma_start3A_119] : memref<10240x48xf32, #tpu.memory_space<vmem_shared>> -> memref<64x48xf32, #tpu.memory_space<vmem_shared>>
      %dma_start3A_121 = arith.constant 0 : i32
      %dma_start3A_122 = arith.constant 0 : i32
      %dma_start3A_123 = tpu.memref_slice %arg8[%run_scoped3A_40, %dma_start3A_121, %dma_start3A_122] : memref<6x96x48xf32, #tpu.memory_space<vmem>> -> memref<1x96x48xf32, #tpu.memory_space<vmem>>
      %dma_start3A_124 = tpu.memref_squeeze %dma_start3A_123 : memref<1x96x48xf32, #tpu.memory_space<vmem>> -> memref<96x48xf32, #tpu.memory_space<vmem>>
      %dma_start3A_125 = arith.constant 0 : i32
      %dma_start3A_126 = arith.constant 0 : i32
      %dma_start3A_127 = tpu.memref_slice %dma_start3A_124[%dma_start3A_125, %dma_start3A_126] : memref<96x48xf32, #tpu.memory_space<vmem>> -> memref<64x48xf32, #tpu.memory_space<vmem>>
      tpu.enqueue_dma source(%dma_start3A_127 : memref<64x48xf32, #tpu.memory_space<vmem>>) target(%dma_start3A_120 : memref<64x48xf32, #tpu.memory_space<vmem_shared>>) target_semaphore(%run_scoped3A_109 : memref<!tpu.dma_semaphore, #tpu.memory_space<semaphore_mem>>)
      %dma_wait3A = arith.constant 0 : i32
      %dma_wait3A_128 = arith.constant 0 : i32
      %dma_wait3A_129 = tpu.memref_slice %arg8[%run_scoped3A_40, %dma_wait3A, %dma_wait3A_128] : memref<6x96x48xf32, #tpu.memory_space<vmem>> -> memref<1x96x48xf32, #tpu.memory_space<vmem>>
      %dma_wait3A_130 = tpu.memref_squeeze %dma_wait3A_129 : memref<1x96x48xf32, #tpu.memory_space<vmem>> -> memref<96x48xf32, #tpu.memory_space<vmem>>
      %dma_wait3A_131 = arith.constant 0 : i32
      %dma_wait3A_132 = arith.constant 0 : i32
      %dma_wait3A_133 = tpu.memref_slice %dma_wait3A_130[%dma_wait3A_131, %dma_wait3A_132] : memref<96x48xf32, #tpu.memory_space<vmem>> -> memref<64x48xf32, #tpu.memory_space<vmem>>
      %dma_wait3A_134 = arith.constant 0 : i32
      %dma_wait3A_135 = tpu.memref_slice %arg9[%add3A_39, %dma_wait3A_134] : memref<10240x48xf32, #tpu.memory_space<vmem_shared>> -> memref<64x48xf32, #tpu.memory_space<vmem_shared>>
      %dma_wait3A_136 = arith.constant 0 : i32
      %dma_wait3A_137 = tpu.memref_slice %arg9[%add3A_39, %dma_wait3A_136] : memref<10240x48xf32, #tpu.memory_space<vmem_shared>> -> memref<64x48xf32, #tpu.memory_space<vmem_shared>>
      %dma_wait3A_138 = arith.constant 0 : i32
      %dma_wait3A_139 = arith.constant 0 : i32
      %dma_wait3A_140 = tpu.memref_slice %arg8[%run_scoped3A_40, %dma_wait3A_138, %dma_wait3A_139] : memref<6x96x48xf32, #tpu.memory_space<vmem>> -> memref<1x96x48xf32, #tpu.memory_space<vmem>>
      %dma_wait3A_141 = tpu.memref_squeeze %dma_wait3A_140 : memref<1x96x48xf32, #tpu.memory_space<vmem>> -> memref<96x48xf32, #tpu.memory_space<vmem>>
      %dma_wait3A_142 = arith.constant 0 : i32
      %dma_wait3A_143 = arith.constant 0 : i32
      %dma_wait3A_144 = tpu.memref_slice %dma_wait3A_141[%dma_wait3A_142, %dma_wait3A_143] : memref<96x48xf32, #tpu.memory_space<vmem>> -> memref<64x48xf32, #tpu.memory_space<vmem>>
      tpu.wait_dma2 semaphore(%run_scoped3A_109 : memref<!tpu.dma_semaphore, #tpu.memory_space<semaphore_mem>>) src(%dma_wait3A_144 : memref<64x48xf32, #tpu.memory_space<vmem>>) dst(%dma_wait3A_137 : memref<64x48xf32, #tpu.memory_space<vmem_shared>>)
      tpu.yield
    }) : () -> ()
    %barrier3A = arith.constant 0 : index
    tpu.barrier barrier_id(%barrier3A)
    "tpu.region"() ({
      %run_scoped3A_109 = tpu.sem_alloc : memref<!tpu.dma_semaphore, #tpu.memory_space<semaphore_mem>>
      %dma_start3A_110 = arith.constant 0 : i32
      %dma_start3A_111 = arith.constant 0 : i32
      %dma_start3A_112 = tpu.memref_slice %arg3[%add3A, %dma_start3A_110, %dma_start3A_111] : memref<32x108x96xi32, #tpu.memory_space<hbm>> -> memref<1x108x96xi32, #tpu.memory_space<hbm>>
      %dma_start3A_113 = tpu.memref_squeeze %dma_start3A_112 : memref<1x108x96xi32, #tpu.memory_space<hbm>> -> memref<108x96xi32, #tpu.memory_space<hbm>>
      %dma_start3A_114 = arith.constant 0 : i32
      %dma_start3A_115 = arith.constant 0 : i32
      %dma_start3A_116 = tpu.memref_slice %dma_start3A_113[%dma_start3A_114, %dma_start3A_115] : memref<108x96xi32, #tpu.memory_space<hbm>> -> memref<108x96xi32, #tpu.memory_space<hbm>>
      %dma_start3A_117 = arith.constant 0 : i32
      %dma_start3A_118 = arith.constant 0 : i32
      %dma_start3A_119 = tpu.memref_slice %arg3[%add3A, %dma_start3A_117, %dma_start3A_118] : memref<32x108x96xi32, #tpu.memory_space<hbm>> -> memref<1x108x96xi32, #tpu.memory_space<hbm>>
      %dma_start3A_120 = tpu.memref_squeeze %dma_start3A_119 : memref<1x108x96xi32, #tpu.memory_space<hbm>> -> memref<108x96xi32, #tpu.memory_space<hbm>>
      %dma_start3A_121 = arith.constant 0 : i32
      %dma_start3A_122 = arith.constant 0 : i32
      %dma_start3A_123 = tpu.memref_slice %dma_start3A_120[%dma_start3A_121, %dma_start3A_122] : memref<108x96xi32, #tpu.memory_space<hbm>> -> memref<108x96xi32, #tpu.memory_space<hbm>>
      tpu.enqueue_dma source(%dma_start3A_123 : memref<108x96xi32, #tpu.memory_space<hbm>>) target(%arg6 : memref<108x96xi32, #tpu.memory_space<vmem>>) target_semaphore(%run_scoped3A_109 : memref<!tpu.dma_semaphore, #tpu.memory_space<semaphore_mem>>)
      %dma_wait3A = arith.constant 0 : i32
      %dma_wait3A_124 = arith.constant 0 : i32
      %dma_wait3A_125 = tpu.memref_slice %arg3[%add3A, %dma_wait3A, %dma_wait3A_124] : memref<32x108x96xi32, #tpu.memory_space<hbm>> -> memref<1x108x96xi32, #tpu.memory_space<hbm>>
      %dma_wait3A_126 = tpu.memref_squeeze %dma_wait3A_125 : memref<1x108x96xi32, #tpu.memory_space<hbm>> -> memref<108x96xi32, #tpu.memory_space<hbm>>
      %dma_wait3A_127 = arith.constant 0 : i32
      %dma_wait3A_128 = arith.constant 0 : i32
      %dma_wait3A_129 = tpu.memref_slice %dma_wait3A_126[%dma_wait3A_127, %dma_wait3A_128] : memref<108x96xi32, #tpu.memory_space<hbm>> -> memref<108x96xi32, #tpu.memory_space<hbm>>
      %dma_wait3A_130 = arith.constant 0 : i32
      %dma_wait3A_131 = arith.constant 0 : i32
      %dma_wait3A_132 = tpu.memref_slice %arg3[%add3A, %dma_wait3A_130, %dma_wait3A_131] : memref<32x108x96xi32, #tpu.memory_space<hbm>> -> memref<1x108x96xi32, #tpu.memory_space<hbm>>
      %dma_wait3A_133 = tpu.memref_squeeze %dma_wait3A_132 : memref<1x108x96xi32, #tpu.memory_space<hbm>> -> memref<108x96xi32, #tpu.memory_space<hbm>>
      %dma_wait3A_134 = arith.constant 0 : i32
      %dma_wait3A_135 = arith.constant 0 : i32
      %dma_wait3A_136 = tpu.memref_slice %dma_wait3A_133[%dma_wait3A_134, %dma_wait3A_135] : memref<108x96xi32, #tpu.memory_space<hbm>> -> memref<108x96xi32, #tpu.memory_space<hbm>>
      tpu.wait_dma2 semaphore(%run_scoped3A_109 : memref<!tpu.dma_semaphore, #tpu.memory_space<semaphore_mem>>) src(%dma_wait3A_136 : memref<108x96xi32, #tpu.memory_space<hbm>>) dst(%arg6 : memref<108x96xi32, #tpu.memory_space<vmem>>)
      tpu.yield
    }) : () -> ()
    "tpu.region"() ({
      %run_scoped3A_109 = tpu.sem_alloc : memref<!tpu.dma_semaphore, #tpu.memory_space<semaphore_mem>>
      %dma_start3A_110 = arith.constant 0 : i32
      %dma_start3A_111 = arith.constant 0 : i32
      %dma_start3A_112 = tpu.memref_slice %arg4[%add3A, %dma_start3A_110, %dma_start3A_111] : memref<32x108x96xi32, #tpu.memory_space<hbm>> -> memref<1x108x96xi32, #tpu.memory_space<hbm>>
      %dma_start3A_113 = tpu.memref_squeeze %dma_start3A_112 : memref<1x108x96xi32, #tpu.memory_space<hbm>> -> memref<108x96xi32, #tpu.memory_space<hbm>>
      %dma_start3A_114 = arith.constant 0 : i32
      %dma_start3A_115 = arith.constant 0 : i32
      %dma_start3A_116 = tpu.memref_slice %dma_start3A_113[%dma_start3A_114, %dma_start3A_115] : memref<108x96xi32, #tpu.memory_space<hbm>> -> memref<108x96xi32, #tpu.memory_space<hbm>>
      %dma_start3A_117 = arith.constant 0 : i32
      %dma_start3A_118 = arith.constant 0 : i32
      %dma_start3A_119 = tpu.memref_slice %arg4[%add3A, %dma_start3A_117, %dma_start3A_118] : memref<32x108x96xi32, #tpu.memory_space<hbm>> -> memref<1x108x96xi32, #tpu.memory_space<hbm>>
      %dma_start3A_120 = tpu.memref_squeeze %dma_start3A_119 : memref<1x108x96xi32, #tpu.memory_space<hbm>> -> memref<108x96xi32, #tpu.memory_space<hbm>>
      %dma_start3A_121 = arith.constant 0 : i32
      %dma_start3A_122 = arith.constant 0 : i32
      %dma_start3A_123 = tpu.memref_slice %dma_start3A_120[%dma_start3A_121, %dma_start3A_122] : memref<108x96xi32, #tpu.memory_space<hbm>> -> memref<108x96xi32, #tpu.memory_space<hbm>>
      tpu.enqueue_dma source(%dma_start3A_123 : memref<108x96xi32, #tpu.memory_space<hbm>>) target(%arg7 : memref<108x96xi32, #tpu.memory_space<vmem>>) target_semaphore(%run_scoped3A_109 : memref<!tpu.dma_semaphore, #tpu.memory_space<semaphore_mem>>)
      %dma_wait3A = arith.constant 0 : i32
      %dma_wait3A_124 = arith.constant 0 : i32
      %dma_wait3A_125 = tpu.memref_slice %arg4[%add3A, %dma_wait3A, %dma_wait3A_124] : memref<32x108x96xi32, #tpu.memory_space<hbm>> -> memref<1x108x96xi32, #tpu.memory_space<hbm>>
      %dma_wait3A_126 = tpu.memref_squeeze %dma_wait3A_125 : memref<1x108x96xi32, #tpu.memory_space<hbm>> -> memref<108x96xi32, #tpu.memory_space<hbm>>
      %dma_wait3A_127 = arith.constant 0 : i32
      %dma_wait3A_128 = arith.constant 0 : i32
      %dma_wait3A_129 = tpu.memref_slice %dma_wait3A_126[%dma_wait3A_127, %dma_wait3A_128] : memref<108x96xi32, #tpu.memory_space<hbm>> -> memref<108x96xi32, #tpu.memory_space<hbm>>
      %dma_wait3A_130 = arith.constant 0 : i32
      %dma_wait3A_131 = arith.constant 0 : i32
      %dma_wait3A_132 = tpu.memref_slice %arg4[%add3A, %dma_wait3A_130, %dma_wait3A_131] : memref<32x108x96xi32, #tpu.memory_space<hbm>> -> memref<1x108x96xi32, #tpu.memory_space<hbm>>
      %dma_wait3A_133 = tpu.memref_squeeze %dma_wait3A_132 : memref<1x108x96xi32, #tpu.memory_space<hbm>> -> memref<108x96xi32, #tpu.memory_space<hbm>>
      %dma_wait3A_134 = arith.constant 0 : i32
      %dma_wait3A_135 = arith.constant 0 : i32
      %dma_wait3A_136 = tpu.memref_slice %dma_wait3A_133[%dma_wait3A_134, %dma_wait3A_135] : memref<108x96xi32, #tpu.memory_space<hbm>> -> memref<108x96xi32, #tpu.memory_space<hbm>>
      tpu.wait_dma2 semaphore(%run_scoped3A_109 : memref<!tpu.dma_semaphore, #tpu.memory_space<semaphore_mem>>) src(%dma_wait3A_136 : memref<108x96xi32, #tpu.memory_space<hbm>>) dst(%arg7 : memref<108x96xi32, #tpu.memory_space<vmem>>)
      tpu.yield
    }) : () -> ()
    %dma_start3A = arith.constant 0 : i32
    %dma_start3A_41 = arith.constant 0 : i32
    %dma_start3A_42 = arith.constant 0 : i32
    %dma_start3A_43 = arith.constant 0 : i32
    %dma_start3A_44 = tpu.memref_slice %arg8[%dma_start3A_41, %dma_start3A_42, %dma_start3A_43] : memref<6x96x48xf32, #tpu.memory_space<vmem>> -> memref<1x96x48xf32, #tpu.memory_space<vmem>>
    %dma_start3A_45 = tpu.memref_squeeze %dma_start3A_44 : memref<1x96x48xf32, #tpu.memory_space<vmem>> -> memref<96x48xf32, #tpu.memory_space<vmem>>
    %dma_start3A_46 = arith.constant 0 : i32
    %dma_start3A_47 = tpu.memref_slice %arg6[%dma_start3A, %dma_start3A_46] : memref<108x96xi32, #tpu.memory_space<vmem>> -> memref<1x96xi32, #tpu.memory_space<vmem>>
    %dma_start3A_48 = tpu.memref_squeeze %dma_start3A_47 : memref<1x96xi32, #tpu.memory_space<vmem>> -> memref<96xi32, #tpu.memory_space<vmem>>
    %dma_start3A_49 = arith.constant 0 : i32
    %dma_start3A_50 = arith.constant 0 : i32
    %dma_start3A_51 = tpu.memref_slice %arg2[%dma_start3A_49, %dma_start3A_50] : memref<10000x48xf32, #tpu.memory_space<hbm>> -> memref<10000x48xf32, #tpu.memory_space<hbm>>
    tpu.enqueue_indirect_dma source(%dma_start3A_51 : memref<10000x48xf32, #tpu.memory_space<hbm>>) target(%dma_start3A_45 : memref<96x48xf32, #tpu.memory_space<vmem>>) offsets(%dma_start3A_48 : memref<96xi32, #tpu.memory_space<vmem>>) semaphore(%arg10 : memref<!tpu.dma_semaphore, #tpu.memory_space<semaphore_mem>>)
    %dma_start3A_52 = arith.constant 1 : i32
    %dma_start3A_53 = arith.constant 1 : i32
    %dma_start3A_54 = arith.constant 0 : i32
    %dma_start3A_55 = arith.constant 0 : i32
    %dma_start3A_56 = tpu.memref_slice %arg8[%dma_start3A_53, %dma_start3A_54, %dma_start3A_55] : memref<6x96x48xf32, #tpu.memory_space<vmem>> -> memref<1x96x48xf32, #tpu.memory_space<vmem>>
    %dma_start3A_57 = tpu.memref_squeeze %dma_start3A_56 : memref<1x96x48xf32, #tpu.memory_space<vmem>> -> memref<96x48xf32, #tpu.memory_space<vmem>>
    %dma_start3A_58 = arith.constant 0 : i32
    %dma_start3A_59 = tpu.memref_slice %arg6[%dma_start3A_52, %dma_start3A_58] : memref<108x96xi32, #tpu.memory_space<vmem>> -> memref<1x96xi32, #tpu.memory_space<vmem>>
    %dma_start3A_60 = tpu.memref_squeeze %dma_start3A_59 : memref<1x96xi32, #tpu.memory_space<vmem>> -> memref<96xi32, #tpu.memory_space<vmem>>
    %dma_start3A_61 = arith.constant 0 : i32
    %dma_start3A_62 = arith.constant 0 : i32
    %dma_start3A_63 = tpu.memref_slice %arg2[%dma_start3A_61, %dma_start3A_62] : memref<10000x48xf32, #tpu.memory_space<hbm>> -> memref<10000x48xf32, #tpu.memory_space<hbm>>
    tpu.enqueue_indirect_dma source(%dma_start3A_63 : memref<10000x48xf32, #tpu.memory_space<hbm>>) target(%dma_start3A_57 : memref<96x48xf32, #tpu.memory_space<vmem>>) offsets(%dma_start3A_60 : memref<96xi32, #tpu.memory_space<vmem>>) semaphore(%arg11 : memref<!tpu.dma_semaphore, #tpu.memory_space<semaphore_mem>>)
    %dma_start3A_64 = arith.constant 2 : i32
    %dma_start3A_65 = arith.constant 2 : i32
    %dma_start3A_66 = arith.constant 0 : i32
    %dma_start3A_67 = arith.constant 0 : i32
    %dma_start3A_68 = tpu.memref_slice %arg8[%dma_start3A_65, %dma_start3A_66, %dma_start3A_67] : memref<6x96x48xf32, #tpu.memory_space<vmem>> -> memref<1x96x48xf32, #tpu.memory_space<vmem>>
    %dma_start3A_69 = tpu.memref_squeeze %dma_start3A_68 : memref<1x96x48xf32, #tpu.memory_space<vmem>> -> memref<96x48xf32, #tpu.memory_space<vmem>>
    %dma_start3A_70 = arith.constant 0 : i32
    %dma_start3A_71 = tpu.memref_slice %arg6[%dma_start3A_64, %dma_start3A_70] : memref<108x96xi32, #tpu.memory_space<vmem>> -> memref<1x96xi32, #tpu.memory_space<vmem>>
    %dma_start3A_72 = tpu.memref_squeeze %dma_start3A_71 : memref<1x96xi32, #tpu.memory_space<vmem>> -> memref<96xi32, #tpu.memory_space<vmem>>
    %dma_start3A_73 = arith.constant 0 : i32
    %dma_start3A_74 = arith.constant 0 : i32
    %dma_start3A_75 = tpu.memref_slice %arg2[%dma_start3A_73, %dma_start3A_74] : memref<10000x48xf32, #tpu.memory_space<hbm>> -> memref<10000x48xf32, #tpu.memory_space<hbm>>
    tpu.enqueue_indirect_dma source(%dma_start3A_75 : memref<10000x48xf32, #tpu.memory_space<hbm>>) target(%dma_start3A_69 : memref<96x48xf32, #tpu.memory_space<vmem>>) offsets(%dma_start3A_72 : memref<96xi32, #tpu.memory_space<vmem>>) semaphore(%arg12 : memref<!tpu.dma_semaphore, #tpu.memory_space<semaphore_mem>>)
    %dma_start3A_76 = arith.constant 3 : i32
    %dma_start3A_77 = arith.constant 3 : i32
    %dma_start3A_78 = arith.constant 0 : i32
    %dma_start3A_79 = arith.constant 0 : i32
    %dma_start3A_80 = tpu.memref_slice %arg8[%dma_start3A_77, %dma_start3A_78, %dma_start3A_79] : memref<6x96x48xf32, #tpu.memory_space<vmem>> -> memref<1x96x48xf32, #tpu.memory_space<vmem>>
    %dma_start3A_81 = tpu.memref_squeeze %dma_start3A_80 : memref<1x96x48xf32, #tpu.memory_space<vmem>> -> memref<96x48xf32, #tpu.memory_space<vmem>>
    %dma_start3A_82 = arith.constant 0 : i32
    %dma_start3A_83 = tpu.memref_slice %arg6[%dma_start3A_76, %dma_start3A_82] : memref<108x96xi32, #tpu.memory_space<vmem>> -> memref<1x96xi32, #tpu.memory_space<vmem>>
    %dma_start3A_84 = tpu.memref_squeeze %dma_start3A_83 : memref<1x96xi32, #tpu.memory_space<vmem>> -> memref<96xi32, #tpu.memory_space<vmem>>
    %dma_start3A_85 = arith.constant 0 : i32
    %dma_start3A_86 = arith.constant 0 : i32
    %dma_start3A_87 = tpu.memref_slice %arg2[%dma_start3A_85, %dma_start3A_86] : memref<10000x48xf32, #tpu.memory_space<hbm>> -> memref<10000x48xf32, #tpu.memory_space<hbm>>
    tpu.enqueue_indirect_dma source(%dma_start3A_87 : memref<10000x48xf32, #tpu.memory_space<hbm>>) target(%dma_start3A_81 : memref<96x48xf32, #tpu.memory_space<vmem>>) offsets(%dma_start3A_84 : memref<96xi32, #tpu.memory_space<vmem>>) semaphore(%arg13 : memref<!tpu.dma_semaphore, #tpu.memory_space<semaphore_mem>>)
    %dma_start3A_88 = arith.constant 4 : i32
    %dma_start3A_89 = arith.constant 4 : i32
    %dma_start3A_90 = arith.constant 0 : i32
    %dma_start3A_91 = arith.constant 0 : i32
    %dma_start3A_92 = tpu.memref_slice %arg8[%dma_start3A_89, %dma_start3A_90, %dma_start3A_91] : memref<6x96x48xf32, #tpu.memory_space<vmem>> -> memref<1x96x48xf32, #tpu.memory_space<vmem>>
    %dma_start3A_93 = tpu.memref_squeeze %dma_start3A_92 : memref<1x96x48xf32, #tpu.memory_space<vmem>> -> memref<96x48xf32, #tpu.memory_space<vmem>>
    %dma_start3A_94 = arith.constant 0 : i32
    %dma_start3A_95 = tpu.memref_slice %arg6[%dma_start3A_88, %dma_start3A_94] : memref<108x96xi32, #tpu.memory_space<vmem>> -> memref<1x96xi32, #tpu.memory_space<vmem>>
    %dma_start3A_96 = tpu.memref_squeeze %dma_start3A_95 : memref<1x96xi32, #tpu.memory_space<vmem>> -> memref<96xi32, #tpu.memory_space<vmem>>
    %dma_start3A_97 = arith.constant 0 : i32
    %dma_start3A_98 = arith.constant 0 : i32
    %dma_start3A_99 = tpu.memref_slice %arg2[%dma_start3A_97, %dma_start3A_98] : memref<10000x48xf32, #tpu.memory_space<hbm>> -> memref<10000x48xf32, #tpu.memory_space<hbm>>
    tpu.enqueue_indirect_dma source(%dma_start3A_99 : memref<10000x48xf32, #tpu.memory_space<hbm>>) target(%dma_start3A_93 : memref<96x48xf32, #tpu.memory_space<vmem>>) offsets(%dma_start3A_96 : memref<96xi32, #tpu.memory_space<vmem>>) semaphore(%arg14 : memref<!tpu.dma_semaphore, #tpu.memory_space<semaphore_mem>>)
    %scan3A_100 = arith.constant 0 : i32
    %scan3A_101 = arith.constant 0 : i32
    %scan3A_102 = arith.constant 18 : i32
    %scan3A_103 = arith.addi %scan3A_101, %scan3A_102 : i32
    %scan3A_104 = arith.constant 1 : i32
    scf.for %scan3A_109 = %scan3A_101 to %scan3A_103 step %scan3A_104  : i32 {
      %mul3A_110 = arith.constant 6 : i32
      %mul3A_111 = arith.muli %scan3A_109, %mul3A_110 : i32
      %add3A_112 = arith.constant 0 : i32
      %add3A_113 = arith.addi %mul3A_111, %add3A_112 : i32
      %dma_wait3A = arith.constant 0 : i32
      %dma_wait3A_114 = arith.constant 0 : i32
      %dma_wait3A_115 = arith.constant 0 : i32
      %dma_wait3A_116 = tpu.memref_slice %arg8[%dma_wait3A, %dma_wait3A_114, %dma_wait3A_115] : memref<6x96x48xf32, #tpu.memory_space<vmem>> -> memref<1x96x48xf32, #tpu.memory_space<vmem>>
      %dma_wait3A_117 = tpu.memref_squeeze %dma_wait3A_116 : memref<1x96x48xf32, #tpu.memory_space<vmem>> -> memref<96x48xf32, #tpu.memory_space<vmem>>
      %dma_wait3A_118 = arith.constant 0 : i32
      %dma_wait3A_119 = tpu.memref_slice %arg6[%add3A_113, %dma_wait3A_118] : memref<108x96xi32, #tpu.memory_space<vmem>> -> memref<1x96xi32, #tpu.memory_space<vmem>>
      %dma_wait3A_120 = tpu.memref_squeeze %dma_wait3A_119 : memref<1x96xi32, #tpu.memory_space<vmem>> -> memref<96xi32, #tpu.memory_space<vmem>>
      %dma_wait3A_121 = arith.constant 0 : i32
      %dma_wait3A_122 = arith.constant 0 : i32
      %dma_wait3A_123 = tpu.memref_slice %arg2[%dma_wait3A_121, %dma_wait3A_122] : memref<10000x48xf32, #tpu.memory_space<hbm>> -> memref<10000x48xf32, #tpu.memory_space<hbm>>
      tpu.wait_indirect_dma semaphore(%arg10 : memref<!tpu.dma_semaphore, #tpu.memory_space<semaphore_mem>>) src(%dma_wait3A_123 : memref<10000x48xf32, #tpu.memory_space<hbm>>) dst(%dma_wait3A_117 : memref<96x48xf32, #tpu.memory_space<vmem>>)
      %add3A_124 = arith.constant 6 : i32
      %add3A_125 = arith.addi %add3A_113, %add3A_124 : i32
      %sub3A = arith.constant 1 : i32
      %sub3A_126 = arith.subi %add3A_125, %sub3A : i32
      %dma_start3A_127 = arith.constant 5 : i32
      %dma_start3A_128 = arith.constant 0 : i32
      %dma_start3A_129 = arith.constant 0 : i32
      %dma_start3A_130 = tpu.memref_slice %arg8[%dma_start3A_127, %dma_start3A_128, %dma_start3A_129] : memref<6x96x48xf32, #tpu.memory_space<vmem>> -> memref<1x96x48xf32, #tpu.memory_space<vmem>>
      %dma_start3A_131 = tpu.memref_squeeze %dma_start3A_130 : memref<1x96x48xf32, #tpu.memory_space<vmem>> -> memref<96x48xf32, #tpu.memory_space<vmem>>
      %dma_start3A_132 = arith.constant 0 : i32
      %dma_start3A_133 = tpu.memref_slice %arg6[%sub3A_126, %dma_start3A_132] : memref<108x96xi32, #tpu.memory_space<vmem>> -> memref<1x96xi32, #tpu.memory_space<vmem>>
      %dma_start3A_134 = tpu.memref_squeeze %dma_start3A_133 : memref<1x96xi32, #tpu.memory_space<vmem>> -> memref<96xi32, #tpu.memory_space<vmem>>
      %dma_start3A_135 = arith.constant 0 : i32
      %dma_start3A_136 = arith.constant 0 : i32
      %dma_start3A_137 = tpu.memref_slice %arg2[%dma_start3A_135, %dma_start3A_136] : memref<10000x48xf32, #tpu.memory_space<hbm>> -> memref<10000x48xf32, #tpu.memory_space<hbm>>
      tpu.enqueue_indirect_dma source(%dma_start3A_137 : memref<10000x48xf32, #tpu.memory_space<hbm>>) target(%dma_start3A_131 : memref<96x48xf32, #tpu.memory_space<vmem>>) offsets(%dma_start3A_134 : memref<96xi32, #tpu.memory_space<vmem>>) semaphore(%arg15 : memref<!tpu.dma_semaphore, #tpu.memory_space<semaphore_mem>>)
      %run_scoped3A_138 = arith.constant 0 : i32
      "tpu.region"() ({
        %run_scoped3A_241 = tpu.sem_alloc : memref<!tpu.dma_semaphore, #tpu.memory_space<semaphore_mem>>
        %dma_start3A_242 = arith.constant 0 : i32
        %dma_start3A_243 = arith.constant 0 : i32
        %dma_start3A_244 = tpu.memref_slice %arg8[%run_scoped3A_138, %dma_start3A_242, %dma_start3A_243] : memref<6x96x48xf32, #tpu.memory_space<vmem>> -> memref<1x96x48xf32, #tpu.memory_space<vmem>>
        %dma_start3A_245 = tpu.memref_squeeze %dma_start3A_244 : memref<1x96x48xf32, #tpu.memory_space<vmem>> -> memref<96x48xf32, #tpu.memory_space<vmem>>
        %dma_start3A_246 = arith.constant 0 : i32
        %dma_start3A_247 = tpu.memref_slice %arg7[%add3A_113, %dma_start3A_246] : memref<108x96xi32, #tpu.memory_space<vmem>> -> memref<1x96xi32, #tpu.memory_space<vmem>>
        %dma_start3A_248 = tpu.memref_squeeze %dma_start3A_247 : memref<1x96xi32, #tpu.memory_space<vmem>> -> memref<96xi32, #tpu.memory_space<vmem>>
        %dma_start3A_249 = arith.constant 0 : i32
        %dma_start3A_250 = arith.constant 0 : i32
        %dma_start3A_251 = tpu.memref_slice %arg9[%dma_start3A_249, %dma_start3A_250] : memref<10240x48xf32, #tpu.memory_space<vmem_shared>> -> memref<10240x48xf32, #tpu.memory_space<vmem_shared>>
        tpu.enqueue_indirect_dma source(%dma_start3A_245 : memref<96x48xf32, #tpu.memory_space<vmem>>) target(%dma_start3A_251 : memref<10240x48xf32, #tpu.memory_space<vmem_shared>>) offsets(%dma_start3A_248 : memref<96xi32, #tpu.memory_space<vmem>>) semaphore(%run_scoped3A_241 : memref<!tpu.dma_semaphore, #tpu.memory_space<semaphore_mem>>) {add = true}
        %dma_wait3A_252 = arith.constant 0 : i32
        %dma_wait3A_253 = arith.constant 0 : i32
        %dma_wait3A_254 = tpu.memref_slice %arg8[%run_scoped3A_138, %dma_wait3A_252, %dma_wait3A_253] : memref<6x96x48xf32, #tpu.memory_space<vmem>> -> memref<1x96x48xf32, #tpu.memory_space<vmem>>
        %dma_wait3A_255 = tpu.memref_squeeze %dma_wait3A_254 : memref<1x96x48xf32, #tpu.memory_space<vmem>> -> memref<96x48xf32, #tpu.memory_space<vmem>>
        %dma_wait3A_256 = arith.constant 0 : i32
        %dma_wait3A_257 = tpu.memref_slice %arg7[%add3A_113, %dma_wait3A_256] : memref<108x96xi32, #tpu.memory_space<vmem>> -> memref<1x96xi32, #tpu.memory_space<vmem>>
        %dma_wait3A_258 = tpu.memref_squeeze %dma_wait3A_257 : memref<1x96xi32, #tpu.memory_space<vmem>> -> memref<96xi32, #tpu.memory_space<vmem>>
        %dma_wait3A_259 = arith.constant 0 : i32
        %dma_wait3A_260 = arith.constant 0 : i32
        %dma_wait3A_261 = tpu.memref_slice %arg9[%dma_wait3A_259, %dma_wait3A_260] : memref<10240x48xf32, #tpu.memory_space<vmem_shared>> -> memref<10240x48xf32, #tpu.memory_space<vmem_shared>>
        tpu.wait_indirect_dma semaphore(%run_scoped3A_241 : memref<!tpu.dma_semaphore, #tpu.memory_space<semaphore_mem>>) src(%dma_wait3A_255 : memref<96x48xf32, #tpu.memory_space<vmem>>) dst(%dma_wait3A_261 : memref<10240x48xf32, #tpu.memory_space<vmem_shared>>)
        tpu.yield
      }) : () -> ()
      %mul3A_139 = arith.constant 6 : i32
      %mul3A_140 = arith.muli %scan3A_109, %mul3A_139 : i32
      %add3A_141 = arith.constant 1 : i32
      %add3A_142 = arith.addi %mul3A_140, %add3A_141 : i32
      %dma_wait3A_143 = arith.constant 1 : i32
      %dma_wait3A_144 = arith.constant 0 : i32
      %dma_wait3A_145 = arith.constant 0 : i32
      %dma_wait3A_146 = tpu.memref_slice %arg8[%dma_wait3A_143, %dma_wait3A_144, %dma_wait3A_145] : memref<6x96x48xf32, #tpu.memory_space<vmem>> -> memref<1x96x48xf32, #tpu.memory_space<vmem>>
      %dma_wait3A_147 = tpu.memref_squeeze %dma_wait3A_146 : memref<1x96x48xf32, #tpu.memory_space<vmem>> -> memref<96x48xf32, #tpu.memory_space<vmem>>
      %dma_wait3A_148 = arith.constant 0 : i32
      %dma_wait3A_149 = tpu.memref_slice %arg6[%add3A_142, %dma_wait3A_148] : memref<108x96xi32, #tpu.memory_space<vmem>> -> memref<1x96xi32, #tpu.memory_space<vmem>>
      %dma_wait3A_150 = tpu.memref_squeeze %dma_wait3A_149 : memref<1x96xi32, #tpu.memory_space<vmem>> -> memref<96xi32, #tpu.memory_space<vmem>>
      %dma_wait3A_151 = arith.constant 0 : i32
      %dma_wait3A_152 = arith.constant 0 : i32
      %dma_wait3A_153 = tpu.memref_slice %arg2[%dma_wait3A_151, %dma_wait3A_152] : memref<10000x48xf32, #tpu.memory_space<hbm>> -> memref<10000x48xf32, #tpu.memory_space<hbm>>
      tpu.wait_indirect_dma semaphore(%arg11 : memref<!tpu.dma_semaphore, #tpu.memory_space<semaphore_mem>>) src(%dma_wait3A_153 : memref<10000x48xf32, #tpu.memory_space<hbm>>) dst(%dma_wait3A_147 : memref<96x48xf32, #tpu.memory_space<vmem>>)
      %lt3A = arith.constant 17 : i32
      %lt3A_154 = arith.cmpi slt, %scan3A_109, %lt3A : i32
      %convert_element_type3A = arith.extui %lt3A_154 : i1 to i32
      %cond3A = arith.constant 0 : i32
      %cond3A_155 = arith.cmpi ne, %convert_element_type3A, %cond3A : i32
      scf.if %cond3A_155 {
        %add3A_241 = arith.constant 6 : i32
        %add3A_242 = arith.addi %add3A_142, %add3A_241 : i32
        %sub3A_243 = arith.constant 1 : i32
        %sub3A_244 = arith.subi %add3A_242, %sub3A_243 : i32
        %dma_start3A_245 = arith.constant 0 : i32
        %dma_start3A_246 = arith.constant 0 : i32
        %dma_start3A_247 = arith.constant 0 : i32
        %dma_start3A_248 = tpu.memref_slice %arg8[%dma_start3A_245, %dma_start3A_246, %dma_start3A_247] : memref<6x96x48xf32, #tpu.memory_space<vmem>> -> memref<1x96x48xf32, #tpu.memory_space<vmem>>
        %dma_start3A_249 = tpu.memref_squeeze %dma_start3A_248 : memref<1x96x48xf32, #tpu.memory_space<vmem>> -> memref<96x48xf32, #tpu.memory_space<vmem>>
        %dma_start3A_250 = arith.constant 0 : i32
        %dma_start3A_251 = tpu.memref_slice %arg6[%sub3A_244, %dma_start3A_250] : memref<108x96xi32, #tpu.memory_space<vmem>> -> memref<1x96xi32, #tpu.memory_space<vmem>>
        %dma_start3A_252 = tpu.memref_squeeze %dma_start3A_251 : memref<1x96xi32, #tpu.memory_space<vmem>> -> memref<96xi32, #tpu.memory_space<vmem>>
        %dma_start3A_253 = arith.constant 0 : i32
        %dma_start3A_254 = arith.constant 0 : i32
        %dma_start3A_255 = tpu.memref_slice %arg2[%dma_start3A_253, %dma_start3A_254] : memref<10000x48xf32, #tpu.memory_space<hbm>> -> memref<10000x48xf32, #tpu.memory_space<hbm>>
        tpu.enqueue_indirect_dma source(%dma_start3A_255 : memref<10000x48xf32, #tpu.memory_space<hbm>>) target(%dma_start3A_249 : memref<96x48xf32, #tpu.memory_space<vmem>>) offsets(%dma_start3A_252 : memref<96xi32, #tpu.memory_space<vmem>>) semaphore(%arg10 : memref<!tpu.dma_semaphore, #tpu.memory_space<semaphore_mem>>)
      } else {
      }
      %run_scoped3A_156 = arith.constant 1 : i32
      "tpu.region"() ({
        %run_scoped3A_241 = tpu.sem_alloc : memref<!tpu.dma_semaphore, #tpu.memory_space<semaphore_mem>>
        %dma_start3A_242 = arith.constant 0 : i32
        %dma_start3A_243 = arith.constant 0 : i32
        %dma_start3A_244 = tpu.memref_slice %arg8[%run_scoped3A_156, %dma_start3A_242, %dma_start3A_243] : memref<6x96x48xf32, #tpu.memory_space<vmem>> -> memref<1x96x48xf32, #tpu.memory_space<vmem>>
        %dma_start3A_245 = tpu.memref_squeeze %dma_start3A_244 : memref<1x96x48xf32, #tpu.memory_space<vmem>> -> memref<96x48xf32, #tpu.memory_space<vmem>>
        %dma_start3A_246 = arith.constant 0 : i32
        %dma_start3A_247 = tpu.memref_slice %arg7[%add3A_142, %dma_start3A_246] : memref<108x96xi32, #tpu.memory_space<vmem>> -> memref<1x96xi32, #tpu.memory_space<vmem>>
        %dma_start3A_248 = tpu.memref_squeeze %dma_start3A_247 : memref<1x96xi32, #tpu.memory_space<vmem>> -> memref<96xi32, #tpu.memory_space<vmem>>
        %dma_start3A_249 = arith.constant 0 : i32
        %dma_start3A_250 = arith.constant 0 : i32
        %dma_start3A_251 = tpu.memref_slice %arg9[%dma_start3A_249, %dma_start3A_250] : memref<10240x48xf32, #tpu.memory_space<vmem_shared>> -> memref<10240x48xf32, #tpu.memory_space<vmem_shared>>
        tpu.enqueue_indirect_dma source(%dma_start3A_245 : memref<96x48xf32, #tpu.memory_space<vmem>>) target(%dma_start3A_251 : memref<10240x48xf32, #tpu.memory_space<vmem_shared>>) offsets(%dma_start3A_248 : memref<96xi32, #tpu.memory_space<vmem>>) semaphore(%run_scoped3A_241 : memref<!tpu.dma_semaphore, #tpu.memory_space<semaphore_mem>>) {add = true}
        %dma_wait3A_252 = arith.constant 0 : i32
        %dma_wait3A_253 = arith.constant 0 : i32
        %dma_wait3A_254 = tpu.memref_slice %arg8[%run_scoped3A_156, %dma_wait3A_252, %dma_wait3A_253] : memref<6x96x48xf32, #tpu.memory_space<vmem>> -> memref<1x96x48xf32, #tpu.memory_space<vmem>>
        %dma_wait3A_255 = tpu.memref_squeeze %dma_wait3A_254 : memref<1x96x48xf32, #tpu.memory_space<vmem>> -> memref<96x48xf32, #tpu.memory_space<vmem>>
        %dma_wait3A_256 = arith.constant 0 : i32
        %dma_wait3A_257 = tpu.memref_slice %arg7[%add3A_142, %dma_wait3A_256] : memref<108x96xi32, #tpu.memory_space<vmem>> -> memref<1x96xi32, #tpu.memory_space<vmem>>
        %dma_wait3A_258 = tpu.memref_squeeze %dma_wait3A_257 : memref<1x96xi32, #tpu.memory_space<vmem>> -> memref<96xi32, #tpu.memory_space<vmem>>
        %dma_wait3A_259 = arith.constant 0 : i32
        %dma_wait3A_260 = arith.constant 0 : i32
        %dma_wait3A_261 = tpu.memref_slice %arg9[%dma_wait3A_259, %dma_wait3A_260] : memref<10240x48xf32, #tpu.memory_space<vmem_shared>> -> memref<10240x48xf32, #tpu.memory_space<vmem_shared>>
        tpu.wait_indirect_dma semaphore(%run_scoped3A_241 : memref<!tpu.dma_semaphore, #tpu.memory_space<semaphore_mem>>) src(%dma_wait3A_255 : memref<96x48xf32, #tpu.memory_space<vmem>>) dst(%dma_wait3A_261 : memref<10240x48xf32, #tpu.memory_space<vmem_shared>>)
        tpu.yield
      }) : () -> ()
      %mul3A_157 = arith.constant 6 : i32
      %mul3A_158 = arith.muli %scan3A_109, %mul3A_157 : i32
      %add3A_159 = arith.constant 2 : i32
      %add3A_160 = arith.addi %mul3A_158, %add3A_159 : i32
      %dma_wait3A_161 = arith.constant 2 : i32
      %dma_wait3A_162 = arith.constant 0 : i32
      %dma_wait3A_163 = arith.constant 0 : i32
      %dma_wait3A_164 = tpu.memref_slice %arg8[%dma_wait3A_161, %dma_wait3A_162, %dma_wait3A_163] : memref<6x96x48xf32, #tpu.memory_space<vmem>> -> memref<1x96x48xf32, #tpu.memory_space<vmem>>
      %dma_wait3A_165 = tpu.memref_squeeze %dma_wait3A_164 : memref<1x96x48xf32, #tpu.memory_space<vmem>> -> memref<96x48xf32, #tpu.memory_space<vmem>>
      %dma_wait3A_166 = arith.constant 0 : i32
      %dma_wait3A_167 = tpu.memref_slice %arg6[%add3A_160, %dma_wait3A_166] : memref<108x96xi32, #tpu.memory_space<vmem>> -> memref<1x96xi32, #tpu.memory_space<vmem>>
      %dma_wait3A_168 = tpu.memref_squeeze %dma_wait3A_167 : memref<1x96xi32, #tpu.memory_space<vmem>> -> memref<96xi32, #tpu.memory_space<vmem>>
      %dma_wait3A_169 = arith.constant 0 : i32
      %dma_wait3A_170 = arith.constant 0 : i32
      %dma_wait3A_171 = tpu.memref_slice %arg2[%dma_wait3A_169, %dma_wait3A_170] : memref<10000x48xf32, #tpu.memory_space<hbm>> -> memref<10000x48xf32, #tpu.memory_space<hbm>>
      tpu.wait_indirect_dma semaphore(%arg12 : memref<!tpu.dma_semaphore, #tpu.memory_space<semaphore_mem>>) src(%dma_wait3A_171 : memref<10000x48xf32, #tpu.memory_space<hbm>>) dst(%dma_wait3A_165 : memref<96x48xf32, #tpu.memory_space<vmem>>)
      %lt3A_172 = arith.constant 17 : i32
      %lt3A_173 = arith.cmpi slt, %scan3A_109, %lt3A_172 : i32
      %convert_element_type3A_174 = arith.extui %lt3A_173 : i1 to i32
      %cond3A_175 = arith.constant 0 : i32
      %cond3A_176 = arith.cmpi ne, %convert_element_type3A_174, %cond3A_175 : i32
      scf.if %cond3A_176 {
        %add3A_241 = arith.constant 6 : i32
        %add3A_242 = arith.addi %add3A_160, %add3A_241 : i32
        %sub3A_243 = arith.constant 1 : i32
        %sub3A_244 = arith.subi %add3A_242, %sub3A_243 : i32
        %dma_start3A_245 = arith.constant 1 : i32
        %dma_start3A_246 = arith.constant 0 : i32
        %dma_start3A_247 = arith.constant 0 : i32
        %dma_start3A_248 = tpu.memref_slice %arg8[%dma_start3A_245, %dma_start3A_246, %dma_start3A_247] : memref<6x96x48xf32, #tpu.memory_space<vmem>> -> memref<1x96x48xf32, #tpu.memory_space<vmem>>
        %dma_start3A_249 = tpu.memref_squeeze %dma_start3A_248 : memref<1x96x48xf32, #tpu.memory_space<vmem>> -> memref<96x48xf32, #tpu.memory_space<vmem>>
        %dma_start3A_250 = arith.constant 0 : i32
        %dma_start3A_251 = tpu.memref_slice %arg6[%sub3A_244, %dma_start3A_250] : memref<108x96xi32, #tpu.memory_space<vmem>> -> memref<1x96xi32, #tpu.memory_space<vmem>>
        %dma_start3A_252 = tpu.memref_squeeze %dma_start3A_251 : memref<1x96xi32, #tpu.memory_space<vmem>> -> memref<96xi32, #tpu.memory_space<vmem>>
        %dma_start3A_253 = arith.constant 0 : i32
        %dma_start3A_254 = arith.constant 0 : i32
        %dma_start3A_255 = tpu.memref_slice %arg2[%dma_start3A_253, %dma_start3A_254] : memref<10000x48xf32, #tpu.memory_space<hbm>> -> memref<10000x48xf32, #tpu.memory_space<hbm>>
        tpu.enqueue_indirect_dma source(%dma_start3A_255 : memref<10000x48xf32, #tpu.memory_space<hbm>>) target(%dma_start3A_249 : memref<96x48xf32, #tpu.memory_space<vmem>>) offsets(%dma_start3A_252 : memref<96xi32, #tpu.memory_space<vmem>>) semaphore(%arg11 : memref<!tpu.dma_semaphore, #tpu.memory_space<semaphore_mem>>)
      } else {
      }
      %run_scoped3A_177 = arith.constant 2 : i32
      "tpu.region"() ({
        %run_scoped3A_241 = tpu.sem_alloc : memref<!tpu.dma_semaphore, #tpu.memory_space<semaphore_mem>>
        %dma_start3A_242 = arith.constant 0 : i32
        %dma_start3A_243 = arith.constant 0 : i32
        %dma_start3A_244 = tpu.memref_slice %arg8[%run_scoped3A_177, %dma_start3A_242, %dma_start3A_243] : memref<6x96x48xf32, #tpu.memory_space<vmem>> -> memref<1x96x48xf32, #tpu.memory_space<vmem>>
        %dma_start3A_245 = tpu.memref_squeeze %dma_start3A_244 : memref<1x96x48xf32, #tpu.memory_space<vmem>> -> memref<96x48xf32, #tpu.memory_space<vmem>>
        %dma_start3A_246 = arith.constant 0 : i32
        %dma_start3A_247 = tpu.memref_slice %arg7[%add3A_160, %dma_start3A_246] : memref<108x96xi32, #tpu.memory_space<vmem>> -> memref<1x96xi32, #tpu.memory_space<vmem>>
        %dma_start3A_248 = tpu.memref_squeeze %dma_start3A_247 : memref<1x96xi32, #tpu.memory_space<vmem>> -> memref<96xi32, #tpu.memory_space<vmem>>
        %dma_start3A_249 = arith.constant 0 : i32
        %dma_start3A_250 = arith.constant 0 : i32
        %dma_start3A_251 = tpu.memref_slice %arg9[%dma_start3A_249, %dma_start3A_250] : memref<10240x48xf32, #tpu.memory_space<vmem_shared>> -> memref<10240x48xf32, #tpu.memory_space<vmem_shared>>
        tpu.enqueue_indirect_dma source(%dma_start3A_245 : memref<96x48xf32, #tpu.memory_space<vmem>>) target(%dma_start3A_251 : memref<10240x48xf32, #tpu.memory_space<vmem_shared>>) offsets(%dma_start3A_248 : memref<96xi32, #tpu.memory_space<vmem>>) semaphore(%run_scoped3A_241 : memref<!tpu.dma_semaphore, #tpu.memory_space<semaphore_mem>>) {add = true}
        %dma_wait3A_252 = arith.constant 0 : i32
        %dma_wait3A_253 = arith.constant 0 : i32
        %dma_wait3A_254 = tpu.memref_slice %arg8[%run_scoped3A_177, %dma_wait3A_252, %dma_wait3A_253] : memref<6x96x48xf32, #tpu.memory_space<vmem>> -> memref<1x96x48xf32, #tpu.memory_space<vmem>>
        %dma_wait3A_255 = tpu.memref_squeeze %dma_wait3A_254 : memref<1x96x48xf32, #tpu.memory_space<vmem>> -> memref<96x48xf32, #tpu.memory_space<vmem>>
        %dma_wait3A_256 = arith.constant 0 : i32
        %dma_wait3A_257 = tpu.memref_slice %arg7[%add3A_160, %dma_wait3A_256] : memref<108x96xi32, #tpu.memory_space<vmem>> -> memref<1x96xi32, #tpu.memory_space<vmem>>
        %dma_wait3A_258 = tpu.memref_squeeze %dma_wait3A_257 : memref<1x96xi32, #tpu.memory_space<vmem>> -> memref<96xi32, #tpu.memory_space<vmem>>
        %dma_wait3A_259 = arith.constant 0 : i32
        %dma_wait3A_260 = arith.constant 0 : i32
        %dma_wait3A_261 = tpu.memref_slice %arg9[%dma_wait3A_259, %dma_wait3A_260] : memref<10240x48xf32, #tpu.memory_space<vmem_shared>> -> memref<10240x48xf32, #tpu.memory_space<vmem_shared>>
        tpu.wait_indirect_dma semaphore(%run_scoped3A_241 : memref<!tpu.dma_semaphore, #tpu.memory_space<semaphore_mem>>) src(%dma_wait3A_255 : memref<96x48xf32, #tpu.memory_space<vmem>>) dst(%dma_wait3A_261 : memref<10240x48xf32, #tpu.memory_space<vmem_shared>>)
        tpu.yield
      }) : () -> ()
      %mul3A_178 = arith.constant 6 : i32
      %mul3A_179 = arith.muli %scan3A_109, %mul3A_178 : i32
      %add3A_180 = arith.constant 3 : i32
      %add3A_181 = arith.addi %mul3A_179, %add3A_180 : i32
      %dma_wait3A_182 = arith.constant 3 : i32
      %dma_wait3A_183 = arith.constant 0 : i32
      %dma_wait3A_184 = arith.constant 0 : i32
      %dma_wait3A_185 = tpu.memref_slice %arg8[%dma_wait3A_182, %dma_wait3A_183, %dma_wait3A_184] : memref<6x96x48xf32, #tpu.memory_space<vmem>> -> memref<1x96x48xf32, #tpu.memory_space<vmem>>
      %dma_wait3A_186 = tpu.memref_squeeze %dma_wait3A_185 : memref<1x96x48xf32, #tpu.memory_space<vmem>> -> memref<96x48xf32, #tpu.memory_space<vmem>>
      %dma_wait3A_187 = arith.constant 0 : i32
      %dma_wait3A_188 = tpu.memref_slice %arg6[%add3A_181, %dma_wait3A_187] : memref<108x96xi32, #tpu.memory_space<vmem>> -> memref<1x96xi32, #tpu.memory_space<vmem>>
      %dma_wait3A_189 = tpu.memref_squeeze %dma_wait3A_188 : memref<1x96xi32, #tpu.memory_space<vmem>> -> memref<96xi32, #tpu.memory_space<vmem>>
      %dma_wait3A_190 = arith.constant 0 : i32
      %dma_wait3A_191 = arith.constant 0 : i32
      %dma_wait3A_192 = tpu.memref_slice %arg2[%dma_wait3A_190, %dma_wait3A_191] : memref<10000x48xf32, #tpu.memory_space<hbm>> -> memref<10000x48xf32, #tpu.memory_space<hbm>>
      tpu.wait_indirect_dma semaphore(%arg13 : memref<!tpu.dma_semaphore, #tpu.memory_space<semaphore_mem>>) src(%dma_wait3A_192 : memref<10000x48xf32, #tpu.memory_space<hbm>>) dst(%dma_wait3A_186 : memref<96x48xf32, #tpu.memory_space<vmem>>)
      %lt3A_193 = arith.constant 17 : i32
      %lt3A_194 = arith.cmpi slt, %scan3A_109, %lt3A_193 : i32
      %convert_element_type3A_195 = arith.extui %lt3A_194 : i1 to i32
      %cond3A_196 = arith.constant 0 : i32
      %cond3A_197 = arith.cmpi ne, %convert_element_type3A_195, %cond3A_196 : i32
      scf.if %cond3A_197 {
        %add3A_241 = arith.constant 6 : i32
        %add3A_242 = arith.addi %add3A_181, %add3A_241 : i32
        %sub3A_243 = arith.constant 1 : i32
        %sub3A_244 = arith.subi %add3A_242, %sub3A_243 : i32
        %dma_start3A_245 = arith.constant 2 : i32
        %dma_start3A_246 = arith.constant 0 : i32
        %dma_start3A_247 = arith.constant 0 : i32
        %dma_start3A_248 = tpu.memref_slice %arg8[%dma_start3A_245, %dma_start3A_246, %dma_start3A_247] : memref<6x96x48xf32, #tpu.memory_space<vmem>> -> memref<1x96x48xf32, #tpu.memory_space<vmem>>
        %dma_start3A_249 = tpu.memref_squeeze %dma_start3A_248 : memref<1x96x48xf32, #tpu.memory_space<vmem>> -> memref<96x48xf32, #tpu.memory_space<vmem>>
        %dma_start3A_250 = arith.constant 0 : i32
        %dma_start3A_251 = tpu.memref_slice %arg6[%sub3A_244, %dma_start3A_250] : memref<108x96xi32, #tpu.memory_space<vmem>> -> memref<1x96xi32, #tpu.memory_space<vmem>>
        %dma_start3A_252 = tpu.memref_squeeze %dma_start3A_251 : memref<1x96xi32, #tpu.memory_space<vmem>> -> memref<96xi32, #tpu.memory_space<vmem>>
        %dma_start3A_253 = arith.constant 0 : i32
        %dma_start3A_254 = arith.constant 0 : i32
        %dma_start3A_255 = tpu.memref_slice %arg2[%dma_start3A_253, %dma_start3A_254] : memref<10000x48xf32, #tpu.memory_space<hbm>> -> memref<10000x48xf32, #tpu.memory_space<hbm>>
        tpu.enqueue_indirect_dma source(%dma_start3A_255 : memref<10000x48xf32, #tpu.memory_space<hbm>>) target(%dma_start3A_249 : memref<96x48xf32, #tpu.memory_space<vmem>>) offsets(%dma_start3A_252 : memref<96xi32, #tpu.memory_space<vmem>>) semaphore(%arg12 : memref<!tpu.dma_semaphore, #tpu.memory_space<semaphore_mem>>)
      } else {
      }
      %run_scoped3A_198 = arith.constant 3 : i32
      "tpu.region"() ({
        %run_scoped3A_241 = tpu.sem_alloc : memref<!tpu.dma_semaphore, #tpu.memory_space<semaphore_mem>>
        %dma_start3A_242 = arith.constant 0 : i32
        %dma_start3A_243 = arith.constant 0 : i32
        %dma_start3A_244 = tpu.memref_slice %arg8[%run_scoped3A_198, %dma_start3A_242, %dma_start3A_243] : memref<6x96x48xf32, #tpu.memory_space<vmem>> -> memref<1x96x48xf32, #tpu.memory_space<vmem>>
        %dma_start3A_245 = tpu.memref_squeeze %dma_start3A_244 : memref<1x96x48xf32, #tpu.memory_space<vmem>> -> memref<96x48xf32, #tpu.memory_space<vmem>>
        %dma_start3A_246 = arith.constant 0 : i32
        %dma_start3A_247 = tpu.memref_slice %arg7[%add3A_181, %dma_start3A_246] : memref<108x96xi32, #tpu.memory_space<vmem>> -> memref<1x96xi32, #tpu.memory_space<vmem>>
        %dma_start3A_248 = tpu.memref_squeeze %dma_start3A_247 : memref<1x96xi32, #tpu.memory_space<vmem>> -> memref<96xi32, #tpu.memory_space<vmem>>
        %dma_start3A_249 = arith.constant 0 : i32
        %dma_start3A_250 = arith.constant 0 : i32
        %dma_start3A_251 = tpu.memref_slice %arg9[%dma_start3A_249, %dma_start3A_250] : memref<10240x48xf32, #tpu.memory_space<vmem_shared>> -> memref<10240x48xf32, #tpu.memory_space<vmem_shared>>
        tpu.enqueue_indirect_dma source(%dma_start3A_245 : memref<96x48xf32, #tpu.memory_space<vmem>>) target(%dma_start3A_251 : memref<10240x48xf32, #tpu.memory_space<vmem_shared>>) offsets(%dma_start3A_248 : memref<96xi32, #tpu.memory_space<vmem>>) semaphore(%run_scoped3A_241 : memref<!tpu.dma_semaphore, #tpu.memory_space<semaphore_mem>>) {add = true}
        %dma_wait3A_252 = arith.constant 0 : i32
        %dma_wait3A_253 = arith.constant 0 : i32
        %dma_wait3A_254 = tpu.memref_slice %arg8[%run_scoped3A_198, %dma_wait3A_252, %dma_wait3A_253] : memref<6x96x48xf32, #tpu.memory_space<vmem>> -> memref<1x96x48xf32, #tpu.memory_space<vmem>>
        %dma_wait3A_255 = tpu.memref_squeeze %dma_wait3A_254 : memref<1x96x48xf32, #tpu.memory_space<vmem>> -> memref<96x48xf32, #tpu.memory_space<vmem>>
        %dma_wait3A_256 = arith.constant 0 : i32
        %dma_wait3A_257 = tpu.memref_slice %arg7[%add3A_181, %dma_wait3A_256] : memref<108x96xi32, #tpu.memory_space<vmem>> -> memref<1x96xi32, #tpu.memory_space<vmem>>
        %dma_wait3A_258 = tpu.memref_squeeze %dma_wait3A_257 : memref<1x96xi32, #tpu.memory_space<vmem>> -> memref<96xi32, #tpu.memory_space<vmem>>
        %dma_wait3A_259 = arith.constant 0 : i32
        %dma_wait3A_260 = arith.constant 0 : i32
        %dma_wait3A_261 = tpu.memref_slice %arg9[%dma_wait3A_259, %dma_wait3A_260] : memref<10240x48xf32, #tpu.memory_space<vmem_shared>> -> memref<10240x48xf32, #tpu.memory_space<vmem_shared>>
        tpu.wait_indirect_dma semaphore(%run_scoped3A_241 : memref<!tpu.dma_semaphore, #tpu.memory_space<semaphore_mem>>) src(%dma_wait3A_255 : memref<96x48xf32, #tpu.memory_space<vmem>>) dst(%dma_wait3A_261 : memref<10240x48xf32, #tpu.memory_space<vmem_shared>>)
        tpu.yield
      }) : () -> ()
      %mul3A_199 = arith.constant 6 : i32
      %mul3A_200 = arith.muli %scan3A_109, %mul3A_199 : i32
      %add3A_201 = arith.constant 4 : i32
      %add3A_202 = arith.addi %mul3A_200, %add3A_201 : i32
      %dma_wait3A_203 = arith.constant 4 : i32
      %dma_wait3A_204 = arith.constant 0 : i32
      %dma_wait3A_205 = arith.constant 0 : i32
      %dma_wait3A_206 = tpu.memref_slice %arg8[%dma_wait3A_203, %dma_wait3A_204, %dma_wait3A_205] : memref<6x96x48xf32, #tpu.memory_space<vmem>> -> memref<1x96x48xf32, #tpu.memory_space<vmem>>
      %dma_wait3A_207 = tpu.memref_squeeze %dma_wait3A_206 : memref<1x96x48xf32, #tpu.memory_space<vmem>> -> memref<96x48xf32, #tpu.memory_space<vmem>>
      %dma_wait3A_208 = arith.constant 0 : i32
      %dma_wait3A_209 = tpu.memref_slice %arg6[%add3A_202, %dma_wait3A_208] : memref<108x96xi32, #tpu.memory_space<vmem>> -> memref<1x96xi32, #tpu.memory_space<vmem>>
      %dma_wait3A_210 = tpu.memref_squeeze %dma_wait3A_209 : memref<1x96xi32, #tpu.memory_space<vmem>> -> memref<96xi32, #tpu.memory_space<vmem>>
      %dma_wait3A_211 = arith.constant 0 : i32
      %dma_wait3A_212 = arith.constant 0 : i32
      %dma_wait3A_213 = tpu.memref_slice %arg2[%dma_wait3A_211, %dma_wait3A_212] : memref<10000x48xf32, #tpu.memory_space<hbm>> -> memref<10000x48xf32, #tpu.memory_space<hbm>>
      tpu.wait_indirect_dma semaphore(%arg14 : memref<!tpu.dma_semaphore, #tpu.memory_space<semaphore_mem>>) src(%dma_wait3A_213 : memref<10000x48xf32, #tpu.memory_space<hbm>>) dst(%dma_wait3A_207 : memref<96x48xf32, #tpu.memory_space<vmem>>)
      %lt3A_214 = arith.constant 17 : i32
      %lt3A_215 = arith.cmpi slt, %scan3A_109, %lt3A_214 : i32
      %convert_element_type3A_216 = arith.extui %lt3A_215 : i1 to i32
      %cond3A_217 = arith.constant 0 : i32
      %cond3A_218 = arith.cmpi ne, %convert_element_type3A_216, %cond3A_217 : i32
      scf.if %cond3A_218 {
        %add3A_241 = arith.constant 6 : i32
        %add3A_242 = arith.addi %add3A_202, %add3A_241 : i32
        %sub3A_243 = arith.constant 1 : i32
        %sub3A_244 = arith.subi %add3A_242, %sub3A_243 : i32
        %dma_start3A_245 = arith.constant 3 : i32
        %dma_start3A_246 = arith.constant 0 : i32
        %dma_start3A_247 = arith.constant 0 : i32
        %dma_start3A_248 = tpu.memref_slice %arg8[%dma_start3A_245, %dma_start3A_246, %dma_start3A_247] : memref<6x96x48xf32, #tpu.memory_space<vmem>> -> memref<1x96x48xf32, #tpu.memory_space<vmem>>
        %dma_start3A_249 = tpu.memref_squeeze %dma_start3A_248 : memref<1x96x48xf32, #tpu.memory_space<vmem>> -> memref<96x48xf32, #tpu.memory_space<vmem>>
        %dma_start3A_250 = arith.constant 0 : i32
        %dma_start3A_251 = tpu.memref_slice %arg6[%sub3A_244, %dma_start3A_250] : memref<108x96xi32, #tpu.memory_space<vmem>> -> memref<1x96xi32, #tpu.memory_space<vmem>>
        %dma_start3A_252 = tpu.memref_squeeze %dma_start3A_251 : memref<1x96xi32, #tpu.memory_space<vmem>> -> memref<96xi32, #tpu.memory_space<vmem>>
        %dma_start3A_253 = arith.constant 0 : i32
        %dma_start3A_254 = arith.constant 0 : i32
        %dma_start3A_255 = tpu.memref_slice %arg2[%dma_start3A_253, %dma_start3A_254] : memref<10000x48xf32, #tpu.memory_space<hbm>> -> memref<10000x48xf32, #tpu.memory_space<hbm>>
        tpu.enqueue_indirect_dma source(%dma_start3A_255 : memref<10000x48xf32, #tpu.memory_space<hbm>>) target(%dma_start3A_249 : memref<96x48xf32, #tpu.memory_space<vmem>>) offsets(%dma_start3A_252 : memref<96xi32, #tpu.memory_space<vmem>>) semaphore(%arg13 : memref<!tpu.dma_semaphore, #tpu.memory_space<semaphore_mem>>)
      } else {
      }
      %run_scoped3A_219 = arith.constant 4 : i32
      "tpu.region"() ({
        %run_scoped3A_241 = tpu.sem_alloc : memref<!tpu.dma_semaphore, #tpu.memory_space<semaphore_mem>>
        %dma_start3A_242 = arith.constant 0 : i32
        %dma_start3A_243 = arith.constant 0 : i32
        %dma_start3A_244 = tpu.memref_slice %arg8[%run_scoped3A_219, %dma_start3A_242, %dma_start3A_243] : memref<6x96x48xf32, #tpu.memory_space<vmem>> -> memref<1x96x48xf32, #tpu.memory_space<vmem>>
        %dma_start3A_245 = tpu.memref_squeeze %dma_start3A_244 : memref<1x96x48xf32, #tpu.memory_space<vmem>> -> memref<96x48xf32, #tpu.memory_space<vmem>>
        %dma_start3A_246 = arith.constant 0 : i32
        %dma_start3A_247 = tpu.memref_slice %arg7[%add3A_202, %dma_start3A_246] : memref<108x96xi32, #tpu.memory_space<vmem>> -> memref<1x96xi32, #tpu.memory_space<vmem>>
        %dma_start3A_248 = tpu.memref_squeeze %dma_start3A_247 : memref<1x96xi32, #tpu.memory_space<vmem>> -> memref<96xi32, #tpu.memory_space<vmem>>
        %dma_start3A_249 = arith.constant 0 : i32
        %dma_start3A_250 = arith.constant 0 : i32
        %dma_start3A_251 = tpu.memref_slice %arg9[%dma_start3A_249, %dma_start3A_250] : memref<10240x48xf32, #tpu.memory_space<vmem_shared>> -> memref<10240x48xf32, #tpu.memory_space<vmem_shared>>
        tpu.enqueue_indirect_dma source(%dma_start3A_245 : memref<96x48xf32, #tpu.memory_space<vmem>>) target(%dma_start3A_251 : memref<10240x48xf32, #tpu.memory_space<vmem_shared>>) offsets(%dma_start3A_248 : memref<96xi32, #tpu.memory_space<vmem>>) semaphore(%run_scoped3A_241 : memref<!tpu.dma_semaphore, #tpu.memory_space<semaphore_mem>>) {add = true}
        %dma_wait3A_252 = arith.constant 0 : i32
        %dma_wait3A_253 = arith.constant 0 : i32
        %dma_wait3A_254 = tpu.memref_slice %arg8[%run_scoped3A_219, %dma_wait3A_252, %dma_wait3A_253] : memref<6x96x48xf32, #tpu.memory_space<vmem>> -> memref<1x96x48xf32, #tpu.memory_space<vmem>>
        %dma_wait3A_255 = tpu.memref_squeeze %dma_wait3A_254 : memref<1x96x48xf32, #tpu.memory_space<vmem>> -> memref<96x48xf32, #tpu.memory_space<vmem>>
        %dma_wait3A_256 = arith.constant 0 : i32
        %dma_wait3A_257 = tpu.memref_slice %arg7[%add3A_202, %dma_wait3A_256] : memref<108x96xi32, #tpu.memory_space<vmem>> -> memref<1x96xi32, #tpu.memory_space<vmem>>
        %dma_wait3A_258 = tpu.memref_squeeze %dma_wait3A_257 : memref<1x96xi32, #tpu.memory_space<vmem>> -> memref<96xi32, #tpu.memory_space<vmem>>
        %dma_wait3A_259 = arith.constant 0 : i32
        %dma_wait3A_260 = arith.constant 0 : i32
        %dma_wait3A_261 = tpu.memref_slice %arg9[%dma_wait3A_259, %dma_wait3A_260] : memref<10240x48xf32, #tpu.memory_space<vmem_shared>> -> memref<10240x48xf32, #tpu.memory_space<vmem_shared>>
        tpu.wait_indirect_dma semaphore(%run_scoped3A_241 : memref<!tpu.dma_semaphore, #tpu.memory_space<semaphore_mem>>) src(%dma_wait3A_255 : memref<96x48xf32, #tpu.memory_space<vmem>>) dst(%dma_wait3A_261 : memref<10240x48xf32, #tpu.memory_space<vmem_shared>>)
        tpu.yield
      }) : () -> ()
      %mul3A_220 = arith.constant 6 : i32
      %mul3A_221 = arith.muli %scan3A_109, %mul3A_220 : i32
      %add3A_222 = arith.constant 5 : i32
      %add3A_223 = arith.addi %mul3A_221, %add3A_222 : i32
      %dma_wait3A_224 = arith.constant 5 : i32
      %dma_wait3A_225 = arith.constant 0 : i32
      %dma_wait3A_226 = arith.constant 0 : i32
      %dma_wait3A_227 = tpu.memref_slice %arg8[%dma_wait3A_224, %dma_wait3A_225, %dma_wait3A_226] : memref<6x96x48xf32, #tpu.memory_space<vmem>> -> memref<1x96x48xf32, #tpu.memory_space<vmem>>
      %dma_wait3A_228 = tpu.memref_squeeze %dma_wait3A_227 : memref<1x96x48xf32, #tpu.memory_space<vmem>> -> memref<96x48xf32, #tpu.memory_space<vmem>>
      %dma_wait3A_229 = arith.constant 0 : i32
      %dma_wait3A_230 = tpu.memref_slice %arg6[%add3A_223, %dma_wait3A_229] : memref<108x96xi32, #tpu.memory_space<vmem>> -> memref<1x96xi32, #tpu.memory_space<vmem>>
      %dma_wait3A_231 = tpu.memref_squeeze %dma_wait3A_230 : memref<1x96xi32, #tpu.memory_space<vmem>> -> memref<96xi32, #tpu.memory_space<vmem>>
      %dma_wait3A_232 = arith.constant 0 : i32
      %dma_wait3A_233 = arith.constant 0 : i32
      %dma_wait3A_234 = tpu.memref_slice %arg2[%dma_wait3A_232, %dma_wait3A_233] : memref<10000x48xf32, #tpu.memory_space<hbm>> -> memref<10000x48xf32, #tpu.memory_space<hbm>>
      tpu.wait_indirect_dma semaphore(%arg15 : memref<!tpu.dma_semaphore, #tpu.memory_space<semaphore_mem>>) src(%dma_wait3A_234 : memref<10000x48xf32, #tpu.memory_space<hbm>>) dst(%dma_wait3A_228 : memref<96x48xf32, #tpu.memory_space<vmem>>)
      %lt3A_235 = arith.constant 17 : i32
      %lt3A_236 = arith.cmpi slt, %scan3A_109, %lt3A_235 : i32
      %convert_element_type3A_237 = arith.extui %lt3A_236 : i1 to i32
      %cond3A_238 = arith.constant 0 : i32
      %cond3A_239 = arith.cmpi ne, %convert_element_type3A_237, %cond3A_238 : i32
      scf.if %cond3A_239 {
        %add3A_241 = arith.constant 6 : i32
        %add3A_242 = arith.addi %add3A_223, %add3A_241 : i32
        %sub3A_243 = arith.constant 1 : i32
        %sub3A_244 = arith.subi %add3A_242, %sub3A_243 : i32
        %dma_start3A_245 = arith.constant 4 : i32
        %dma_start3A_246 = arith.constant 0 : i32
        %dma_start3A_247 = arith.constant 0 : i32
        %dma_start3A_248 = tpu.memref_slice %arg8[%dma_start3A_245, %dma_start3A_246, %dma_start3A_247] : memref<6x96x48xf32, #tpu.memory_space<vmem>> -> memref<1x96x48xf32, #tpu.memory_space<vmem>>
        %dma_start3A_249 = tpu.memref_squeeze %dma_start3A_248 : memref<1x96x48xf32, #tpu.memory_space<vmem>> -> memref<96x48xf32, #tpu.memory_space<vmem>>
        %dma_start3A_250 = arith.constant 0 : i32
        %dma_start3A_251 = tpu.memref_slice %arg6[%sub3A_244, %dma_start3A_250] : memref<108x96xi32, #tpu.memory_space<vmem>> -> memref<1x96xi32, #tpu.memory_space<vmem>>
        %dma_start3A_252 = tpu.memref_squeeze %dma_start3A_251 : memref<1x96xi32, #tpu.memory_space<vmem>> -> memref<96xi32, #tpu.memory_space<vmem>>
        %dma_start3A_253 = arith.constant 0 : i32
        %dma_start3A_254 = arith.constant 0 : i32
        %dma_start3A_255 = tpu.memref_slice %arg2[%dma_start3A_253, %dma_start3A_254] : memref<10000x48xf32, #tpu.memory_space<hbm>> -> memref<10000x48xf32, #tpu.memory_space<hbm>>
        tpu.enqueue_indirect_dma source(%dma_start3A_255 : memref<10000x48xf32, #tpu.memory_space<hbm>>) target(%dma_start3A_249 : memref<96x48xf32, #tpu.memory_space<vmem>>) offsets(%dma_start3A_252 : memref<96xi32, #tpu.memory_space<vmem>>) semaphore(%arg14 : memref<!tpu.dma_semaphore, #tpu.memory_space<semaphore_mem>>)
      } else {
      }
      %run_scoped3A_240 = arith.constant 5 : i32
      "tpu.region"() ({
        %run_scoped3A_241 = tpu.sem_alloc : memref<!tpu.dma_semaphore, #tpu.memory_space<semaphore_mem>>
        %dma_start3A_242 = arith.constant 0 : i32
        %dma_start3A_243 = arith.constant 0 : i32
        %dma_start3A_244 = tpu.memref_slice %arg8[%run_scoped3A_240, %dma_start3A_242, %dma_start3A_243] : memref<6x96x48xf32, #tpu.memory_space<vmem>> -> memref<1x96x48xf32, #tpu.memory_space<vmem>>
        %dma_start3A_245 = tpu.memref_squeeze %dma_start3A_244 : memref<1x96x48xf32, #tpu.memory_space<vmem>> -> memref<96x48xf32, #tpu.memory_space<vmem>>
        %dma_start3A_246 = arith.constant 0 : i32
        %dma_start3A_247 = tpu.memref_slice %arg7[%add3A_223, %dma_start3A_246] : memref<108x96xi32, #tpu.memory_space<vmem>> -> memref<1x96xi32, #tpu.memory_space<vmem>>
        %dma_start3A_248 = tpu.memref_squeeze %dma_start3A_247 : memref<1x96xi32, #tpu.memory_space<vmem>> -> memref<96xi32, #tpu.memory_space<vmem>>
        %dma_start3A_249 = arith.constant 0 : i32
        %dma_start3A_250 = arith.constant 0 : i32
        %dma_start3A_251 = tpu.memref_slice %arg9[%dma_start3A_249, %dma_start3A_250] : memref<10240x48xf32, #tpu.memory_space<vmem_shared>> -> memref<10240x48xf32, #tpu.memory_space<vmem_shared>>
        tpu.enqueue_indirect_dma source(%dma_start3A_245 : memref<96x48xf32, #tpu.memory_space<vmem>>) target(%dma_start3A_251 : memref<10240x48xf32, #tpu.memory_space<vmem_shared>>) offsets(%dma_start3A_248 : memref<96xi32, #tpu.memory_space<vmem>>) semaphore(%run_scoped3A_241 : memref<!tpu.dma_semaphore, #tpu.memory_space<semaphore_mem>>) {add = true}
        %dma_wait3A_252 = arith.constant 0 : i32
        %dma_wait3A_253 = arith.constant 0 : i32
        %dma_wait3A_254 = tpu.memref_slice %arg8[%run_scoped3A_240, %dma_wait3A_252, %dma_wait3A_253] : memref<6x96x48xf32, #tpu.memory_space<vmem>> -> memref<1x96x48xf32, #tpu.memory_space<vmem>>
        %dma_wait3A_255 = tpu.memref_squeeze %dma_wait3A_254 : memref<1x96x48xf32, #tpu.memory_space<vmem>> -> memref<96x48xf32, #tpu.memory_space<vmem>>
        %dma_wait3A_256 = arith.constant 0 : i32
        %dma_wait3A_257 = tpu.memref_slice %arg7[%add3A_223, %dma_wait3A_256] : memref<108x96xi32, #tpu.memory_space<vmem>> -> memref<1x96xi32, #tpu.memory_space<vmem>>
        %dma_wait3A_258 = tpu.memref_squeeze %dma_wait3A_257 : memref<1x96xi32, #tpu.memory_space<vmem>> -> memref<96xi32, #tpu.memory_space<vmem>>
        %dma_wait3A_259 = arith.constant 0 : i32
        %dma_wait3A_260 = arith.constant 0 : i32
        %dma_wait3A_261 = tpu.memref_slice %arg9[%dma_wait3A_259, %dma_wait3A_260] : memref<10240x48xf32, #tpu.memory_space<vmem_shared>> -> memref<10240x48xf32, #tpu.memory_space<vmem_shared>>
        tpu.wait_indirect_dma semaphore(%run_scoped3A_241 : memref<!tpu.dma_semaphore, #tpu.memory_space<semaphore_mem>>) src(%dma_wait3A_255 : memref<96x48xf32, #tpu.memory_space<vmem>>) dst(%dma_wait3A_261 : memref<10240x48xf32, #tpu.memory_space<vmem_shared>>)
        tpu.yield
      }) : () -> ()
    }
    %scan3A_105 = arith.constant 18 : i32
    %barrier3A_106 = arith.constant 0 : index
    tpu.barrier barrier_id(%barrier3A_106)
    %mul3A_107 = arith.constant 640 : i32
    %mul3A_108 = arith.muli %arg1, %mul3A_107 : i32
    "tpu.region"() ({
      %run_scoped3A_109 = tpu.sem_alloc : memref<!tpu.dma_semaphore, #tpu.memory_space<semaphore_mem>>
      %dma_start3A_110 = arith.constant 0 : i32
      %dma_start3A_111 = arith.constant 0 : i32
      %dma_start3A_112 = tpu.memref_slice %arg5[%arg0, %dma_start3A_110, %dma_start3A_111] : memref<2x10240x48xf32, #tpu.memory_space<hbm>> -> memref<1x10240x48xf32, #tpu.memory_space<hbm>>
      %dma_start3A_113 = tpu.memref_squeeze %dma_start3A_112 : memref<1x10240x48xf32, #tpu.memory_space<hbm>> -> memref<10240x48xf32, #tpu.memory_space<hbm>>
      %dma_start3A_114 = arith.constant 0 : i32
      %dma_start3A_115 = tpu.memref_slice %dma_start3A_113[%mul3A_108, %dma_start3A_114] : memref<10240x48xf32, #tpu.memory_space<hbm>> -> memref<640x48xf32, #tpu.memory_space<hbm>>
      %dma_start3A_116 = arith.constant 0 : i32
      %dma_start3A_117 = tpu.memref_slice %arg9[%mul3A_108, %dma_start3A_116] : memref<10240x48xf32, #tpu.memory_space<vmem_shared>> -> memref<640x48xf32, #tpu.memory_space<vmem_shared>>
      tpu.enqueue_dma source(%dma_start3A_117 : memref<640x48xf32, #tpu.memory_space<vmem_shared>>) target(%dma_start3A_115 : memref<640x48xf32, #tpu.memory_space<hbm>>) target_semaphore(%run_scoped3A_109 : memref<!tpu.dma_semaphore, #tpu.memory_space<semaphore_mem>>)
      %dma_wait3A = arith.constant 0 : i32
      %dma_wait3A_118 = arith.constant 0 : i32
      %dma_wait3A_119 = tpu.memref_slice %arg5[%arg0, %dma_wait3A, %dma_wait3A_118] : memref<2x10240x48xf32, #tpu.memory_space<hbm>> -> memref<1x10240x48xf32, #tpu.memory_space<hbm>>
      %dma_wait3A_120 = tpu.memref_squeeze %dma_wait3A_119 : memref<1x10240x48xf32, #tpu.memory_space<hbm>> -> memref<10240x48xf32, #tpu.memory_space<hbm>>
      %dma_wait3A_121 = arith.constant 0 : i32
      %dma_wait3A_122 = tpu.memref_slice %dma_wait3A_120[%mul3A_108, %dma_wait3A_121] : memref<10240x48xf32, #tpu.memory_space<hbm>> -> memref<640x48xf32, #tpu.memory_space<hbm>>
      %dma_wait3A_123 = arith.constant 0 : i32
      %dma_wait3A_124 = tpu.memref_slice %arg9[%mul3A_108, %dma_wait3A_123] : memref<10240x48xf32, #tpu.memory_space<vmem_shared>> -> memref<640x48xf32, #tpu.memory_space<vmem_shared>>
      tpu.wait_dma2 semaphore(%run_scoped3A_109 : memref<!tpu.dma_semaphore, #tpu.memory_space<semaphore_mem>>) src(%dma_wait3A_124 : memref<640x48xf32, #tpu.memory_space<vmem_shared>>) dst(%dma_wait3A_122 : memref<640x48xf32, #tpu.memory_space<hbm>>)
      tpu.yield
    }) : () -> ()
    return
  }
}

#map = affine_map<(d0, d1) -> (0, 0, 0)>
module attributes {stable_mosaic.version = 14 : i64} {
  func.func @_sc_pass0(%arg0: i32, %arg1: i32, %arg2: memref<32x108x96xi32, #tpu.memory_space<hbm>>, %arg3: memref<2x10240x16xf32, #tpu.memory_space<hbm>>, %arg4: memref<108x96xi32, #tpu.memory_space<vmem>>, %arg5: memref<96x16xf32, #tpu.memory_space<vmem>>, %arg6: memref<10240x16xf32, #tpu.memory_space<vmem_shared>>, %arg7: memref<!tpu.dma_semaphore, #tpu.memory_space<semaphore_mem>>) attributes {dimension_semantics = [#tpu.dimension_semantics<core_parallel>, #tpu.dimension_semantics<subcore_parallel>], iteration_bounds = array<i64: 2, 16>, scalar_prefetch = 0 : i64, scratch_operands = 4 : i64, tpu.core_type = #tpu.core_type<sc_vector_subcore>, window_params = [{transform_indices = #map}, {transform_indices = #map}]} {
    %mul3A = arith.constant 2 : i32
    %mul3A_0 = arith.muli %arg1, %mul3A : i32
    %add3A = arith.addi %mul3A_0, %arg0 : i32
    %scan3A = arith.constant 0 : i32
    %scan3A_1 = arith.constant 0 : i32
    %scan3A_2 = arith.constant 96 : i32
    %scan3A_3 = arith.addi %scan3A_1, %scan3A_2 : i32
    %scan3A_4 = arith.constant 1 : i32
    scf.for %scan3A_49 = %scan3A_1 to %scan3A_3 step %scan3A_4  : i32 {
      %broadcast_in_dim3A = arith.constant 0.000000e+00 : f32
      %broadcast_in_dim3A_50 = vector.broadcast %broadcast_in_dim3A : f32 to vector<16xf32>
      %swap3A = arith.index_cast %scan3A_49 : i32 to index
      %swap3A_51 = arith.constant 0 : index
      %swap3A_52 = tpu.vector_load %arg5[%swap3A, %swap3A_51] {strides = array<i32>} : memref<96x16xf32, #tpu.memory_space<vmem>>, vector<1x16xf32>,
      %swap3A_53 = vector.shape_cast %swap3A_52 : vector<1x16xf32> to vector<16xf32>
      %swap3A_54 = vector.shape_cast %broadcast_in_dim3A_50 : vector<16xf32> to vector<1x16xf32>
      tpu.vector_store %arg5[%swap3A, %swap3A_51], %swap3A_54 {strides = array<i32>} : memref<96x16xf32, #tpu.memory_space<vmem>>, vector<1x16xf32>,
    }
    %scan3A_5 = arith.constant 96 : i32
    %mul3A_6 = arith.constant 640 : i32
    %mul3A_7 = arith.muli %arg1, %mul3A_6 : i32
    %add3A_8 = arith.constant 0 : i32
    %add3A_9 = arith.addi %mul3A_7, %add3A_8 : i32
    "tpu.region"() ({
      %run_scoped3A = tpu.sem_alloc : memref<!tpu.dma_semaphore, #tpu.memory_space<semaphore_mem>>
      %dma_start3A = arith.constant 0 : i32
      %dma_start3A_49 = tpu.memref_slice %arg6[%add3A_9, %dma_start3A] : memref<10240x16xf32, #tpu.memory_space<vmem_shared>> -> memref<96x16xf32, #tpu.memory_space<vmem_shared>>
      %dma_start3A_50 = arith.constant 0 : i32
      %dma_start3A_51 = tpu.memref_slice %arg6[%add3A_9, %dma_start3A_50] : memref<10240x16xf32, #tpu.memory_space<vmem_shared>> -> memref<96x16xf32, #tpu.memory_space<vmem_shared>>
      tpu.enqueue_dma source(%arg5 : memref<96x16xf32, #tpu.memory_space<vmem>>) target(%dma_start3A_51 : memref<96x16xf32, #tpu.memory_space<vmem_shared>>) target_semaphore(%run_scoped3A : memref<!tpu.dma_semaphore, #tpu.memory_space<semaphore_mem>>)
      %dma_wait3A = arith.constant 0 : i32
      %dma_wait3A_52 = tpu.memref_slice %arg6[%add3A_9, %dma_wait3A] : memref<10240x16xf32, #tpu.memory_space<vmem_shared>> -> memref<96x16xf32, #tpu.memory_space<vmem_shared>>
      %dma_wait3A_53 = arith.constant 0 : i32
      %dma_wait3A_54 = tpu.memref_slice %arg6[%add3A_9, %dma_wait3A_53] : memref<10240x16xf32, #tpu.memory_space<vmem_shared>> -> memref<96x16xf32, #tpu.memory_space<vmem_shared>>
      tpu.wait_dma2 semaphore(%run_scoped3A : memref<!tpu.dma_semaphore, #tpu.memory_space<semaphore_mem>>) src(%arg5 : memref<96x16xf32, #tpu.memory_space<vmem>>) dst(%dma_wait3A_54 : memref<96x16xf32, #tpu.memory_space<vmem_shared>>)
      tpu.yield
    }) : () -> ()
    %mul3A_10 = arith.constant 640 : i32
    %mul3A_11 = arith.muli %arg1, %mul3A_10 : i32
    %add3A_12 = arith.constant 96 : i32
    %add3A_13 = arith.addi %mul3A_11, %add3A_12 : i32
    "tpu.region"() ({
      %run_scoped3A = tpu.sem_alloc : memref<!tpu.dma_semaphore, #tpu.memory_space<semaphore_mem>>
      %dma_start3A = arith.constant 0 : i32
      %dma_start3A_49 = tpu.memref_slice %arg6[%add3A_13, %dma_start3A] : memref<10240x16xf32, #tpu.memory_space<vmem_shared>> -> memref<96x16xf32, #tpu.memory_space<vmem_shared>>
      %dma_start3A_50 = arith.constant 0 : i32
      %dma_start3A_51 = tpu.memref_slice %arg6[%add3A_13, %dma_start3A_50] : memref<10240x16xf32, #tpu.memory_space<vmem_shared>> -> memref<96x16xf32, #tpu.memory_space<vmem_shared>>
      tpu.enqueue_dma source(%arg5 : memref<96x16xf32, #tpu.memory_space<vmem>>) target(%dma_start3A_51 : memref<96x16xf32, #tpu.memory_space<vmem_shared>>) target_semaphore(%run_scoped3A : memref<!tpu.dma_semaphore, #tpu.memory_space<semaphore_mem>>)
      %dma_wait3A = arith.constant 0 : i32
      %dma_wait3A_52 = tpu.memref_slice %arg6[%add3A_13, %dma_wait3A] : memref<10240x16xf32, #tpu.memory_space<vmem_shared>> -> memref<96x16xf32, #tpu.memory_space<vmem_shared>>
      %dma_wait3A_53 = arith.constant 0 : i32
      %dma_wait3A_54 = tpu.memref_slice %arg6[%add3A_13, %dma_wait3A_53] : memref<10240x16xf32, #tpu.memory_space<vmem_shared>> -> memref<96x16xf32, #tpu.memory_space<vmem_shared>>
      tpu.wait_dma2 semaphore(%run_scoped3A : memref<!tpu.dma_semaphore, #tpu.memory_space<semaphore_mem>>) src(%arg5 : memref<96x16xf32, #tpu.memory_space<vmem>>) dst(%dma_wait3A_54 : memref<96x16xf32, #tpu.memory_space<vmem_shared>>)
      tpu.yield
    }) : () -> ()
    %mul3A_14 = arith.constant 640 : i32
    %mul3A_15 = arith.muli %arg1, %mul3A_14 : i32
    %add3A_16 = arith.constant 192 : i32
    %add3A_17 = arith.addi %mul3A_15, %add3A_16 : i32
    "tpu.region"() ({
      %run_scoped3A = tpu.sem_alloc : memref<!tpu.dma_semaphore, #tpu.memory_space<semaphore_mem>>
      %dma_start3A = arith.constant 0 : i32
      %dma_start3A_49 = tpu.memref_slice %arg6[%add3A_17, %dma_start3A] : memref<10240x16xf32, #tpu.memory_space<vmem_shared>> -> memref<96x16xf32, #tpu.memory_space<vmem_shared>>
      %dma_start3A_50 = arith.constant 0 : i32
      %dma_start3A_51 = tpu.memref_slice %arg6[%add3A_17, %dma_start3A_50] : memref<10240x16xf32, #tpu.memory_space<vmem_shared>> -> memref<96x16xf32, #tpu.memory_space<vmem_shared>>
      tpu.enqueue_dma source(%arg5 : memref<96x16xf32, #tpu.memory_space<vmem>>) target(%dma_start3A_51 : memref<96x16xf32, #tpu.memory_space<vmem_shared>>) target_semaphore(%run_scoped3A : memref<!tpu.dma_semaphore, #tpu.memory_space<semaphore_mem>>)
      %dma_wait3A = arith.constant 0 : i32
      %dma_wait3A_52 = tpu.memref_slice %arg6[%add3A_17, %dma_wait3A] : memref<10240x16xf32, #tpu.memory_space<vmem_shared>> -> memref<96x16xf32, #tpu.memory_space<vmem_shared>>
      %dma_wait3A_53 = arith.constant 0 : i32
      %dma_wait3A_54 = tpu.memref_slice %arg6[%add3A_17, %dma_wait3A_53] : memref<10240x16xf32, #tpu.memory_space<vmem_shared>> -> memref<96x16xf32, #tpu.memory_space<vmem_shared>>
      tpu.wait_dma2 semaphore(%run_scoped3A : memref<!tpu.dma_semaphore, #tpu.memory_space<semaphore_mem>>) src(%arg5 : memref<96x16xf32, #tpu.memory_space<vmem>>) dst(%dma_wait3A_54 : memref<96x16xf32, #tpu.memory_space<vmem_shared>>)
      tpu.yield
    }) : () -> ()
    %mul3A_18 = arith.constant 640 : i32
    %mul3A_19 = arith.muli %arg1, %mul3A_18 : i32
    %add3A_20 = arith.constant 288 : i32
    %add3A_21 = arith.addi %mul3A_19, %add3A_20 : i32
    "tpu.region"() ({
      %run_scoped3A = tpu.sem_alloc : memref<!tpu.dma_semaphore, #tpu.memory_space<semaphore_mem>>
      %dma_start3A = arith.constant 0 : i32
      %dma_start3A_49 = tpu.memref_slice %arg6[%add3A_21, %dma_start3A] : memref<10240x16xf32, #tpu.memory_space<vmem_shared>> -> memref<96x16xf32, #tpu.memory_space<vmem_shared>>
      %dma_start3A_50 = arith.constant 0 : i32
      %dma_start3A_51 = tpu.memref_slice %arg6[%add3A_21, %dma_start3A_50] : memref<10240x16xf32, #tpu.memory_space<vmem_shared>> -> memref<96x16xf32, #tpu.memory_space<vmem_shared>>
      tpu.enqueue_dma source(%arg5 : memref<96x16xf32, #tpu.memory_space<vmem>>) target(%dma_start3A_51 : memref<96x16xf32, #tpu.memory_space<vmem_shared>>) target_semaphore(%run_scoped3A : memref<!tpu.dma_semaphore, #tpu.memory_space<semaphore_mem>>)
      %dma_wait3A = arith.constant 0 : i32
      %dma_wait3A_52 = tpu.memref_slice %arg6[%add3A_21, %dma_wait3A] : memref<10240x16xf32, #tpu.memory_space<vmem_shared>> -> memref<96x16xf32, #tpu.memory_space<vmem_shared>>
      %dma_wait3A_53 = arith.constant 0 : i32
      %dma_wait3A_54 = tpu.memref_slice %arg6[%add3A_21, %dma_wait3A_53] : memref<10240x16xf32, #tpu.memory_space<vmem_shared>> -> memref<96x16xf32, #tpu.memory_space<vmem_shared>>
      tpu.wait_dma2 semaphore(%run_scoped3A : memref<!tpu.dma_semaphore, #tpu.memory_space<semaphore_mem>>) src(%arg5 : memref<96x16xf32, #tpu.memory_space<vmem>>) dst(%dma_wait3A_54 : memref<96x16xf32, #tpu.memory_space<vmem_shared>>)
      tpu.yield
    }) : () -> ()
    %mul3A_22 = arith.constant 640 : i32
    %mul3A_23 = arith.muli %arg1, %mul3A_22 : i32
    %add3A_24 = arith.constant 384 : i32
    %add3A_25 = arith.addi %mul3A_23, %add3A_24 : i32
    "tpu.region"() ({
      %run_scoped3A = tpu.sem_alloc : memref<!tpu.dma_semaphore, #tpu.memory_space<semaphore_mem>>
      %dma_start3A = arith.constant 0 : i32
      %dma_start3A_49 = tpu.memref_slice %arg6[%add3A_25, %dma_start3A] : memref<10240x16xf32, #tpu.memory_space<vmem_shared>> -> memref<96x16xf32, #tpu.memory_space<vmem_shared>>
      %dma_start3A_50 = arith.constant 0 : i32
      %dma_start3A_51 = tpu.memref_slice %arg6[%add3A_25, %dma_start3A_50] : memref<10240x16xf32, #tpu.memory_space<vmem_shared>> -> memref<96x16xf32, #tpu.memory_space<vmem_shared>>
      tpu.enqueue_dma source(%arg5 : memref<96x16xf32, #tpu.memory_space<vmem>>) target(%dma_start3A_51 : memref<96x16xf32, #tpu.memory_space<vmem_shared>>) target_semaphore(%run_scoped3A : memref<!tpu.dma_semaphore, #tpu.memory_space<semaphore_mem>>)
      %dma_wait3A = arith.constant 0 : i32
      %dma_wait3A_52 = tpu.memref_slice %arg6[%add3A_25, %dma_wait3A] : memref<10240x16xf32, #tpu.memory_space<vmem_shared>> -> memref<96x16xf32, #tpu.memory_space<vmem_shared>>
      %dma_wait3A_53 = arith.constant 0 : i32
      %dma_wait3A_54 = tpu.memref_slice %arg6[%add3A_25, %dma_wait3A_53] : memref<10240x16xf32, #tpu.memory_space<vmem_shared>> -> memref<96x16xf32, #tpu.memory_space<vmem_shared>>
      tpu.wait_dma2 semaphore(%run_scoped3A : memref<!tpu.dma_semaphore, #tpu.memory_space<semaphore_mem>>) src(%arg5 : memref<96x16xf32, #tpu.memory_space<vmem>>) dst(%dma_wait3A_54 : memref<96x16xf32, #tpu.memory_space<vmem_shared>>)
      tpu.yield
    }) : () -> ()
    %mul3A_26 = arith.constant 640 : i32
    %mul3A_27 = arith.muli %arg1, %mul3A_26 : i32
    %add3A_28 = arith.constant 480 : i32
    %add3A_29 = arith.addi %mul3A_27, %add3A_28 : i32
    "tpu.region"() ({
      %run_scoped3A = tpu.sem_alloc : memref<!tpu.dma_semaphore, #tpu.memory_space<semaphore_mem>>
      %dma_start3A = arith.constant 0 : i32
      %dma_start3A_49 = tpu.memref_slice %arg6[%add3A_29, %dma_start3A] : memref<10240x16xf32, #tpu.memory_space<vmem_shared>> -> memref<96x16xf32, #tpu.memory_space<vmem_shared>>
      %dma_start3A_50 = arith.constant 0 : i32
      %dma_start3A_51 = tpu.memref_slice %arg6[%add3A_29, %dma_start3A_50] : memref<10240x16xf32, #tpu.memory_space<vmem_shared>> -> memref<96x16xf32, #tpu.memory_space<vmem_shared>>
      tpu.enqueue_dma source(%arg5 : memref<96x16xf32, #tpu.memory_space<vmem>>) target(%dma_start3A_51 : memref<96x16xf32, #tpu.memory_space<vmem_shared>>) target_semaphore(%run_scoped3A : memref<!tpu.dma_semaphore, #tpu.memory_space<semaphore_mem>>)
      %dma_wait3A = arith.constant 0 : i32
      %dma_wait3A_52 = tpu.memref_slice %arg6[%add3A_29, %dma_wait3A] : memref<10240x16xf32, #tpu.memory_space<vmem_shared>> -> memref<96x16xf32, #tpu.memory_space<vmem_shared>>
      %dma_wait3A_53 = arith.constant 0 : i32
      %dma_wait3A_54 = tpu.memref_slice %arg6[%add3A_29, %dma_wait3A_53] : memref<10240x16xf32, #tpu.memory_space<vmem_shared>> -> memref<96x16xf32, #tpu.memory_space<vmem_shared>>
      tpu.wait_dma2 semaphore(%run_scoped3A : memref<!tpu.dma_semaphore, #tpu.memory_space<semaphore_mem>>) src(%arg5 : memref<96x16xf32, #tpu.memory_space<vmem>>) dst(%dma_wait3A_54 : memref<96x16xf32, #tpu.memory_space<vmem_shared>>)
      tpu.yield
    }) : () -> ()
    %mul3A_30 = arith.constant 640 : i32
    %mul3A_31 = arith.muli %arg1, %mul3A_30 : i32
    %add3A_32 = arith.constant 576 : i32
    %add3A_33 = arith.addi %mul3A_31, %add3A_32 : i32
    "tpu.region"() ({
      %run_scoped3A = tpu.sem_alloc : memref<!tpu.dma_semaphore, #tpu.memory_space<semaphore_mem>>
      %dma_start3A = arith.constant 0 : i32
      %dma_start3A_49 = arith.constant 0 : i32
      %dma_start3A_50 = tpu.memref_slice %arg5[%dma_start3A, %dma_start3A_49] : memref<96x16xf32, #tpu.memory_space<vmem>> -> memref<64x16xf32, #tpu.memory_space<vmem>>
      %dma_start3A_51 = arith.constant 0 : i32
      %dma_start3A_52 = tpu.memref_slice %arg6[%add3A_33, %dma_start3A_51] : memref<10240x16xf32, #tpu.memory_space<vmem_shared>> -> memref<64x16xf32, #tpu.memory_space<vmem_shared>>
      %dma_start3A_53 = arith.constant 0 : i32
      %dma_start3A_54 = tpu.memref_slice %arg6[%add3A_33, %dma_start3A_53] : memref<10240x16xf32, #tpu.memory_space<vmem_shared>> -> memref<64x16xf32, #tpu.memory_space<vmem_shared>>
      %dma_start3A_55 = arith.constant 0 : i32
      %dma_start3A_56 = arith.constant 0 : i32
      %dma_start3A_57 = tpu.memref_slice %arg5[%dma_start3A_55, %dma_start3A_56] : memref<96x16xf32, #tpu.memory_space<vmem>> -> memref<64x16xf32, #tpu.memory_space<vmem>>
      tpu.enqueue_dma source(%dma_start3A_57 : memref<64x16xf32, #tpu.memory_space<vmem>>) target(%dma_start3A_54 : memref<64x16xf32, #tpu.memory_space<vmem_shared>>) target_semaphore(%run_scoped3A : memref<!tpu.dma_semaphore, #tpu.memory_space<semaphore_mem>>)
      %dma_wait3A = arith.constant 0 : i32
      %dma_wait3A_58 = arith.constant 0 : i32
      %dma_wait3A_59 = tpu.memref_slice %arg5[%dma_wait3A, %dma_wait3A_58] : memref<96x16xf32, #tpu.memory_space<vmem>> -> memref<64x16xf32, #tpu.memory_space<vmem>>
      %dma_wait3A_60 = arith.constant 0 : i32
      %dma_wait3A_61 = tpu.memref_slice %arg6[%add3A_33, %dma_wait3A_60] : memref<10240x16xf32, #tpu.memory_space<vmem_shared>> -> memref<64x16xf32, #tpu.memory_space<vmem_shared>>
      %dma_wait3A_62 = arith.constant 0 : i32
      %dma_wait3A_63 = tpu.memref_slice %arg6[%add3A_33, %dma_wait3A_62] : memref<10240x16xf32, #tpu.memory_space<vmem_shared>> -> memref<64x16xf32, #tpu.memory_space<vmem_shared>>
      %dma_wait3A_64 = arith.constant 0 : i32
      %dma_wait3A_65 = arith.constant 0 : i32
      %dma_wait3A_66 = tpu.memref_slice %arg5[%dma_wait3A_64, %dma_wait3A_65] : memref<96x16xf32, #tpu.memory_space<vmem>> -> memref<64x16xf32, #tpu.memory_space<vmem>>
      tpu.wait_dma2 semaphore(%run_scoped3A : memref<!tpu.dma_semaphore, #tpu.memory_space<semaphore_mem>>) src(%dma_wait3A_66 : memref<64x16xf32, #tpu.memory_space<vmem>>) dst(%dma_wait3A_63 : memref<64x16xf32, #tpu.memory_space<vmem_shared>>)
      tpu.yield
    }) : () -> ()
    %scan3A_34 = arith.constant 0 : i32
    %scan3A_35 = arith.constant 0 : i32
    %scan3A_36 = arith.constant 96 : i32
    %scan3A_37 = arith.addi %scan3A_35, %scan3A_36 : i32
    %scan3A_38 = arith.constant 1 : i32
    scf.for %scan3A_49 = %scan3A_35 to %scan3A_37 step %scan3A_38  : i32 {
      %broadcast_in_dim3A = arith.constant 1.000000e+00 : f32
      %broadcast_in_dim3A_50 = vector.broadcast %broadcast_in_dim3A : f32 to vector<16xf32>
      %swap3A = arith.index_cast %scan3A_49 : i32 to index
      %swap3A_51 = arith.constant 0 : index
      %swap3A_52 = tpu.vector_load %arg5[%swap3A, %swap3A_51] {strides = array<i32>} : memref<96x16xf32, #tpu.memory_space<vmem>>, vector<1x16xf32>,
      %swap3A_53 = vector.shape_cast %swap3A_52 : vector<1x16xf32> to vector<16xf32>
      %swap3A_54 = vector.shape_cast %broadcast_in_dim3A_50 : vector<16xf32> to vector<1x16xf32>
      tpu.vector_store %arg5[%swap3A, %swap3A_51], %swap3A_54 {strides = array<i32>} : memref<96x16xf32, #tpu.memory_space<vmem>>, vector<1x16xf32>,
    }
    %scan3A_39 = arith.constant 96 : i32
    %barrier3A = arith.constant 0 : index
    tpu.barrier barrier_id(%barrier3A)
    "tpu.region"() ({
      %run_scoped3A = tpu.sem_alloc : memref<!tpu.dma_semaphore, #tpu.memory_space<semaphore_mem>>
      %dma_start3A = arith.constant 0 : i32
      %dma_start3A_49 = arith.constant 0 : i32
      %dma_start3A_50 = tpu.memref_slice %arg2[%add3A, %dma_start3A, %dma_start3A_49] : memref<32x108x96xi32, #tpu.memory_space<hbm>> -> memref<1x108x96xi32, #tpu.memory_space<hbm>>
      %dma_start3A_51 = tpu.memref_squeeze %dma_start3A_50 : memref<1x108x96xi32, #tpu.memory_space<hbm>> -> memref<108x96xi32, #tpu.memory_space<hbm>>
      %dma_start3A_52 = arith.constant 0 : i32
      %dma_start3A_53 = arith.constant 0 : i32
      %dma_start3A_54 = tpu.memref_slice %arg2[%add3A, %dma_start3A_52, %dma_start3A_53] : memref<32x108x96xi32, #tpu.memory_space<hbm>> -> memref<1x108x96xi32, #tpu.memory_space<hbm>>
      %dma_start3A_55 = tpu.memref_squeeze %dma_start3A_54 : memref<1x108x96xi32, #tpu.memory_space<hbm>> -> memref<108x96xi32, #tpu.memory_space<hbm>>
      tpu.enqueue_dma source(%dma_start3A_55 : memref<108x96xi32, #tpu.memory_space<hbm>>) target(%arg4 : memref<108x96xi32, #tpu.memory_space<vmem>>) target_semaphore(%run_scoped3A : memref<!tpu.dma_semaphore, #tpu.memory_space<semaphore_mem>>)
      %dma_wait3A = arith.constant 0 : i32
      %dma_wait3A_56 = arith.constant 0 : i32
      %dma_wait3A_57 = tpu.memref_slice %arg2[%add3A, %dma_wait3A, %dma_wait3A_56] : memref<32x108x96xi32, #tpu.memory_space<hbm>> -> memref<1x108x96xi32, #tpu.memory_space<hbm>>
      %dma_wait3A_58 = tpu.memref_squeeze %dma_wait3A_57 : memref<1x108x96xi32, #tpu.memory_space<hbm>> -> memref<108x96xi32, #tpu.memory_space<hbm>>
      %dma_wait3A_59 = arith.constant 0 : i32
      %dma_wait3A_60 = arith.constant 0 : i32
      %dma_wait3A_61 = tpu.memref_slice %arg2[%add3A, %dma_wait3A_59, %dma_wait3A_60] : memref<32x108x96xi32, #tpu.memory_space<hbm>> -> memref<1x108x96xi32, #tpu.memory_space<hbm>>
      %dma_wait3A_62 = tpu.memref_squeeze %dma_wait3A_61 : memref<1x108x96xi32, #tpu.memory_space<hbm>> -> memref<108x96xi32, #tpu.memory_space<hbm>>
      tpu.wait_dma2 semaphore(%run_scoped3A : memref<!tpu.dma_semaphore, #tpu.memory_space<semaphore_mem>>) src(%dma_wait3A_62 : memref<108x96xi32, #tpu.memory_space<hbm>>) dst(%arg4 : memref<108x96xi32, #tpu.memory_space<vmem>>)
      tpu.yield
    }) : () -> ()
    %scan3A_40 = arith.constant 0 : i32
    %scan3A_41 = arith.constant 0 : i32
    %scan3A_42 = arith.constant 18 : i32
    %scan3A_43 = arith.addi %scan3A_41, %scan3A_42 : i32
    %scan3A_44 = arith.constant 1 : i32
    scf.for %scan3A_49 = %scan3A_41 to %scan3A_43 step %scan3A_44  : i32 {
      %mul3A_50 = arith.constant 6 : i32
      %mul3A_51 = arith.muli %scan3A_49, %mul3A_50 : i32
      %add3A_52 = arith.constant 0 : i32
      %add3A_53 = arith.addi %mul3A_51, %add3A_52 : i32
      %dma_start3A = arith.constant 0 : i32
      %dma_start3A_54 = tpu.memref_slice %arg4[%add3A_53, %dma_start3A] : memref<108x96xi32, #tpu.memory_space<vmem>> -> memref<1x96xi32, #tpu.memory_space<vmem>>
      %dma_start3A_55 = tpu.memref_squeeze %dma_start3A_54 : memref<1x96xi32, #tpu.memory_space<vmem>> -> memref<96xi32, #tpu.memory_space<vmem>>
      %dma_start3A_56 = arith.constant 0 : i32
      %dma_start3A_57 = arith.constant 0 : i32
      %dma_start3A_58 = tpu.memref_slice %arg6[%dma_start3A_56, %dma_start3A_57] : memref<10240x16xf32, #tpu.memory_space<vmem_shared>> -> memref<10240x16xf32, #tpu.memory_space<vmem_shared>>
      tpu.enqueue_indirect_dma source(%arg5 : memref<96x16xf32, #tpu.memory_space<vmem>>) target(%dma_start3A_58 : memref<10240x16xf32, #tpu.memory_space<vmem_shared>>) offsets(%dma_start3A_55 : memref<96xi32, #tpu.memory_space<vmem>>) semaphore(%arg7 : memref<!tpu.dma_semaphore, #tpu.memory_space<semaphore_mem>>) {add = true}
      %mul3A_59 = arith.constant 6 : i32
      %mul3A_60 = arith.muli %scan3A_49, %mul3A_59 : i32
      %add3A_61 = arith.constant 1 : i32
      %add3A_62 = arith.addi %mul3A_60, %add3A_61 : i32
      %dma_start3A_63 = arith.constant 0 : i32
      %dma_start3A_64 = tpu.memref_slice %arg4[%add3A_62, %dma_start3A_63] : memref<108x96xi32, #tpu.memory_space<vmem>> -> memref<1x96xi32, #tpu.memory_space<vmem>>
      %dma_start3A_65 = tpu.memref_squeeze %dma_start3A_64 : memref<1x96xi32, #tpu.memory_space<vmem>> -> memref<96xi32, #tpu.memory_space<vmem>>
      %dma_start3A_66 = arith.constant 0 : i32
      %dma_start3A_67 = arith.constant 0 : i32
      %dma_start3A_68 = tpu.memref_slice %arg6[%dma_start3A_66, %dma_start3A_67] : memref<10240x16xf32, #tpu.memory_space<vmem_shared>> -> memref<10240x16xf32, #tpu.memory_space<vmem_shared>>
      tpu.enqueue_indirect_dma source(%arg5 : memref<96x16xf32, #tpu.memory_space<vmem>>) target(%dma_start3A_68 : memref<10240x16xf32, #tpu.memory_space<vmem_shared>>) offsets(%dma_start3A_65 : memref<96xi32, #tpu.memory_space<vmem>>) semaphore(%arg7 : memref<!tpu.dma_semaphore, #tpu.memory_space<semaphore_mem>>) {add = true}
      %mul3A_69 = arith.constant 6 : i32
      %mul3A_70 = arith.muli %scan3A_49, %mul3A_69 : i32
      %add3A_71 = arith.constant 2 : i32
      %add3A_72 = arith.addi %mul3A_70, %add3A_71 : i32
      %dma_start3A_73 = arith.constant 0 : i32
      %dma_start3A_74 = tpu.memref_slice %arg4[%add3A_72, %dma_start3A_73] : memref<108x96xi32, #tpu.memory_space<vmem>> -> memref<1x96xi32, #tpu.memory_space<vmem>>
      %dma_start3A_75 = tpu.memref_squeeze %dma_start3A_74 : memref<1x96xi32, #tpu.memory_space<vmem>> -> memref<96xi32, #tpu.memory_space<vmem>>
      %dma_start3A_76 = arith.constant 0 : i32
      %dma_start3A_77 = arith.constant 0 : i32
      %dma_start3A_78 = tpu.memref_slice %arg6[%dma_start3A_76, %dma_start3A_77] : memref<10240x16xf32, #tpu.memory_space<vmem_shared>> -> memref<10240x16xf32, #tpu.memory_space<vmem_shared>>
      tpu.enqueue_indirect_dma source(%arg5 : memref<96x16xf32, #tpu.memory_space<vmem>>) target(%dma_start3A_78 : memref<10240x16xf32, #tpu.memory_space<vmem_shared>>) offsets(%dma_start3A_75 : memref<96xi32, #tpu.memory_space<vmem>>) semaphore(%arg7 : memref<!tpu.dma_semaphore, #tpu.memory_space<semaphore_mem>>) {add = true}
      %mul3A_79 = arith.constant 6 : i32
      %mul3A_80 = arith.muli %scan3A_49, %mul3A_79 : i32
      %add3A_81 = arith.constant 3 : i32
      %add3A_82 = arith.addi %mul3A_80, %add3A_81 : i32
      %dma_start3A_83 = arith.constant 0 : i32
      %dma_start3A_84 = tpu.memref_slice %arg4[%add3A_82, %dma_start3A_83] : memref<108x96xi32, #tpu.memory_space<vmem>> -> memref<1x96xi32, #tpu.memory_space<vmem>>
      %dma_start3A_85 = tpu.memref_squeeze %dma_start3A_84 : memref<1x96xi32, #tpu.memory_space<vmem>> -> memref<96xi32, #tpu.memory_space<vmem>>
      %dma_start3A_86 = arith.constant 0 : i32
      %dma_start3A_87 = arith.constant 0 : i32
      %dma_start3A_88 = tpu.memref_slice %arg6[%dma_start3A_86, %dma_start3A_87] : memref<10240x16xf32, #tpu.memory_space<vmem_shared>> -> memref<10240x16xf32, #tpu.memory_space<vmem_shared>>
      tpu.enqueue_indirect_dma source(%arg5 : memref<96x16xf32, #tpu.memory_space<vmem>>) target(%dma_start3A_88 : memref<10240x16xf32, #tpu.memory_space<vmem_shared>>) offsets(%dma_start3A_85 : memref<96xi32, #tpu.memory_space<vmem>>) semaphore(%arg7 : memref<!tpu.dma_semaphore, #tpu.memory_space<semaphore_mem>>) {add = true}
      %mul3A_89 = arith.constant 6 : i32
      %mul3A_90 = arith.muli %scan3A_49, %mul3A_89 : i32
      %add3A_91 = arith.constant 4 : i32
      %add3A_92 = arith.addi %mul3A_90, %add3A_91 : i32
      %dma_start3A_93 = arith.constant 0 : i32
      %dma_start3A_94 = tpu.memref_slice %arg4[%add3A_92, %dma_start3A_93] : memref<108x96xi32, #tpu.memory_space<vmem>> -> memref<1x96xi32, #tpu.memory_space<vmem>>
      %dma_start3A_95 = tpu.memref_squeeze %dma_start3A_94 : memref<1x96xi32, #tpu.memory_space<vmem>> -> memref<96xi32, #tpu.memory_space<vmem>>
      %dma_start3A_96 = arith.constant 0 : i32
      %dma_start3A_97 = arith.constant 0 : i32
      %dma_start3A_98 = tpu.memref_slice %arg6[%dma_start3A_96, %dma_start3A_97] : memref<10240x16xf32, #tpu.memory_space<vmem_shared>> -> memref<10240x16xf32, #tpu.memory_space<vmem_shared>>
      tpu.enqueue_indirect_dma source(%arg5 : memref<96x16xf32, #tpu.memory_space<vmem>>) target(%dma_start3A_98 : memref<10240x16xf32, #tpu.memory_space<vmem_shared>>) offsets(%dma_start3A_95 : memref<96xi32, #tpu.memory_space<vmem>>) semaphore(%arg7 : memref<!tpu.dma_semaphore, #tpu.memory_space<semaphore_mem>>) {add = true}
      %mul3A_99 = arith.constant 6 : i32
      %mul3A_100 = arith.muli %scan3A_49, %mul3A_99 : i32
      %add3A_101 = arith.constant 5 : i32
      %add3A_102 = arith.addi %mul3A_100, %add3A_101 : i32
      %dma_start3A_103 = arith.constant 0 : i32
      %dma_start3A_104 = tpu.memref_slice %arg4[%add3A_102, %dma_start3A_103] : memref<108x96xi32, #tpu.memory_space<vmem>> -> memref<1x96xi32, #tpu.memory_space<vmem>>
      %dma_start3A_105 = tpu.memref_squeeze %dma_start3A_104 : memref<1x96xi32, #tpu.memory_space<vmem>> -> memref<96xi32, #tpu.memory_space<vmem>>
      %dma_start3A_106 = arith.constant 0 : i32
      %dma_start3A_107 = arith.constant 0 : i32
      %dma_start3A_108 = tpu.memref_slice %arg6[%dma_start3A_106, %dma_start3A_107] : memref<10240x16xf32, #tpu.memory_space<vmem_shared>> -> memref<10240x16xf32, #tpu.memory_space<vmem_shared>>
      tpu.enqueue_indirect_dma source(%arg5 : memref<96x16xf32, #tpu.memory_space<vmem>>) target(%dma_start3A_108 : memref<10240x16xf32, #tpu.memory_space<vmem_shared>>) offsets(%dma_start3A_105 : memref<96xi32, #tpu.memory_space<vmem>>) semaphore(%arg7 : memref<!tpu.dma_semaphore, #tpu.memory_space<semaphore_mem>>) {add = true}
      %mul3A_109 = arith.constant 6 : i32
      %mul3A_110 = arith.muli %scan3A_49, %mul3A_109 : i32
      %add3A_111 = arith.constant 0 : i32
      %add3A_112 = arith.addi %mul3A_110, %add3A_111 : i32
      %dma_wait3A = arith.constant 0 : i32
      %dma_wait3A_113 = tpu.memref_slice %arg4[%add3A_112, %dma_wait3A] : memref<108x96xi32, #tpu.memory_space<vmem>> -> memref<1x96xi32, #tpu.memory_space<vmem>>
      %dma_wait3A_114 = tpu.memref_squeeze %dma_wait3A_113 : memref<1x96xi32, #tpu.memory_space<vmem>> -> memref<96xi32, #tpu.memory_space<vmem>>
      %dma_wait3A_115 = arith.constant 0 : i32
      %dma_wait3A_116 = arith.constant 0 : i32
      %dma_wait3A_117 = tpu.memref_slice %arg6[%dma_wait3A_115, %dma_wait3A_116] : memref<10240x16xf32, #tpu.memory_space<vmem_shared>> -> memref<10240x16xf32, #tpu.memory_space<vmem_shared>>
      tpu.wait_indirect_dma semaphore(%arg7 : memref<!tpu.dma_semaphore, #tpu.memory_space<semaphore_mem>>) src(%arg5 : memref<96x16xf32, #tpu.memory_space<vmem>>) dst(%dma_wait3A_117 : memref<10240x16xf32, #tpu.memory_space<vmem_shared>>)
      %mul3A_118 = arith.constant 6 : i32
      %mul3A_119 = arith.muli %scan3A_49, %mul3A_118 : i32
      %add3A_120 = arith.constant 1 : i32
      %add3A_121 = arith.addi %mul3A_119, %add3A_120 : i32
      %dma_wait3A_122 = arith.constant 0 : i32
      %dma_wait3A_123 = tpu.memref_slice %arg4[%add3A_121, %dma_wait3A_122] : memref<108x96xi32, #tpu.memory_space<vmem>> -> memref<1x96xi32, #tpu.memory_space<vmem>>
      %dma_wait3A_124 = tpu.memref_squeeze %dma_wait3A_123 : memref<1x96xi32, #tpu.memory_space<vmem>> -> memref<96xi32, #tpu.memory_space<vmem>>
      %dma_wait3A_125 = arith.constant 0 : i32
      %dma_wait3A_126 = arith.constant 0 : i32
      %dma_wait3A_127 = tpu.memref_slice %arg6[%dma_wait3A_125, %dma_wait3A_126] : memref<10240x16xf32, #tpu.memory_space<vmem_shared>> -> memref<10240x16xf32, #tpu.memory_space<vmem_shared>>
      tpu.wait_indirect_dma semaphore(%arg7 : memref<!tpu.dma_semaphore, #tpu.memory_space<semaphore_mem>>) src(%arg5 : memref<96x16xf32, #tpu.memory_space<vmem>>) dst(%dma_wait3A_127 : memref<10240x16xf32, #tpu.memory_space<vmem_shared>>)
      %mul3A_128 = arith.constant 6 : i32
      %mul3A_129 = arith.muli %scan3A_49, %mul3A_128 : i32
      %add3A_130 = arith.constant 2 : i32
      %add3A_131 = arith.addi %mul3A_129, %add3A_130 : i32
      %dma_wait3A_132 = arith.constant 0 : i32
      %dma_wait3A_133 = tpu.memref_slice %arg4[%add3A_131, %dma_wait3A_132] : memref<108x96xi32, #tpu.memory_space<vmem>> -> memref<1x96xi32, #tpu.memory_space<vmem>>
      %dma_wait3A_134 = tpu.memref_squeeze %dma_wait3A_133 : memref<1x96xi32, #tpu.memory_space<vmem>> -> memref<96xi32, #tpu.memory_space<vmem>>
      %dma_wait3A_135 = arith.constant 0 : i32
      %dma_wait3A_136 = arith.constant 0 : i32
      %dma_wait3A_137 = tpu.memref_slice %arg6[%dma_wait3A_135, %dma_wait3A_136] : memref<10240x16xf32, #tpu.memory_space<vmem_shared>> -> memref<10240x16xf32, #tpu.memory_space<vmem_shared>>
      tpu.wait_indirect_dma semaphore(%arg7 : memref<!tpu.dma_semaphore, #tpu.memory_space<semaphore_mem>>) src(%arg5 : memref<96x16xf32, #tpu.memory_space<vmem>>) dst(%dma_wait3A_137 : memref<10240x16xf32, #tpu.memory_space<vmem_shared>>)
      %mul3A_138 = arith.constant 6 : i32
      %mul3A_139 = arith.muli %scan3A_49, %mul3A_138 : i32
      %add3A_140 = arith.constant 3 : i32
      %add3A_141 = arith.addi %mul3A_139, %add3A_140 : i32
      %dma_wait3A_142 = arith.constant 0 : i32
      %dma_wait3A_143 = tpu.memref_slice %arg4[%add3A_141, %dma_wait3A_142] : memref<108x96xi32, #tpu.memory_space<vmem>> -> memref<1x96xi32, #tpu.memory_space<vmem>>
      %dma_wait3A_144 = tpu.memref_squeeze %dma_wait3A_143 : memref<1x96xi32, #tpu.memory_space<vmem>> -> memref<96xi32, #tpu.memory_space<vmem>>
      %dma_wait3A_145 = arith.constant 0 : i32
      %dma_wait3A_146 = arith.constant 0 : i32
      %dma_wait3A_147 = tpu.memref_slice %arg6[%dma_wait3A_145, %dma_wait3A_146] : memref<10240x16xf32, #tpu.memory_space<vmem_shared>> -> memref<10240x16xf32, #tpu.memory_space<vmem_shared>>
      tpu.wait_indirect_dma semaphore(%arg7 : memref<!tpu.dma_semaphore, #tpu.memory_space<semaphore_mem>>) src(%arg5 : memref<96x16xf32, #tpu.memory_space<vmem>>) dst(%dma_wait3A_147 : memref<10240x16xf32, #tpu.memory_space<vmem_shared>>)
      %mul3A_148 = arith.constant 6 : i32
      %mul3A_149 = arith.muli %scan3A_49, %mul3A_148 : i32
      %add3A_150 = arith.constant 4 : i32
      %add3A_151 = arith.addi %mul3A_149, %add3A_150 : i32
      %dma_wait3A_152 = arith.constant 0 : i32
      %dma_wait3A_153 = tpu.memref_slice %arg4[%add3A_151, %dma_wait3A_152] : memref<108x96xi32, #tpu.memory_space<vmem>> -> memref<1x96xi32, #tpu.memory_space<vmem>>
      %dma_wait3A_154 = tpu.memref_squeeze %dma_wait3A_153 : memref<1x96xi32, #tpu.memory_space<vmem>> -> memref<96xi32, #tpu.memory_space<vmem>>
      %dma_wait3A_155 = arith.constant 0 : i32
      %dma_wait3A_156 = arith.constant 0 : i32
      %dma_wait3A_157 = tpu.memref_slice %arg6[%dma_wait3A_155, %dma_wait3A_156] : memref<10240x16xf32, #tpu.memory_space<vmem_shared>> -> memref<10240x16xf32, #tpu.memory_space<vmem_shared>>
      tpu.wait_indirect_dma semaphore(%arg7 : memref<!tpu.dma_semaphore, #tpu.memory_space<semaphore_mem>>) src(%arg5 : memref<96x16xf32, #tpu.memory_space<vmem>>) dst(%dma_wait3A_157 : memref<10240x16xf32, #tpu.memory_space<vmem_shared>>)
      %mul3A_158 = arith.constant 6 : i32
      %mul3A_159 = arith.muli %scan3A_49, %mul3A_158 : i32
      %add3A_160 = arith.constant 5 : i32
      %add3A_161 = arith.addi %mul3A_159, %add3A_160 : i32
      %dma_wait3A_162 = arith.constant 0 : i32
      %dma_wait3A_163 = tpu.memref_slice %arg4[%add3A_161, %dma_wait3A_162] : memref<108x96xi32, #tpu.memory_space<vmem>> -> memref<1x96xi32, #tpu.memory_space<vmem>>
      %dma_wait3A_164 = tpu.memref_squeeze %dma_wait3A_163 : memref<1x96xi32, #tpu.memory_space<vmem>> -> memref<96xi32, #tpu.memory_space<vmem>>
      %dma_wait3A_165 = arith.constant 0 : i32
      %dma_wait3A_166 = arith.constant 0 : i32
      %dma_wait3A_167 = tpu.memref_slice %arg6[%dma_wait3A_165, %dma_wait3A_166] : memref<10240x16xf32, #tpu.memory_space<vmem_shared>> -> memref<10240x16xf32, #tpu.memory_space<vmem_shared>>
      tpu.wait_indirect_dma semaphore(%arg7 : memref<!tpu.dma_semaphore, #tpu.memory_space<semaphore_mem>>) src(%arg5 : memref<96x16xf32, #tpu.memory_space<vmem>>) dst(%dma_wait3A_167 : memref<10240x16xf32, #tpu.memory_space<vmem_shared>>)
    }
    %scan3A_45 = arith.constant 18 : i32
    %barrier3A_46 = arith.constant 0 : index
    tpu.barrier barrier_id(%barrier3A_46)
    %mul3A_47 = arith.constant 640 : i32
    %mul3A_48 = arith.muli %arg1, %mul3A_47 : i32
    "tpu.region"() ({
      %run_scoped3A = tpu.sem_alloc : memref<!tpu.dma_semaphore, #tpu.memory_space<semaphore_mem>>
      %dma_start3A = arith.constant 0 : i32
      %dma_start3A_49 = arith.constant 0 : i32
      %dma_start3A_50 = tpu.memref_slice %arg3[%arg0, %dma_start3A, %dma_start3A_49] : memref<2x10240x16xf32, #tpu.memory_space<hbm>> -> memref<1x10240x16xf32, #tpu.memory_space<hbm>>
      %dma_start3A_51 = tpu.memref_squeeze %dma_start3A_50 : memref<1x10240x16xf32, #tpu.memory_space<hbm>> -> memref<10240x16xf32, #tpu.memory_space<hbm>>
      %dma_start3A_52 = arith.constant 0 : i32
      %dma_start3A_53 = tpu.memref_slice %dma_start3A_51[%mul3A_48, %dma_start3A_52] : memref<10240x16xf32, #tpu.memory_space<hbm>> -> memref<640x16xf32, #tpu.memory_space<hbm>>
      %dma_start3A_54 = arith.constant 0 : i32
      %dma_start3A_55 = tpu.memref_slice %arg6[%mul3A_48, %dma_start3A_54] : memref<10240x16xf32, #tpu.memory_space<vmem_shared>> -> memref<640x16xf32, #tpu.memory_space<vmem_shared>>
      tpu.enqueue_dma source(%dma_start3A_55 : memref<640x16xf32, #tpu.memory_space<vmem_shared>>) target(%dma_start3A_53 : memref<640x16xf32, #tpu.memory_space<hbm>>) target_semaphore(%run_scoped3A : memref<!tpu.dma_semaphore, #tpu.memory_space<semaphore_mem>>)
      %dma_wait3A = arith.constant 0 : i32
      %dma_wait3A_56 = arith.constant 0 : i32
      %dma_wait3A_57 = tpu.memref_slice %arg3[%arg0, %dma_wait3A, %dma_wait3A_56] : memref<2x10240x16xf32, #tpu.memory_space<hbm>> -> memref<1x10240x16xf32, #tpu.memory_space<hbm>>
      %dma_wait3A_58 = tpu.memref_squeeze %dma_wait3A_57 : memref<1x10240x16xf32, #tpu.memory_space<hbm>> -> memref<10240x16xf32, #tpu.memory_space<hbm>>
      %dma_wait3A_59 = arith.constant 0 : i32
      %dma_wait3A_60 = tpu.memref_slice %dma_wait3A_58[%mul3A_48, %dma_wait3A_59] : memref<10240x16xf32, #tpu.memory_space<hbm>> -> memref<640x16xf32, #tpu.memory_space<hbm>>
      %dma_wait3A_61 = arith.constant 0 : i32
      %dma_wait3A_62 = tpu.memref_slice %arg6[%mul3A_48, %dma_wait3A_61] : memref<10240x16xf32, #tpu.memory_space<vmem_shared>> -> memref<640x16xf32, #tpu.memory_space<vmem_shared>>
      tpu.wait_dma2 semaphore(%run_scoped3A : memref<!tpu.dma_semaphore, #tpu.memory_space<semaphore_mem>>) src(%dma_wait3A_62 : memref<640x16xf32, #tpu.memory_space<vmem_shared>>) dst(%dma_wait3A_60 : memref<640x16xf32, #tpu.memory_space<hbm>>)
      tpu.yield
    }) : () -> ()
    return
  }
}

#map = affine_map<(d0, d1) -> (0, 0)>
#map1 = affine_map<(d0, d1) -> (0, 0, 0)>
module attributes {stable_mosaic.version = 14 : i64} {
  func.func @sum_pass(%arg0: i32, %arg1: i32, %arg2: memref<10000x128xf32, #tpu.memory_space<hbm>>, %arg3: memref<32x108x96xi32, #tpu.memory_space<hbm>>, %arg4: memref<32x108x96xi32, #tpu.memory_space<hbm>>, %arg5: memref<2x10240x128xf32, #tpu.memory_space<hbm>>, %arg6: memref<54x96xi32, #tpu.memory_space<vmem>>, %arg7: memref<54x96xi32, #tpu.memory_space<vmem>>, %arg8: memref<3x96x128xf32, #tpu.memory_space<vmem>>, %arg9: memref<10240x128xf32, #tpu.memory_space<vmem_shared>>, %arg10: memref<!tpu.dma_semaphore, #tpu.memory_space<semaphore_mem>>, %arg11: memref<!tpu.dma_semaphore, #tpu.memory_space<semaphore_mem>>, %arg12: memref<!tpu.dma_semaphore, #tpu.memory_space<semaphore_mem>>) attributes {dimension_semantics = [#tpu.dimension_semantics<core_parallel>, #tpu.dimension_semantics<subcore_parallel>], iteration_bounds = array<i64: 2, 16>, scalar_prefetch = 0 : i64, scratch_operands = 7 : i64, tpu.core_type = #tpu.core_type<sc_vector_subcore>, window_params = [{transform_indices = #map}, {transform_indices = #map1}, {transform_indices = #map1}, {transform_indices = #map1}]} {
    %mul3A = arith.constant 2 : i32
    %mul3A_0 = arith.muli %arg1, %mul3A : i32
    %add3A = arith.addi %mul3A_0, %arg0 : i32
    %scan3A = arith.constant 0 : i32
    %scan3A_1 = arith.constant 0 : i32
    %scan3A_2 = arith.constant 0 : i32
    %scan3A_3 = arith.constant 96 : i32
    %scan3A_4 = arith.addi %scan3A_2, %scan3A_3 : i32
    %scan3A_5 = arith.constant 1 : i32
    scf.for %scan3A_103 = %scan3A_2 to %scan3A_4 step %scan3A_5  : i32 {
      %broadcast_in_dim3A = arith.constant 0.000000e+00 : f32
      %broadcast_in_dim3A_104 = vector.broadcast %broadcast_in_dim3A : f32 to vector<16xf32>
      %swap3A = arith.constant 0 : i32
      %swap3A_105 = arith.constant 0 : i32
      %swap3A_106 = tpu.memref_slice %arg8[%scan3A_1, %swap3A, %swap3A_105] : memref<3x96x128xf32, #tpu.memory_space<vmem>> -> memref<1x96x128xf32, #tpu.memory_space<vmem>>
      %swap3A_107 = tpu.memref_squeeze %swap3A_106 : memref<1x96x128xf32, #tpu.memory_space<vmem>> -> memref<96x128xf32, #tpu.memory_space<vmem>>
      %swap3A_108 = arith.index_cast %scan3A_103 : i32 to index
      %swap3A_109 = arith.constant 0 : index
      %swap3A_110 = tpu.vector_load %swap3A_107[%swap3A_108, %swap3A_109] {strides = array<i32>} : memref<96x128xf32, #tpu.memory_space<vmem>>, vector<1x16xf32>,
      %swap3A_111 = vector.shape_cast %swap3A_110 : vector<1x16xf32> to vector<16xf32>
      %swap3A_112 = vector.shape_cast %broadcast_in_dim3A_104 : vector<16xf32> to vector<1x16xf32>
      tpu.vector_store %swap3A_107[%swap3A_108, %swap3A_109], %swap3A_112 {strides = array<i32>} : memref<96x128xf32, #tpu.memory_space<vmem>>, vector<1x16xf32>,
      %broadcast_in_dim3A_113 = arith.constant 0.000000e+00 : f32
      %broadcast_in_dim3A_114 = vector.broadcast %broadcast_in_dim3A_113 : f32 to vector<16xf32>
      %swap3A_115 = arith.constant 0 : i32
      %swap3A_116 = arith.constant 0 : i32
      %swap3A_117 = tpu.memref_slice %arg8[%scan3A_1, %swap3A_115, %swap3A_116] : memref<3x96x128xf32, #tpu.memory_space<vmem>> -> memref<1x96x128xf32, #tpu.memory_space<vmem>>
      %swap3A_118 = tpu.memref_squeeze %swap3A_117 : memref<1x96x128xf32, #tpu.memory_space<vmem>> -> memref<96x128xf32, #tpu.memory_space<vmem>>
      %swap3A_119 = arith.index_cast %scan3A_103 : i32 to index
      %swap3A_120 = arith.constant 16 : index
      %swap3A_121 = tpu.vector_load %swap3A_118[%swap3A_119, %swap3A_120] {strides = array<i32>} : memref<96x128xf32, #tpu.memory_space<vmem>>, vector<1x16xf32>,
      %swap3A_122 = vector.shape_cast %swap3A_121 : vector<1x16xf32> to vector<16xf32>
      %swap3A_123 = vector.shape_cast %broadcast_in_dim3A_114 : vector<16xf32> to vector<1x16xf32>
      tpu.vector_store %swap3A_118[%swap3A_119, %swap3A_120], %swap3A_123 {strides = array<i32>} : memref<96x128xf32, #tpu.memory_space<vmem>>, vector<1x16xf32>,
      %broadcast_in_dim3A_124 = arith.constant 0.000000e+00 : f32
      %broadcast_in_dim3A_125 = vector.broadcast %broadcast_in_dim3A_124 : f32 to vector<16xf32>
      %swap3A_126 = arith.constant 0 : i32
      %swap3A_127 = arith.constant 0 : i32
      %swap3A_128 = tpu.memref_slice %arg8[%scan3A_1, %swap3A_126, %swap3A_127] : memref<3x96x128xf32, #tpu.memory_space<vmem>> -> memref<1x96x128xf32, #tpu.memory_space<vmem>>
      %swap3A_129 = tpu.memref_squeeze %swap3A_128 : memref<1x96x128xf32, #tpu.memory_space<vmem>> -> memref<96x128xf32, #tpu.memory_space<vmem>>
      %swap3A_130 = arith.index_cast %scan3A_103 : i32 to index
      %swap3A_131 = arith.constant 32 : index
      %swap3A_132 = tpu.vector_load %swap3A_129[%swap3A_130, %swap3A_131] {strides = array<i32>} : memref<96x128xf32, #tpu.memory_space<vmem>>, vector<1x16xf32>,
      %swap3A_133 = vector.shape_cast %swap3A_132 : vector<1x16xf32> to vector<16xf32>
      %swap3A_134 = vector.shape_cast %broadcast_in_dim3A_125 : vector<16xf32> to vector<1x16xf32>
      tpu.vector_store %swap3A_129[%swap3A_130, %swap3A_131], %swap3A_134 {strides = array<i32>} : memref<96x128xf32, #tpu.memory_space<vmem>>, vector<1x16xf32>,
      %broadcast_in_dim3A_135 = arith.constant 0.000000e+00 : f32
      %broadcast_in_dim3A_136 = vector.broadcast %broadcast_in_dim3A_135 : f32 to vector<16xf32>
      %swap3A_137 = arith.constant 0 : i32
      %swap3A_138 = arith.constant 0 : i32
      %swap3A_139 = tpu.memref_slice %arg8[%scan3A_1, %swap3A_137, %swap3A_138] : memref<3x96x128xf32, #tpu.memory_space<vmem>> -> memref<1x96x128xf32, #tpu.memory_space<vmem>>
      %swap3A_140 = tpu.memref_squeeze %swap3A_139 : memref<1x96x128xf32, #tpu.memory_space<vmem>> -> memref<96x128xf32, #tpu.memory_space<vmem>>
      %swap3A_141 = arith.index_cast %scan3A_103 : i32 to index
      %swap3A_142 = arith.constant 48 : index
      %swap3A_143 = tpu.vector_load %swap3A_140[%swap3A_141, %swap3A_142] {strides = array<i32>} : memref<96x128xf32, #tpu.memory_space<vmem>>, vector<1x16xf32>,
      %swap3A_144 = vector.shape_cast %swap3A_143 : vector<1x16xf32> to vector<16xf32>
      %swap3A_145 = vector.shape_cast %broadcast_in_dim3A_136 : vector<16xf32> to vector<1x16xf32>
      tpu.vector_store %swap3A_140[%swap3A_141, %swap3A_142], %swap3A_145 {strides = array<i32>} : memref<96x128xf32, #tpu.memory_space<vmem>>, vector<1x16xf32>,
      %broadcast_in_dim3A_146 = arith.constant 0.000000e+00 : f32
      %broadcast_in_dim3A_147 = vector.broadcast %broadcast_in_dim3A_146 : f32 to vector<16xf32>
      %swap3A_148 = arith.constant 0 : i32
      %swap3A_149 = arith.constant 0 : i32
      %swap3A_150 = tpu.memref_slice %arg8[%scan3A_1, %swap3A_148, %swap3A_149] : memref<3x96x128xf32, #tpu.memory_space<vmem>> -> memref<1x96x128xf32, #tpu.memory_space<vmem>>
      %swap3A_151 = tpu.memref_squeeze %swap3A_150 : memref<1x96x128xf32, #tpu.memory_space<vmem>> -> memref<96x128xf32, #tpu.memory_space<vmem>>
      %swap3A_152 = arith.index_cast %scan3A_103 : i32 to index
      %swap3A_153 = arith.constant 64 : index
      %swap3A_154 = tpu.vector_load %swap3A_151[%swap3A_152, %swap3A_153] {strides = array<i32>} : memref<96x128xf32, #tpu.memory_space<vmem>>, vector<1x16xf32>,
      %swap3A_155 = vector.shape_cast %swap3A_154 : vector<1x16xf32> to vector<16xf32>
      %swap3A_156 = vector.shape_cast %broadcast_in_dim3A_147 : vector<16xf32> to vector<1x16xf32>
      tpu.vector_store %swap3A_151[%swap3A_152, %swap3A_153], %swap3A_156 {strides = array<i32>} : memref<96x128xf32, #tpu.memory_space<vmem>>, vector<1x16xf32>,
      %broadcast_in_dim3A_157 = arith.constant 0.000000e+00 : f32
      %broadcast_in_dim3A_158 = vector.broadcast %broadcast_in_dim3A_157 : f32 to vector<16xf32>
      %swap3A_159 = arith.constant 0 : i32
      %swap3A_160 = arith.constant 0 : i32
      %swap3A_161 = tpu.memref_slice %arg8[%scan3A_1, %swap3A_159, %swap3A_160] : memref<3x96x128xf32, #tpu.memory_space<vmem>> -> memref<1x96x128xf32, #tpu.memory_space<vmem>>
      %swap3A_162 = tpu.memref_squeeze %swap3A_161 : memref<1x96x128xf32, #tpu.memory_space<vmem>> -> memref<96x128xf32, #tpu.memory_space<vmem>>
      %swap3A_163 = arith.index_cast %scan3A_103 : i32 to index
      %swap3A_164 = arith.constant 80 : index
      %swap3A_165 = tpu.vector_load %swap3A_162[%swap3A_163, %swap3A_164] {strides = array<i32>} : memref<96x128xf32, #tpu.memory_space<vmem>>, vector<1x16xf32>,
      %swap3A_166 = vector.shape_cast %swap3A_165 : vector<1x16xf32> to vector<16xf32>
      %swap3A_167 = vector.shape_cast %broadcast_in_dim3A_158 : vector<16xf32> to vector<1x16xf32>
      tpu.vector_store %swap3A_162[%swap3A_163, %swap3A_164], %swap3A_167 {strides = array<i32>} : memref<96x128xf32, #tpu.memory_space<vmem>>, vector<1x16xf32>,
      %broadcast_in_dim3A_168 = arith.constant 0.000000e+00 : f32
      %broadcast_in_dim3A_169 = vector.broadcast %broadcast_in_dim3A_168 : f32 to vector<16xf32>
      %swap3A_170 = arith.constant 0 : i32
      %swap3A_171 = arith.constant 0 : i32
      %swap3A_172 = tpu.memref_slice %arg8[%scan3A_1, %swap3A_170, %swap3A_171] : memref<3x96x128xf32, #tpu.memory_space<vmem>> -> memref<1x96x128xf32, #tpu.memory_space<vmem>>
      %swap3A_173 = tpu.memref_squeeze %swap3A_172 : memref<1x96x128xf32, #tpu.memory_space<vmem>> -> memref<96x128xf32, #tpu.memory_space<vmem>>
      %swap3A_174 = arith.index_cast %scan3A_103 : i32 to index
      %swap3A_175 = arith.constant 96 : index
      %swap3A_176 = tpu.vector_load %swap3A_173[%swap3A_174, %swap3A_175] {strides = array<i32>} : memref<96x128xf32, #tpu.memory_space<vmem>>, vector<1x16xf32>,
      %swap3A_177 = vector.shape_cast %swap3A_176 : vector<1x16xf32> to vector<16xf32>
      %swap3A_178 = vector.shape_cast %broadcast_in_dim3A_169 : vector<16xf32> to vector<1x16xf32>
      tpu.vector_store %swap3A_173[%swap3A_174, %swap3A_175], %swap3A_178 {strides = array<i32>} : memref<96x128xf32, #tpu.memory_space<vmem>>, vector<1x16xf32>,
      %broadcast_in_dim3A_179 = arith.constant 0.000000e+00 : f32
      %broadcast_in_dim3A_180 = vector.broadcast %broadcast_in_dim3A_179 : f32 to vector<16xf32>
      %swap3A_181 = arith.constant 0 : i32
      %swap3A_182 = arith.constant 0 : i32
      %swap3A_183 = tpu.memref_slice %arg8[%scan3A_1, %swap3A_181, %swap3A_182] : memref<3x96x128xf32, #tpu.memory_space<vmem>> -> memref<1x96x128xf32, #tpu.memory_space<vmem>>
      %swap3A_184 = tpu.memref_squeeze %swap3A_183 : memref<1x96x128xf32, #tpu.memory_space<vmem>> -> memref<96x128xf32, #tpu.memory_space<vmem>>
      %swap3A_185 = arith.index_cast %scan3A_103 : i32 to index
      %swap3A_186 = arith.constant 112 : index
      %swap3A_187 = tpu.vector_load %swap3A_184[%swap3A_185, %swap3A_186] {strides = array<i32>} : memref<96x128xf32, #tpu.memory_space<vmem>>, vector<1x16xf32>,
      %swap3A_188 = vector.shape_cast %swap3A_187 : vector<1x16xf32> to vector<16xf32>
      %swap3A_189 = vector.shape_cast %broadcast_in_dim3A_180 : vector<16xf32> to vector<1x16xf32>
      tpu.vector_store %swap3A_184[%swap3A_185, %swap3A_186], %swap3A_189 {strides = array<i32>} : memref<96x128xf32, #tpu.memory_space<vmem>>, vector<1x16xf32>,
    }
    %scan3A_6 = arith.constant 96 : i32
    %mul3A_7 = arith.constant 640 : i32
    %mul3A_8 = arith.muli %arg1, %mul3A_7 : i32
    %add3A_9 = arith.constant 0 : i32
    %add3A_10 = arith.addi %mul3A_8, %add3A_9 : i32
    %run_scoped3A = arith.constant 0 : i32
    "tpu.region"() ({
      %run_scoped3A_103 = tpu.sem_alloc : memref<!tpu.dma_semaphore, #tpu.memory_space<semaphore_mem>>
      %dma_start3A_104 = arith.constant 0 : i32
      %dma_start3A_105 = arith.constant 0 : i32
      %dma_start3A_106 = tpu.memref_slice %arg8[%run_scoped3A, %dma_start3A_104, %dma_start3A_105] : memref<3x96x128xf32, #tpu.memory_space<vmem>> -> memref<1x96x128xf32, #tpu.memory_space<vmem>>
      %dma_start3A_107 = tpu.memref_squeeze %dma_start3A_106 : memref<1x96x128xf32, #tpu.memory_space<vmem>> -> memref<96x128xf32, #tpu.memory_space<vmem>>
      %dma_start3A_108 = arith.constant 0 : i32
      %dma_start3A_109 = tpu.memref_slice %arg9[%add3A_10, %dma_start3A_108] : memref<10240x128xf32, #tpu.memory_space<vmem_shared>> -> memref<96x128xf32, #tpu.memory_space<vmem_shared>>
      %dma_start3A_110 = arith.constant 0 : i32
      %dma_start3A_111 = tpu.memref_slice %arg9[%add3A_10, %dma_start3A_110] : memref<10240x128xf32, #tpu.memory_space<vmem_shared>> -> memref<96x128xf32, #tpu.memory_space<vmem_shared>>
      %dma_start3A_112 = arith.constant 0 : i32
      %dma_start3A_113 = arith.constant 0 : i32
      %dma_start3A_114 = tpu.memref_slice %arg8[%run_scoped3A, %dma_start3A_112, %dma_start3A_113] : memref<3x96x128xf32, #tpu.memory_space<vmem>> -> memref<1x96x128xf32, #tpu.memory_space<vmem>>
      %dma_start3A_115 = tpu.memref_squeeze %dma_start3A_114 : memref<1x96x128xf32, #tpu.memory_space<vmem>> -> memref<96x128xf32, #tpu.memory_space<vmem>>
      tpu.enqueue_dma source(%dma_start3A_115 : memref<96x128xf32, #tpu.memory_space<vmem>>) target(%dma_start3A_111 : memref<96x128xf32, #tpu.memory_space<vmem_shared>>) target_semaphore(%run_scoped3A_103 : memref<!tpu.dma_semaphore, #tpu.memory_space<semaphore_mem>>)
      %dma_wait3A = arith.constant 0 : i32
      %dma_wait3A_116 = arith.constant 0 : i32
      %dma_wait3A_117 = tpu.memref_slice %arg8[%run_scoped3A, %dma_wait3A, %dma_wait3A_116] : memref<3x96x128xf32, #tpu.memory_space<vmem>> -> memref<1x96x128xf32, #tpu.memory_space<vmem>>
      %dma_wait3A_118 = tpu.memref_squeeze %dma_wait3A_117 : memref<1x96x128xf32, #tpu.memory_space<vmem>> -> memref<96x128xf32, #tpu.memory_space<vmem>>
      %dma_wait3A_119 = arith.constant 0 : i32
      %dma_wait3A_120 = tpu.memref_slice %arg9[%add3A_10, %dma_wait3A_119] : memref<10240x128xf32, #tpu.memory_space<vmem_shared>> -> memref<96x128xf32, #tpu.memory_space<vmem_shared>>
      %dma_wait3A_121 = arith.constant 0 : i32
      %dma_wait3A_122 = tpu.memref_slice %arg9[%add3A_10, %dma_wait3A_121] : memref<10240x128xf32, #tpu.memory_space<vmem_shared>> -> memref<96x128xf32, #tpu.memory_space<vmem_shared>>
      %dma_wait3A_123 = arith.constant 0 : i32
      %dma_wait3A_124 = arith.constant 0 : i32
      %dma_wait3A_125 = tpu.memref_slice %arg8[%run_scoped3A, %dma_wait3A_123, %dma_wait3A_124] : memref<3x96x128xf32, #tpu.memory_space<vmem>> -> memref<1x96x128xf32, #tpu.memory_space<vmem>>
      %dma_wait3A_126 = tpu.memref_squeeze %dma_wait3A_125 : memref<1x96x128xf32, #tpu.memory_space<vmem>> -> memref<96x128xf32, #tpu.memory_space<vmem>>
      tpu.wait_dma2 semaphore(%run_scoped3A_103 : memref<!tpu.dma_semaphore, #tpu.memory_space<semaphore_mem>>) src(%dma_wait3A_126 : memref<96x128xf32, #tpu.memory_space<vmem>>) dst(%dma_wait3A_122 : memref<96x128xf32, #tpu.memory_space<vmem_shared>>)
      tpu.yield
    }) : () -> ()
    %mul3A_11 = arith.constant 640 : i32
    %mul3A_12 = arith.muli %arg1, %mul3A_11 : i32
    %add3A_13 = arith.constant 96 : i32
    %add3A_14 = arith.addi %mul3A_12, %add3A_13 : i32
    %run_scoped3A_15 = arith.constant 0 : i32
    "tpu.region"() ({
      %run_scoped3A_103 = tpu.sem_alloc : memref<!tpu.dma_semaphore, #tpu.memory_space<semaphore_mem>>
      %dma_start3A_104 = arith.constant 0 : i32
      %dma_start3A_105 = arith.constant 0 : i32
      %dma_start3A_106 = tpu.memref_slice %arg8[%run_scoped3A_15, %dma_start3A_104, %dma_start3A_105] : memref<3x96x128xf32, #tpu.memory_space<vmem>> -> memref<1x96x128xf32, #tpu.memory_space<vmem>>
      %dma_start3A_107 = tpu.memref_squeeze %dma_start3A_106 : memref<1x96x128xf32, #tpu.memory_space<vmem>> -> memref<96x128xf32, #tpu.memory_space<vmem>>
      %dma_start3A_108 = arith.constant 0 : i32
      %dma_start3A_109 = tpu.memref_slice %arg9[%add3A_14, %dma_start3A_108] : memref<10240x128xf32, #tpu.memory_space<vmem_shared>> -> memref<96x128xf32, #tpu.memory_space<vmem_shared>>
      %dma_start3A_110 = arith.constant 0 : i32
      %dma_start3A_111 = tpu.memref_slice %arg9[%add3A_14, %dma_start3A_110] : memref<10240x128xf32, #tpu.memory_space<vmem_shared>> -> memref<96x128xf32, #tpu.memory_space<vmem_shared>>
      %dma_start3A_112 = arith.constant 0 : i32
      %dma_start3A_113 = arith.constant 0 : i32
      %dma_start3A_114 = tpu.memref_slice %arg8[%run_scoped3A_15, %dma_start3A_112, %dma_start3A_113] : memref<3x96x128xf32, #tpu.memory_space<vmem>> -> memref<1x96x128xf32, #tpu.memory_space<vmem>>
      %dma_start3A_115 = tpu.memref_squeeze %dma_start3A_114 : memref<1x96x128xf32, #tpu.memory_space<vmem>> -> memref<96x128xf32, #tpu.memory_space<vmem>>
      tpu.enqueue_dma source(%dma_start3A_115 : memref<96x128xf32, #tpu.memory_space<vmem>>) target(%dma_start3A_111 : memref<96x128xf32, #tpu.memory_space<vmem_shared>>) target_semaphore(%run_scoped3A_103 : memref<!tpu.dma_semaphore, #tpu.memory_space<semaphore_mem>>)
      %dma_wait3A = arith.constant 0 : i32
      %dma_wait3A_116 = arith.constant 0 : i32
      %dma_wait3A_117 = tpu.memref_slice %arg8[%run_scoped3A_15, %dma_wait3A, %dma_wait3A_116] : memref<3x96x128xf32, #tpu.memory_space<vmem>> -> memref<1x96x128xf32, #tpu.memory_space<vmem>>
      %dma_wait3A_118 = tpu.memref_squeeze %dma_wait3A_117 : memref<1x96x128xf32, #tpu.memory_space<vmem>> -> memref<96x128xf32, #tpu.memory_space<vmem>>
      %dma_wait3A_119 = arith.constant 0 : i32
      %dma_wait3A_120 = tpu.memref_slice %arg9[%add3A_14, %dma_wait3A_119] : memref<10240x128xf32, #tpu.memory_space<vmem_shared>> -> memref<96x128xf32, #tpu.memory_space<vmem_shared>>
      %dma_wait3A_121 = arith.constant 0 : i32
      %dma_wait3A_122 = tpu.memref_slice %arg9[%add3A_14, %dma_wait3A_121] : memref<10240x128xf32, #tpu.memory_space<vmem_shared>> -> memref<96x128xf32, #tpu.memory_space<vmem_shared>>
      %dma_wait3A_123 = arith.constant 0 : i32
      %dma_wait3A_124 = arith.constant 0 : i32
      %dma_wait3A_125 = tpu.memref_slice %arg8[%run_scoped3A_15, %dma_wait3A_123, %dma_wait3A_124] : memref<3x96x128xf32, #tpu.memory_space<vmem>> -> memref<1x96x128xf32, #tpu.memory_space<vmem>>
      %dma_wait3A_126 = tpu.memref_squeeze %dma_wait3A_125 : memref<1x96x128xf32, #tpu.memory_space<vmem>> -> memref<96x128xf32, #tpu.memory_space<vmem>>
      tpu.wait_dma2 semaphore(%run_scoped3A_103 : memref<!tpu.dma_semaphore, #tpu.memory_space<semaphore_mem>>) src(%dma_wait3A_126 : memref<96x128xf32, #tpu.memory_space<vmem>>) dst(%dma_wait3A_122 : memref<96x128xf32, #tpu.memory_space<vmem_shared>>)
      tpu.yield
    }) : () -> ()
    %mul3A_16 = arith.constant 640 : i32
    %mul3A_17 = arith.muli %arg1, %mul3A_16 : i32
    %add3A_18 = arith.constant 192 : i32
    %add3A_19 = arith.addi %mul3A_17, %add3A_18 : i32
    %run_scoped3A_20 = arith.constant 0 : i32
    "tpu.region"() ({
      %run_scoped3A_103 = tpu.sem_alloc : memref<!tpu.dma_semaphore, #tpu.memory_space<semaphore_mem>>
      %dma_start3A_104 = arith.constant 0 : i32
      %dma_start3A_105 = arith.constant 0 : i32
      %dma_start3A_106 = tpu.memref_slice %arg8[%run_scoped3A_20, %dma_start3A_104, %dma_start3A_105] : memref<3x96x128xf32, #tpu.memory_space<vmem>> -> memref<1x96x128xf32, #tpu.memory_space<vmem>>
      %dma_start3A_107 = tpu.memref_squeeze %dma_start3A_106 : memref<1x96x128xf32, #tpu.memory_space<vmem>> -> memref<96x128xf32, #tpu.memory_space<vmem>>
      %dma_start3A_108 = arith.constant 0 : i32
      %dma_start3A_109 = tpu.memref_slice %arg9[%add3A_19, %dma_start3A_108] : memref<10240x128xf32, #tpu.memory_space<vmem_shared>> -> memref<96x128xf32, #tpu.memory_space<vmem_shared>>
      %dma_start3A_110 = arith.constant 0 : i32
      %dma_start3A_111 = tpu.memref_slice %arg9[%add3A_19, %dma_start3A_110] : memref<10240x128xf32, #tpu.memory_space<vmem_shared>> -> memref<96x128xf32, #tpu.memory_space<vmem_shared>>
      %dma_start3A_112 = arith.constant 0 : i32
      %dma_start3A_113 = arith.constant 0 : i32
      %dma_start3A_114 = tpu.memref_slice %arg8[%run_scoped3A_20, %dma_start3A_112, %dma_start3A_113] : memref<3x96x128xf32, #tpu.memory_space<vmem>> -> memref<1x96x128xf32, #tpu.memory_space<vmem>>
      %dma_start3A_115 = tpu.memref_squeeze %dma_start3A_114 : memref<1x96x128xf32, #tpu.memory_space<vmem>> -> memref<96x128xf32, #tpu.memory_space<vmem>>
      tpu.enqueue_dma source(%dma_start3A_115 : memref<96x128xf32, #tpu.memory_space<vmem>>) target(%dma_start3A_111 : memref<96x128xf32, #tpu.memory_space<vmem_shared>>) target_semaphore(%run_scoped3A_103 : memref<!tpu.dma_semaphore, #tpu.memory_space<semaphore_mem>>)
      %dma_wait3A = arith.constant 0 : i32
      %dma_wait3A_116 = arith.constant 0 : i32
      %dma_wait3A_117 = tpu.memref_slice %arg8[%run_scoped3A_20, %dma_wait3A, %dma_wait3A_116] : memref<3x96x128xf32, #tpu.memory_space<vmem>> -> memref<1x96x128xf32, #tpu.memory_space<vmem>>
      %dma_wait3A_118 = tpu.memref_squeeze %dma_wait3A_117 : memref<1x96x128xf32, #tpu.memory_space<vmem>> -> memref<96x128xf32, #tpu.memory_space<vmem>>
      %dma_wait3A_119 = arith.constant 0 : i32
      %dma_wait3A_120 = tpu.memref_slice %arg9[%add3A_19, %dma_wait3A_119] : memref<10240x128xf32, #tpu.memory_space<vmem_shared>> -> memref<96x128xf32, #tpu.memory_space<vmem_shared>>
      %dma_wait3A_121 = arith.constant 0 : i32
      %dma_wait3A_122 = tpu.memref_slice %arg9[%add3A_19, %dma_wait3A_121] : memref<10240x128xf32, #tpu.memory_space<vmem_shared>> -> memref<96x128xf32, #tpu.memory_space<vmem_shared>>
      %dma_wait3A_123 = arith.constant 0 : i32
      %dma_wait3A_124 = arith.constant 0 : i32
      %dma_wait3A_125 = tpu.memref_slice %arg8[%run_scoped3A_20, %dma_wait3A_123, %dma_wait3A_124] : memref<3x96x128xf32, #tpu.memory_space<vmem>> -> memref<1x96x128xf32, #tpu.memory_space<vmem>>
      %dma_wait3A_126 = tpu.memref_squeeze %dma_wait3A_125 : memref<1x96x128xf32, #tpu.memory_space<vmem>> -> memref<96x128xf32, #tpu.memory_space<vmem>>
      tpu.wait_dma2 semaphore(%run_scoped3A_103 : memref<!tpu.dma_semaphore, #tpu.memory_space<semaphore_mem>>) src(%dma_wait3A_126 : memref<96x128xf32, #tpu.memory_space<vmem>>) dst(%dma_wait3A_122 : memref<96x128xf32, #tpu.memory_space<vmem_shared>>)
      tpu.yield
    }) : () -> ()
    %mul3A_21 = arith.constant 640 : i32
    %mul3A_22 = arith.muli %arg1, %mul3A_21 : i32
    %add3A_23 = arith.constant 288 : i32
    %add3A_24 = arith.addi %mul3A_22, %add3A_23 : i32
    %run_scoped3A_25 = arith.constant 0 : i32
    "tpu.region"() ({
      %run_scoped3A_103 = tpu.sem_alloc : memref<!tpu.dma_semaphore, #tpu.memory_space<semaphore_mem>>
      %dma_start3A_104 = arith.constant 0 : i32
      %dma_start3A_105 = arith.constant 0 : i32
      %dma_start3A_106 = tpu.memref_slice %arg8[%run_scoped3A_25, %dma_start3A_104, %dma_start3A_105] : memref<3x96x128xf32, #tpu.memory_space<vmem>> -> memref<1x96x128xf32, #tpu.memory_space<vmem>>
      %dma_start3A_107 = tpu.memref_squeeze %dma_start3A_106 : memref<1x96x128xf32, #tpu.memory_space<vmem>> -> memref<96x128xf32, #tpu.memory_space<vmem>>
      %dma_start3A_108 = arith.constant 0 : i32
      %dma_start3A_109 = tpu.memref_slice %arg9[%add3A_24, %dma_start3A_108] : memref<10240x128xf32, #tpu.memory_space<vmem_shared>> -> memref<96x128xf32, #tpu.memory_space<vmem_shared>>
      %dma_start3A_110 = arith.constant 0 : i32
      %dma_start3A_111 = tpu.memref_slice %arg9[%add3A_24, %dma_start3A_110] : memref<10240x128xf32, #tpu.memory_space<vmem_shared>> -> memref<96x128xf32, #tpu.memory_space<vmem_shared>>
      %dma_start3A_112 = arith.constant 0 : i32
      %dma_start3A_113 = arith.constant 0 : i32
      %dma_start3A_114 = tpu.memref_slice %arg8[%run_scoped3A_25, %dma_start3A_112, %dma_start3A_113] : memref<3x96x128xf32, #tpu.memory_space<vmem>> -> memref<1x96x128xf32, #tpu.memory_space<vmem>>
      %dma_start3A_115 = tpu.memref_squeeze %dma_start3A_114 : memref<1x96x128xf32, #tpu.memory_space<vmem>> -> memref<96x128xf32, #tpu.memory_space<vmem>>
      tpu.enqueue_dma source(%dma_start3A_115 : memref<96x128xf32, #tpu.memory_space<vmem>>) target(%dma_start3A_111 : memref<96x128xf32, #tpu.memory_space<vmem_shared>>) target_semaphore(%run_scoped3A_103 : memref<!tpu.dma_semaphore, #tpu.memory_space<semaphore_mem>>)
      %dma_wait3A = arith.constant 0 : i32
      %dma_wait3A_116 = arith.constant 0 : i32
      %dma_wait3A_117 = tpu.memref_slice %arg8[%run_scoped3A_25, %dma_wait3A, %dma_wait3A_116] : memref<3x96x128xf32, #tpu.memory_space<vmem>> -> memref<1x96x128xf32, #tpu.memory_space<vmem>>
      %dma_wait3A_118 = tpu.memref_squeeze %dma_wait3A_117 : memref<1x96x128xf32, #tpu.memory_space<vmem>> -> memref<96x128xf32, #tpu.memory_space<vmem>>
      %dma_wait3A_119 = arith.constant 0 : i32
      %dma_wait3A_120 = tpu.memref_slice %arg9[%add3A_24, %dma_wait3A_119] : memref<10240x128xf32, #tpu.memory_space<vmem_shared>> -> memref<96x128xf32, #tpu.memory_space<vmem_shared>>
      %dma_wait3A_121 = arith.constant 0 : i32
      %dma_wait3A_122 = tpu.memref_slice %arg9[%add3A_24, %dma_wait3A_121] : memref<10240x128xf32, #tpu.memory_space<vmem_shared>> -> memref<96x128xf32, #tpu.memory_space<vmem_shared>>
      %dma_wait3A_123 = arith.constant 0 : i32
      %dma_wait3A_124 = arith.constant 0 : i32
      %dma_wait3A_125 = tpu.memref_slice %arg8[%run_scoped3A_25, %dma_wait3A_123, %dma_wait3A_124] : memref<3x96x128xf32, #tpu.memory_space<vmem>> -> memref<1x96x128xf32, #tpu.memory_space<vmem>>
      %dma_wait3A_126 = tpu.memref_squeeze %dma_wait3A_125 : memref<1x96x128xf32, #tpu.memory_space<vmem>> -> memref<96x128xf32, #tpu.memory_space<vmem>>
      tpu.wait_dma2 semaphore(%run_scoped3A_103 : memref<!tpu.dma_semaphore, #tpu.memory_space<semaphore_mem>>) src(%dma_wait3A_126 : memref<96x128xf32, #tpu.memory_space<vmem>>) dst(%dma_wait3A_122 : memref<96x128xf32, #tpu.memory_space<vmem_shared>>)
      tpu.yield
    }) : () -> ()
    %mul3A_26 = arith.constant 640 : i32
    %mul3A_27 = arith.muli %arg1, %mul3A_26 : i32
    %add3A_28 = arith.constant 384 : i32
    %add3A_29 = arith.addi %mul3A_27, %add3A_28 : i32
    %run_scoped3A_30 = arith.constant 0 : i32
    "tpu.region"() ({
      %run_scoped3A_103 = tpu.sem_alloc : memref<!tpu.dma_semaphore, #tpu.memory_space<semaphore_mem>>
      %dma_start3A_104 = arith.constant 0 : i32
      %dma_start3A_105 = arith.constant 0 : i32
      %dma_start3A_106 = tpu.memref_slice %arg8[%run_scoped3A_30, %dma_start3A_104, %dma_start3A_105] : memref<3x96x128xf32, #tpu.memory_space<vmem>> -> memref<1x96x128xf32, #tpu.memory_space<vmem>>
      %dma_start3A_107 = tpu.memref_squeeze %dma_start3A_106 : memref<1x96x128xf32, #tpu.memory_space<vmem>> -> memref<96x128xf32, #tpu.memory_space<vmem>>
      %dma_start3A_108 = arith.constant 0 : i32
      %dma_start3A_109 = tpu.memref_slice %arg9[%add3A_29, %dma_start3A_108] : memref<10240x128xf32, #tpu.memory_space<vmem_shared>> -> memref<96x128xf32, #tpu.memory_space<vmem_shared>>
      %dma_start3A_110 = arith.constant 0 : i32
      %dma_start3A_111 = tpu.memref_slice %arg9[%add3A_29, %dma_start3A_110] : memref<10240x128xf32, #tpu.memory_space<vmem_shared>> -> memref<96x128xf32, #tpu.memory_space<vmem_shared>>
      %dma_start3A_112 = arith.constant 0 : i32
      %dma_start3A_113 = arith.constant 0 : i32
      %dma_start3A_114 = tpu.memref_slice %arg8[%run_scoped3A_30, %dma_start3A_112, %dma_start3A_113] : memref<3x96x128xf32, #tpu.memory_space<vmem>> -> memref<1x96x128xf32, #tpu.memory_space<vmem>>
      %dma_start3A_115 = tpu.memref_squeeze %dma_start3A_114 : memref<1x96x128xf32, #tpu.memory_space<vmem>> -> memref<96x128xf32, #tpu.memory_space<vmem>>
      tpu.enqueue_dma source(%dma_start3A_115 : memref<96x128xf32, #tpu.memory_space<vmem>>) target(%dma_start3A_111 : memref<96x128xf32, #tpu.memory_space<vmem_shared>>) target_semaphore(%run_scoped3A_103 : memref<!tpu.dma_semaphore, #tpu.memory_space<semaphore_mem>>)
      %dma_wait3A = arith.constant 0 : i32
      %dma_wait3A_116 = arith.constant 0 : i32
      %dma_wait3A_117 = tpu.memref_slice %arg8[%run_scoped3A_30, %dma_wait3A, %dma_wait3A_116] : memref<3x96x128xf32, #tpu.memory_space<vmem>> -> memref<1x96x128xf32, #tpu.memory_space<vmem>>
      %dma_wait3A_118 = tpu.memref_squeeze %dma_wait3A_117 : memref<1x96x128xf32, #tpu.memory_space<vmem>> -> memref<96x128xf32, #tpu.memory_space<vmem>>
      %dma_wait3A_119 = arith.constant 0 : i32
      %dma_wait3A_120 = tpu.memref_slice %arg9[%add3A_29, %dma_wait3A_119] : memref<10240x128xf32, #tpu.memory_space<vmem_shared>> -> memref<96x128xf32, #tpu.memory_space<vmem_shared>>
      %dma_wait3A_121 = arith.constant 0 : i32
      %dma_wait3A_122 = tpu.memref_slice %arg9[%add3A_29, %dma_wait3A_121] : memref<10240x128xf32, #tpu.memory_space<vmem_shared>> -> memref<96x128xf32, #tpu.memory_space<vmem_shared>>
      %dma_wait3A_123 = arith.constant 0 : i32
      %dma_wait3A_124 = arith.constant 0 : i32
      %dma_wait3A_125 = tpu.memref_slice %arg8[%run_scoped3A_30, %dma_wait3A_123, %dma_wait3A_124] : memref<3x96x128xf32, #tpu.memory_space<vmem>> -> memref<1x96x128xf32, #tpu.memory_space<vmem>>
      %dma_wait3A_126 = tpu.memref_squeeze %dma_wait3A_125 : memref<1x96x128xf32, #tpu.memory_space<vmem>> -> memref<96x128xf32, #tpu.memory_space<vmem>>
      tpu.wait_dma2 semaphore(%run_scoped3A_103 : memref<!tpu.dma_semaphore, #tpu.memory_space<semaphore_mem>>) src(%dma_wait3A_126 : memref<96x128xf32, #tpu.memory_space<vmem>>) dst(%dma_wait3A_122 : memref<96x128xf32, #tpu.memory_space<vmem_shared>>)
      tpu.yield
    }) : () -> ()
    %mul3A_31 = arith.constant 640 : i32
    %mul3A_32 = arith.muli %arg1, %mul3A_31 : i32
    %add3A_33 = arith.constant 480 : i32
    %add3A_34 = arith.addi %mul3A_32, %add3A_33 : i32
    %run_scoped3A_35 = arith.constant 0 : i32
    "tpu.region"() ({
      %run_scoped3A_103 = tpu.sem_alloc : memref<!tpu.dma_semaphore, #tpu.memory_space<semaphore_mem>>
      %dma_start3A_104 = arith.constant 0 : i32
      %dma_start3A_105 = arith.constant 0 : i32
      %dma_start3A_106 = tpu.memref_slice %arg8[%run_scoped3A_35, %dma_start3A_104, %dma_start3A_105] : memref<3x96x128xf32, #tpu.memory_space<vmem>> -> memref<1x96x128xf32, #tpu.memory_space<vmem>>
      %dma_start3A_107 = tpu.memref_squeeze %dma_start3A_106 : memref<1x96x128xf32, #tpu.memory_space<vmem>> -> memref<96x128xf32, #tpu.memory_space<vmem>>
      %dma_start3A_108 = arith.constant 0 : i32
      %dma_start3A_109 = tpu.memref_slice %arg9[%add3A_34, %dma_start3A_108] : memref<10240x128xf32, #tpu.memory_space<vmem_shared>> -> memref<96x128xf32, #tpu.memory_space<vmem_shared>>
      %dma_start3A_110 = arith.constant 0 : i32
      %dma_start3A_111 = tpu.memref_slice %arg9[%add3A_34, %dma_start3A_110] : memref<10240x128xf32, #tpu.memory_space<vmem_shared>> -> memref<96x128xf32, #tpu.memory_space<vmem_shared>>
      %dma_start3A_112 = arith.constant 0 : i32
      %dma_start3A_113 = arith.constant 0 : i32
      %dma_start3A_114 = tpu.memref_slice %arg8[%run_scoped3A_35, %dma_start3A_112, %dma_start3A_113] : memref<3x96x128xf32, #tpu.memory_space<vmem>> -> memref<1x96x128xf32, #tpu.memory_space<vmem>>
      %dma_start3A_115 = tpu.memref_squeeze %dma_start3A_114 : memref<1x96x128xf32, #tpu.memory_space<vmem>> -> memref<96x128xf32, #tpu.memory_space<vmem>>
      tpu.enqueue_dma source(%dma_start3A_115 : memref<96x128xf32, #tpu.memory_space<vmem>>) target(%dma_start3A_111 : memref<96x128xf32, #tpu.memory_space<vmem_shared>>) target_semaphore(%run_scoped3A_103 : memref<!tpu.dma_semaphore, #tpu.memory_space<semaphore_mem>>)
      %dma_wait3A = arith.constant 0 : i32
      %dma_wait3A_116 = arith.constant 0 : i32
      %dma_wait3A_117 = tpu.memref_slice %arg8[%run_scoped3A_35, %dma_wait3A, %dma_wait3A_116] : memref<3x96x128xf32, #tpu.memory_space<vmem>> -> memref<1x96x128xf32, #tpu.memory_space<vmem>>
      %dma_wait3A_118 = tpu.memref_squeeze %dma_wait3A_117 : memref<1x96x128xf32, #tpu.memory_space<vmem>> -> memref<96x128xf32, #tpu.memory_space<vmem>>
      %dma_wait3A_119 = arith.constant 0 : i32
      %dma_wait3A_120 = tpu.memref_slice %arg9[%add3A_34, %dma_wait3A_119] : memref<10240x128xf32, #tpu.memory_space<vmem_shared>> -> memref<96x128xf32, #tpu.memory_space<vmem_shared>>
      %dma_wait3A_121 = arith.constant 0 : i32
      %dma_wait3A_122 = tpu.memref_slice %arg9[%add3A_34, %dma_wait3A_121] : memref<10240x128xf32, #tpu.memory_space<vmem_shared>> -> memref<96x128xf32, #tpu.memory_space<vmem_shared>>
      %dma_wait3A_123 = arith.constant 0 : i32
      %dma_wait3A_124 = arith.constant 0 : i32
      %dma_wait3A_125 = tpu.memref_slice %arg8[%run_scoped3A_35, %dma_wait3A_123, %dma_wait3A_124] : memref<3x96x128xf32, #tpu.memory_space<vmem>> -> memref<1x96x128xf32, #tpu.memory_space<vmem>>
      %dma_wait3A_126 = tpu.memref_squeeze %dma_wait3A_125 : memref<1x96x128xf32, #tpu.memory_space<vmem>> -> memref<96x128xf32, #tpu.memory_space<vmem>>
      tpu.wait_dma2 semaphore(%run_scoped3A_103 : memref<!tpu.dma_semaphore, #tpu.memory_space<semaphore_mem>>) src(%dma_wait3A_126 : memref<96x128xf32, #tpu.memory_space<vmem>>) dst(%dma_wait3A_122 : memref<96x128xf32, #tpu.memory_space<vmem_shared>>)
      tpu.yield
    }) : () -> ()
    %mul3A_36 = arith.constant 640 : i32
    %mul3A_37 = arith.muli %arg1, %mul3A_36 : i32
    %add3A_38 = arith.constant 576 : i32
    %add3A_39 = arith.addi %mul3A_37, %add3A_38 : i32
    %run_scoped3A_40 = arith.constant 0 : i32
    "tpu.region"() ({
      %run_scoped3A_103 = tpu.sem_alloc : memref<!tpu.dma_semaphore, #tpu.memory_space<semaphore_mem>>
      %dma_start3A_104 = arith.constant 0 : i32
      %dma_start3A_105 = arith.constant 0 : i32
      %dma_start3A_106 = tpu.memref_slice %arg8[%run_scoped3A_40, %dma_start3A_104, %dma_start3A_105] : memref<3x96x128xf32, #tpu.memory_space<vmem>> -> memref<1x96x128xf32, #tpu.memory_space<vmem>>
      %dma_start3A_107 = tpu.memref_squeeze %dma_start3A_106 : memref<1x96x128xf32, #tpu.memory_space<vmem>> -> memref<96x128xf32, #tpu.memory_space<vmem>>
      %dma_start3A_108 = arith.constant 0 : i32
      %dma_start3A_109 = arith.constant 0 : i32
      %dma_start3A_110 = tpu.memref_slice %dma_start3A_107[%dma_start3A_108, %dma_start3A_109] : memref<96x128xf32, #tpu.memory_space<vmem>> -> memref<64x128xf32, #tpu.memory_space<vmem>>
      %dma_start3A_111 = arith.constant 0 : i32
      %dma_start3A_112 = tpu.memref_slice %arg9[%add3A_39, %dma_start3A_111] : memref<10240x128xf32, #tpu.memory_space<vmem_shared>> -> memref<64x128xf32, #tpu.memory_space<vmem_shared>>
      %dma_start3A_113 = arith.constant 0 : i32
      %dma_start3A_114 = tpu.memref_slice %arg9[%add3A_39, %dma_start3A_113] : memref<10240x128xf32, #tpu.memory_space<vmem_shared>> -> memref<64x128xf32, #tpu.memory_space<vmem_shared>>
      %dma_start3A_115 = arith.constant 0 : i32
      %dma_start3A_116 = arith.constant 0 : i32
      %dma_start3A_117 = tpu.memref_slice %arg8[%run_scoped3A_40, %dma_start3A_115, %dma_start3A_116] : memref<3x96x128xf32, #tpu.memory_space<vmem>> -> memref<1x96x128xf32, #tpu.memory_space<vmem>>
      %dma_start3A_118 = tpu.memref_squeeze %dma_start3A_117 : memref<1x96x128xf32, #tpu.memory_space<vmem>> -> memref<96x128xf32, #tpu.memory_space<vmem>>
      %dma_start3A_119 = arith.constant 0 : i32
      %dma_start3A_120 = arith.constant 0 : i32
      %dma_start3A_121 = tpu.memref_slice %dma_start3A_118[%dma_start3A_119, %dma_start3A_120] : memref<96x128xf32, #tpu.memory_space<vmem>> -> memref<64x128xf32, #tpu.memory_space<vmem>>
      tpu.enqueue_dma source(%dma_start3A_121 : memref<64x128xf32, #tpu.memory_space<vmem>>) target(%dma_start3A_114 : memref<64x128xf32, #tpu.memory_space<vmem_shared>>) target_semaphore(%run_scoped3A_103 : memref<!tpu.dma_semaphore, #tpu.memory_space<semaphore_mem>>)
      %dma_wait3A = arith.constant 0 : i32
      %dma_wait3A_122 = arith.constant 0 : i32
      %dma_wait3A_123 = tpu.memref_slice %arg8[%run_scoped3A_40, %dma_wait3A, %dma_wait3A_122] : memref<3x96x128xf32, #tpu.memory_space<vmem>> -> memref<1x96x128xf32, #tpu.memory_space<vmem>>
      %dma_wait3A_124 = tpu.memref_squeeze %dma_wait3A_123 : memref<1x96x128xf32, #tpu.memory_space<vmem>> -> memref<96x128xf32, #tpu.memory_space<vmem>>
      %dma_wait3A_125 = arith.constant 0 : i32
      %dma_wait3A_126 = arith.constant 0 : i32
      %dma_wait3A_127 = tpu.memref_slice %dma_wait3A_124[%dma_wait3A_125, %dma_wait3A_126] : memref<96x128xf32, #tpu.memory_space<vmem>> -> memref<64x128xf32, #tpu.memory_space<vmem>>
      %dma_wait3A_128 = arith.constant 0 : i32
      %dma_wait3A_129 = tpu.memref_slice %arg9[%add3A_39, %dma_wait3A_128] : memref<10240x128xf32, #tpu.memory_space<vmem_shared>> -> memref<64x128xf32, #tpu.memory_space<vmem_shared>>
      %dma_wait3A_130 = arith.constant 0 : i32
      %dma_wait3A_131 = tpu.memref_slice %arg9[%add3A_39, %dma_wait3A_130] : memref<10240x128xf32, #tpu.memory_space<vmem_shared>> -> memref<64x128xf32, #tpu.memory_space<vmem_shared>>
      %dma_wait3A_132 = arith.constant 0 : i32
      %dma_wait3A_133 = arith.constant 0 : i32
      %dma_wait3A_134 = tpu.memref_slice %arg8[%run_scoped3A_40, %dma_wait3A_132, %dma_wait3A_133] : memref<3x96x128xf32, #tpu.memory_space<vmem>> -> memref<1x96x128xf32, #tpu.memory_space<vmem>>
      %dma_wait3A_135 = tpu.memref_squeeze %dma_wait3A_134 : memref<1x96x128xf32, #tpu.memory_space<vmem>> -> memref<96x128xf32, #tpu.memory_space<vmem>>
      %dma_wait3A_136 = arith.constant 0 : i32
      %dma_wait3A_137 = arith.constant 0 : i32
      %dma_wait3A_138 = tpu.memref_slice %dma_wait3A_135[%dma_wait3A_136, %dma_wait3A_137] : memref<96x128xf32, #tpu.memory_space<vmem>> -> memref<64x128xf32, #tpu.memory_space<vmem>>
      tpu.wait_dma2 semaphore(%run_scoped3A_103 : memref<!tpu.dma_semaphore, #tpu.memory_space<semaphore_mem>>) src(%dma_wait3A_138 : memref<64x128xf32, #tpu.memory_space<vmem>>) dst(%dma_wait3A_131 : memref<64x128xf32, #tpu.memory_space<vmem_shared>>)
      tpu.yield
    }) : () -> ()
    %barrier3A = arith.constant 0 : index
    tpu.barrier barrier_id(%barrier3A)
    "tpu.region"() ({
      %run_scoped3A_103 = tpu.sem_alloc : memref<!tpu.dma_semaphore, #tpu.memory_space<semaphore_mem>>
      %dma_start3A_104 = arith.constant 0 : i32
      %dma_start3A_105 = arith.constant 0 : i32
      %dma_start3A_106 = tpu.memref_slice %arg3[%add3A, %dma_start3A_104, %dma_start3A_105] : memref<32x108x96xi32, #tpu.memory_space<hbm>> -> memref<1x108x96xi32, #tpu.memory_space<hbm>>
      %dma_start3A_107 = tpu.memref_squeeze %dma_start3A_106 : memref<1x108x96xi32, #tpu.memory_space<hbm>> -> memref<108x96xi32, #tpu.memory_space<hbm>>
      %dma_start3A_108 = arith.constant 0 : i32
      %dma_start3A_109 = arith.constant 0 : i32
      %dma_start3A_110 = tpu.memref_slice %dma_start3A_107[%dma_start3A_108, %dma_start3A_109] : memref<108x96xi32, #tpu.memory_space<hbm>> -> memref<54x96xi32, #tpu.memory_space<hbm>>
      %dma_start3A_111 = arith.constant 0 : i32
      %dma_start3A_112 = arith.constant 0 : i32
      %dma_start3A_113 = tpu.memref_slice %arg3[%add3A, %dma_start3A_111, %dma_start3A_112] : memref<32x108x96xi32, #tpu.memory_space<hbm>> -> memref<1x108x96xi32, #tpu.memory_space<hbm>>
      %dma_start3A_114 = tpu.memref_squeeze %dma_start3A_113 : memref<1x108x96xi32, #tpu.memory_space<hbm>> -> memref<108x96xi32, #tpu.memory_space<hbm>>
      %dma_start3A_115 = arith.constant 0 : i32
      %dma_start3A_116 = arith.constant 0 : i32
      %dma_start3A_117 = tpu.memref_slice %dma_start3A_114[%dma_start3A_115, %dma_start3A_116] : memref<108x96xi32, #tpu.memory_space<hbm>> -> memref<54x96xi32, #tpu.memory_space<hbm>>
      tpu.enqueue_dma source(%dma_start3A_117 : memref<54x96xi32, #tpu.memory_space<hbm>>) target(%arg6 : memref<54x96xi32, #tpu.memory_space<vmem>>) target_semaphore(%run_scoped3A_103 : memref<!tpu.dma_semaphore, #tpu.memory_space<semaphore_mem>>)
      %dma_wait3A = arith.constant 0 : i32
      %dma_wait3A_118 = arith.constant 0 : i32
      %dma_wait3A_119 = tpu.memref_slice %arg3[%add3A, %dma_wait3A, %dma_wait3A_118] : memref<32x108x96xi32, #tpu.memory_space<hbm>> -> memref<1x108x96xi32, #tpu.memory_space<hbm>>
      %dma_wait3A_120 = tpu.memref_squeeze %dma_wait3A_119 : memref<1x108x96xi32, #tpu.memory_space<hbm>> -> memref<108x96xi32, #tpu.memory_space<hbm>>
      %dma_wait3A_121 = arith.constant 0 : i32
      %dma_wait3A_122 = arith.constant 0 : i32
      %dma_wait3A_123 = tpu.memref_slice %dma_wait3A_120[%dma_wait3A_121, %dma_wait3A_122] : memref<108x96xi32, #tpu.memory_space<hbm>> -> memref<54x96xi32, #tpu.memory_space<hbm>>
      %dma_wait3A_124 = arith.constant 0 : i32
      %dma_wait3A_125 = arith.constant 0 : i32
      %dma_wait3A_126 = tpu.memref_slice %arg3[%add3A, %dma_wait3A_124, %dma_wait3A_125] : memref<32x108x96xi32, #tpu.memory_space<hbm>> -> memref<1x108x96xi32, #tpu.memory_space<hbm>>
      %dma_wait3A_127 = tpu.memref_squeeze %dma_wait3A_126 : memref<1x108x96xi32, #tpu.memory_space<hbm>> -> memref<108x96xi32, #tpu.memory_space<hbm>>
      %dma_wait3A_128 = arith.constant 0 : i32
      %dma_wait3A_129 = arith.constant 0 : i32
      %dma_wait3A_130 = tpu.memref_slice %dma_wait3A_127[%dma_wait3A_128, %dma_wait3A_129] : memref<108x96xi32, #tpu.memory_space<hbm>> -> memref<54x96xi32, #tpu.memory_space<hbm>>
      tpu.wait_dma2 semaphore(%run_scoped3A_103 : memref<!tpu.dma_semaphore, #tpu.memory_space<semaphore_mem>>) src(%dma_wait3A_130 : memref<54x96xi32, #tpu.memory_space<hbm>>) dst(%arg6 : memref<54x96xi32, #tpu.memory_space<vmem>>)
      tpu.yield
    }) : () -> ()
    "tpu.region"() ({
      %run_scoped3A_103 = tpu.sem_alloc : memref<!tpu.dma_semaphore, #tpu.memory_space<semaphore_mem>>
      %dma_start3A_104 = arith.constant 0 : i32
      %dma_start3A_105 = arith.constant 0 : i32
      %dma_start3A_106 = tpu.memref_slice %arg4[%add3A, %dma_start3A_104, %dma_start3A_105] : memref<32x108x96xi32, #tpu.memory_space<hbm>> -> memref<1x108x96xi32, #tpu.memory_space<hbm>>
      %dma_start3A_107 = tpu.memref_squeeze %dma_start3A_106 : memref<1x108x96xi32, #tpu.memory_space<hbm>> -> memref<108x96xi32, #tpu.memory_space<hbm>>
      %dma_start3A_108 = arith.constant 0 : i32
      %dma_start3A_109 = arith.constant 0 : i32
      %dma_start3A_110 = tpu.memref_slice %dma_start3A_107[%dma_start3A_108, %dma_start3A_109] : memref<108x96xi32, #tpu.memory_space<hbm>> -> memref<54x96xi32, #tpu.memory_space<hbm>>
      %dma_start3A_111 = arith.constant 0 : i32
      %dma_start3A_112 = arith.constant 0 : i32
      %dma_start3A_113 = tpu.memref_slice %arg4[%add3A, %dma_start3A_111, %dma_start3A_112] : memref<32x108x96xi32, #tpu.memory_space<hbm>> -> memref<1x108x96xi32, #tpu.memory_space<hbm>>
      %dma_start3A_114 = tpu.memref_squeeze %dma_start3A_113 : memref<1x108x96xi32, #tpu.memory_space<hbm>> -> memref<108x96xi32, #tpu.memory_space<hbm>>
      %dma_start3A_115 = arith.constant 0 : i32
      %dma_start3A_116 = arith.constant 0 : i32
      %dma_start3A_117 = tpu.memref_slice %dma_start3A_114[%dma_start3A_115, %dma_start3A_116] : memref<108x96xi32, #tpu.memory_space<hbm>> -> memref<54x96xi32, #tpu.memory_space<hbm>>
      tpu.enqueue_dma source(%dma_start3A_117 : memref<54x96xi32, #tpu.memory_space<hbm>>) target(%arg7 : memref<54x96xi32, #tpu.memory_space<vmem>>) target_semaphore(%run_scoped3A_103 : memref<!tpu.dma_semaphore, #tpu.memory_space<semaphore_mem>>)
      %dma_wait3A = arith.constant 0 : i32
      %dma_wait3A_118 = arith.constant 0 : i32
      %dma_wait3A_119 = tpu.memref_slice %arg4[%add3A, %dma_wait3A, %dma_wait3A_118] : memref<32x108x96xi32, #tpu.memory_space<hbm>> -> memref<1x108x96xi32, #tpu.memory_space<hbm>>
      %dma_wait3A_120 = tpu.memref_squeeze %dma_wait3A_119 : memref<1x108x96xi32, #tpu.memory_space<hbm>> -> memref<108x96xi32, #tpu.memory_space<hbm>>
      %dma_wait3A_121 = arith.constant 0 : i32
      %dma_wait3A_122 = arith.constant 0 : i32
      %dma_wait3A_123 = tpu.memref_slice %dma_wait3A_120[%dma_wait3A_121, %dma_wait3A_122] : memref<108x96xi32, #tpu.memory_space<hbm>> -> memref<54x96xi32, #tpu.memory_space<hbm>>
      %dma_wait3A_124 = arith.constant 0 : i32
      %dma_wait3A_125 = arith.constant 0 : i32
      %dma_wait3A_126 = tpu.memref_slice %arg4[%add3A, %dma_wait3A_124, %dma_wait3A_125] : memref<32x108x96xi32, #tpu.memory_space<hbm>> -> memref<1x108x96xi32, #tpu.memory_space<hbm>>
      %dma_wait3A_127 = tpu.memref_squeeze %dma_wait3A_126 : memref<1x108x96xi32, #tpu.memory_space<hbm>> -> memref<108x96xi32, #tpu.memory_space<hbm>>
      %dma_wait3A_128 = arith.constant 0 : i32
      %dma_wait3A_129 = arith.constant 0 : i32
      %dma_wait3A_130 = tpu.memref_slice %dma_wait3A_127[%dma_wait3A_128, %dma_wait3A_129] : memref<108x96xi32, #tpu.memory_space<hbm>> -> memref<54x96xi32, #tpu.memory_space<hbm>>
      tpu.wait_dma2 semaphore(%run_scoped3A_103 : memref<!tpu.dma_semaphore, #tpu.memory_space<semaphore_mem>>) src(%dma_wait3A_130 : memref<54x96xi32, #tpu.memory_space<hbm>>) dst(%arg7 : memref<54x96xi32, #tpu.memory_space<vmem>>)
      tpu.yield
    }) : () -> ()
    %dma_start3A = arith.constant 0 : i32
    %dma_start3A_41 = arith.constant 0 : i32
    %dma_start3A_42 = arith.constant 0 : i32
    %dma_start3A_43 = arith.constant 0 : i32
    %dma_start3A_44 = tpu.memref_slice %arg8[%dma_start3A_41, %dma_start3A_42, %dma_start3A_43] : memref<3x96x128xf32, #tpu.memory_space<vmem>> -> memref<1x96x128xf32, #tpu.memory_space<vmem>>
    %dma_start3A_45 = tpu.memref_squeeze %dma_start3A_44 : memref<1x96x128xf32, #tpu.memory_space<vmem>> -> memref<96x128xf32, #tpu.memory_space<vmem>>
    %dma_start3A_46 = arith.constant 0 : i32
    %dma_start3A_47 = tpu.memref_slice %arg6[%dma_start3A, %dma_start3A_46] : memref<54x96xi32, #tpu.memory_space<vmem>> -> memref<1x96xi32, #tpu.memory_space<vmem>>
    %dma_start3A_48 = tpu.memref_squeeze %dma_start3A_47 : memref<1x96xi32, #tpu.memory_space<vmem>> -> memref<96xi32, #tpu.memory_space<vmem>>
    %dma_start3A_49 = arith.constant 0 : i32
    %dma_start3A_50 = arith.constant 0 : i32
    %dma_start3A_51 = tpu.memref_slice %arg2[%dma_start3A_49, %dma_start3A_50] : memref<10000x128xf32, #tpu.memory_space<hbm>> -> memref<10000x128xf32, #tpu.memory_space<hbm>>
    tpu.enqueue_indirect_dma source(%dma_start3A_51 : memref<10000x128xf32, #tpu.memory_space<hbm>>) target(%dma_start3A_45 : memref<96x128xf32, #tpu.memory_space<vmem>>) offsets(%dma_start3A_48 : memref<96xi32, #tpu.memory_space<vmem>>) semaphore(%arg10 : memref<!tpu.dma_semaphore, #tpu.memory_space<semaphore_mem>>)
    %dma_start3A_52 = arith.constant 1 : i32
    %dma_start3A_53 = arith.constant 1 : i32
    %dma_start3A_54 = arith.constant 0 : i32
    %dma_start3A_55 = arith.constant 0 : i32
    %dma_start3A_56 = tpu.memref_slice %arg8[%dma_start3A_53, %dma_start3A_54, %dma_start3A_55] : memref<3x96x128xf32, #tpu.memory_space<vmem>> -> memref<1x96x128xf32, #tpu.memory_space<vmem>>
    %dma_start3A_57 = tpu.memref_squeeze %dma_start3A_56 : memref<1x96x128xf32, #tpu.memory_space<vmem>> -> memref<96x128xf32, #tpu.memory_space<vmem>>
    %dma_start3A_58 = arith.constant 0 : i32
    %dma_start3A_59 = tpu.memref_slice %arg6[%dma_start3A_52, %dma_start3A_58] : memref<54x96xi32, #tpu.memory_space<vmem>> -> memref<1x96xi32, #tpu.memory_space<vmem>>
    %dma_start3A_60 = tpu.memref_squeeze %dma_start3A_59 : memref<1x96xi32, #tpu.memory_space<vmem>> -> memref<96xi32, #tpu.memory_space<vmem>>
    %dma_start3A_61 = arith.constant 0 : i32
    %dma_start3A_62 = arith.constant 0 : i32
    %dma_start3A_63 = tpu.memref_slice %arg2[%dma_start3A_61, %dma_start3A_62] : memref<10000x128xf32, #tpu.memory_space<hbm>> -> memref<10000x128xf32, #tpu.memory_space<hbm>>
    tpu.enqueue_indirect_dma source(%dma_start3A_63 : memref<10000x128xf32, #tpu.memory_space<hbm>>) target(%dma_start3A_57 : memref<96x128xf32, #tpu.memory_space<vmem>>) offsets(%dma_start3A_60 : memref<96xi32, #tpu.memory_space<vmem>>) semaphore(%arg11 : memref<!tpu.dma_semaphore, #tpu.memory_space<semaphore_mem>>)
    %scan3A_64 = arith.constant 0 : i32
    %scan3A_65 = arith.constant 0 : i32
    %scan3A_66 = arith.constant 18 : i32
    %scan3A_67 = arith.addi %scan3A_65, %scan3A_66 : i32
    %scan3A_68 = arith.constant 1 : i32
    scf.for %scan3A_103 = %scan3A_65 to %scan3A_67 step %scan3A_68  : i32 {
      %mul3A_104 = arith.constant 3 : i32
      %mul3A_105 = arith.muli %scan3A_103, %mul3A_104 : i32
      %add3A_106 = arith.constant 0 : i32
      %add3A_107 = arith.addi %mul3A_105, %add3A_106 : i32
      %dma_wait3A = arith.constant 0 : i32
      %dma_wait3A_108 = arith.constant 0 : i32
      %dma_wait3A_109 = arith.constant 0 : i32
      %dma_wait3A_110 = tpu.memref_slice %arg8[%dma_wait3A, %dma_wait3A_108, %dma_wait3A_109] : memref<3x96x128xf32, #tpu.memory_space<vmem>> -> memref<1x96x128xf32, #tpu.memory_space<vmem>>
      %dma_wait3A_111 = tpu.memref_squeeze %dma_wait3A_110 : memref<1x96x128xf32, #tpu.memory_space<vmem>> -> memref<96x128xf32, #tpu.memory_space<vmem>>
      %dma_wait3A_112 = arith.constant 0 : i32
      %dma_wait3A_113 = tpu.memref_slice %arg6[%add3A_107, %dma_wait3A_112] : memref<54x96xi32, #tpu.memory_space<vmem>> -> memref<1x96xi32, #tpu.memory_space<vmem>>
      %dma_wait3A_114 = tpu.memref_squeeze %dma_wait3A_113 : memref<1x96xi32, #tpu.memory_space<vmem>> -> memref<96xi32, #tpu.memory_space<vmem>>
      %dma_wait3A_115 = arith.constant 0 : i32
      %dma_wait3A_116 = arith.constant 0 : i32
      %dma_wait3A_117 = tpu.memref_slice %arg2[%dma_wait3A_115, %dma_wait3A_116] : memref<10000x128xf32, #tpu.memory_space<hbm>> -> memref<10000x128xf32, #tpu.memory_space<hbm>>
      tpu.wait_indirect_dma semaphore(%arg10 : memref<!tpu.dma_semaphore, #tpu.memory_space<semaphore_mem>>) src(%dma_wait3A_117 : memref<10000x128xf32, #tpu.memory_space<hbm>>) dst(%dma_wait3A_111 : memref<96x128xf32, #tpu.memory_space<vmem>>)
      %add3A_118 = arith.constant 3 : i32
      %add3A_119 = arith.addi %add3A_107, %add3A_118 : i32
      %sub3A = arith.constant 1 : i32
      %sub3A_120 = arith.subi %add3A_119, %sub3A : i32
      %dma_start3A_121 = arith.constant 2 : i32
      %dma_start3A_122 = arith.constant 0 : i32
      %dma_start3A_123 = arith.constant 0 : i32
      %dma_start3A_124 = tpu.memref_slice %arg8[%dma_start3A_121, %dma_start3A_122, %dma_start3A_123] : memref<3x96x128xf32, #tpu.memory_space<vmem>> -> memref<1x96x128xf32, #tpu.memory_space<vmem>>
      %dma_start3A_125 = tpu.memref_squeeze %dma_start3A_124 : memref<1x96x128xf32, #tpu.memory_space<vmem>> -> memref<96x128xf32, #tpu.memory_space<vmem>>
      %dma_start3A_126 = arith.constant 0 : i32
      %dma_start3A_127 = tpu.memref_slice %arg6[%sub3A_120, %dma_start3A_126] : memref<54x96xi32, #tpu.memory_space<vmem>> -> memref<1x96xi32, #tpu.memory_space<vmem>>
      %dma_start3A_128 = tpu.memref_squeeze %dma_start3A_127 : memref<1x96xi32, #tpu.memory_space<vmem>> -> memref<96xi32, #tpu.memory_space<vmem>>
      %dma_start3A_129 = arith.constant 0 : i32
      %dma_start3A_130 = arith.constant 0 : i32
      %dma_start3A_131 = tpu.memref_slice %arg2[%dma_start3A_129, %dma_start3A_130] : memref<10000x128xf32, #tpu.memory_space<hbm>> -> memref<10000x128xf32, #tpu.memory_space<hbm>>
      tpu.enqueue_indirect_dma source(%dma_start3A_131 : memref<10000x128xf32, #tpu.memory_space<hbm>>) target(%dma_start3A_125 : memref<96x128xf32, #tpu.memory_space<vmem>>) offsets(%dma_start3A_128 : memref<96xi32, #tpu.memory_space<vmem>>) semaphore(%arg12 : memref<!tpu.dma_semaphore, #tpu.memory_space<semaphore_mem>>)
      %run_scoped3A_132 = arith.constant 0 : i32
      "tpu.region"() ({
        %run_scoped3A_172 = tpu.sem_alloc : memref<!tpu.dma_semaphore, #tpu.memory_space<semaphore_mem>>
        %dma_start3A_173 = arith.constant 0 : i32
        %dma_start3A_174 = arith.constant 0 : i32
        %dma_start3A_175 = tpu.memref_slice %arg8[%run_scoped3A_132, %dma_start3A_173, %dma_start3A_174] : memref<3x96x128xf32, #tpu.memory_space<vmem>> -> memref<1x96x128xf32, #tpu.memory_space<vmem>>
        %dma_start3A_176 = tpu.memref_squeeze %dma_start3A_175 : memref<1x96x128xf32, #tpu.memory_space<vmem>> -> memref<96x128xf32, #tpu.memory_space<vmem>>
        %dma_start3A_177 = arith.constant 0 : i32
        %dma_start3A_178 = tpu.memref_slice %arg7[%add3A_107, %dma_start3A_177] : memref<54x96xi32, #tpu.memory_space<vmem>> -> memref<1x96xi32, #tpu.memory_space<vmem>>
        %dma_start3A_179 = tpu.memref_squeeze %dma_start3A_178 : memref<1x96xi32, #tpu.memory_space<vmem>> -> memref<96xi32, #tpu.memory_space<vmem>>
        %dma_start3A_180 = arith.constant 0 : i32
        %dma_start3A_181 = arith.constant 0 : i32
        %dma_start3A_182 = tpu.memref_slice %arg9[%dma_start3A_180, %dma_start3A_181] : memref<10240x128xf32, #tpu.memory_space<vmem_shared>> -> memref<10240x128xf32, #tpu.memory_space<vmem_shared>>
        tpu.enqueue_indirect_dma source(%dma_start3A_176 : memref<96x128xf32, #tpu.memory_space<vmem>>) target(%dma_start3A_182 : memref<10240x128xf32, #tpu.memory_space<vmem_shared>>) offsets(%dma_start3A_179 : memref<96xi32, #tpu.memory_space<vmem>>) semaphore(%run_scoped3A_172 : memref<!tpu.dma_semaphore, #tpu.memory_space<semaphore_mem>>) {add = true}
        %dma_wait3A_183 = arith.constant 0 : i32
        %dma_wait3A_184 = arith.constant 0 : i32
        %dma_wait3A_185 = tpu.memref_slice %arg8[%run_scoped3A_132, %dma_wait3A_183, %dma_wait3A_184] : memref<3x96x128xf32, #tpu.memory_space<vmem>> -> memref<1x96x128xf32, #tpu.memory_space<vmem>>
        %dma_wait3A_186 = tpu.memref_squeeze %dma_wait3A_185 : memref<1x96x128xf32, #tpu.memory_space<vmem>> -> memref<96x128xf32, #tpu.memory_space<vmem>>
        %dma_wait3A_187 = arith.constant 0 : i32
        %dma_wait3A_188 = tpu.memref_slice %arg7[%add3A_107, %dma_wait3A_187] : memref<54x96xi32, #tpu.memory_space<vmem>> -> memref<1x96xi32, #tpu.memory_space<vmem>>
        %dma_wait3A_189 = tpu.memref_squeeze %dma_wait3A_188 : memref<1x96xi32, #tpu.memory_space<vmem>> -> memref<96xi32, #tpu.memory_space<vmem>>
        %dma_wait3A_190 = arith.constant 0 : i32
        %dma_wait3A_191 = arith.constant 0 : i32
        %dma_wait3A_192 = tpu.memref_slice %arg9[%dma_wait3A_190, %dma_wait3A_191] : memref<10240x128xf32, #tpu.memory_space<vmem_shared>> -> memref<10240x128xf32, #tpu.memory_space<vmem_shared>>
        tpu.wait_indirect_dma semaphore(%run_scoped3A_172 : memref<!tpu.dma_semaphore, #tpu.memory_space<semaphore_mem>>) src(%dma_wait3A_186 : memref<96x128xf32, #tpu.memory_space<vmem>>) dst(%dma_wait3A_192 : memref<10240x128xf32, #tpu.memory_space<vmem_shared>>)
        tpu.yield
      }) : () -> ()
      %mul3A_133 = arith.constant 3 : i32
      %mul3A_134 = arith.muli %scan3A_103, %mul3A_133 : i32
      %add3A_135 = arith.constant 1 : i32
      %add3A_136 = arith.addi %mul3A_134, %add3A_135 : i32
      %dma_wait3A_137 = arith.constant 1 : i32
      %dma_wait3A_138 = arith.constant 0 : i32
      %dma_wait3A_139 = arith.constant 0 : i32
      %dma_wait3A_140 = tpu.memref_slice %arg8[%dma_wait3A_137, %dma_wait3A_138, %dma_wait3A_139] : memref<3x96x128xf32, #tpu.memory_space<vmem>> -> memref<1x96x128xf32, #tpu.memory_space<vmem>>
      %dma_wait3A_141 = tpu.memref_squeeze %dma_wait3A_140 : memref<1x96x128xf32, #tpu.memory_space<vmem>> -> memref<96x128xf32, #tpu.memory_space<vmem>>
      %dma_wait3A_142 = arith.constant 0 : i32
      %dma_wait3A_143 = tpu.memref_slice %arg6[%add3A_136, %dma_wait3A_142] : memref<54x96xi32, #tpu.memory_space<vmem>> -> memref<1x96xi32, #tpu.memory_space<vmem>>
      %dma_wait3A_144 = tpu.memref_squeeze %dma_wait3A_143 : memref<1x96xi32, #tpu.memory_space<vmem>> -> memref<96xi32, #tpu.memory_space<vmem>>
      %dma_wait3A_145 = arith.constant 0 : i32
      %dma_wait3A_146 = arith.constant 0 : i32
      %dma_wait3A_147 = tpu.memref_slice %arg2[%dma_wait3A_145, %dma_wait3A_146] : memref<10000x128xf32, #tpu.memory_space<hbm>> -> memref<10000x128xf32, #tpu.memory_space<hbm>>
      tpu.wait_indirect_dma semaphore(%arg11 : memref<!tpu.dma_semaphore, #tpu.memory_space<semaphore_mem>>) src(%dma_wait3A_147 : memref<10000x128xf32, #tpu.memory_space<hbm>>) dst(%dma_wait3A_141 : memref<96x128xf32, #tpu.memory_space<vmem>>)
      %lt3A = arith.constant 17 : i32
      %lt3A_148 = arith.cmpi slt, %scan3A_103, %lt3A : i32
      %convert_element_type3A = arith.extui %lt3A_148 : i1 to i32
      %cond3A = arith.constant 0 : i32
      %cond3A_149 = arith.cmpi ne, %convert_element_type3A, %cond3A : i32
      scf.if %cond3A_149 {
        %add3A_172 = arith.constant 3 : i32
        %add3A_173 = arith.addi %add3A_136, %add3A_172 : i32
        %sub3A_174 = arith.constant 1 : i32
        %sub3A_175 = arith.subi %add3A_173, %sub3A_174 : i32
        %dma_start3A_176 = arith.constant 0 : i32
        %dma_start3A_177 = arith.constant 0 : i32
        %dma_start3A_178 = arith.constant 0 : i32
        %dma_start3A_179 = tpu.memref_slice %arg8[%dma_start3A_176, %dma_start3A_177, %dma_start3A_178] : memref<3x96x128xf32, #tpu.memory_space<vmem>> -> memref<1x96x128xf32, #tpu.memory_space<vmem>>
        %dma_start3A_180 = tpu.memref_squeeze %dma_start3A_179 : memref<1x96x128xf32, #tpu.memory_space<vmem>> -> memref<96x128xf32, #tpu.memory_space<vmem>>
        %dma_start3A_181 = arith.constant 0 : i32
        %dma_start3A_182 = tpu.memref_slice %arg6[%sub3A_175, %dma_start3A_181] : memref<54x96xi32, #tpu.memory_space<vmem>> -> memref<1x96xi32, #tpu.memory_space<vmem>>
        %dma_start3A_183 = tpu.memref_squeeze %dma_start3A_182 : memref<1x96xi32, #tpu.memory_space<vmem>> -> memref<96xi32, #tpu.memory_space<vmem>>
        %dma_start3A_184 = arith.constant 0 : i32
        %dma_start3A_185 = arith.constant 0 : i32
        %dma_start3A_186 = tpu.memref_slice %arg2[%dma_start3A_184, %dma_start3A_185] : memref<10000x128xf32, #tpu.memory_space<hbm>> -> memref<10000x128xf32, #tpu.memory_space<hbm>>
        tpu.enqueue_indirect_dma source(%dma_start3A_186 : memref<10000x128xf32, #tpu.memory_space<hbm>>) target(%dma_start3A_180 : memref<96x128xf32, #tpu.memory_space<vmem>>) offsets(%dma_start3A_183 : memref<96xi32, #tpu.memory_space<vmem>>) semaphore(%arg10 : memref<!tpu.dma_semaphore, #tpu.memory_space<semaphore_mem>>)
      } else {
      }
      %run_scoped3A_150 = arith.constant 1 : i32
      "tpu.region"() ({
        %run_scoped3A_172 = tpu.sem_alloc : memref<!tpu.dma_semaphore, #tpu.memory_space<semaphore_mem>>
        %dma_start3A_173 = arith.constant 0 : i32
        %dma_start3A_174 = arith.constant 0 : i32
        %dma_start3A_175 = tpu.memref_slice %arg8[%run_scoped3A_150, %dma_start3A_173, %dma_start3A_174] : memref<3x96x128xf32, #tpu.memory_space<vmem>> -> memref<1x96x128xf32, #tpu.memory_space<vmem>>
        %dma_start3A_176 = tpu.memref_squeeze %dma_start3A_175 : memref<1x96x128xf32, #tpu.memory_space<vmem>> -> memref<96x128xf32, #tpu.memory_space<vmem>>
        %dma_start3A_177 = arith.constant 0 : i32
        %dma_start3A_178 = tpu.memref_slice %arg7[%add3A_136, %dma_start3A_177] : memref<54x96xi32, #tpu.memory_space<vmem>> -> memref<1x96xi32, #tpu.memory_space<vmem>>
        %dma_start3A_179 = tpu.memref_squeeze %dma_start3A_178 : memref<1x96xi32, #tpu.memory_space<vmem>> -> memref<96xi32, #tpu.memory_space<vmem>>
        %dma_start3A_180 = arith.constant 0 : i32
        %dma_start3A_181 = arith.constant 0 : i32
        %dma_start3A_182 = tpu.memref_slice %arg9[%dma_start3A_180, %dma_start3A_181] : memref<10240x128xf32, #tpu.memory_space<vmem_shared>> -> memref<10240x128xf32, #tpu.memory_space<vmem_shared>>
        tpu.enqueue_indirect_dma source(%dma_start3A_176 : memref<96x128xf32, #tpu.memory_space<vmem>>) target(%dma_start3A_182 : memref<10240x128xf32, #tpu.memory_space<vmem_shared>>) offsets(%dma_start3A_179 : memref<96xi32, #tpu.memory_space<vmem>>) semaphore(%run_scoped3A_172 : memref<!tpu.dma_semaphore, #tpu.memory_space<semaphore_mem>>) {add = true}
        %dma_wait3A_183 = arith.constant 0 : i32
        %dma_wait3A_184 = arith.constant 0 : i32
        %dma_wait3A_185 = tpu.memref_slice %arg8[%run_scoped3A_150, %dma_wait3A_183, %dma_wait3A_184] : memref<3x96x128xf32, #tpu.memory_space<vmem>> -> memref<1x96x128xf32, #tpu.memory_space<vmem>>
        %dma_wait3A_186 = tpu.memref_squeeze %dma_wait3A_185 : memref<1x96x128xf32, #tpu.memory_space<vmem>> -> memref<96x128xf32, #tpu.memory_space<vmem>>
        %dma_wait3A_187 = arith.constant 0 : i32
        %dma_wait3A_188 = tpu.memref_slice %arg7[%add3A_136, %dma_wait3A_187] : memref<54x96xi32, #tpu.memory_space<vmem>> -> memref<1x96xi32, #tpu.memory_space<vmem>>
        %dma_wait3A_189 = tpu.memref_squeeze %dma_wait3A_188 : memref<1x96xi32, #tpu.memory_space<vmem>> -> memref<96xi32, #tpu.memory_space<vmem>>
        %dma_wait3A_190 = arith.constant 0 : i32
        %dma_wait3A_191 = arith.constant 0 : i32
        %dma_wait3A_192 = tpu.memref_slice %arg9[%dma_wait3A_190, %dma_wait3A_191] : memref<10240x128xf32, #tpu.memory_space<vmem_shared>> -> memref<10240x128xf32, #tpu.memory_space<vmem_shared>>
        tpu.wait_indirect_dma semaphore(%run_scoped3A_172 : memref<!tpu.dma_semaphore, #tpu.memory_space<semaphore_mem>>) src(%dma_wait3A_186 : memref<96x128xf32, #tpu.memory_space<vmem>>) dst(%dma_wait3A_192 : memref<10240x128xf32, #tpu.memory_space<vmem_shared>>)
        tpu.yield
      }) : () -> ()
      %mul3A_151 = arith.constant 3 : i32
      %mul3A_152 = arith.muli %scan3A_103, %mul3A_151 : i32
      %add3A_153 = arith.constant 2 : i32
      %add3A_154 = arith.addi %mul3A_152, %add3A_153 : i32
      %dma_wait3A_155 = arith.constant 2 : i32
      %dma_wait3A_156 = arith.constant 0 : i32
      %dma_wait3A_157 = arith.constant 0 : i32
      %dma_wait3A_158 = tpu.memref_slice %arg8[%dma_wait3A_155, %dma_wait3A_156, %dma_wait3A_157] : memref<3x96x128xf32, #tpu.memory_space<vmem>> -> memref<1x96x128xf32, #tpu.memory_space<vmem>>
      %dma_wait3A_159 = tpu.memref_squeeze %dma_wait3A_158 : memref<1x96x128xf32, #tpu.memory_space<vmem>> -> memref<96x128xf32, #tpu.memory_space<vmem>>
      %dma_wait3A_160 = arith.constant 0 : i32
      %dma_wait3A_161 = tpu.memref_slice %arg6[%add3A_154, %dma_wait3A_160] : memref<54x96xi32, #tpu.memory_space<vmem>> -> memref<1x96xi32, #tpu.memory_space<vmem>>
      %dma_wait3A_162 = tpu.memref_squeeze %dma_wait3A_161 : memref<1x96xi32, #tpu.memory_space<vmem>> -> memref<96xi32, #tpu.memory_space<vmem>>
      %dma_wait3A_163 = arith.constant 0 : i32
      %dma_wait3A_164 = arith.constant 0 : i32
      %dma_wait3A_165 = tpu.memref_slice %arg2[%dma_wait3A_163, %dma_wait3A_164] : memref<10000x128xf32, #tpu.memory_space<hbm>> -> memref<10000x128xf32, #tpu.memory_space<hbm>>
      tpu.wait_indirect_dma semaphore(%arg12 : memref<!tpu.dma_semaphore, #tpu.memory_space<semaphore_mem>>) src(%dma_wait3A_165 : memref<10000x128xf32, #tpu.memory_space<hbm>>) dst(%dma_wait3A_159 : memref<96x128xf32, #tpu.memory_space<vmem>>)
      %lt3A_166 = arith.constant 17 : i32
      %lt3A_167 = arith.cmpi slt, %scan3A_103, %lt3A_166 : i32
      %convert_element_type3A_168 = arith.extui %lt3A_167 : i1 to i32
      %cond3A_169 = arith.constant 0 : i32
      %cond3A_170 = arith.cmpi ne, %convert_element_type3A_168, %cond3A_169 : i32
      scf.if %cond3A_170 {
        %add3A_172 = arith.constant 3 : i32
        %add3A_173 = arith.addi %add3A_154, %add3A_172 : i32
        %sub3A_174 = arith.constant 1 : i32
        %sub3A_175 = arith.subi %add3A_173, %sub3A_174 : i32
        %dma_start3A_176 = arith.constant 1 : i32
        %dma_start3A_177 = arith.constant 0 : i32
        %dma_start3A_178 = arith.constant 0 : i32
        %dma_start3A_179 = tpu.memref_slice %arg8[%dma_start3A_176, %dma_start3A_177, %dma_start3A_178] : memref<3x96x128xf32, #tpu.memory_space<vmem>> -> memref<1x96x128xf32, #tpu.memory_space<vmem>>
        %dma_start3A_180 = tpu.memref_squeeze %dma_start3A_179 : memref<1x96x128xf32, #tpu.memory_space<vmem>> -> memref<96x128xf32, #tpu.memory_space<vmem>>
        %dma_start3A_181 = arith.constant 0 : i32
        %dma_start3A_182 = tpu.memref_slice %arg6[%sub3A_175, %dma_start3A_181] : memref<54x96xi32, #tpu.memory_space<vmem>> -> memref<1x96xi32, #tpu.memory_space<vmem>>
        %dma_start3A_183 = tpu.memref_squeeze %dma_start3A_182 : memref<1x96xi32, #tpu.memory_space<vmem>> -> memref<96xi32, #tpu.memory_space<vmem>>
        %dma_start3A_184 = arith.constant 0 : i32
        %dma_start3A_185 = arith.constant 0 : i32
        %dma_start3A_186 = tpu.memref_slice %arg2[%dma_start3A_184, %dma_start3A_185] : memref<10000x128xf32, #tpu.memory_space<hbm>> -> memref<10000x128xf32, #tpu.memory_space<hbm>>
        tpu.enqueue_indirect_dma source(%dma_start3A_186 : memref<10000x128xf32, #tpu.memory_space<hbm>>) target(%dma_start3A_180 : memref<96x128xf32, #tpu.memory_space<vmem>>) offsets(%dma_start3A_183 : memref<96xi32, #tpu.memory_space<vmem>>) semaphore(%arg11 : memref<!tpu.dma_semaphore, #tpu.memory_space<semaphore_mem>>)
      } else {
      }
      %run_scoped3A_171 = arith.constant 2 : i32
      "tpu.region"() ({
        %run_scoped3A_172 = tpu.sem_alloc : memref<!tpu.dma_semaphore, #tpu.memory_space<semaphore_mem>>
        %dma_start3A_173 = arith.constant 0 : i32
        %dma_start3A_174 = arith.constant 0 : i32
        %dma_start3A_175 = tpu.memref_slice %arg8[%run_scoped3A_171, %dma_start3A_173, %dma_start3A_174] : memref<3x96x128xf32, #tpu.memory_space<vmem>> -> memref<1x96x128xf32, #tpu.memory_space<vmem>>
        %dma_start3A_176 = tpu.memref_squeeze %dma_start3A_175 : memref<1x96x128xf32, #tpu.memory_space<vmem>> -> memref<96x128xf32, #tpu.memory_space<vmem>>
        %dma_start3A_177 = arith.constant 0 : i32
        %dma_start3A_178 = tpu.memref_slice %arg7[%add3A_154, %dma_start3A_177] : memref<54x96xi32, #tpu.memory_space<vmem>> -> memref<1x96xi32, #tpu.memory_space<vmem>>
        %dma_start3A_179 = tpu.memref_squeeze %dma_start3A_178 : memref<1x96xi32, #tpu.memory_space<vmem>> -> memref<96xi32, #tpu.memory_space<vmem>>
        %dma_start3A_180 = arith.constant 0 : i32
        %dma_start3A_181 = arith.constant 0 : i32
        %dma_start3A_182 = tpu.memref_slice %arg9[%dma_start3A_180, %dma_start3A_181] : memref<10240x128xf32, #tpu.memory_space<vmem_shared>> -> memref<10240x128xf32, #tpu.memory_space<vmem_shared>>
        tpu.enqueue_indirect_dma source(%dma_start3A_176 : memref<96x128xf32, #tpu.memory_space<vmem>>) target(%dma_start3A_182 : memref<10240x128xf32, #tpu.memory_space<vmem_shared>>) offsets(%dma_start3A_179 : memref<96xi32, #tpu.memory_space<vmem>>) semaphore(%run_scoped3A_172 : memref<!tpu.dma_semaphore, #tpu.memory_space<semaphore_mem>>) {add = true}
        %dma_wait3A_183 = arith.constant 0 : i32
        %dma_wait3A_184 = arith.constant 0 : i32
        %dma_wait3A_185 = tpu.memref_slice %arg8[%run_scoped3A_171, %dma_wait3A_183, %dma_wait3A_184] : memref<3x96x128xf32, #tpu.memory_space<vmem>> -> memref<1x96x128xf32, #tpu.memory_space<vmem>>
        %dma_wait3A_186 = tpu.memref_squeeze %dma_wait3A_185 : memref<1x96x128xf32, #tpu.memory_space<vmem>> -> memref<96x128xf32, #tpu.memory_space<vmem>>
        %dma_wait3A_187 = arith.constant 0 : i32
        %dma_wait3A_188 = tpu.memref_slice %arg7[%add3A_154, %dma_wait3A_187] : memref<54x96xi32, #tpu.memory_space<vmem>> -> memref<1x96xi32, #tpu.memory_space<vmem>>
        %dma_wait3A_189 = tpu.memref_squeeze %dma_wait3A_188 : memref<1x96xi32, #tpu.memory_space<vmem>> -> memref<96xi32, #tpu.memory_space<vmem>>
        %dma_wait3A_190 = arith.constant 0 : i32
        %dma_wait3A_191 = arith.constant 0 : i32
        %dma_wait3A_192 = tpu.memref_slice %arg9[%dma_wait3A_190, %dma_wait3A_191] : memref<10240x128xf32, #tpu.memory_space<vmem_shared>> -> memref<10240x128xf32, #tpu.memory_space<vmem_shared>>
        tpu.wait_indirect_dma semaphore(%run_scoped3A_172 : memref<!tpu.dma_semaphore, #tpu.memory_space<semaphore_mem>>) src(%dma_wait3A_186 : memref<96x128xf32, #tpu.memory_space<vmem>>) dst(%dma_wait3A_192 : memref<10240x128xf32, #tpu.memory_space<vmem_shared>>)
        tpu.yield
      }) : () -> ()
    }
    %scan3A_69 = arith.constant 18 : i32
    "tpu.region"() ({
      %run_scoped3A_103 = tpu.sem_alloc : memref<!tpu.dma_semaphore, #tpu.memory_space<semaphore_mem>>
      %dma_start3A_104 = arith.constant 0 : i32
      %dma_start3A_105 = arith.constant 0 : i32
      %dma_start3A_106 = tpu.memref_slice %arg3[%add3A, %dma_start3A_104, %dma_start3A_105] : memref<32x108x96xi32, #tpu.memory_space<hbm>> -> memref<1x108x96xi32, #tpu.memory_space<hbm>>
      %dma_start3A_107 = tpu.memref_squeeze %dma_start3A_106 : memref<1x108x96xi32, #tpu.memory_space<hbm>> -> memref<108x96xi32, #tpu.memory_space<hbm>>
      %dma_start3A_108 = arith.constant 54 : i32
      %dma_start3A_109 = arith.constant 0 : i32
      %dma_start3A_110 = tpu.memref_slice %dma_start3A_107[%dma_start3A_108, %dma_start3A_109] : memref<108x96xi32, #tpu.memory_space<hbm>> -> memref<54x96xi32, #tpu.memory_space<hbm>>
      %dma_start3A_111 = arith.constant 0 : i32
      %dma_start3A_112 = arith.constant 0 : i32
      %dma_start3A_113 = tpu.memref_slice %arg3[%add3A, %dma_start3A_111, %dma_start3A_112] : memref<32x108x96xi32, #tpu.memory_space<hbm>> -> memref<1x108x96xi32, #tpu.memory_space<hbm>>
      %dma_start3A_114 = tpu.memref_squeeze %dma_start3A_113 : memref<1x108x96xi32, #tpu.memory_space<hbm>> -> memref<108x96xi32, #tpu.memory_space<hbm>>
      %dma_start3A_115 = arith.constant 54 : i32
      %dma_start3A_116 = arith.constant 0 : i32
      %dma_start3A_117 = tpu.memref_slice %dma_start3A_114[%dma_start3A_115, %dma_start3A_116] : memref<108x96xi32, #tpu.memory_space<hbm>> -> memref<54x96xi32, #tpu.memory_space<hbm>>
      tpu.enqueue_dma source(%dma_start3A_117 : memref<54x96xi32, #tpu.memory_space<hbm>>) target(%arg6 : memref<54x96xi32, #tpu.memory_space<vmem>>) target_semaphore(%run_scoped3A_103 : memref<!tpu.dma_semaphore, #tpu.memory_space<semaphore_mem>>)
      %dma_wait3A = arith.constant 0 : i32
      %dma_wait3A_118 = arith.constant 0 : i32
      %dma_wait3A_119 = tpu.memref_slice %arg3[%add3A, %dma_wait3A, %dma_wait3A_118] : memref<32x108x96xi32, #tpu.memory_space<hbm>> -> memref<1x108x96xi32, #tpu.memory_space<hbm>>
      %dma_wait3A_120 = tpu.memref_squeeze %dma_wait3A_119 : memref<1x108x96xi32, #tpu.memory_space<hbm>> -> memref<108x96xi32, #tpu.memory_space<hbm>>
      %dma_wait3A_121 = arith.constant 54 : i32
      %dma_wait3A_122 = arith.constant 0 : i32
      %dma_wait3A_123 = tpu.memref_slice %dma_wait3A_120[%dma_wait3A_121, %dma_wait3A_122] : memref<108x96xi32, #tpu.memory_space<hbm>> -> memref<54x96xi32, #tpu.memory_space<hbm>>
      %dma_wait3A_124 = arith.constant 0 : i32
      %dma_wait3A_125 = arith.constant 0 : i32
      %dma_wait3A_126 = tpu.memref_slice %arg3[%add3A, %dma_wait3A_124, %dma_wait3A_125] : memref<32x108x96xi32, #tpu.memory_space<hbm>> -> memref<1x108x96xi32, #tpu.memory_space<hbm>>
      %dma_wait3A_127 = tpu.memref_squeeze %dma_wait3A_126 : memref<1x108x96xi32, #tpu.memory_space<hbm>> -> memref<108x96xi32, #tpu.memory_space<hbm>>
      %dma_wait3A_128 = arith.constant 54 : i32
      %dma_wait3A_129 = arith.constant 0 : i32
      %dma_wait3A_130 = tpu.memref_slice %dma_wait3A_127[%dma_wait3A_128, %dma_wait3A_129] : memref<108x96xi32, #tpu.memory_space<hbm>> -> memref<54x96xi32, #tpu.memory_space<hbm>>
      tpu.wait_dma2 semaphore(%run_scoped3A_103 : memref<!tpu.dma_semaphore, #tpu.memory_space<semaphore_mem>>) src(%dma_wait3A_130 : memref<54x96xi32, #tpu.memory_space<hbm>>) dst(%arg6 : memref<54x96xi32, #tpu.memory_space<vmem>>)
      tpu.yield
    }) : () -> ()
    "tpu.region"() ({
      %run_scoped3A_103 = tpu.sem_alloc : memref<!tpu.dma_semaphore, #tpu.memory_space<semaphore_mem>>
      %dma_start3A_104 = arith.constant 0 : i32
      %dma_start3A_105 = arith.constant 0 : i32
      %dma_start3A_106 = tpu.memref_slice %arg4[%add3A, %dma_start3A_104, %dma_start3A_105] : memref<32x108x96xi32, #tpu.memory_space<hbm>> -> memref<1x108x96xi32, #tpu.memory_space<hbm>>
      %dma_start3A_107 = tpu.memref_squeeze %dma_start3A_106 : memref<1x108x96xi32, #tpu.memory_space<hbm>> -> memref<108x96xi32, #tpu.memory_space<hbm>>
      %dma_start3A_108 = arith.constant 54 : i32
      %dma_start3A_109 = arith.constant 0 : i32
      %dma_start3A_110 = tpu.memref_slice %dma_start3A_107[%dma_start3A_108, %dma_start3A_109] : memref<108x96xi32, #tpu.memory_space<hbm>> -> memref<54x96xi32, #tpu.memory_space<hbm>>
      %dma_start3A_111 = arith.constant 0 : i32
      %dma_start3A_112 = arith.constant 0 : i32
      %dma_start3A_113 = tpu.memref_slice %arg4[%add3A, %dma_start3A_111, %dma_start3A_112] : memref<32x108x96xi32, #tpu.memory_space<hbm>> -> memref<1x108x96xi32, #tpu.memory_space<hbm>>
      %dma_start3A_114 = tpu.memref_squeeze %dma_start3A_113 : memref<1x108x96xi32, #tpu.memory_space<hbm>> -> memref<108x96xi32, #tpu.memory_space<hbm>>
      %dma_start3A_115 = arith.constant 54 : i32
      %dma_start3A_116 = arith.constant 0 : i32
      %dma_start3A_117 = tpu.memref_slice %dma_start3A_114[%dma_start3A_115, %dma_start3A_116] : memref<108x96xi32, #tpu.memory_space<hbm>> -> memref<54x96xi32, #tpu.memory_space<hbm>>
      tpu.enqueue_dma source(%dma_start3A_117 : memref<54x96xi32, #tpu.memory_space<hbm>>) target(%arg7 : memref<54x96xi32, #tpu.memory_space<vmem>>) target_semaphore(%run_scoped3A_103 : memref<!tpu.dma_semaphore, #tpu.memory_space<semaphore_mem>>)
      %dma_wait3A = arith.constant 0 : i32
      %dma_wait3A_118 = arith.constant 0 : i32
      %dma_wait3A_119 = tpu.memref_slice %arg4[%add3A, %dma_wait3A, %dma_wait3A_118] : memref<32x108x96xi32, #tpu.memory_space<hbm>> -> memref<1x108x96xi32, #tpu.memory_space<hbm>>
      %dma_wait3A_120 = tpu.memref_squeeze %dma_wait3A_119 : memref<1x108x96xi32, #tpu.memory_space<hbm>> -> memref<108x96xi32, #tpu.memory_space<hbm>>
      %dma_wait3A_121 = arith.constant 54 : i32
      %dma_wait3A_122 = arith.constant 0 : i32
      %dma_wait3A_123 = tpu.memref_slice %dma_wait3A_120[%dma_wait3A_121, %dma_wait3A_122] : memref<108x96xi32, #tpu.memory_space<hbm>> -> memref<54x96xi32, #tpu.memory_space<hbm>>
      %dma_wait3A_124 = arith.constant 0 : i32
      %dma_wait3A_125 = arith.constant 0 : i32
      %dma_wait3A_126 = tpu.memref_slice %arg4[%add3A, %dma_wait3A_124, %dma_wait3A_125] : memref<32x108x96xi32, #tpu.memory_space<hbm>> -> memref<1x108x96xi32, #tpu.memory_space<hbm>>
      %dma_wait3A_127 = tpu.memref_squeeze %dma_wait3A_126 : memref<1x108x96xi32, #tpu.memory_space<hbm>> -> memref<108x96xi32, #tpu.memory_space<hbm>>
      %dma_wait3A_128 = arith.constant 54 : i32
      %dma_wait3A_129 = arith.constant 0 : i32
      %dma_wait3A_130 = tpu.memref_slice %dma_wait3A_127[%dma_wait3A_128, %dma_wait3A_129] : memref<108x96xi32, #tpu.memory_space<hbm>> -> memref<54x96xi32, #tpu.memory_space<hbm>>
      tpu.wait_dma2 semaphore(%run_scoped3A_103 : memref<!tpu.dma_semaphore, #tpu.memory_space<semaphore_mem>>) src(%dma_wait3A_130 : memref<54x96xi32, #tpu.memory_space<hbm>>) dst(%arg7 : memref<54x96xi32, #tpu.memory_space<vmem>>)
      tpu.yield
    }) : () -> ()
    %dma_start3A_70 = arith.constant 0 : i32
    %dma_start3A_71 = arith.constant 0 : i32
    %dma_start3A_72 = arith.constant 0 : i32
    %dma_start3A_73 = arith.constant 0 : i32
    %dma_start3A_74 = tpu.memref_slice %arg8[%dma_start3A_71, %dma_start3A_72, %dma_start3A_73] : memref<3x96x128xf32, #tpu.memory_space<vmem>> -> memref<1x96x128xf32, #tpu.memory_space<vmem>>
    %dma_start3A_75 = tpu.memref_squeeze %dma_start3A_74 : memref<1x96x128xf32, #tpu.memory_space<vmem>> -> memref<96x128xf32, #tpu.memory_space<vmem>>
    %dma_start3A_76 = arith.constant 0 : i32
    %dma_start3A_77 = tpu.memref_slice %arg6[%dma_start3A_70, %dma_start3A_76] : memref<54x96xi32, #tpu.memory_space<vmem>> -> memref<1x96xi32, #tpu.memory_space<vmem>>
    %dma_start3A_78 = tpu.memref_squeeze %dma_start3A_77 : memref<1x96xi32, #tpu.memory_space<vmem>> -> memref<96xi32, #tpu.memory_space<vmem>>
    %dma_start3A_79 = arith.constant 0 : i32
    %dma_start3A_80 = arith.constant 0 : i32
    %dma_start3A_81 = tpu.memref_slice %arg2[%dma_start3A_79, %dma_start3A_80] : memref<10000x128xf32, #tpu.memory_space<hbm>> -> memref<10000x128xf32, #tpu.memory_space<hbm>>
    tpu.enqueue_indirect_dma source(%dma_start3A_81 : memref<10000x128xf32, #tpu.memory_space<hbm>>) target(%dma_start3A_75 : memref<96x128xf32, #tpu.memory_space<vmem>>) offsets(%dma_start3A_78 : memref<96xi32, #tpu.memory_space<vmem>>) semaphore(%arg10 : memref<!tpu.dma_semaphore, #tpu.memory_space<semaphore_mem>>)
    %dma_start3A_82 = arith.constant 1 : i32
    %dma_start3A_83 = arith.constant 1 : i32
    %dma_start3A_84 = arith.constant 0 : i32
    %dma_start3A_85 = arith.constant 0 : i32
    %dma_start3A_86 = tpu.memref_slice %arg8[%dma_start3A_83, %dma_start3A_84, %dma_start3A_85] : memref<3x96x128xf32, #tpu.memory_space<vmem>> -> memref<1x96x128xf32, #tpu.memory_space<vmem>>
    %dma_start3A_87 = tpu.memref_squeeze %dma_start3A_86 : memref<1x96x128xf32, #tpu.memory_space<vmem>> -> memref<96x128xf32, #tpu.memory_space<vmem>>
    %dma_start3A_88 = arith.constant 0 : i32
    %dma_start3A_89 = tpu.memref_slice %arg6[%dma_start3A_82, %dma_start3A_88] : memref<54x96xi32, #tpu.memory_space<vmem>> -> memref<1x96xi32, #tpu.memory_space<vmem>>
    %dma_start3A_90 = tpu.memref_squeeze %dma_start3A_89 : memref<1x96xi32, #tpu.memory_space<vmem>> -> memref<96xi32, #tpu.memory_space<vmem>>
    %dma_start3A_91 = arith.constant 0 : i32
    %dma_start3A_92 = arith.constant 0 : i32
    %dma_start3A_93 = tpu.memref_slice %arg2[%dma_start3A_91, %dma_start3A_92] : memref<10000x128xf32, #tpu.memory_space<hbm>> -> memref<10000x128xf32, #tpu.memory_space<hbm>>
    tpu.enqueue_indirect_dma source(%dma_start3A_93 : memref<10000x128xf32, #tpu.memory_space<hbm>>) target(%dma_start3A_87 : memref<96x128xf32, #tpu.memory_space<vmem>>) offsets(%dma_start3A_90 : memref<96xi32, #tpu.memory_space<vmem>>) semaphore(%arg11 : memref<!tpu.dma_semaphore, #tpu.memory_space<semaphore_mem>>)
    %scan3A_94 = arith.constant 0 : i32
    %scan3A_95 = arith.constant 0 : i32
    %scan3A_96 = arith.constant 18 : i32
    %scan3A_97 = arith.addi %scan3A_95, %scan3A_96 : i32
    %scan3A_98 = arith.constant 1 : i32
    scf.for %scan3A_103 = %scan3A_95 to %scan3A_97 step %scan3A_98  : i32 {
      %mul3A_104 = arith.constant 3 : i32
      %mul3A_105 = arith.muli %scan3A_103, %mul3A_104 : i32
      %add3A_106 = arith.constant 0 : i32
      %add3A_107 = arith.addi %mul3A_105, %add3A_106 : i32
      %dma_wait3A = arith.constant 0 : i32
      %dma_wait3A_108 = arith.constant 0 : i32
      %dma_wait3A_109 = arith.constant 0 : i32
      %dma_wait3A_110 = tpu.memref_slice %arg8[%dma_wait3A, %dma_wait3A_108, %dma_wait3A_109] : memref<3x96x128xf32, #tpu.memory_space<vmem>> -> memref<1x96x128xf32, #tpu.memory_space<vmem>>
      %dma_wait3A_111 = tpu.memref_squeeze %dma_wait3A_110 : memref<1x96x128xf32, #tpu.memory_space<vmem>> -> memref<96x128xf32, #tpu.memory_space<vmem>>
      %dma_wait3A_112 = arith.constant 0 : i32
      %dma_wait3A_113 = tpu.memref_slice %arg6[%add3A_107, %dma_wait3A_112] : memref<54x96xi32, #tpu.memory_space<vmem>> -> memref<1x96xi32, #tpu.memory_space<vmem>>
      %dma_wait3A_114 = tpu.memref_squeeze %dma_wait3A_113 : memref<1x96xi32, #tpu.memory_space<vmem>> -> memref<96xi32, #tpu.memory_space<vmem>>
      %dma_wait3A_115 = arith.constant 0 : i32
      %dma_wait3A_116 = arith.constant 0 : i32
      %dma_wait3A_117 = tpu.memref_slice %arg2[%dma_wait3A_115, %dma_wait3A_116] : memref<10000x128xf32, #tpu.memory_space<hbm>> -> memref<10000x128xf32, #tpu.memory_space<hbm>>
      tpu.wait_indirect_dma semaphore(%arg10 : memref<!tpu.dma_semaphore, #tpu.memory_space<semaphore_mem>>) src(%dma_wait3A_117 : memref<10000x128xf32, #tpu.memory_space<hbm>>) dst(%dma_wait3A_111 : memref<96x128xf32, #tpu.memory_space<vmem>>)
      %add3A_118 = arith.constant 3 : i32
      %add3A_119 = arith.addi %add3A_107, %add3A_118 : i32
      %sub3A = arith.constant 1 : i32
      %sub3A_120 = arith.subi %add3A_119, %sub3A : i32
      %dma_start3A_121 = arith.constant 2 : i32
      %dma_start3A_122 = arith.constant 0 : i32
      %dma_start3A_123 = arith.constant 0 : i32
      %dma_start3A_124 = tpu.memref_slice %arg8[%dma_start3A_121, %dma_start3A_122, %dma_start3A_123] : memref<3x96x128xf32, #tpu.memory_space<vmem>> -> memref<1x96x128xf32, #tpu.memory_space<vmem>>
      %dma_start3A_125 = tpu.memref_squeeze %dma_start3A_124 : memref<1x96x128xf32, #tpu.memory_space<vmem>> -> memref<96x128xf32, #tpu.memory_space<vmem>>
      %dma_start3A_126 = arith.constant 0 : i32
      %dma_start3A_127 = tpu.memref_slice %arg6[%sub3A_120, %dma_start3A_126] : memref<54x96xi32, #tpu.memory_space<vmem>> -> memref<1x96xi32, #tpu.memory_space<vmem>>
      %dma_start3A_128 = tpu.memref_squeeze %dma_start3A_127 : memref<1x96xi32, #tpu.memory_space<vmem>> -> memref<96xi32, #tpu.memory_space<vmem>>
      %dma_start3A_129 = arith.constant 0 : i32
      %dma_start3A_130 = arith.constant 0 : i32
      %dma_start3A_131 = tpu.memref_slice %arg2[%dma_start3A_129, %dma_start3A_130] : memref<10000x128xf32, #tpu.memory_space<hbm>> -> memref<10000x128xf32, #tpu.memory_space<hbm>>
      tpu.enqueue_indirect_dma source(%dma_start3A_131 : memref<10000x128xf32, #tpu.memory_space<hbm>>) target(%dma_start3A_125 : memref<96x128xf32, #tpu.memory_space<vmem>>) offsets(%dma_start3A_128 : memref<96xi32, #tpu.memory_space<vmem>>) semaphore(%arg12 : memref<!tpu.dma_semaphore, #tpu.memory_space<semaphore_mem>>)
      %run_scoped3A_132 = arith.constant 0 : i32
      "tpu.region"() ({
        %run_scoped3A_172 = tpu.sem_alloc : memref<!tpu.dma_semaphore, #tpu.memory_space<semaphore_mem>>
        %dma_start3A_173 = arith.constant 0 : i32
        %dma_start3A_174 = arith.constant 0 : i32
        %dma_start3A_175 = tpu.memref_slice %arg8[%run_scoped3A_132, %dma_start3A_173, %dma_start3A_174] : memref<3x96x128xf32, #tpu.memory_space<vmem>> -> memref<1x96x128xf32, #tpu.memory_space<vmem>>
        %dma_start3A_176 = tpu.memref_squeeze %dma_start3A_175 : memref<1x96x128xf32, #tpu.memory_space<vmem>> -> memref<96x128xf32, #tpu.memory_space<vmem>>
        %dma_start3A_177 = arith.constant 0 : i32
        %dma_start3A_178 = tpu.memref_slice %arg7[%add3A_107, %dma_start3A_177] : memref<54x96xi32, #tpu.memory_space<vmem>> -> memref<1x96xi32, #tpu.memory_space<vmem>>
        %dma_start3A_179 = tpu.memref_squeeze %dma_start3A_178 : memref<1x96xi32, #tpu.memory_space<vmem>> -> memref<96xi32, #tpu.memory_space<vmem>>
        %dma_start3A_180 = arith.constant 0 : i32
        %dma_start3A_181 = arith.constant 0 : i32
        %dma_start3A_182 = tpu.memref_slice %arg9[%dma_start3A_180, %dma_start3A_181] : memref<10240x128xf32, #tpu.memory_space<vmem_shared>> -> memref<10240x128xf32, #tpu.memory_space<vmem_shared>>
        tpu.enqueue_indirect_dma source(%dma_start3A_176 : memref<96x128xf32, #tpu.memory_space<vmem>>) target(%dma_start3A_182 : memref<10240x128xf32, #tpu.memory_space<vmem_shared>>) offsets(%dma_start3A_179 : memref<96xi32, #tpu.memory_space<vmem>>) semaphore(%run_scoped3A_172 : memref<!tpu.dma_semaphore, #tpu.memory_space<semaphore_mem>>) {add = true}
        %dma_wait3A_183 = arith.constant 0 : i32
        %dma_wait3A_184 = arith.constant 0 : i32
        %dma_wait3A_185 = tpu.memref_slice %arg8[%run_scoped3A_132, %dma_wait3A_183, %dma_wait3A_184] : memref<3x96x128xf32, #tpu.memory_space<vmem>> -> memref<1x96x128xf32, #tpu.memory_space<vmem>>
        %dma_wait3A_186 = tpu.memref_squeeze %dma_wait3A_185 : memref<1x96x128xf32, #tpu.memory_space<vmem>> -> memref<96x128xf32, #tpu.memory_space<vmem>>
        %dma_wait3A_187 = arith.constant 0 : i32
        %dma_wait3A_188 = tpu.memref_slice %arg7[%add3A_107, %dma_wait3A_187] : memref<54x96xi32, #tpu.memory_space<vmem>> -> memref<1x96xi32, #tpu.memory_space<vmem>>
        %dma_wait3A_189 = tpu.memref_squeeze %dma_wait3A_188 : memref<1x96xi32, #tpu.memory_space<vmem>> -> memref<96xi32, #tpu.memory_space<vmem>>
        %dma_wait3A_190 = arith.constant 0 : i32
        %dma_wait3A_191 = arith.constant 0 : i32
        %dma_wait3A_192 = tpu.memref_slice %arg9[%dma_wait3A_190, %dma_wait3A_191] : memref<10240x128xf32, #tpu.memory_space<vmem_shared>> -> memref<10240x128xf32, #tpu.memory_space<vmem_shared>>
        tpu.wait_indirect_dma semaphore(%run_scoped3A_172 : memref<!tpu.dma_semaphore, #tpu.memory_space<semaphore_mem>>) src(%dma_wait3A_186 : memref<96x128xf32, #tpu.memory_space<vmem>>) dst(%dma_wait3A_192 : memref<10240x128xf32, #tpu.memory_space<vmem_shared>>)
        tpu.yield
      }) : () -> ()
      %mul3A_133 = arith.constant 3 : i32
      %mul3A_134 = arith.muli %scan3A_103, %mul3A_133 : i32
      %add3A_135 = arith.constant 1 : i32
      %add3A_136 = arith.addi %mul3A_134, %add3A_135 : i32
      %dma_wait3A_137 = arith.constant 1 : i32
      %dma_wait3A_138 = arith.constant 0 : i32
      %dma_wait3A_139 = arith.constant 0 : i32
      %dma_wait3A_140 = tpu.memref_slice %arg8[%dma_wait3A_137, %dma_wait3A_138, %dma_wait3A_139] : memref<3x96x128xf32, #tpu.memory_space<vmem>> -> memref<1x96x128xf32, #tpu.memory_space<vmem>>
      %dma_wait3A_141 = tpu.memref_squeeze %dma_wait3A_140 : memref<1x96x128xf32, #tpu.memory_space<vmem>> -> memref<96x128xf32, #tpu.memory_space<vmem>>
      %dma_wait3A_142 = arith.constant 0 : i32
      %dma_wait3A_143 = tpu.memref_slice %arg6[%add3A_136, %dma_wait3A_142] : memref<54x96xi32, #tpu.memory_space<vmem>> -> memref<1x96xi32, #tpu.memory_space<vmem>>
      %dma_wait3A_144 = tpu.memref_squeeze %dma_wait3A_143 : memref<1x96xi32, #tpu.memory_space<vmem>> -> memref<96xi32, #tpu.memory_space<vmem>>
      %dma_wait3A_145 = arith.constant 0 : i32
      %dma_wait3A_146 = arith.constant 0 : i32
      %dma_wait3A_147 = tpu.memref_slice %arg2[%dma_wait3A_145, %dma_wait3A_146] : memref<10000x128xf32, #tpu.memory_space<hbm>> -> memref<10000x128xf32, #tpu.memory_space<hbm>>
      tpu.wait_indirect_dma semaphore(%arg11 : memref<!tpu.dma_semaphore, #tpu.memory_space<semaphore_mem>>) src(%dma_wait3A_147 : memref<10000x128xf32, #tpu.memory_space<hbm>>) dst(%dma_wait3A_141 : memref<96x128xf32, #tpu.memory_space<vmem>>)
      %lt3A = arith.constant 17 : i32
      %lt3A_148 = arith.cmpi slt, %scan3A_103, %lt3A : i32
      %convert_element_type3A = arith.extui %lt3A_148 : i1 to i32
      %cond3A = arith.constant 0 : i32
      %cond3A_149 = arith.cmpi ne, %convert_element_type3A, %cond3A : i32
      scf.if %cond3A_149 {
        %add3A_172 = arith.constant 3 : i32
        %add3A_173 = arith.addi %add3A_136, %add3A_172 : i32
        %sub3A_174 = arith.constant 1 : i32
        %sub3A_175 = arith.subi %add3A_173, %sub3A_174 : i32
        %dma_start3A_176 = arith.constant 0 : i32
        %dma_start3A_177 = arith.constant 0 : i32
        %dma_start3A_178 = arith.constant 0 : i32
        %dma_start3A_179 = tpu.memref_slice %arg8[%dma_start3A_176, %dma_start3A_177, %dma_start3A_178] : memref<3x96x128xf32, #tpu.memory_space<vmem>> -> memref<1x96x128xf32, #tpu.memory_space<vmem>>
        %dma_start3A_180 = tpu.memref_squeeze %dma_start3A_179 : memref<1x96x128xf32, #tpu.memory_space<vmem>> -> memref<96x128xf32, #tpu.memory_space<vmem>>
        %dma_start3A_181 = arith.constant 0 : i32
        %dma_start3A_182 = tpu.memref_slice %arg6[%sub3A_175, %dma_start3A_181] : memref<54x96xi32, #tpu.memory_space<vmem>> -> memref<1x96xi32, #tpu.memory_space<vmem>>
        %dma_start3A_183 = tpu.memref_squeeze %dma_start3A_182 : memref<1x96xi32, #tpu.memory_space<vmem>> -> memref<96xi32, #tpu.memory_space<vmem>>
        %dma_start3A_184 = arith.constant 0 : i32
        %dma_start3A_185 = arith.constant 0 : i32
        %dma_start3A_186 = tpu.memref_slice %arg2[%dma_start3A_184, %dma_start3A_185] : memref<10000x128xf32, #tpu.memory_space<hbm>> -> memref<10000x128xf32, #tpu.memory_space<hbm>>
        tpu.enqueue_indirect_dma source(%dma_start3A_186 : memref<10000x128xf32, #tpu.memory_space<hbm>>) target(%dma_start3A_180 : memref<96x128xf32, #tpu.memory_space<vmem>>) offsets(%dma_start3A_183 : memref<96xi32, #tpu.memory_space<vmem>>) semaphore(%arg10 : memref<!tpu.dma_semaphore, #tpu.memory_space<semaphore_mem>>)
      } else {
      }
      %run_scoped3A_150 = arith.constant 1 : i32
      "tpu.region"() ({
        %run_scoped3A_172 = tpu.sem_alloc : memref<!tpu.dma_semaphore, #tpu.memory_space<semaphore_mem>>
        %dma_start3A_173 = arith.constant 0 : i32
        %dma_start3A_174 = arith.constant 0 : i32
        %dma_start3A_175 = tpu.memref_slice %arg8[%run_scoped3A_150, %dma_start3A_173, %dma_start3A_174] : memref<3x96x128xf32, #tpu.memory_space<vmem>> -> memref<1x96x128xf32, #tpu.memory_space<vmem>>
        %dma_start3A_176 = tpu.memref_squeeze %dma_start3A_175 : memref<1x96x128xf32, #tpu.memory_space<vmem>> -> memref<96x128xf32, #tpu.memory_space<vmem>>
        %dma_start3A_177 = arith.constant 0 : i32
        %dma_start3A_178 = tpu.memref_slice %arg7[%add3A_136, %dma_start3A_177] : memref<54x96xi32, #tpu.memory_space<vmem>> -> memref<1x96xi32, #tpu.memory_space<vmem>>
        %dma_start3A_179 = tpu.memref_squeeze %dma_start3A_178 : memref<1x96xi32, #tpu.memory_space<vmem>> -> memref<96xi32, #tpu.memory_space<vmem>>
        %dma_start3A_180 = arith.constant 0 : i32
        %dma_start3A_181 = arith.constant 0 : i32
        %dma_start3A_182 = tpu.memref_slice %arg9[%dma_start3A_180, %dma_start3A_181] : memref<10240x128xf32, #tpu.memory_space<vmem_shared>> -> memref<10240x128xf32, #tpu.memory_space<vmem_shared>>
        tpu.enqueue_indirect_dma source(%dma_start3A_176 : memref<96x128xf32, #tpu.memory_space<vmem>>) target(%dma_start3A_182 : memref<10240x128xf32, #tpu.memory_space<vmem_shared>>) offsets(%dma_start3A_179 : memref<96xi32, #tpu.memory_space<vmem>>) semaphore(%run_scoped3A_172 : memref<!tpu.dma_semaphore, #tpu.memory_space<semaphore_mem>>) {add = true}
        %dma_wait3A_183 = arith.constant 0 : i32
        %dma_wait3A_184 = arith.constant 0 : i32
        %dma_wait3A_185 = tpu.memref_slice %arg8[%run_scoped3A_150, %dma_wait3A_183, %dma_wait3A_184] : memref<3x96x128xf32, #tpu.memory_space<vmem>> -> memref<1x96x128xf32, #tpu.memory_space<vmem>>
        %dma_wait3A_186 = tpu.memref_squeeze %dma_wait3A_185 : memref<1x96x128xf32, #tpu.memory_space<vmem>> -> memref<96x128xf32, #tpu.memory_space<vmem>>
        %dma_wait3A_187 = arith.constant 0 : i32
        %dma_wait3A_188 = tpu.memref_slice %arg7[%add3A_136, %dma_wait3A_187] : memref<54x96xi32, #tpu.memory_space<vmem>> -> memref<1x96xi32, #tpu.memory_space<vmem>>
        %dma_wait3A_189 = tpu.memref_squeeze %dma_wait3A_188 : memref<1x96xi32, #tpu.memory_space<vmem>> -> memref<96xi32, #tpu.memory_space<vmem>>
        %dma_wait3A_190 = arith.constant 0 : i32
        %dma_wait3A_191 = arith.constant 0 : i32
        %dma_wait3A_192 = tpu.memref_slice %arg9[%dma_wait3A_190, %dma_wait3A_191] : memref<10240x128xf32, #tpu.memory_space<vmem_shared>> -> memref<10240x128xf32, #tpu.memory_space<vmem_shared>>
        tpu.wait_indirect_dma semaphore(%run_scoped3A_172 : memref<!tpu.dma_semaphore, #tpu.memory_space<semaphore_mem>>) src(%dma_wait3A_186 : memref<96x128xf32, #tpu.memory_space<vmem>>) dst(%dma_wait3A_192 : memref<10240x128xf32, #tpu.memory_space<vmem_shared>>)
        tpu.yield
      }) : () -> ()
      %mul3A_151 = arith.constant 3 : i32
      %mul3A_152 = arith.muli %scan3A_103, %mul3A_151 : i32
      %add3A_153 = arith.constant 2 : i32
      %add3A_154 = arith.addi %mul3A_152, %add3A_153 : i32
      %dma_wait3A_155 = arith.constant 2 : i32
      %dma_wait3A_156 = arith.constant 0 : i32
      %dma_wait3A_157 = arith.constant 0 : i32
      %dma_wait3A_158 = tpu.memref_slice %arg8[%dma_wait3A_155, %dma_wait3A_156, %dma_wait3A_157] : memref<3x96x128xf32, #tpu.memory_space<vmem>> -> memref<1x96x128xf32, #tpu.memory_space<vmem>>
      %dma_wait3A_159 = tpu.memref_squeeze %dma_wait3A_158 : memref<1x96x128xf32, #tpu.memory_space<vmem>> -> memref<96x128xf32, #tpu.memory_space<vmem>>
      %dma_wait3A_160 = arith.constant 0 : i32
      %dma_wait3A_161 = tpu.memref_slice %arg6[%add3A_154, %dma_wait3A_160] : memref<54x96xi32, #tpu.memory_space<vmem>> -> memref<1x96xi32, #tpu.memory_space<vmem>>
      %dma_wait3A_162 = tpu.memref_squeeze %dma_wait3A_161 : memref<1x96xi32, #tpu.memory_space<vmem>> -> memref<96xi32, #tpu.memory_space<vmem>>
      %dma_wait3A_163 = arith.constant 0 : i32
      %dma_wait3A_164 = arith.constant 0 : i32
      %dma_wait3A_165 = tpu.memref_slice %arg2[%dma_wait3A_163, %dma_wait3A_164] : memref<10000x128xf32, #tpu.memory_space<hbm>> -> memref<10000x128xf32, #tpu.memory_space<hbm>>
      tpu.wait_indirect_dma semaphore(%arg12 : memref<!tpu.dma_semaphore, #tpu.memory_space<semaphore_mem>>) src(%dma_wait3A_165 : memref<10000x128xf32, #tpu.memory_space<hbm>>) dst(%dma_wait3A_159 : memref<96x128xf32, #tpu.memory_space<vmem>>)
      %lt3A_166 = arith.constant 17 : i32
      %lt3A_167 = arith.cmpi slt, %scan3A_103, %lt3A_166 : i32
      %convert_element_type3A_168 = arith.extui %lt3A_167 : i1 to i32
      %cond3A_169 = arith.constant 0 : i32
      %cond3A_170 = arith.cmpi ne, %convert_element_type3A_168, %cond3A_169 : i32
      scf.if %cond3A_170 {
        %add3A_172 = arith.constant 3 : i32
        %add3A_173 = arith.addi %add3A_154, %add3A_172 : i32
        %sub3A_174 = arith.constant 1 : i32
        %sub3A_175 = arith.subi %add3A_173, %sub3A_174 : i32
        %dma_start3A_176 = arith.constant 1 : i32
        %dma_start3A_177 = arith.constant 0 : i32
        %dma_start3A_178 = arith.constant 0 : i32
        %dma_start3A_179 = tpu.memref_slice %arg8[%dma_start3A_176, %dma_start3A_177, %dma_start3A_178] : memref<3x96x128xf32, #tpu.memory_space<vmem>> -> memref<1x96x128xf32, #tpu.memory_space<vmem>>
        %dma_start3A_180 = tpu.memref_squeeze %dma_start3A_179 : memref<1x96x128xf32, #tpu.memory_space<vmem>> -> memref<96x128xf32, #tpu.memory_space<vmem>>
        %dma_start3A_181 = arith.constant 0 : i32
        %dma_start3A_182 = tpu.memref_slice %arg6[%sub3A_175, %dma_start3A_181] : memref<54x96xi32, #tpu.memory_space<vmem>> -> memref<1x96xi32, #tpu.memory_space<vmem>>
        %dma_start3A_183 = tpu.memref_squeeze %dma_start3A_182 : memref<1x96xi32, #tpu.memory_space<vmem>> -> memref<96xi32, #tpu.memory_space<vmem>>
        %dma_start3A_184 = arith.constant 0 : i32
        %dma_start3A_185 = arith.constant 0 : i32
        %dma_start3A_186 = tpu.memref_slice %arg2[%dma_start3A_184, %dma_start3A_185] : memref<10000x128xf32, #tpu.memory_space<hbm>> -> memref<10000x128xf32, #tpu.memory_space<hbm>>
        tpu.enqueue_indirect_dma source(%dma_start3A_186 : memref<10000x128xf32, #tpu.memory_space<hbm>>) target(%dma_start3A_180 : memref<96x128xf32, #tpu.memory_space<vmem>>) offsets(%dma_start3A_183 : memref<96xi32, #tpu.memory_space<vmem>>) semaphore(%arg11 : memref<!tpu.dma_semaphore, #tpu.memory_space<semaphore_mem>>)
      } else {
      }
      %run_scoped3A_171 = arith.constant 2 : i32
      "tpu.region"() ({
        %run_scoped3A_172 = tpu.sem_alloc : memref<!tpu.dma_semaphore, #tpu.memory_space<semaphore_mem>>
        %dma_start3A_173 = arith.constant 0 : i32
        %dma_start3A_174 = arith.constant 0 : i32
        %dma_start3A_175 = tpu.memref_slice %arg8[%run_scoped3A_171, %dma_start3A_173, %dma_start3A_174] : memref<3x96x128xf32, #tpu.memory_space<vmem>> -> memref<1x96x128xf32, #tpu.memory_space<vmem>>
        %dma_start3A_176 = tpu.memref_squeeze %dma_start3A_175 : memref<1x96x128xf32, #tpu.memory_space<vmem>> -> memref<96x128xf32, #tpu.memory_space<vmem>>
        %dma_start3A_177 = arith.constant 0 : i32
        %dma_start3A_178 = tpu.memref_slice %arg7[%add3A_154, %dma_start3A_177] : memref<54x96xi32, #tpu.memory_space<vmem>> -> memref<1x96xi32, #tpu.memory_space<vmem>>
        %dma_start3A_179 = tpu.memref_squeeze %dma_start3A_178 : memref<1x96xi32, #tpu.memory_space<vmem>> -> memref<96xi32, #tpu.memory_space<vmem>>
        %dma_start3A_180 = arith.constant 0 : i32
        %dma_start3A_181 = arith.constant 0 : i32
        %dma_start3A_182 = tpu.memref_slice %arg9[%dma_start3A_180, %dma_start3A_181] : memref<10240x128xf32, #tpu.memory_space<vmem_shared>> -> memref<10240x128xf32, #tpu.memory_space<vmem_shared>>
        tpu.enqueue_indirect_dma source(%dma_start3A_176 : memref<96x128xf32, #tpu.memory_space<vmem>>) target(%dma_start3A_182 : memref<10240x128xf32, #tpu.memory_space<vmem_shared>>) offsets(%dma_start3A_179 : memref<96xi32, #tpu.memory_space<vmem>>) semaphore(%run_scoped3A_172 : memref<!tpu.dma_semaphore, #tpu.memory_space<semaphore_mem>>) {add = true}
        %dma_wait3A_183 = arith.constant 0 : i32
        %dma_wait3A_184 = arith.constant 0 : i32
        %dma_wait3A_185 = tpu.memref_slice %arg8[%run_scoped3A_171, %dma_wait3A_183, %dma_wait3A_184] : memref<3x96x128xf32, #tpu.memory_space<vmem>> -> memref<1x96x128xf32, #tpu.memory_space<vmem>>
        %dma_wait3A_186 = tpu.memref_squeeze %dma_wait3A_185 : memref<1x96x128xf32, #tpu.memory_space<vmem>> -> memref<96x128xf32, #tpu.memory_space<vmem>>
        %dma_wait3A_187 = arith.constant 0 : i32
        %dma_wait3A_188 = tpu.memref_slice %arg7[%add3A_154, %dma_wait3A_187] : memref<54x96xi32, #tpu.memory_space<vmem>> -> memref<1x96xi32, #tpu.memory_space<vmem>>
        %dma_wait3A_189 = tpu.memref_squeeze %dma_wait3A_188 : memref<1x96xi32, #tpu.memory_space<vmem>> -> memref<96xi32, #tpu.memory_space<vmem>>
        %dma_wait3A_190 = arith.constant 0 : i32
        %dma_wait3A_191 = arith.constant 0 : i32
        %dma_wait3A_192 = tpu.memref_slice %arg9[%dma_wait3A_190, %dma_wait3A_191] : memref<10240x128xf32, #tpu.memory_space<vmem_shared>> -> memref<10240x128xf32, #tpu.memory_space<vmem_shared>>
        tpu.wait_indirect_dma semaphore(%run_scoped3A_172 : memref<!tpu.dma_semaphore, #tpu.memory_space<semaphore_mem>>) src(%dma_wait3A_186 : memref<96x128xf32, #tpu.memory_space<vmem>>) dst(%dma_wait3A_192 : memref<10240x128xf32, #tpu.memory_space<vmem_shared>>)
        tpu.yield
      }) : () -> ()
    }
    %scan3A_99 = arith.constant 18 : i32
    %barrier3A_100 = arith.constant 0 : index
    tpu.barrier barrier_id(%barrier3A_100)
    %mul3A_101 = arith.constant 640 : i32
    %mul3A_102 = arith.muli %arg1, %mul3A_101 : i32
    "tpu.region"() ({
      %run_scoped3A_103 = tpu.sem_alloc : memref<!tpu.dma_semaphore, #tpu.memory_space<semaphore_mem>>
      %dma_start3A_104 = arith.constant 0 : i32
      %dma_start3A_105 = arith.constant 0 : i32
      %dma_start3A_106 = tpu.memref_slice %arg5[%arg0, %dma_start3A_104, %dma_start3A_105] : memref<2x10240x128xf32, #tpu.memory_space<hbm>> -> memref<1x10240x128xf32, #tpu.memory_space<hbm>>
      %dma_start3A_107 = tpu.memref_squeeze %dma_start3A_106 : memref<1x10240x128xf32, #tpu.memory_space<hbm>> -> memref<10240x128xf32, #tpu.memory_space<hbm>>
      %dma_start3A_108 = arith.constant 0 : i32
      %dma_start3A_109 = tpu.memref_slice %dma_start3A_107[%mul3A_102, %dma_start3A_108] : memref<10240x128xf32, #tpu.memory_space<hbm>> -> memref<640x128xf32, #tpu.memory_space<hbm>>
      %dma_start3A_110 = arith.constant 0 : i32
      %dma_start3A_111 = tpu.memref_slice %arg9[%mul3A_102, %dma_start3A_110] : memref<10240x128xf32, #tpu.memory_space<vmem_shared>> -> memref<640x128xf32, #tpu.memory_space<vmem_shared>>
      tpu.enqueue_dma source(%dma_start3A_111 : memref<640x128xf32, #tpu.memory_space<vmem_shared>>) target(%dma_start3A_109 : memref<640x128xf32, #tpu.memory_space<hbm>>) target_semaphore(%run_scoped3A_103 : memref<!tpu.dma_semaphore, #tpu.memory_space<semaphore_mem>>)
      %dma_wait3A = arith.constant 0 : i32
      %dma_wait3A_112 = arith.constant 0 : i32
      %dma_wait3A_113 = tpu.memref_slice %arg5[%arg0, %dma_wait3A, %dma_wait3A_112] : memref<2x10240x128xf32, #tpu.memory_space<hbm>> -> memref<1x10240x128xf32, #tpu.memory_space<hbm>>
      %dma_wait3A_114 = tpu.memref_squeeze %dma_wait3A_113 : memref<1x10240x128xf32, #tpu.memory_space<hbm>> -> memref<10240x128xf32, #tpu.memory_space<hbm>>
      %dma_wait3A_115 = arith.constant 0 : i32
      %dma_wait3A_116 = tpu.memref_slice %dma_wait3A_114[%mul3A_102, %dma_wait3A_115] : memref<10240x128xf32, #tpu.memory_space<hbm>> -> memref<640x128xf32, #tpu.memory_space<hbm>>
      %dma_wait3A_117 = arith.constant 0 : i32
      %dma_wait3A_118 = tpu.memref_slice %arg9[%mul3A_102, %dma_wait3A_117] : memref<10240x128xf32, #tpu.memory_space<vmem_shared>> -> memref<640x128xf32, #tpu.memory_space<vmem_shared>>
      tpu.wait_dma2 semaphore(%run_scoped3A_103 : memref<!tpu.dma_semaphore, #tpu.memory_space<semaphore_mem>>) src(%dma_wait3A_118 : memref<640x128xf32, #tpu.memory_space<vmem_shared>>) dst(%dma_wait3A_116 : memref<640x128xf32, #tpu.memory_space<hbm>>)
      tpu.yield
    }) : () -> ()
    return
  }
}

module attributes {stable_mosaic.version = 14 : i64} {
  func.func @_tc0_body(%arg0: i32, %arg1: memref<1000x128xf32, #tpu.memory_space<vmem>>, %arg2: memref<128x128xf32, #tpu.memory_space<vmem>>, %arg3: memref<1x128xf32, #tpu.memory_space<vmem>>, %arg4: memref<1000x128xf32, #tpu.memory_space<vmem>>) attributes {dimension_semantics = [#tpu.dimension_semantics<arbitrary>], iteration_bounds = array<i64: 10>, scalar_prefetch = 0 : i64, scratch_operands = 0 : i64, tpu.core_type = #tpu.core_type<tc>, window_params = [{transform_indices = @transform_0, window_bounds = array<i64: 1000, 128>}, {pipeline_mode = #tpu.pipeline_mode<synchronous>, transform_indices = @transform_1, window_bounds = array<i64: 128, 128>}, {pipeline_mode = #tpu.pipeline_mode<synchronous>, transform_indices = @transform_2, window_bounds = array<i64: 1, 128>}, {transform_indices = @transform_3, window_bounds = array<i64: 1000, 128>}]} {
    %get3A = arith.constant 0 : index
    %get3A_0 = arith.constant 0 : index
    %get3A_1 = vector.load %arg1[%get3A, %get3A_0] : memref<1000x128xf32, #tpu.memory_space<vmem>>, vector<1000x128xf32>
    %get3A_2 = arith.constant 0 : index
    %get3A_3 = arith.constant 0 : index
    %get3A_4 = vector.load %arg2[%get3A_2, %get3A_3] : memref<128x128xf32, #tpu.memory_space<vmem>>, vector<128x128xf32>
    %dot_general3A = arith.constant dense<0.000000e+00> : vector<1000x128xf32>
    %dot_general3A_5 = tpu.matmul %get3A_1, %get3A_4, %dot_general3A {dimension_numbers = #tpu.dot_dimension_numbers<[1], [0], [0], [1], [0, 0, 1, 1], [], []>, transpose_lhs_hint = false} : vector<1000x128xf32>, vector<128x128xf32>, vector<1000x128xf32> -> vector<1000x128xf32>
    %get3A_6 = arith.constant 0 : index
    %get3A_7 = arith.constant 0 : index
    %get3A_8 = vector.load %arg3[%get3A_6, %get3A_7] : memref<1x128xf32, #tpu.memory_space<vmem>>, vector<1x128xf32>
    %add3A = vector.broadcast %get3A_8 : vector<1x128xf32> to vector<1000x128xf32>
    %add3A_9 = arith.addf %dot_general3A_5, %add3A : vector<1000x128xf32>
    %swap3A = arith.constant 0 : index
    %swap3A_10 = arith.constant 0 : index
    %swap3A_11 = vector.load %arg4[%swap3A, %swap3A_10] : memref<1000x128xf32, #tpu.memory_space<vmem>>, vector<1000x128xf32>
    tpu.vector_store %arg4[%swap3A, %swap3A_10], %add3A_9 {strides = array<i32>} : memref<1000x128xf32, #tpu.memory_space<vmem>>, vector<1000x128xf32>,
    return
  }
  func.func @transform_0(%arg0: i32) -> (i32, i32) {
    %c0_i32 = arith.constant 0 : i32
    %c0_i32_0 = arith.constant 0 : i32
    return %arg0, %c0_i32 : i32, i32
  }
  func.func @transform_1(%arg0: i32) -> (i32, i32) {
    %c0_i32 = arith.constant 0 : i32
    %c0_i32_0 = arith.constant 0 : i32
    %c0_i32_1 = arith.constant 0 : i32
    return %c0_i32, %c0_i32_0 : i32, i32
  }
  func.func @transform_2(%arg0: i32) -> (i32, i32) {
    %c0_i32 = arith.constant 0 : i32
    %c0_i32_0 = arith.constant 0 : i32
    %c0_i32_1 = arith.constant 0 : i32
    return %c0_i32, %c0_i32_0 : i32, i32
  }
  func.func @transform_3(%arg0: i32) -> (i32, i32) {
    %c0_i32 = arith.constant 0 : i32
    %c0_i32_0 = arith.constant 0 : i32
    return %arg0, %c0_i32 : i32, i32
  }
}

module attributes {stable_mosaic.version = 14 : i64} {
  func.func @_tc1_body(%arg0: i32, %arg1: memref<1x1000x128xf32, #tpu.memory_space<vmem>>, %arg2: memref<1x1000x128xf32, #tpu.memory_space<vmem>>, %arg3: memref<1x1000x16xf32, #tpu.memory_space<vmem>>, %arg4: memref<1x1000x16xf32, #tpu.memory_space<vmem>>, %arg5: memref<1000x128xf32, #tpu.memory_space<vmem>>, %arg6: memref<128x128xf32, #tpu.memory_space<vmem>>, %arg7: memref<128x48xf32, #tpu.memory_space<vmem>>, %arg8: memref<128x48xf32, #tpu.memory_space<vmem>>, %arg9: memref<1x48xf32, #tpu.memory_space<vmem>>, %arg10: memref<1000x48xf32, #tpu.memory_space<vmem>>, %arg11: memref<1000x48xf32, #tpu.memory_space<vmem>>) attributes {dimension_semantics = [#tpu.dimension_semantics<arbitrary>], iteration_bounds = array<i64: 10>, scalar_prefetch = 0 : i64, scratch_operands = 0 : i64, tpu.core_type = #tpu.core_type<tc>, window_params = [{transform_indices = @transform_0, window_bounds = array<i64: 1, 1000, 128>}, {transform_indices = @transform_1, window_bounds = array<i64: 1, 1000, 128>}, {transform_indices = @transform_2, window_bounds = array<i64: 1, 1000, 16>}, {transform_indices = @transform_3, window_bounds = array<i64: 1, 1000, 16>}, {transform_indices = @transform_4, window_bounds = array<i64: 1000, 128>}, {pipeline_mode = #tpu.pipeline_mode<synchronous>, transform_indices = @transform_5, window_bounds = array<i64: 128, 128>}, {pipeline_mode = #tpu.pipeline_mode<synchronous>, transform_indices = @transform_6, window_bounds = array<i64: 128, 48>}, {pipeline_mode = #tpu.pipeline_mode<synchronous>, transform_indices = @transform_7, window_bounds = array<i64: 128, 48>}, {pipeline_mode = #tpu.pipeline_mode<synchronous>, transform_indices = @transform_8, window_bounds = array<i64: 1, 48>}, {transform_indices = @transform_9, window_bounds = array<i64: 1000, 48>}, {transform_indices = @transform_10, window_bounds = array<i64: 1000, 48>}]} {
    %get3A = arith.constant 0 : index
    %get3A_0 = arith.constant 0 : index
    %get3A_1 = arith.constant 0 : index
    %get3A_2 = vector.load %arg3[%get3A, %get3A_0, %get3A_1] : memref<1x1000x16xf32, #tpu.memory_space<vmem>>, vector<1x1000x1xf32>
    %get3A_3 = vector.shape_cast %get3A_2 : vector<1x1000x1xf32> to vector<1000x1xf32>
    %get3A_4 = arith.constant 0 : index
    %get3A_5 = arith.constant 0 : index
    %get3A_6 = arith.constant 0 : index
    %get3A_7 = vector.load %arg4[%get3A_4, %get3A_5, %get3A_6] : memref<1x1000x16xf32, #tpu.memory_space<vmem>>, vector<1x1000x1xf32>
    %get3A_8 = vector.shape_cast %get3A_7 : vector<1x1000x1xf32> to vector<1000x1xf32>
    %add3A = arith.addf %get3A_3, %get3A_8 : vector<1000x1xf32>
    %max3A = arith.constant 1.000000e+00 : f32
    %max3A_9 = vector.broadcast %max3A : f32 to vector<1000x1xf32>
    %max3A_10 = arith.maximumf %add3A, %max3A_9 : vector<1000x1xf32>
    %get3A_11 = arith.constant 0 : index
    %get3A_12 = arith.constant 0 : index
    %get3A_13 = arith.constant 0 : index
    %get3A_14 = vector.load %arg1[%get3A_11, %get3A_12, %get3A_13] : memref<1x1000x128xf32, #tpu.memory_space<vmem>>, vector<1x1000x128xf32>
    %get3A_15 = vector.shape_cast %get3A_14 : vector<1x1000x128xf32> to vector<1000x128xf32>
    %get3A_16 = arith.constant 0 : index
    %get3A_17 = arith.constant 0 : index
    %get3A_18 = arith.constant 0 : index
    %get3A_19 = vector.load %arg2[%get3A_16, %get3A_17, %get3A_18] : memref<1x1000x128xf32, #tpu.memory_space<vmem>>, vector<1x1000x128xf32>
    %get3A_20 = vector.shape_cast %get3A_19 : vector<1x1000x128xf32> to vector<1000x128xf32>
    %add3A_21 = arith.addf %get3A_15, %get3A_20 : vector<1000x128xf32>
    %div3A = vector.broadcast %max3A_10 : vector<1000x1xf32> to vector<1000x128xf32>
    %div3A_22 = arith.divf %add3A_21, %div3A : vector<1000x128xf32>
    %get3A_23 = arith.constant 0 : index
    %get3A_24 = arith.constant 0 : index
    %get3A_25 = vector.load %arg6[%get3A_23, %get3A_24] : memref<128x128xf32, #tpu.memory_space<vmem>>, vector<128x128xf32>
    %dot_general3A = arith.constant dense<0.000000e+00> : vector<1000x128xf32>
    %dot_general3A_26 = tpu.matmul %div3A_22, %get3A_25, %dot_general3A {dimension_numbers = #tpu.dot_dimension_numbers<[1], [0], [0], [1], [0, 0, 1, 1], [], []>, transpose_lhs_hint = false} : vector<1000x128xf32>, vector<128x128xf32>, vector<1000x128xf32> -> vector<1000x128xf32>
    %get3A_27 = arith.constant 0 : index
    %get3A_28 = arith.constant 0 : index
    %get3A_29 = vector.load %arg5[%get3A_27, %get3A_28] : memref<1000x128xf32, #tpu.memory_space<vmem>>, vector<1000x128xf32>
    %add3A_30 = arith.addf %dot_general3A_26, %get3A_29 : vector<1000x128xf32>
    %max3A_31 = arith.constant 0.000000e+00 : f32
    %max3A_32 = vector.broadcast %max3A_31 : f32 to vector<1000x128xf32>
    %max3A_33 = arith.maximumf %add3A_30, %max3A_32 : vector<1000x128xf32>
    %get3A_34 = arith.constant 0 : index
    %get3A_35 = arith.constant 0 : index
    %get3A_36 = vector.load %arg7[%get3A_34, %get3A_35] : memref<128x48xf32, #tpu.memory_space<vmem>>, vector<128x48xf32>
    %dot_general3A_37 = arith.constant dense<0.000000e+00> : vector<1000x48xf32>
    %dot_general3A_38 = tpu.matmul %max3A_33, %get3A_36, %dot_general3A_37 {dimension_numbers = #tpu.dot_dimension_numbers<[1], [0], [0], [1], [0, 0, 1, 1], [], []>, transpose_lhs_hint = false} : vector<1000x128xf32>, vector<128x48xf32>, vector<1000x48xf32> -> vector<1000x48xf32>
    %swap3A = arith.constant 0 : index
    %swap3A_39 = arith.constant 0 : index
    %swap3A_40 = vector.load %arg10[%swap3A, %swap3A_39] : memref<1000x48xf32, #tpu.memory_space<vmem>>, vector<1000x48xf32>
    tpu.vector_store %arg10[%swap3A, %swap3A_39], %dot_general3A_38 {strides = array<i32>} : memref<1000x48xf32, #tpu.memory_space<vmem>>, vector<1000x48xf32>,
    %get3A_41 = arith.constant 0 : index
    %get3A_42 = arith.constant 0 : index
    %get3A_43 = vector.load %arg8[%get3A_41, %get3A_42] : memref<128x48xf32, #tpu.memory_space<vmem>>, vector<128x48xf32>
    %dot_general3A_44 = arith.constant dense<0.000000e+00> : vector<1000x48xf32>
    %dot_general3A_45 = tpu.matmul %max3A_33, %get3A_43, %dot_general3A_44 {dimension_numbers = #tpu.dot_dimension_numbers<[1], [0], [0], [1], [0, 0, 1, 1], [], []>, transpose_lhs_hint = false} : vector<1000x128xf32>, vector<128x48xf32>, vector<1000x48xf32> -> vector<1000x48xf32>
    %get3A_46 = arith.constant 0 : index
    %get3A_47 = arith.constant 0 : index
    %get3A_48 = vector.load %arg9[%get3A_46, %get3A_47] : memref<1x48xf32, #tpu.memory_space<vmem>>, vector<1x48xf32>
    %add3A_49 = vector.broadcast %get3A_48 : vector<1x48xf32> to vector<1000x48xf32>
    %add3A_50 = arith.addf %dot_general3A_45, %add3A_49 : vector<1000x48xf32>
    %swap3A_51 = arith.constant 0 : index
    %swap3A_52 = arith.constant 0 : index
    %swap3A_53 = vector.load %arg11[%swap3A_51, %swap3A_52] : memref<1000x48xf32, #tpu.memory_space<vmem>>, vector<1000x48xf32>
    tpu.vector_store %arg11[%swap3A_51, %swap3A_52], %add3A_50 {strides = array<i32>} : memref<1000x48xf32, #tpu.memory_space<vmem>>, vector<1000x48xf32>,
    return
  }
  func.func @transform_0(%arg0: i32) -> (i32, i32, i32) {
    %c0_i32 = arith.constant 0 : i32
    %c0_i32_0 = arith.constant 0 : i32
    %c0_i32_1 = arith.constant 0 : i32
    return %c0_i32, %arg0, %c0_i32_0 : i32, i32, i32
  }
  func.func @transform_1(%arg0: i32) -> (i32, i32, i32) {
    %c1_i32 = arith.constant 1 : i32
    %c0_i32 = arith.constant 0 : i32
    %c0_i32_0 = arith.constant 0 : i32
    return %c1_i32, %arg0, %c0_i32 : i32, i32, i32
  }
  func.func @transform_2(%arg0: i32) -> (i32, i32, i32) {
    %c0_i32 = arith.constant 0 : i32
    %c0_i32_0 = arith.constant 0 : i32
    %c0_i32_1 = arith.constant 0 : i32
    return %c0_i32, %arg0, %c0_i32_0 : i32, i32, i32
  }
  func.func @transform_3(%arg0: i32) -> (i32, i32, i32) {
    %c1_i32 = arith.constant 1 : i32
    %c0_i32 = arith.constant 0 : i32
    %c0_i32_0 = arith.constant 0 : i32
    return %c1_i32, %arg0, %c0_i32 : i32, i32, i32
  }
  func.func @transform_4(%arg0: i32) -> (i32, i32) {
    %c0_i32 = arith.constant 0 : i32
    %c0_i32_0 = arith.constant 0 : i32
    return %arg0, %c0_i32 : i32, i32
  }
  func.func @transform_5(%arg0: i32) -> (i32, i32) {
    %c0_i32 = arith.constant 0 : i32
    %c0_i32_0 = arith.constant 0 : i32
    %c0_i32_1 = arith.constant 0 : i32
    return %c0_i32, %c0_i32_0 : i32, i32
  }
  func.func @transform_6(%arg0: i32) -> (i32, i32) {
    %c0_i32 = arith.constant 0 : i32
    %c0_i32_0 = arith.constant 0 : i32
    %c0_i32_1 = arith.constant 0 : i32
    return %c0_i32, %c0_i32_0 : i32, i32
  }
  func.func @transform_7(%arg0: i32) -> (i32, i32) {
    %c0_i32 = arith.constant 0 : i32
    %c0_i32_0 = arith.constant 0 : i32
    %c0_i32_1 = arith.constant 0 : i32
    return %c0_i32, %c0_i32_0 : i32, i32
  }
  func.func @transform_8(%arg0: i32) -> (i32, i32) {
    %c0_i32 = arith.constant 0 : i32
    %c0_i32_0 = arith.constant 0 : i32
    %c0_i32_1 = arith.constant 0 : i32
    return %c0_i32, %c0_i32_0 : i32, i32
  }
  func.func @transform_9(%arg0: i32) -> (i32, i32) {
    %c0_i32 = arith.constant 0 : i32
    %c0_i32_0 = arith.constant 0 : i32
    return %arg0, %c0_i32 : i32, i32
  }
  func.func @transform_10(%arg0: i32) -> (i32, i32) {
    %c0_i32 = arith.constant 0 : i32
    %c0_i32_0 = arith.constant 0 : i32
    return %arg0, %c0_i32 : i32, i32
  }
}

module attributes {stable_mosaic.version = 14 : i64} {
  func.func @_tc2_body(%arg0: i32, %arg1: memref<1x1000x48xf32, #tpu.memory_space<vmem>>, %arg2: memref<1x1000x48xf32, #tpu.memory_space<vmem>>, %arg3: memref<1x1000x16xf32, #tpu.memory_space<vmem>>, %arg4: memref<1x1000x16xf32, #tpu.memory_space<vmem>>, %arg5: memref<1000x48xf32, #tpu.memory_space<vmem>>, %arg6: memref<1000x47xf32, #tpu.memory_space<vmem>>) attributes {dimension_semantics = [#tpu.dimension_semantics<arbitrary>], iteration_bounds = array<i64: 10>, scalar_prefetch = 0 : i64, scratch_operands = 0 : i64, tpu.core_type = #tpu.core_type<tc>, window_params = [{transform_indices = @transform_0, window_bounds = array<i64: 1, 1000, 48>}, {transform_indices = @transform_1, window_bounds = array<i64: 1, 1000, 48>}, {transform_indices = @transform_2, window_bounds = array<i64: 1, 1000, 16>}, {transform_indices = @transform_3, window_bounds = array<i64: 1, 1000, 16>}, {transform_indices = @transform_4, window_bounds = array<i64: 1000, 48>}, {transform_indices = @transform_5, window_bounds = array<i64: 1000, 47>}]} {
    %get3A = arith.constant 0 : index
    %get3A_0 = arith.constant 0 : index
    %get3A_1 = arith.constant 0 : index
    %get3A_2 = vector.load %arg3[%get3A, %get3A_0, %get3A_1] : memref<1x1000x16xf32, #tpu.memory_space<vmem>>, vector<1x1000x1xf32>
    %get3A_3 = vector.shape_cast %get3A_2 : vector<1x1000x1xf32> to vector<1000x1xf32>
    %get3A_4 = arith.constant 0 : index
    %get3A_5 = arith.constant 0 : index
    %get3A_6 = arith.constant 0 : index
    %get3A_7 = vector.load %arg4[%get3A_4, %get3A_5, %get3A_6] : memref<1x1000x16xf32, #tpu.memory_space<vmem>>, vector<1x1000x1xf32>
    %get3A_8 = vector.shape_cast %get3A_7 : vector<1x1000x1xf32> to vector<1000x1xf32>
    %add3A = arith.addf %get3A_3, %get3A_8 : vector<1000x1xf32>
    %max3A = arith.constant 1.000000e+00 : f32
    %max3A_9 = vector.broadcast %max3A : f32 to vector<1000x1xf32>
    %max3A_10 = arith.maximumf %add3A, %max3A_9 : vector<1000x1xf32>
    %get3A_11 = arith.constant 0 : index
    %get3A_12 = arith.constant 0 : index
    %get3A_13 = arith.constant 0 : index
    %get3A_14 = vector.load %arg1[%get3A_11, %get3A_12, %get3A_13] : memref<1x1000x48xf32, #tpu.memory_space<vmem>>, vector<1x1000x48xf32>
    %get3A_15 = vector.shape_cast %get3A_14 : vector<1x1000x48xf32> to vector<1000x48xf32>
    %get3A_16 = arith.constant 0 : index
    %get3A_17 = arith.constant 0 : index
    %get3A_18 = arith.constant 0 : index
    %get3A_19 = vector.load %arg2[%get3A_16, %get3A_17, %get3A_18] : memref<1x1000x48xf32, #tpu.memory_space<vmem>>, vector<1x1000x48xf32>
    %get3A_20 = vector.shape_cast %get3A_19 : vector<1x1000x48xf32> to vector<1000x48xf32>
    %add3A_21 = arith.addf %get3A_15, %get3A_20 : vector<1000x48xf32>
    %div3A = vector.broadcast %max3A_10 : vector<1000x1xf32> to vector<1000x48xf32>
    %div3A_22 = arith.divf %add3A_21, %div3A : vector<1000x48xf32>
    %get3A_23 = arith.constant 0 : index
    %get3A_24 = arith.constant 0 : index
    %get3A_25 = vector.load %arg5[%get3A_23, %get3A_24] : memref<1000x48xf32, #tpu.memory_space<vmem>>, vector<1000x48xf32>
    %add3A_26 = arith.addf %div3A_22, %get3A_25 : vector<1000x48xf32>
    %iota3A = tpu.iota {dimensions = array<i32: 1>} : vector<1000x48xi32>
    %lt3A = arith.constant 47 : i32
    %lt3A_27 = vector.broadcast %lt3A : i32 to vector<1000x48xi32>
    %lt3A_28 = arith.cmpi slt, %iota3A, %lt3A_27 : vector<1000x48xi32>
    %jit3A = arith.constant -1.000000e+30 : f32
    %broadcast_in_dim3A = vector.broadcast %jit3A : f32 to vector<1000x48xf32>
    %select_n3A = arith.select %lt3A_28, %add3A_26, %broadcast_in_dim3A : vector<1000x48xi1>, vector<1000x48xf32>
    %reduce_max3A = arith.constant dense<0xFF800000> : vector<1000xf32>
    %reduce_max3A_29 = vector.multi_reduction <maximumf>, %select_n3A, %reduce_max3A [1] : vector<1000x48xf32> to vector<1000xf32>
    %broadcast_in_dim3A_30 = vector.shape_cast %reduce_max3A_29 : vector<1000xf32> to vector<1000x1xf32>
    %sub3A = vector.broadcast %broadcast_in_dim3A_30 : vector<1000x1xf32> to vector<1000x48xf32>
    %sub3A_31 = arith.subf %add3A_26, %sub3A : vector<1000x48xf32>
    %exp3A = math.exp %sub3A_31 : vector<1000x48xf32>
    %jit3A_32 = arith.constant 0.000000e+00 : f32
    %broadcast_in_dim3A_33 = vector.broadcast %jit3A_32 : f32 to vector<1000x48xf32>
    %select_n3A_34 = arith.select %lt3A_28, %exp3A, %broadcast_in_dim3A_33 : vector<1000x48xi1>, vector<1000x48xf32>
    %reduce_sum3A = arith.constant dense<0.000000e+00> : vector<1000xf32>
    %reduce_sum3A_35 = vector.multi_reduction <add>, %select_n3A_34, %reduce_sum3A [1] : vector<1000x48xf32> to vector<1000xf32>
    %broadcast_in_dim3A_36 = vector.shape_cast %reduce_sum3A_35 : vector<1000xf32> to vector<1000x1xf32>
    %log3A = math.log %broadcast_in_dim3A_36 : vector<1000x1xf32>
    %sub3A_37 = vector.broadcast %broadcast_in_dim3A_30 : vector<1000x1xf32> to vector<1000x48xf32>
    %sub3A_38 = arith.subf %add3A_26, %sub3A_37 : vector<1000x48xf32>
    %sub3A_39 = vector.broadcast %log3A : vector<1000x1xf32> to vector<1000x48xf32>
    %sub3A_40 = arith.subf %sub3A_38, %sub3A_39 : vector<1000x48xf32>
    %slice3A = vector.extract_strided_slice %sub3A_40 {offsets = [0, 0], sizes = [1000, 47], strides = [1, 1]} : vector<1000x48xf32> to vector<1000x47xf32>
    %swap3A = arith.constant 0 : index
    %swap3A_41 = arith.constant 0 : index
    %swap3A_42 = vector.load %arg6[%swap3A, %swap3A_41] : memref<1000x47xf32, #tpu.memory_space<vmem>>, vector<1000x47xf32>
    tpu.vector_store %arg6[%swap3A, %swap3A_41], %slice3A {strides = array<i32>} : memref<1000x47xf32, #tpu.memory_space<vmem>>, vector<1000x47xf32>,
    return
  }
  func.func @transform_0(%arg0: i32) -> (i32, i32, i32) {
    %c0_i32 = arith.constant 0 : i32
    %c0_i32_0 = arith.constant 0 : i32
    %c0_i32_1 = arith.constant 0 : i32
    return %c0_i32, %arg0, %c0_i32_0 : i32, i32, i32
  }
  func.func @transform_1(%arg0: i32) -> (i32, i32, i32) {
    %c1_i32 = arith.constant 1 : i32
    %c0_i32 = arith.constant 0 : i32
    %c0_i32_0 = arith.constant 0 : i32
    return %c1_i32, %arg0, %c0_i32 : i32, i32, i32
  }
  func.func @transform_2(%arg0: i32) -> (i32, i32, i32) {
    %c0_i32 = arith.constant 0 : i32
    %c0_i32_0 = arith.constant 0 : i32
    %c0_i32_1 = arith.constant 0 : i32
    return %c0_i32, %arg0, %c0_i32_0 : i32, i32, i32
  }
  func.func @transform_3(%arg0: i32) -> (i32, i32, i32) {
    %c1_i32 = arith.constant 1 : i32
    %c0_i32 = arith.constant 0 : i32
    %c0_i32_0 = arith.constant 0 : i32
    return %c1_i32, %arg0, %c0_i32 : i32, i32, i32
  }
  func.func @transform_4(%arg0: i32) -> (i32, i32) {
    %c0_i32 = arith.constant 0 : i32
    %c0_i32_0 = arith.constant 0 : i32
    return %arg0, %c0_i32 : i32, i32
  }
  func.func @transform_5(%arg0: i32) -> (i32, i32) {
    %c0_i32 = arith.constant 0 : i32
    %c0_i32_0 = arith.constant 0 : i32
    return %arg0, %c0_i32 : i32, i32
  }
}

</mosaic_0001>

<sc_bundles>
// kernel: kernel.11.cloned.1.call-start
scs
__scs_entry_jumppad:
0x0: {  	(pc) =	sbr.rel $0x88, $3  }
0x1: {  	(tag) =	ssettag $0x0;
	lr =	simm.s32 $0x1  }
0x2: {  	[smem:$0x3F99] =	sst lr;
	_ =	strace $0xD0000000  }
0x3: {  	_ = 	snop  }
0x4: {  	_ = 	snop  }
0x5: {  	_ = 	snop  }
0x6: {  	_ = 	snop  }
0x7: {  	_ = 	snop  }
__scs_overlays_trampoline_lowered:
0x8: {  	[smem:$0x3FA8] =	sst s0  }
0x9: {  	[smem:$0x3FA9] =	sst s1  }
0xa: {  	[smem:$0x3FAA] =	sst s2  }
0xb: {  	[smem:$0x3FAB] =	sst s3  }
0xc: {  	[smem:$0x3FAC] =	sst s4  }
0xd: {  	[smem:$0x3FAD] =	sst s5  }
0xe: {  	[smem:$0x3FAE] =	sst s6  }
0xf: {  	[smem:$0x3FAF] =	sst s7  }
0x10: {  	[smem:$0x3FB0] =	sst s8  }
0x11: {  	[smem:$0x3FB1] =	sst s9;
	s0 =	simm.s32 @!p0 $0x0  }
0x12: {  	s1 =	sld [smem:$0x3F97];
	s0 =	simm.s32 @p0 $0x1  }
0x13: {  	[smem:$0x3FB2] =	sst s0;
	s0 =	simm.s32 @!p1 $0x0  }
0x14: {  	s2 =	sld [smem:$0x3F96];
	s0 =	simm.s32 @p1 $0x1  }
0x15: {  	[smem:$0x3FB3] =	sst s0;
	s0 =	simm.s32 @!p2 $0x0  }
0x16: {  	s3 =	sld [smem:$0x3FDB];
	s0 =	simm.s32 @p2 $0x1  }
0x17: {  	s4 =	simm.s32 $0x1BF5;
	[smem:$0x3FB5] =	sst s0  }
0x18: {  	s0 =	sld [smem:$0x3F98];
	_ =	swait.ge [sflag:s4], $0x0  }
0x19: {  	s7 =	sld [smem:$0x3F99]  }
0x1a: {  	s8 =	sadd.s32 $0xFFFFE003, lr  }
0x1b: {  	s9 =	sadd.s32 $0xFFFFFEF7, lr;
	s5 =	simm.s32 $0xFFFFFFFF;
	p2 =	slt.u32 s8, $0xFFFFF086  }
0x1c: {  	p1 =	slt.u32 s9, $0xF7A;
	s5 =	simm.s32 @!p2 $0x0  }
0x1d: {  	s5 =	simm.s32 @p1 $0x1;
	p0 =	seq.s32 s7, s2  }
0x1e: {  	s7 =	smul.u32 @!p0 $0xF7A, s2;
	p2 =	seq.s32 @!p0 s5, $0x0  }
0x1f: {  	s9 =	smul.u32 $0xF7A, s1;
	s8 =	simm.s32 @!p0 $0x1BF5;
	p2 =	por !p2, p0  }
0x20: {  	[sflag:s8] =	ssyncset.s32 @!p0 $0xFFFFF086;
	s6 =	sadd.s32 @!p0 s3, s7;
	s7 =	simm.s32 @!p0 $0x108  }
0x21: {  	s3 =	sadd.s32 s3, s9;
	s6 =	sadd.s32 @!p0 $0x88, s6;
	s7 =	simm.s32 @p2 $0x1082  }
0x22: {  	[simem:s7], [sflag:s8] =	dma.local @!p0 [hbm:s6], $0xF7A  }
0x23: {  	s9 =	sor.u32 $0xD0000000, s2;
	s6 =	simm.s32 $0x108;
	_ =	swait.ge @!p0 [sflag:s8], $0x0  }
0x24: {  	s3 =	sadd.s32 $0x88, s3;
	s6 =	simm.s32 @!p1 $0x1082;
	[sflag:s4] =	ssyncset.s32 $0xFFFFF086  }
0x25: {  	[simem:s6], [sflag:s4] =	dma.local [hbm:s3], $0xF7A  }
0x26: {  	[smem:$0x3F99] =	sst s1;
	(tag) =	ssettag s2;
	_ =	strace s9  }
0x27: {  	s1 =	sld [smem:$0x3FA9]  }
0x28: {  	s2 =	sld [smem:$0x3FAA]  }
0x29: {  	s4 =	sld [smem:$0x3FAC]  }
0x2a: {  	p0 =	seq.s32 s5, $0x0;
	s5 =	sld [smem:$0x3FAD]  }
0x2b: {  	s6 =	sld [smem:$0x3FAE]  }
0x2c: {  	s7 =	sld [smem:$0x3FAF]  }
0x2d: {  	s3 =	simm.s32 $0x108;
	s8 =	sld [smem:$0x3FB0]  }
0x2e: {  	s3 =	simm.s32 @!p0 $0x1082;
	s9 =	sld [smem:$0x3FB1]  }
0x2f: {  	lr =	sadd.s32 s0, s3;
	s0 =	sld [smem:$0x3FA8]  }
0x30: {  	s3 =	sld [smem:$0x3FAB]  }
0x31: {  	[smem:$0x3FB4] =	sst s10  }
0x32: {  	s10 =	sld [smem:$0x3FB2];
	_ =	sdelay $0x3  }
0x33: {  	p0 =	seq.s32 s10, $0x1;
	s10 =	sld [smem:$0x3FB4];
	_ =	sdelay $0x3  }
0x34: {  	[smem:$0x3FB4] =	sst s10  }
0x35: {  	s10 =	sld [smem:$0x3FB3];
	_ =	sdelay $0x3  }
0x36: {  	p1 =	seq.s32 s10, $0x1;
	s10 =	sld [smem:$0x3FB4];
	_ =	sdelay $0x3  }
0x37: {  	[smem:$0x3FB4] =	sst s10  }
0x38: {  	s10 =	sld [smem:$0x3FB5]  }
0x39: {  	_ = 	snop;
	(pc) =	sbr.ind lr, $3  }
0x3a: {  	_ = 	snop  }
0x3b: {  	_ = 	snop  }
0x3c: {  	p2 =	seq.s32 s10, $0x1;
	s10 =	sld [smem:$0x3FB4]  }
0x3d: {  	_ =	shalt  }
0x3e: {  	_ =	shalt  }
0x3f: {  	_ =	shalt  }
0x40: {  	_ =	shalt  }
0x41: {  	_ =	shalt  }
0x42: {  	_ =	shalt  }
0x43: {  	_ =	shalt  }
0x44: {  	_ =	shalt  }
0x45: {  	_ =	shalt  }
0x46: {  	_ =	shalt  }
0x47: {  	_ =	shalt  }
0x48: {  	_ =	shalt  }
0x49: {  	_ =	shalt  }
0x4a: {  	_ =	shalt  }
0x4b: {  	_ =	shalt  }
0x4c: {  	_ =	shalt  }
0x4d: {  	_ =	shalt  }
0x4e: {  	_ =	shalt  }
0x4f: {  	_ =	shalt  }
0x50: {  	_ =	shalt  }
0x51: {  	_ =	shalt  }
0x52: {  	_ =	shalt  }
0x53: {  	_ =	shalt  }
0x54: {  	_ =	shalt  }
0x55: {  	_ =	shalt  }
0x56: {  	_ =	shalt  }
0x57: {  	_ =	shalt  }
0x58: {  	_ =	shalt  }
0x59: {  	_ =	shalt  }
0x5a: {  	_ =	shalt  }
0x5b: {  	_ =	shalt  }
0x5c: {  	_ =	shalt  }
0x5d: {  	_ =	shalt  }
0x5e: {  	_ =	shalt  }
0x5f: {  	_ =	shalt  }
0x60: {  	_ =	shalt  }
0x61: {  	_ =	shalt  }
0x62: {  	_ =	shalt  }
0x63: {  	_ =	shalt  }
0x64: {  	_ =	shalt  }
0x65: {  	_ =	shalt  }
0x66: {  	_ =	shalt  }
0x67: {  	_ =	shalt  }
0x68: {  	_ =	shalt  }
0x69: {  	_ =	shalt  }
0x6a: {  	_ =	shalt  }
0x6b: {  	_ =	shalt  }
0x6c: {  	_ =	shalt  }
0x6d: {  	_ =	shalt  }
0x6e: {  	_ =	shalt  }
0x6f: {  	_ =	shalt  }
0x70: {  	_ =	shalt  }
0x71: {  	_ =	shalt  }
0x72: {  	_ =	shalt  }
0x73: {  	_ =	shalt  }
0x74: {  	_ =	shalt  }
0x75: {  	_ =	shalt  }
0x76: {  	_ =	shalt  }
0x77: {  	_ =	shalt  }
0x78: {  	_ =	shalt  }
0x79: {  	_ =	shalt  }
0x7a: {  	_ =	shalt  }
0x7b: {  	_ =	shalt  }
0x7c: {  	_ =	shalt  }
0x7d: {  	_ =	shalt  }
0x7e: {  	_ =	shalt  }
0x7f: {  	_ =	shalt  }
0x80: {  	_ =	shalt  }
0x81: {  	_ =	shalt  }
0x82: {  	_ =	shalt  }
0x83: {  	_ =	shalt  }
0x84: {  	_ =	shalt  }
0x85: {  	_ =	shalt  }
0x86: {  	_ =	shalt  }
0x87: {  	_ =	shalt  }
.Lfunc_end0:
.L_simem_size_0:
called_computation.1_lowered:
.L_overlay_start_0:
0x88: {  	s2 =	sld [smem:$0x3FD9]  }
0x89: {  	s3 =	sld [smem:$0x3FFE];
	_ =	sdelay $0x1  }
0x8a: {  	s1 =	srdreg.scid  }
0x8b: {  	s0 =	sand.u32 $0x1, s1  }
0x8c: {  	s17 =	sshll.u32 s0, $0xA;
	s2 =	sadd.s32 s3, s2  }
0x8d: {  	s2 =	sadd.s32 s2, s17  }
0x8e: {  	[smem:$0x3FC0] =	sst s2  }
0x8f: {  	_ = 	snop  }
0x90: {  	s18 =	sld [smem:$0x3FC9];
	(tm) =	ssettm $0x1  }
0x91: {  	s19 =	sld [smem:$0x3FFB];
	_ =	sdelay $0x3  }
0x92: {  	_ =	strace s19  }
0x93: {  	s2 =	sld [smem:$0x3FFC];
	_ =	sdelay $0x3  }
0x94: {  	_ =	strace s2  }
0x95: {  	s2 =	sld [smem:$0x3FFD];
	_ =	sdelay $0x3  }
0x96: {  	_ =	strace s2  }
0x97: {  	_ =	strace $0x8FFFFFFF  }
0x98: {  	s20 =	sld [smem:$0x3FDB];
	_ =	sdelay $0x1  }
0x99: {  	s4 =	simm.s32 $_scs_section_size  }
0x9a: {  	s5 =	simm.s32 $_size__tile_overlayer_lowered;
	s6 =	simm.s32 $_tile_overlayer_lowered  }
0x9b: {  	s7 =	simm.s32 $0x1BFF;
	s21 =	sshll.u32 s6, $0x1;
	s4 =	sadd.s32 s4, s20  }
0x9c: {  	s22 =	simm.s32 $0x0;
	s5 =	sshll.u32 s5, $0x1;
	s6 =	sadd.s32 s21, s4  }
0x9d: {  	[timem:s22], [sflag:s7] =	dma.local [hbm:s6], s5  }
0x9e: {  	_ =	swait.ge [sflag:s7], s5  }
0x9f: {  	s5 =	ssub.s32 $0x0, s5;
	[sflag:s7] =	ssyncset.done $0x0  }
0xa0: {  	[sflag:s7] =	ssyncadd.s32 s5;
	_ =	sdelay $0x1  }
0xa1: {  	s23 =	simm.s32 $0x1B8B  }
0xa2: {  	_ =	swait.ge [sflag:s23], $0x1  }
0xa3: {  	[sflag:s23] =	ssyncset.done $0x0  }
0xa4: {  	[sflag:s23] =	ssyncadd.s32 $0xFFFFFFFF  }
0xa5: {  	s5 =	sld [smem:$0x0]  }
0xa6: {  	s6 =	sand.u32 $0xFFFFFFFE, s1  }
0xa7: {  	p0 =	sne.s32 s1, s6  }
0xa8: {  	s6 =	sshll.u32 @p0 s6, $0xE  }
0xa9: {  	s6 =	sadd.s32 @p0 $0x11B8D, s6;
	s7 =	sshll.u32 @p0 s5, $0x11  }
0xaa: {  	s6 =	sor.u32 @p0 s7, s6  }
0xab: {  	[sflag:s6] =	ssyncadd.remote.s32 @p0 $0x1;
	_ =	sdelay $0x1  }
0xac: {  	s6 =	simm.s32 @p0 $0x1B8D  }
0xad: {  	_ =	swait.eq @p0 [sflag:s6], $0x1  }
0xae: {  	[sflag:s6] =	ssyncadd.s32 @p0 $0xFFFFFFFF  }
0xaf: {  	s7 =	sshll.u32 @!p0 s1, $0xE  }
0xb0: {  	s7 =	sor.u32 @!p0 $0x4000, s7;
	s6 =	simm.s32 @!p0 $0x1B8D  }
0xb1: {  	s5 =	sshll.u32 @!p0 s5, $0x11;
	s7 =	sadd.s32 @!p0 $0x11B8D, s7;
	_ =	swait.eq @!p0 [sflag:s6], $0x1  }
0xb2: {  	s5 =	sor.u32 @!p0 s5, s7;
	[sflag:s6] =	ssyncadd.s32 @!p0 $0xFFFFFFFF  }
0xb3: {  	s25 =	simm.s32 $0x1B8E;
	s24 =	sld [smem:$0x3FFE];
	[sflag:s5] =	ssyncadd.remote.s32 @!p0 $0x1  }
0xb4: {  	s26 =	simm.s32 $execute0_lowered;
	[smem:$0x3FD2] =	sst s25  }
0xb5: {  	s6 =	sshll.u32 s26, $0x1;
	_ =	strace $0x80000049;
	[dreg:$0x1] =	wrdreg $0xFFFFFFFF  }
0xb6: {  	s28 =	simm.s32 $_size_execute0_lowered;
	s4 =	sadd.s32 s4, s6;
	[dreg:$0x0] =	wrdreg $0x0  }
0xb7: {  	s6 =	sshll.u32 s28, $0x1;
	[dreg:$0x2] =	wrdreg s4  }
0xb8: {  	[dreg:$0x3] =	wrdreg s6  }
0xb9: {  	[dreg:$0x4] =	wrdreg $0xC0  }
0xba: {  	_ =	task [dreg:s22], $0x5FFFF  }
0xbb: {  	[dreg:$0x1] =	wrdreg $0xFFFFFFFF  }
0xbc: {  	[dreg:$0x0] =	wrdreg $0x60  }
0xbd: {  	[dreg:$0x2] =	wrdreg s18  }
0xbe: {  	[dreg:$0x3] =	wrdreg s24  }
0xbf: {  	[dreg:$0x4] =	wrdreg $0xB8800  }
0xc0: {  	[dreg:$0x5] =	wrdreg $0xA  }
0xc1: {  	_ =	task.clear_ibuf [dreg:s22], $0x6FFFF;
	_ =	strace $0x90000049  }
0xc2: {  	s29 =	simm.s32 $0xA;
	_ =	strace $0x8000004B  }
0xc3: {  	_ =	swait.ge [sflag:s29], $0x1  }
0xc4: {  	[sflag:s29] =	ssyncadd.s32 $0xFFFFFFFF  }
0xc5: {  	_ =	strace $0x9000004B  }
0xc6: {  	_ =	sfence  }
0xc7: {  	s30 =	sld [smem:$0x0];
	_ =	sdelay $0x2  }
0xc8: {  	s31 =	sshll.u32 s1, $0xD;
	s1 =	sshrl.u32 s1, $0x2  }
0xc9: {  	s4 =	sand.u32 $0x4000, s31;
	s1 =	sadd.s32 s1, s30  }
0xca: {  	s0 =	sor.u32 s4, s0;
	s1 =	sshll.u32 s1, $0x11  }
0xcb: {  	s0 =	sor.u32 s1, s0  }
0xcc: {  	s0 =	sadd.s32 $0x8F2B, s0  }
0xcd: {  	[sflag:s0] =	ssyncadd.remote.s32 $0x1  }
0xce: {  	_ =	sfence.sel $0xFFFF  }
0xcf: {  	[dreg:$0x0] =	wrdreg $0xFFFFFFFF;
	(pc) =	sbr.abs _section_cstart, $3  }
0xd0: {  	[dreg:$0x1] =	wrdreg $0xFFFFFFFF  }
0xd1: {  	_ =	task.clear_ibuf [dreg:s22], $0x2FFFF;
	_ =	strace $0x9FFFFFFF  }
0xd2: {  	(tm) =	ssettm $0x7FFFFFFF  }
0xd3: {  	_ =	shalt  }
tec
execute0_lowered:
.L_overlay_start_1:
0x0: {  	(tag) =	ssettag $0x1  }
0x1: {  	s1 =	rddreg [dreg:$0x0]  }
0x2: {  	s2 =	srdreg.scid;
	s5 =	rddreg [dreg:$0x1]  }
0x3: {  	s0 =	stileid.u32;
	s3 =	rddreg [dreg:$0x2];
	s4 =	simm.s32 $0x0  }
0x4: {  	s17 =	simm.s32 $0x1440;
	s18 =	simm.s32 $0x60;
	s19 =	simm.s32 $0x5880  }
0x5: {  	s20 =	simm.s32 $0x1;
	s21 =	simm.s32 $0x8880;
	s22 =	simm.s32 $0x2  }
0x6: {  	s23 =	simm.s32 $0x3;
	s28 =	simm.s32 $0x27C0;
	s29 =	simm.s32 $0x2820  }
0x7: {  	s6 =	sand.u32 $0x1, s2;
	s26 =	sshll.u32 s0, $0x1;
	s8 =	smul.u32 $0x50000, s0  }
0x8: {  	[smem:$0x7FF] =	sst s4;
	s14 =	smul.u32 $0x14000, s0;
	s7 =	sor.u32 s6, s26  }
0x9: {  	_ =	strace $0x8000004A;
	s30 =	smul.u32 $0x28000, s6;
	s6 =	ssub.s32 $0x2, s6  }
0xa: {  	s26 =	simm.s32 $0x2760;
	s7 =	smul.u32 $0x510, s7;
	s8 =	sshrl.u32 s8, $0x2  }
0xb: {  	s31 =	sshrl.u32 s6, $0x1;
	s25 =	sshrl.u32 s14, $0x3;
	s15 =	sadd.s32 s30, s5  }
0xc: {  	s11 =	sadd.s32 s8, s3;
	s16 =	ssub.s32 s6, s31;
	s13 =	sadd.s32 s7, s5  }
0xd: {  	s5 =	sadd.s32 s14, s3;
	s6 =	sadd.s32 $0x3000, s11;
	s7 =	sadd.s32 $0x6000, s11  }
0xe: {  	s8 =	sadd.s32 $0x9000, s11;
	s9 =	sadd.s32 $0xC000, s11;
	s10 =	sadd.s32 $0xF000, s11  }
0xf: {  	s11 =	sadd.s32 $0x12000, s11;
	s24 =	sadd.s32 $0x16000, s15;
	s14 =	smax.u32 s16, $0x1  }
0x10: {  	s15 =	simm.s32 $0x2880;
	s16 =	simm.s32 $0x4;
	s12 =	sadd.s32 $0x1C00, s13  }
0x11: {  	v0 =	vimm.f32 $0.0e+00;
	s13 =	sadd.s32 $0xBE00, s13;
	s24 =	sadd.s32 s25, s24;
	s25 =	simm.s32 $0x13E0  }
.LBB2_1:
0x12: {  	s30 =	simm.s32 $0x0;
	s31 =	simm.s32 $0x200  }
.LBB2_2:
0x13: {  	p0 =	sne.s32 s31, $0xBE00;
	[tilespmem:s30+$0x28F0] =	vst v0  }
0x14: {  	[tilespmem:s30+$0x2880] =	vst v0  }
0x15: {  	[tilespmem:s30+$0x2890] =	vst v0  }
.Ltmp0:
0x16: {  	[tilespmem:s30+$0x28A0] =	vst v0;
	(pc) =	sbr.rel @p0 .LBB2_2-.Ltmp0, $4  }
0x17: {  	[tilespmem:s30+$0x28B0] =	vst v0  }
0x18: {  	[tilespmem:s30+$0x28C0] =	vst v0  }
0x19: {  	[tilespmem:s30+$0x28D0] =	vst v0  }
0x1a: {  	[tilespmem:s30+$0x28E0] =	vst v0;
	s30 =	sshra.s32 s31, $0x2;
	s31 =	sadd.s32 $0x200, s31  }
0x1b: {  	[tilespmem:s30+$0x28F0] =	vst v0  }
0x1c: {  	[tilespmem:s30+$0x2880] =	vst v0  }
0x1d: {  	[tilespmem:s30+$0x2890] =	vst v0  }
0x1e: {  	[tilespmem:s30+$0x28A0] =	vst v0  }
0x1f: {  	[tilespmem:s30+$0x28B0] =	vst v0  }
0x20: {  	[tilespmem:s30+$0x28C0] =	vst v0  }
0x21: {  	[tilespmem:s30+$0x28D0] =	vst v0  }
0x22: {  	[tilespmem:s30+$0x28E0] =	vst v0  }
0x23: {  	[spmem:s5] =	stream.linear.scatter [tilespmem:s15], [sflag:$0x4], $0x3000, $0x38;
	[tilespmem:$0x1F880] =	vst v63  }
0x24: {  	_ =	swait.ge [sflag:s16], $0x3000  }
0x25: {  	[sflag:s16] =	ssyncset.done $0x0  }
0x26: {  	[sflag:s16] =	ssyncadd.s32 $0xFFFFD000  }
0x27: {  	[spmem:s6] =	stream.linear.scatter [tilespmem:s15], [sflag:$0x4], $0x3000, $0x38;
	[tilespmem:$0x1F880] =	vst v63  }
0x28: {  	_ =	swait.ge [sflag:s16], $0x3000  }
0x29: {  	[sflag:s16] =	ssyncset.done $0x0  }
0x2a: {  	[sflag:s16] =	ssyncadd.s32 $0xFFFFD000  }
0x2b: {  	[spmem:s7] =	stream.linear.scatter [tilespmem:s15], [sflag:$0x4], $0x3000, $0x38;
	[tilespmem:$0x1F880] =	vst v63  }
0x2c: {  	_ =	swait.ge [sflag:s16], $0x3000  }
0x2d: {  	[sflag:s16] =	ssyncset.done $0x0  }
0x2e: {  	[sflag:s16] =	ssyncadd.s32 $0xFFFFD000  }
0x2f: {  	[spmem:s8] =	stream.linear.scatter [tilespmem:s15], [sflag:$0x4], $0x3000, $0x38;
	[tilespmem:$0x1F880] =	vst v63  }
0x30: {  	_ =	swait.ge [sflag:s16], $0x3000  }
0x31: {  	[sflag:s16] =	ssyncset.done $0x0  }
0x32: {  	[sflag:s16] =	ssyncadd.s32 $0xFFFFD000  }
0x33: {  	[spmem:s9] =	stream.linear.scatter [tilespmem:s15], [sflag:$0x4], $0x3000, $0x38;
	[tilespmem:$0x1F880] =	vst v63  }
0x34: {  	_ =	swait.ge [sflag:s16], $0x3000  }
0x35: {  	[sflag:s16] =	ssyncset.done $0x0  }
0x36: {  	[sflag:s16] =	ssyncadd.s32 $0xFFFFD000  }
0x37: {  	[spmem:s10] =	stream.linear.scatter [tilespmem:s15], [sflag:$0x4], $0x3000, $0x38;
	[tilespmem:$0x1F880] =	vst v63  }
0x38: {  	_ =	swait.ge [sflag:s16], $0x3000  }
0x39: {  	[sflag:s16] =	ssyncset.done $0x0  }
0x3a: {  	[sflag:s16] =	ssyncadd.s32 $0xFFFFD000  }
0x3b: {  	[spmem:s11] =	stream.linear.scatter [tilespmem:s15], [sflag:$0x4], $0x2000, $0x38;
	[tilespmem:$0x1F880] =	vst v63  }
0x3c: {  	_ =	swait.ge [sflag:s16], $0x2000  }
0x3d: {  	[sflag:s16] =	ssyncset.done $0x0  }
0x3e: {  	[sflag:s16] =	ssyncadd.s32 $0xFFFFE000  }
0x3f: {  	s30 =	simm.s32 $0x0;
	[bflag:$0x0] =	sbarrier.arrive $0xFFFF  }
0x40: {  	[tilespmem:s30], [sflag:$0x4] =	stream.linear.gather [hbm4b:s12+s30], $0x1440, $0x38;
	[tilespmem:$0x1F880] =	vst v63  }
0x41: {  	_ =	swait.ge [sflag:s16], $0x1440  }
0x42: {  	[sflag:s16] =	ssyncset.done $0x0  }
0x43: {  	[sflag:s16] =	ssyncadd.s32 $0xFFFFEBC0  }
0x44: {  	[tilespmem:s17], [sflag:$0x4] =	stream.linear.gather [hbm4b:s13+s30], $0x1440, $0x38;
	[tilespmem:$0x1F880] =	vst v63  }
0x45: {  	_ =	swait.ge [sflag:s16], $0x1440  }
0x46: {  	[sflag:s16] =	ssyncset.done $0x0  }
0x47: {  	[sflag:s16] =	ssyncadd.s32 $0xFFFFEBC0  }
0x48: {  	[tilespmem:s15], [sflag:$0x1] =	stream.indirect.gather [hbm4b:s1+s18], $0x80, s30, s18, $0xb8;
	[tilespmem:$0x1F880] =	vst v63  }
0x49: {  	_ = 	snop  }
0x4a: {  	[tilespmem:s19], [sflag:$0x2] =	stream.indirect.gather [hbm4b:s1+s18], $0x80, s18, s18, $0xb8;
	[tilespmem:$0x1F880] =	vst v63  }
0x4b: {  	_ =	swait.ge [sflag:s20], $0x3000  }
0x4c: {  	[sflag:s20] =	ssyncset.done $0x0  }
0x4d: {  	s30 =	simm.s32 $0xC0;
	[sflag:s20] =	ssyncadd.s32 $0xFFFFD000  }
0x4e: {  	[tilespmem:s21], [sflag:$0x3] =	stream.indirect.gather [hbm4b:s1+s18], $0x80, s30, s18, $0xb8;
	[tilespmem:$0x1F880] =	vst v63  }
0x4f: {  	s30 =	simm.s32 $0x1440  }
0x50: {  	[spmem:s3] =	stream.indirect.scatter.add.f32 [tilespmem:s15], [sflag:$0x4], $0x80, s30, s18, $0xb8;
	[tilespmem:$0x1F880] =	vst v63  }
0x51: {  	_ =	swait.ge [sflag:s16], $0x3000  }
0x52: {  	[sflag:s16] =	ssyncset.done $0x0  }
0x53: {  	[sflag:s16] =	ssyncadd.s32 $0xFFFFD000  }
0x54: {  	_ =	swait.ge [sflag:s22], $0x3000  }
0x55: {  	[sflag:s22] =	ssyncset.done $0x0  }
0x56: {  	s30 =	simm.s32 $0x120;
	[sflag:s22] =	ssyncadd.s32 $0xFFFFD000  }
0x57: {  	[tilespmem:s15], [sflag:$0x1] =	stream.indirect.gather [hbm4b:s1+s18], $0x80, s30, s18, $0xb8;
	[tilespmem:$0x1F880] =	vst v63  }
0x58: {  	s30 =	simm.s32 $0x14A0  }
0x59: {  	[spmem:s3] =	stream.indirect.scatter.add.f32 [tilespmem:s19], [sflag:$0x4], $0x80, s30, s18, $0xb8;
	[tilespmem:$0x1F880] =	vst v63  }
0x5a: {  	_ =	swait.ge [sflag:s16], $0x3000  }
0x5b: {  	[sflag:s16] =	ssyncset.done $0x0  }
0x5c: {  	[sflag:s16] =	ssyncadd.s32 $0xFFFFD000  }
0x5d: {  	_ =	swait.ge [sflag:s23], $0x3000  }
0x5e: {  	[sflag:s23] =	ssyncset.done $0x0  }
0x5f: {  	s30 =	simm.s32 $0x180;
	[sflag:s23] =	ssyncadd.s32 $0xFFFFD000  }
0x60: {  	[tilespmem:s19], [sflag:$0x2] =	stream.indirect.gather [hbm4b:s1+s18], $0x80, s30, s18, $0xb8;
	[tilespmem:$0x1F880] =	vst v63  }
0x61: {  	s30 =	simm.s32 $0x1500  }
0x62: {  	[spmem:s3] =	stream.indirect.scatter.add.f32 [tilespmem:s21], [sflag:$0x4], $0x80, s30, s18, $0xb8;
	[tilespmem:$0x1F880] =	vst v63  }
0x63: {  	_ =	swait.ge [sflag:s16], $0x3000  }
0x64: {  	s30 =	simm.s32 $0x480;
	[sflag:s16] =	ssyncset.done $0x0  }
.LBB2_4:
0x65: {  	p0 =	sne.s32 s30, $0x4800  }
0x66: {  	[sflag:s16] =	ssyncadd.s32 $0xFFFFD000;
	s31 =	smov.u32 s30;
	s30 =	sadd.s32 $0x480, s30  }
0x67: {  	_ = 	snop  }
0x68: {  	_ =	swait.ge [sflag:s20], $0x3000  }
0x69: {  	s31 =	sshra.s32 s31, $0x2;
	[sflag:s20] =	ssyncset.done $0x0  }
0x6a: {  	s2 =	sadd.s32 $0xC0, s31;
	[sflag:s20] =	ssyncadd.s32 $0xFFFFD000  }
0x6b: {  	[tilespmem:s21], [sflag:$0x3] =	stream.indirect.gather [hbm4b:s1+s18], $0x80, s2, s18, $0xb8;
	[tilespmem:$0x1F880] =	vst v63  }
0x6c: {  	s2 =	sadd.s32 $0x1440, s31  }
0x6d: {  	[spmem:s3] =	stream.indirect.scatter.add.f32 [tilespmem:s15], [sflag:$0x4], $0x80, s2, s18, $0xb8;
	[tilespmem:$0x1F880] =	vst v63  }
0x6e: {  	_ =	swait.ge [sflag:s16], $0x3000  }
0x6f: {  	[sflag:s16] =	ssyncset.done $0x0  }
0x70: {  	[sflag:s16] =	ssyncadd.s32 $0xFFFFD000  }
0x71: {  	_ =	swait.ge [sflag:s22], $0x3000  }
0x72: {  	[sflag:s22] =	ssyncset.done $0x0  }
0x73: {  	s2 =	sadd.s32 $0x120, s31;
	[sflag:s22] =	ssyncadd.s32 $0xFFFFD000  }
0x74: {  	[tilespmem:s15], [sflag:$0x1] =	stream.indirect.gather [hbm4b:s1+s18], $0x80, s2, s18, $0xb8;
	[tilespmem:$0x1F880] =	vst v63  }
0x75: {  	s2 =	sadd.s32 $0x14A0, s31  }
0x76: {  	[spmem:s3] =	stream.indirect.scatter.add.f32 [tilespmem:s19], [sflag:$0x4], $0x80, s2, s18, $0xb8;
	[tilespmem:$0x1F880] =	vst v63  }
0x77: {  	_ =	swait.ge [sflag:s16], $0x3000  }
0x78: {  	[sflag:s16] =	ssyncset.done $0x0  }
0x79: {  	[sflag:s16] =	ssyncadd.s32 $0xFFFFD000  }
0x7a: {  	_ =	swait.ge [sflag:s23], $0x3000  }
0x7b: {  	[sflag:s23] =	ssyncset.done $0x0  }
0x7c: {  	s2 =	sadd.s32 $0x180, s31;
	[sflag:s23] =	ssyncadd.s32 $0xFFFFD000  }
0x7d: {  	[tilespmem:s19], [sflag:$0x2] =	stream.indirect.gather [hbm4b:s1+s18], $0x80, s2, s18, $0xb8;
	[tilespmem:$0x1F880] =	vst v63  }
.Ltmp1:
0x7e: {  	_ = 	snop;
	(pc) =	sbr.rel @p0 .LBB2_4-.Ltmp1, $4  }
0x7f: {  	s2 =	sadd.s32 $0x1500, s31  }
0x80: {  	[spmem:s3] =	stream.indirect.scatter.add.f32 [tilespmem:s21], [sflag:$0x4], $0x80, s2, s18, $0xb8;
	[tilespmem:$0x1F880] =	vst v63  }
0x81: {  	_ =	swait.ge [sflag:s16], $0x3000  }
0x82: {  	[sflag:s16] =	ssyncset.done $0x0  }
0x83: {  	[sflag:s16] =	ssyncadd.s32 $0xFFFFD000  }
0x84: {  	_ =	swait.ge [sflag:s20], $0x3000  }
0x85: {  	[sflag:s20] =	ssyncset.done $0x0  }
0x86: {  	[sflag:s20] =	ssyncadd.s32 $0xFFFFD000  }
0x87: {  	[tilespmem:s21], [sflag:$0x3] =	stream.indirect.gather [hbm4b:s1+s18], $0x80, s25, s18, $0xb8;
	[tilespmem:$0x1F880] =	vst v63  }
0x88: {  	_ = 	snop  }
0x89: {  	[spmem:s3] =	stream.indirect.scatter.add.f32 [tilespmem:s15], [sflag:$0x4], $0x80, s26, s18, $0xb8;
	[tilespmem:$0x1F880] =	vst v63  }
0x8a: {  	_ =	swait.ge [sflag:s16], $0x3000  }
0x8b: {  	[sflag:s16] =	ssyncset.done $0x0  }
0x8c: {  	[sflag:s16] =	ssyncadd.s32 $0xFFFFD000  }
0x8d: {  	_ =	swait.ge [sflag:s22], $0x3000  }
0x8e: {  	[sflag:s22] =	ssyncset.done $0x0  }
0x8f: {  	[sflag:s22] =	ssyncadd.s32 $0xFFFFD000  }
0x90: {  	[spmem:s3] =	stream.indirect.scatter.add.f32 [tilespmem:s19], [sflag:$0x4], $0x80, s28, s18, $0xb8;
	[tilespmem:$0x1F880] =	vst v63  }
0x91: {  	_ =	swait.ge [sflag:s16], $0x3000  }
0x92: {  	[sflag:s16] =	ssyncset.done $0x0  }
0x93: {  	[sflag:s16] =	ssyncadd.s32 $0xFFFFD000  }
0x94: {  	_ =	swait.ge [sflag:s23], $0x3000  }
0x95: {  	[sflag:s23] =	ssyncset.done $0x0  }
0x96: {  	[sflag:s23] =	ssyncadd.s32 $0xFFFFD000  }
0x97: {  	[spmem:s3] =	stream.indirect.scatter.add.f32 [tilespmem:s21], [sflag:$0x4], $0x80, s29, s18, $0xb8;
	[tilespmem:$0x1F880] =	vst v63  }
0x98: {  	_ =	swait.ge [sflag:s16], $0x3000  }
0x99: {  	[sflag:s16] =	ssyncset.done $0x0  }
0x9a: {  	s2 =	sadd.s32 $0x288, s12;
	s30 =	simm.s32 $0x0;
	[sflag:s16] =	ssyncadd.s32 $0xFFFFD000  }
0x9b: {  	[tilespmem:s30], [sflag:$0x4] =	stream.linear.gather [hbm4b:s2+s30], $0x1440, $0x38;
	[tilespmem:$0x1F880] =	vst v63  }
0x9c: {  	_ =	swait.ge [sflag:s16], $0x1440  }
0x9d: {  	[sflag:s16] =	ssyncset.done $0x0  }
0x9e: {  	s31 =	sadd.s32 $0x288, s13;
	[sflag:s16] =	ssyncadd.s32 $0xFFFFEBC0  }
0x9f: {  	[tilespmem:s17], [sflag:$0x4] =	stream.linear.gather [hbm4b:s31+s30], $0x1440, $0x38;
	[tilespmem:$0x1F880] =	vst v63  }
0xa0: {  	_ =	swait.ge [sflag:s16], $0x1440  }
0xa1: {  	[sflag:s16] =	ssyncset.done $0x0  }
0xa2: {  	[sflag:s16] =	ssyncadd.s32 $0xFFFFEBC0  }
0xa3: {  	[tilespmem:s15], [sflag:$0x1] =	stream.indirect.gather [hbm4b:s1+s18], $0x80, s30, s18, $0xb8;
	[tilespmem:$0x1F880] =	vst v63  }
0xa4: {  	_ = 	snop  }
0xa5: {  	[tilespmem:s19], [sflag:$0x2] =	stream.indirect.gather [hbm4b:s1+s18], $0x80, s18, s18, $0xb8;
	[tilespmem:$0x1F880] =	vst v63  }
0xa6: {  	_ =	swait.ge [sflag:s20], $0x3000  }
0xa7: {  	[sflag:s20] =	ssyncset.done $0x0  }
0xa8: {  	s31 =	simm.s32 $0xC0;
	[sflag:s20] =	ssyncadd.s32 $0xFFFFD000  }
0xa9: {  	[tilespmem:s21], [sflag:$0x3] =	stream.indirect.gather [hbm4b:s1+s18], $0x80, s31, s18, $0xb8;
	[tilespmem:$0x1F880] =	vst v63  }
0xaa: {  	s31 =	simm.s32 $0x1440  }
0xab: {  	[spmem:s3] =	stream.indirect.scatter.add.f32 [tilespmem:s15], [sflag:$0x4], $0x80, s31, s18, $0xb8;
	[tilespmem:$0x1F880] =	vst v63  }
0xac: {  	_ =	swait.ge [sflag:s16], $0x3000  }
0xad: {  	[sflag:s16] =	ssyncset.done $0x0  }
0xae: {  	[sflag:s16] =	ssyncadd.s32 $0xFFFFD000  }
0xaf: {  	_ =	swait.ge [sflag:s22], $0x3000  }
0xb0: {  	[sflag:s22] =	ssyncset.done $0x0  }
0xb1: {  	s31 =	simm.s32 $0x120;
	[sflag:s22] =	ssyncadd.s32 $0xFFFFD000  }
0xb2: {  	[tilespmem:s15], [sflag:$0x1] =	stream.indirect.gather [hbm4b:s1+s18], $0x80, s31, s18, $0xb8;
	[tilespmem:$0x1F880] =	vst v63  }
0xb3: {  	s31 =	simm.s32 $0x14A0  }
0xb4: {  	[spmem:s3] =	stream.indirect.scatter.add.f32 [tilespmem:s19], [sflag:$0x4], $0x80, s31, s18, $0xb8;
	[tilespmem:$0x1F880] =	vst v63  }
0xb5: {  	_ =	swait.ge [sflag:s16], $0x3000  }
0xb6: {  	[sflag:s16] =	ssyncset.done $0x0  }
0xb7: {  	[sflag:s16] =	ssyncadd.s32 $0xFFFFD000  }
0xb8: {  	_ =	swait.ge [sflag:s23], $0x3000  }
0xb9: {  	[sflag:s23] =	ssyncset.done $0x0  }
0xba: {  	s31 =	simm.s32 $0x180;
	[sflag:s23] =	ssyncadd.s32 $0xFFFFD000  }
0xbb: {  	[tilespmem:s19], [sflag:$0x2] =	stream.indirect.gather [hbm4b:s1+s18], $0x80, s31, s18, $0xb8;
	[tilespmem:$0x1F880] =	vst v63  }
0xbc: {  	s31 =	simm.s32 $0x1500  }
0xbd: {  	[spmem:s3] =	stream.indirect.scatter.add.f32 [tilespmem:s21], [sflag:$0x4], $0x80, s31, s18, $0xb8;
	[tilespmem:$0x1F880] =	vst v63  }
0xbe: {  	_ =	swait.ge [sflag:s16], $0x3000  }
0xbf: {  	s30 =	simm.s32 $0x480;
	[sflag:s16] =	ssyncset.done $0x0  }
.LBB2_6:
0xc0: {  	p0 =	sne.s32 s30, $0x4800  }
0xc1: {  	[sflag:s16] =	ssyncadd.s32 $0xFFFFD000;
	s2 =	smov.u32 s30;
	s30 =	sadd.s32 $0x480, s30  }
0xc2: {  	_ = 	snop  }
0xc3: {  	_ =	swait.ge [sflag:s20], $0x3000  }
0xc4: {  	s2 =	sshra.s32 s2, $0x2;
	[sflag:s20] =	ssyncset.done $0x0  }
0xc5: {  	s31 =	sadd.s32 $0xC0, s2;
	[sflag:s20] =	ssyncadd.s32 $0xFFFFD000  }
0xc6: {  	[tilespmem:s21], [sflag:$0x3] =	stream.indirect.gather [hbm4b:s1+s18], $0x80, s31, s18, $0xb8;
	[tilespmem:$0x1F880] =	vst v63  }
0xc7: {  	s31 =	sadd.s32 $0x1440, s2  }
0xc8: {  	[spmem:s3] =	stream.indirect.scatter.add.f32 [tilespmem:s15], [sflag:$0x4], $0x80, s31, s18, $0xb8;
	[tilespmem:$0x1F880] =	vst v63  }
0xc9: {  	_ =	swait.ge [sflag:s16], $0x3000  }
0xca: {  	[sflag:s16] =	ssyncset.done $0x0  }
0xcb: {  	[sflag:s16] =	ssyncadd.s32 $0xFFFFD000  }
0xcc: {  	_ =	swait.ge [sflag:s22], $0x3000  }
0xcd: {  	[sflag:s22] =	ssyncset.done $0x0  }
0xce: {  	s31 =	sadd.s32 $0x120, s2;
	[sflag:s22] =	ssyncadd.s32 $0xFFFFD000  }
0xcf: {  	[tilespmem:s15], [sflag:$0x1] =	stream.indirect.gather [hbm4b:s1+s18], $0x80, s31, s18, $0xb8;
	[tilespmem:$0x1F880] =	vst v63  }
0xd0: {  	s31 =	sadd.s32 $0x14A0, s2  }
0xd1: {  	[spmem:s3] =	stream.indirect.scatter.add.f32 [tilespmem:s19], [sflag:$0x4], $0x80, s31, s18, $0xb8;
	[tilespmem:$0x1F880] =	vst v63  }
0xd2: {  	_ =	swait.ge [sflag:s16], $0x3000  }
0xd3: {  	[sflag:s16] =	ssyncset.done $0x0  }
0xd4: {  	[sflag:s16] =	ssyncadd.s32 $0xFFFFD000  }
0xd5: {  	_ =	swait.ge [sflag:s23], $0x3000  }
0xd6: {  	[sflag:s23] =	ssyncset.done $0x0  }
0xd7: {  	s31 =	sadd.s32 $0x180, s2;
	[sflag:s23] =	ssyncadd.s32 $0xFFFFD000  }
0xd8: {  	[tilespmem:s19], [sflag:$0x2] =	stream.indirect.gather [hbm4b:s1+s18], $0x80, s31, s18, $0xb8;
	[tilespmem:$0x1F880] =	vst v63  }
.Ltmp2:
0xd9: {  	_ = 	snop;
	(pc) =	sbr.rel @p0 .LBB2_6-.Ltmp2, $4  }
0xda: {  	s2 =	sadd.s32 $0x1500, s2  }
0xdb: {  	[spmem:s3] =	stream.indirect.scatter.add.f32 [tilespmem:s21], [sflag:$0x4], $0x80, s2, s18, $0xb8;
	[tilespmem:$0x1F880] =	vst v63  }
0xdc: {  	_ =	swait.ge [sflag:s16], $0x3000  }
0xdd: {  	[sflag:s16] =	ssyncset.done $0x0  }
0xde: {  	[sflag:s16] =	ssyncadd.s32 $0xFFFFD000  }
0xdf: {  	_ =	swait.ge [sflag:s20], $0x3000  }
0xe0: {  	[sflag:s20] =	ssyncset.done $0x0  }
0xe1: {  	[sflag:s20] =	ssyncadd.s32 $0xFFFFD000  }
0xe2: {  	[tilespmem:s21], [sflag:$0x3] =	stream.indirect.gather [hbm4b:s1+s18], $0x80, s25, s18, $0xb8;
	[tilespmem:$0x1F880] =	vst v63  }
0xe3: {  	_ = 	snop  }
0xe4: {  	[spmem:s3] =	stream.indirect.scatter.add.f32 [tilespmem:s15], [sflag:$0x4], $0x80, s26, s18, $0xb8;
	[tilespmem:$0x1F880] =	vst v63  }
0xe5: {  	_ =	swait.ge [sflag:s16], $0x3000  }
0xe6: {  	[sflag:s16] =	ssyncset.done $0x0  }
0xe7: {  	[sflag:s16] =	ssyncadd.s32 $0xFFFFD000  }
0xe8: {  	_ =	swait.ge [sflag:s22], $0x3000  }
0xe9: {  	[sflag:s22] =	ssyncset.done $0x0  }
0xea: {  	[sflag:s22] =	ssyncadd.s32 $0xFFFFD000  }
0xeb: {  	[spmem:s3] =	stream.indirect.scatter.add.f32 [tilespmem:s19], [sflag:$0x4], $0x80, s28, s18, $0xb8;
	[tilespmem:$0x1F880] =	vst v63  }
0xec: {  	_ =	swait.ge [sflag:s16], $0x3000  }
0xed: {  	[sflag:s16] =	ssyncset.done $0x0  }
0xee: {  	[sflag:s16] =	ssyncadd.s32 $0xFFFFD000  }
0xef: {  	_ =	swait.ge [sflag:s23], $0x3000  }
0xf0: {  	[sflag:s23] =	ssyncset.done $0x0  }
0xf1: {  	[sflag:s23] =	ssyncadd.s32 $0xFFFFD000  }
0xf2: {  	[spmem:s3] =	stream.indirect.scatter.add.f32 [tilespmem:s21], [sflag:$0x4], $0x80, s29, s18, $0xb8;
	[tilespmem:$0x1F880] =	vst v63  }
0xf3: {  	_ =	swait.ge [sflag:s16], $0x3000  }
0xf4: {  	s2 =	sshll.u32 s0, $0x6;
	s4 =	sadd.s32 $0x1, s4;
	[sflag:s16] =	ssyncset.done $0x0  }
0xf5: {  	s30 =	sshrl.u32 s5, $0x3;
	p0 =	sne.s32 s4, s14;
	[sflag:s16] =	ssyncadd.s32 $0xFFFFD000  }
.Ltmp3:
0xf6: {  	s2 =	sor.u32 $0x1C04, s2;
	[bflag:$0x0] =	sbarrier.arrive $0xFFFF;
	(pc) =	sbr.rel @p0 .LBB2_1-.Ltmp3, $4  }
0xf7: {  	[hbm:s24], [sflag:s2] =	dma.local [spmem:s30], $0x2800  }
0xf8: {  	_ =	swait.ge [sflag:s16], $0x2800  }
0xf9: {  	[sflag:s16] =	ssyncset.done $0x0  }
0xfa: {  	[sflag:s16] =	ssyncadd.s32 $0xFFFFD800  }
0xfb: {  	_ =	sfence.sel $0x180000  }
0xfc: {  	[bflag:$0x0] =	sbarrier.arrive $0xFFFF  }
0xfd: {  	_ =	strace $0x9000004A  }
0xfe: {  	[bflag:$0x2] =	sbarrier.arrive $0xFFFF  }
0xff: {  	p0 =	sne.s32 s0, $0x0;
	s0 =	rddreg [dreg:$0x3]  }
0x100: {  	s0 =	sadd.s32 @!p0 $0x100000, s0  }
0x101: {  	[sflag:s0] =	ssyncadd.tile.s32 @!p0 $0x1;
	_ =	shalt  }
.Lfunc_end2:
_tile_overlayer_lowered:
.L_overlay_start_2:
0x102: {  	(tag) =	ssettag $0x2  }
0x103: {  	s0 =	rddreg [dreg:$0x0];
	s2 =	stileid.u32  }
0x104: {  	s1 =	rddreg [dreg:$0x1];
	p0 =	sne.s32 s2, $0x0  }
0x105: {  	s3 =	rddreg [dreg:$0x2];
	[bflag:$0x3] =	sbarrier.arrive $0xFFFF;
	s2 =	simm.s32 @!p0 $0x1C04  }
0x106: {  	[timem:s3], [sflag:s2] =	dma.local @!p0 [hbm:s0], s1  }
0x107: {  	s0 =	simm.s32 @!p0 $0x4  }
0x108: {  	_ =	swait.ge @!p0 [sflag:s0], s1  }
0x109: {  	s1 =	ssub.s32 @!p0 $0x0, s1;
	[sflag:s0] =	ssyncset.done @!p0 $0x0  }
0x10a: {  	[sflag:s0] =	ssyncadd.s32 @!p0 s1  }
0x10b: {  	[bflag:$0x3] =	sbarrier.arrive $0xFFFF  }
0x10c: {  	_ =	shalt  }

// kernel: kernel.14.cloned.1.call-start
scs
__scs_entry_jumppad:
0x0: {  	(pc) =	sbr.rel $0x88, $3  }
0x1: {  	(tag) =	ssettag $0x0;
	lr =	simm.s32 $0x1  }
0x2: {  	[smem:$0x3F99] =	sst lr;
	_ =	strace $0xD0000000  }
0x3: {  	_ = 	snop  }
0x4: {  	_ = 	snop  }
0x5: {  	_ = 	snop  }
0x6: {  	_ = 	snop  }
0x7: {  	_ = 	snop  }
__scs_overlays_trampoline_lowered:
0x8: {  	[smem:$0x3FA8] =	sst s0  }
0x9: {  	[smem:$0x3FA9] =	sst s1  }
0xa: {  	[smem:$0x3FAA] =	sst s2  }
0xb: {  	[smem:$0x3FAB] =	sst s3  }
0xc: {  	[smem:$0x3FAC] =	sst s4  }
0xd: {  	[smem:$0x3FAD] =	sst s5  }
0xe: {  	[smem:$0x3FAE] =	sst s6  }
0xf: {  	[smem:$0x3FAF] =	sst s7  }
0x10: {  	[smem:$0x3FB0] =	sst s8  }
0x11: {  	[smem:$0x3FB1] =	sst s9;
	s0 =	simm.s32 @!p0 $0x0  }
0x12: {  	s1 =	sld [smem:$0x3F97];
	s0 =	simm.s32 @p0 $0x1  }
0x13: {  	[smem:$0x3FB2] =	sst s0;
	s0 =	simm.s32 @!p1 $0x0  }
0x14: {  	s2 =	sld [smem:$0x3F96];
	s0 =	simm.s32 @p1 $0x1  }
0x15: {  	[smem:$0x3FB3] =	sst s0;
	s0 =	simm.s32 @!p2 $0x0  }
0x16: {  	s3 =	sld [smem:$0x3FDB];
	s0 =	simm.s32 @p2 $0x1  }
0x17: {  	s4 =	simm.s32 $0x1BF5;
	[smem:$0x3FB5] =	sst s0  }
0x18: {  	s0 =	sld [smem:$0x3F98];
	_ =	swait.ge [sflag:s4], $0x0  }
0x19: {  	s7 =	sld [smem:$0x3F99]  }
0x1a: {  	s8 =	sadd.s32 $0xFFFFE003, lr  }
0x1b: {  	s9 =	sadd.s32 $0xFFFFFEF7, lr;
	s5 =	simm.s32 $0xFFFFFFFF;
	p2 =	slt.u32 s8, $0xFFFFF086  }
0x1c: {  	p1 =	slt.u32 s9, $0xF7A;
	s5 =	simm.s32 @!p2 $0x0  }
0x1d: {  	s5 =	simm.s32 @p1 $0x1;
	p0 =	seq.s32 s7, s2  }
0x1e: {  	s7 =	smul.u32 @!p0 $0xF7A, s2;
	p2 =	seq.s32 @!p0 s5, $0x0  }
0x1f: {  	s9 =	smul.u32 $0xF7A, s1;
	s8 =	simm.s32 @!p0 $0x1BF5;
	p2 =	por !p2, p0  }
0x20: {  	[sflag:s8] =	ssyncset.s32 @!p0 $0xFFFFF086;
	s6 =	sadd.s32 @!p0 s3, s7;
	s7 =	simm.s32 @!p0 $0x108  }
0x21: {  	s3 =	sadd.s32 s3, s9;
	s6 =	sadd.s32 @!p0 $0x88, s6;
	s7 =	simm.s32 @p2 $0x1082  }
0x22: {  	[simem:s7], [sflag:s8] =	dma.local @!p0 [hbm:s6], $0xF7A  }
0x23: {  	s9 =	sor.u32 $0xD0000000, s2;
	s6 =	simm.s32 $0x108;
	_ =	swait.ge @!p0 [sflag:s8], $0x0  }
0x24: {  	s3 =	sadd.s32 $0x88, s3;
	s6 =	simm.s32 @!p1 $0x1082;
	[sflag:s4] =	ssyncset.s32 $0xFFFFF086  }
0x25: {  	[simem:s6], [sflag:s4] =	dma.local [hbm:s3], $0xF7A  }
0x26: {  	[smem:$0x3F99] =	sst s1;
	(tag) =	ssettag s2;
	_ =	strace s9  }
0x27: {  	s1 =	sld [smem:$0x3FA9]  }
0x28: {  	s2 =	sld [smem:$0x3FAA]  }
0x29: {  	s4 =	sld [smem:$0x3FAC]  }
0x2a: {  	p0 =	seq.s32 s5, $0x0;
	s5 =	sld [smem:$0x3FAD]  }
0x2b: {  	s6 =	sld [smem:$0x3FAE]  }
0x2c: {  	s7 =	sld [smem:$0x3FAF]  }
0x2d: {  	s3 =	simm.s32 $0x108;
	s8 =	sld [smem:$0x3FB0]  }
0x2e: {  	s3 =	simm.s32 @!p0 $0x1082;
	s9 =	sld [smem:$0x3FB1]  }
0x2f: {  	lr =	sadd.s32 s0, s3;
	s0 =	sld [smem:$0x3FA8]  }
0x30: {  	s3 =	sld [smem:$0x3FAB]  }
0x31: {  	[smem:$0x3FB4] =	sst s10  }
0x32: {  	s10 =	sld [smem:$0x3FB2];
	_ =	sdelay $0x3  }
0x33: {  	p0 =	seq.s32 s10, $0x1;
	s10 =	sld [smem:$0x3FB4];
	_ =	sdelay $0x3  }
0x34: {  	[smem:$0x3FB4] =	sst s10  }
0x35: {  	s10 =	sld [smem:$0x3FB3];
	_ =	sdelay $0x3  }
0x36: {  	p1 =	seq.s32 s10, $0x1;
	s10 =	sld [smem:$0x3FB4];
	_ =	sdelay $0x3  }
0x37: {  	[smem:$0x3FB4] =	sst s10  }
0x38: {  	s10 =	sld [smem:$0x3FB5]  }
0x39: {  	_ = 	snop;
	(pc) =	sbr.ind lr, $3  }
0x3a: {  	_ = 	snop  }
0x3b: {  	_ = 	snop  }
0x3c: {  	p2 =	seq.s32 s10, $0x1;
	s10 =	sld [smem:$0x3FB4]  }
0x3d: {  	_ =	shalt  }
0x3e: {  	_ =	shalt  }
0x3f: {  	_ =	shalt  }
0x40: {  	_ =	shalt  }
0x41: {  	_ =	shalt  }
0x42: {  	_ =	shalt  }
0x43: {  	_ =	shalt  }
0x44: {  	_ =	shalt  }
0x45: {  	_ =	shalt  }
0x46: {  	_ =	shalt  }
0x47: {  	_ =	shalt  }
0x48: {  	_ =	shalt  }
0x49: {  	_ =	shalt  }
0x4a: {  	_ =	shalt  }
0x4b: {  	_ =	shalt  }
0x4c: {  	_ =	shalt  }
0x4d: {  	_ =	shalt  }
0x4e: {  	_ =	shalt  }
0x4f: {  	_ =	shalt  }
0x50: {  	_ =	shalt  }
0x51: {  	_ =	shalt  }
0x52: {  	_ =	shalt  }
0x53: {  	_ =	shalt  }
0x54: {  	_ =	shalt  }
0x55: {  	_ =	shalt  }
0x56: {  	_ =	shalt  }
0x57: {  	_ =	shalt  }
0x58: {  	_ =	shalt  }
0x59: {  	_ =	shalt  }
0x5a: {  	_ =	shalt  }
0x5b: {  	_ =	shalt  }
0x5c: {  	_ =	shalt  }
0x5d: {  	_ =	shalt  }
0x5e: {  	_ =	shalt  }
0x5f: {  	_ =	shalt  }
0x60: {  	_ =	shalt  }
0x61: {  	_ =	shalt  }
0x62: {  	_ =	shalt  }
0x63: {  	_ =	shalt  }
0x64: {  	_ =	shalt  }
0x65: {  	_ =	shalt  }
0x66: {  	_ =	shalt  }
0x67: {  	_ =	shalt  }
0x68: {  	_ =	shalt  }
0x69: {  	_ =	shalt  }
0x6a: {  	_ =	shalt  }
0x6b: {  	_ =	shalt  }
0x6c: {  	_ =	shalt  }
0x6d: {  	_ =	shalt  }
0x6e: {  	_ =	shalt  }
0x6f: {  	_ =	shalt  }
0x70: {  	_ =	shalt  }
0x71: {  	_ =	shalt  }
0x72: {  	_ =	shalt  }
0x73: {  	_ =	shalt  }
0x74: {  	_ =	shalt  }
0x75: {  	_ =	shalt  }
0x76: {  	_ =	shalt  }
0x77: {  	_ =	shalt  }
0x78: {  	_ =	shalt  }
0x79: {  	_ =	shalt  }
0x7a: {  	_ =	shalt  }
0x7b: {  	_ =	shalt  }
0x7c: {  	_ =	shalt  }
0x7d: {  	_ =	shalt  }
0x7e: {  	_ =	shalt  }
0x7f: {  	_ =	shalt  }
0x80: {  	_ =	shalt  }
0x81: {  	_ =	shalt  }
0x82: {  	_ =	shalt  }
0x83: {  	_ =	shalt  }
0x84: {  	_ =	shalt  }
0x85: {  	_ =	shalt  }
0x86: {  	_ =	shalt  }
0x87: {  	_ =	shalt  }
.Lfunc_end0:
.L_simem_size_0:
called_computation.2_lowered:
.L_overlay_start_0:
0x88: {  	s2 =	sld [smem:$0x3FD9]  }
0x89: {  	s3 =	sld [smem:$0x3FFE];
	_ =	sdelay $0x1  }
0x8a: {  	s1 =	srdreg.scid  }
0x8b: {  	s0 =	sand.u32 $0x1, s1  }
0x8c: {  	s17 =	sshll.u32 s0, $0xA;
	s2 =	sadd.s32 s3, s2  }
0x8d: {  	s2 =	sadd.s32 s2, s17  }
0x8e: {  	[smem:$0x3FC0] =	sst s2  }
0x8f: {  	_ = 	snop  }
0x90: {  	s2 =	sld [smem:$0x3FD0];
	(tm) =	ssettm $0x1  }
0x91: {  	s18 =	sld [smem:$0x3FFB];
	_ =	sdelay $0x3  }
0x92: {  	_ =	strace s18  }
0x93: {  	s3 =	sld [smem:$0x3FFC];
	_ =	sdelay $0x3  }
0x94: {  	_ =	strace s3  }
0x95: {  	s3 =	sld [smem:$0x3FFD];
	_ =	sdelay $0x3  }
0x96: {  	_ =	strace s3  }
0x97: {  	_ =	strace $0x8FFFFFFF  }
0x98: {  	s19 =	sld [smem:$0x3FDB];
	_ =	sdelay $0x1  }
0x99: {  	s4 =	simm.s32 $_scs_section_size  }
0x9a: {  	s5 =	simm.s32 $_size__tile_overlayer_lowered;
	s6 =	simm.s32 $_tile_overlayer_lowered  }
0x9b: {  	s22 =	simm.s32 $0x1BFF;
	s21 =	sshll.u32 s6, $0x1;
	s3 =	sadd.s32 s4, s19  }
0x9c: {  	s7 =	simm.s32 $0x0;
	s20 =	sshll.u32 s5, $0x1;
	s5 =	sadd.s32 s21, s3  }
0x9d: {  	[timem:s7], [sflag:s22] =	dma.local [hbm:s5], s20  }
0x9e: {  	_ =	swait.ge [sflag:s22], s20  }
0x9f: {  	s4 =	ssub.s32 $0x0, s20;
	[sflag:s22] =	ssyncset.done $0x0  }
0xa0: {  	[sflag:s22] =	ssyncadd.s32 s4;
	_ =	sdelay $0x1  }
0xa1: {  	s23 =	simm.s32 $0x1B8B  }
0xa2: {  	_ =	swait.ge [sflag:s23], $0x1  }
0xa3: {  	[sflag:s23] =	ssyncset.done $0x0  }
0xa4: {  	s25 =	simm.s32 $0x1B8E;
	s24 =	sld [smem:$0x3FFE];
	[sflag:s23] =	ssyncadd.s32 $0xFFFFFFFF  }
0xa5: {  	s26 =	simm.s32 $execute0_lowered;
	[smem:$0x3FD2] =	sst s25  }
0xa6: {  	s5 =	sshll.u32 s26, $0x1;
	_ =	strace $0x8000004C;
	[dreg:$0x1] =	wrdreg $0xFFFFFFFF  }
0xa7: {  	s28 =	simm.s32 $_size_execute0_lowered;
	s3 =	sadd.s32 s3, s5;
	[dreg:$0x0] =	wrdreg $0x0  }
0xa8: {  	s5 =	sshll.u32 s28, $0x1;
	[dreg:$0x2] =	wrdreg s3  }
0xa9: {  	[dreg:$0x3] =	wrdreg s5  }
0xaa: {  	[dreg:$0x4] =	wrdreg $0xC0  }
0xab: {  	_ =	task [dreg:s7], $0x5FFFF  }
0xac: {  	[dreg:$0x1] =	wrdreg $0xFFFFFFFF  }
0xad: {  	[dreg:$0x0] =	wrdreg $0x60  }
0xae: {  	[dreg:$0x2] =	wrdreg s2  }
0xaf: {  	[dreg:$0x3] =	wrdreg s24  }
0xb0: {  	[dreg:$0x4] =	wrdreg $0xBD000  }
0xb1: {  	[dreg:$0x5] =	wrdreg $0x9  }
0xb2: {  	_ =	task.clear_ibuf [dreg:s7], $0x6FFFF;
	_ =	strace $0x9000004C  }
0xb3: {  	s29 =	simm.s32 $0x9;
	_ =	strace $0x8000004E  }
0xb4: {  	_ =	swait.ge [sflag:s29], $0x1  }
0xb5: {  	[sflag:s29] =	ssyncadd.s32 $0xFFFFFFFF  }
0xb6: {  	_ =	strace $0x9000004E  }
0xb7: {  	_ =	sfence  }
0xb8: {  	s30 =	sld [smem:$0x0];
	_ =	sdelay $0x2  }
0xb9: {  	s31 =	sshll.u32 s1, $0xD;
	s1 =	sshrl.u32 s1, $0x2  }
0xba: {  	s3 =	sand.u32 $0x4000, s31;
	s1 =	sadd.s32 s1, s30  }
0xbb: {  	s0 =	sor.u32 s3, s0;
	s1 =	sshll.u32 s1, $0x11  }
0xbc: {  	s0 =	sor.u32 s1, s0  }
0xbd: {  	s0 =	sadd.s32 $0x8F2B, s0  }
0xbe: {  	[sflag:s0] =	ssyncadd.remote.s32 $0x1  }
0xbf: {  	_ =	sfence.sel $0xFFFF  }
0xc0: {  	[dreg:$0x0] =	wrdreg $0xFFFFFFFF;
	(pc) =	sbr.abs _section_cstart, $3  }
0xc1: {  	[dreg:$0x1] =	wrdreg $0xFFFFFFFF  }
0xc2: {  	_ =	task.clear_ibuf [dreg:s7], $0x2FFFF;
	_ =	strace $0x9FFFFFFF  }
0xc3: {  	(tm) =	ssettm $0x7FFFFFFF  }
tec
execute0_lowered:
.L_overlay_start_1:
0x0: {  	(tag) =	ssettag $0x1  }
0x1: {  	s1 =	rddreg [dreg:$0x0]  }
0x2: {  	s0 =	srdreg.scid;
	s2 =	rddreg [dreg:$0x1]  }
0x3: {  	s8 =	stileid.u32;
	s3 =	rddreg [dreg:$0x2]  }
0x4: {  	s15 =	simm.s32 $0x5100;
	s16 =	simm.s32 $0x7;
	s28 =	simm.s32 $0x1  }
0x5: {  	s29 =	simm.s32 $0xAB00;
	s30 =	simm.s32 $0x2;
	s31 =	simm.s32 $0x4  }
0x6: {  	s0 =	sand.u32 $0x1, s0;
	s4 =	sshll.u32 s8, $0x1;
	s6 =	smul.u32 $0x1E000, s8  }
0x7: {  	s8 =	smul.u32 $0x7800, s8;
	s5 =	sor.u32 s0, s4;
	s4 =	simm.s32 $0x0  }
0x8: {  	s18 =	smul.u32 $0xF000, s0;
	s0 =	ssub.s32 $0x2, s0;
	s6 =	sshrl.u32 s6, $0x2  }
0x9: {  	s5 =	smul.u32 $0x510, s5;
	[smem:$0x7FF] =	sst s4;
	s6 =	sadd.s32 s6, s3  }
0xa: {  	s19 =	sshrl.u32 s0, $0x1;
	s26 =	sshrl.u32 s8, $0x3;
	s9 =	sadd.s32 $0x1200, s6  }
0xb: {  	_ =	strace $0x8000004D;
	s20 =	sadd.s32 $0x2400, s6;
	[dreg:$0x4] =	wrdreg s9  }
0xc: {  	s0 =	ssub.s32 s0, s19;
	s21 =	sadd.s32 $0x3600, s6;
	[dreg:$0x5] =	wrdreg s20  }
0xd: {  	s7 =	sadd.s32 s5, s2;
	s22 =	sadd.s32 $0x4800, s6;
	[dreg:$0x6] =	wrdreg s21  }
0xe: {  	s2 =	sadd.s32 s18, s2;
	s23 =	sadd.s32 $0x5A00, s6;
	[dreg:$0x7] =	wrdreg s22  }
0xf: {  	s5 =	sadd.s32 s8, s3;
	s6 =	sadd.s32 $0x6C00, s6;
	[dreg:$0x8] =	wrdreg s23  }
0x10: {  	s14 =	smax.u32 s0, $0x1;
	[dreg:$0x9] =	wrdreg s6;
	s24 =	sadd.s32 $0x1C00, s7  }
0x11: {  	s18 =	simm.s32 $0x60;
	s25 =	sadd.s32 $0xBE00, s7;
	[dreg:$0xa] =	wrdreg s24  }
0x12: {  	s2 =	sadd.s32 $0x16000, s2;
	s21 =	simm.s32 $0x7500;
	[dreg:$0xb] =	wrdreg s25  }
0x13: {  	v0 =	vimm.f32 $0.0e+00;
	s24 =	sadd.s32 s26, s2;
	s26 =	simm.s32 $0x9900;
	s2 =	simm.s32 $0x6  }
.LBB2_1:
0x14: {  	s0 =	simm.s32 $0xC0;
	s6 =	simm.s32 $0x0  }
.LBB2_2:
0x15: {  	p0 =	sne.s32 s0, $0x4740;
	[tilespmem:s6+$0x5120] =	vst v0;
	s7 =	smov.u32 s0;
	s0 =	sadd.s32 $0xC0, s0  }
.Ltmp0:
0x16: {  	[tilespmem:s6+$0x5100] =	vst v0;
	(pc) =	sbr.rel @p0 .LBB2_2-.Ltmp0, $2  }
0x17: {  	[tilespmem:s6+$0x5110] =	vst v0;
	_ =	sdelay $0x2  }
0x18: {  	s6 =	sshra.s32 s7, $0x2  }
0x19: {  	[tilespmem:s6+$0x5120] =	vst v0  }
0x1a: {  	[tilespmem:s6+$0x5100] =	vst v0  }
0x1b: {  	[tilespmem:s6+$0x5110] =	vst v0  }
0x1c: {  	[spmem:s5] =	stream.linear.scatter [tilespmem:s15], [sflag:$0x7], $0x1200, $0x38;
	[tilespmem:$0x13500] =	vst v63  }
0x1d: {  	_ =	swait.ge [sflag:s16], $0x1200  }
0x1e: {  	[sflag:s16] =	ssyncset.done $0x0  }
0x1f: {  	s0 =	rddreg [dreg:$0x4];
	[sflag:s16] =	ssyncadd.s32 $0xFFFFEE00  }
0x20: {  	[spmem:s0] =	stream.linear.scatter [tilespmem:s15], [sflag:$0x7], $0x1200, $0x38;
	[tilespmem:$0x13500] =	vst v63  }
0x21: {  	_ =	swait.ge [sflag:s16], $0x1200  }
0x22: {  	[sflag:s16] =	ssyncset.done $0x0  }
0x23: {  	s17 =	rddreg [dreg:$0x5];
	[sflag:s16] =	ssyncadd.s32 $0xFFFFEE00  }
0x24: {  	[spmem:s17] =	stream.linear.scatter [tilespmem:s15], [sflag:$0x7], $0x1200, $0x38;
	[tilespmem:$0x13500] =	vst v63  }
0x25: {  	_ =	swait.ge [sflag:s16], $0x1200  }
0x26: {  	[sflag:s16] =	ssyncset.done $0x0  }
0x27: {  	s19 =	rddreg [dreg:$0x6];
	[sflag:s16] =	ssyncadd.s32 $0xFFFFEE00  }
0x28: {  	[spmem:s19] =	stream.linear.scatter [tilespmem:s15], [sflag:$0x7], $0x1200, $0x38;
	[tilespmem:$0x13500] =	vst v63  }
0x29: {  	_ =	swait.ge [sflag:s16], $0x1200  }
0x2a: {  	[sflag:s16] =	ssyncset.done $0x0  }
0x2b: {  	s20 =	rddreg [dreg:$0x7];
	[sflag:s16] =	ssyncadd.s32 $0xFFFFEE00  }
0x2c: {  	[spmem:s20] =	stream.linear.scatter [tilespmem:s15], [sflag:$0x7], $0x1200, $0x38;
	[tilespmem:$0x13500] =	vst v63  }
0x2d: {  	_ =	swait.ge [sflag:s16], $0x1200  }
0x2e: {  	[sflag:s16] =	ssyncset.done $0x0  }
0x2f: {  	s22 =	rddreg [dreg:$0x8];
	[sflag:s16] =	ssyncadd.s32 $0xFFFFEE00  }
0x30: {  	[spmem:s22] =	stream.linear.scatter [tilespmem:s15], [sflag:$0x7], $0x1200, $0x38;
	[tilespmem:$0x13500] =	vst v63  }
0x31: {  	_ =	swait.ge [sflag:s16], $0x1200  }
0x32: {  	[sflag:s16] =	ssyncset.done $0x0  }
0x33: {  	s23 =	rddreg [dreg:$0x9];
	[sflag:s16] =	ssyncadd.s32 $0xFFFFEE00  }
0x34: {  	[spmem:s23] =	stream.linear.scatter [tilespmem:s15], [sflag:$0x7], $0xC00, $0x38;
	[tilespmem:$0x13500] =	vst v63  }
0x35: {  	_ =	swait.ge [sflag:s16], $0xC00  }
0x36: {  	[sflag:s16] =	ssyncset.done $0x0  }
0x37: {  	[sflag:s16] =	ssyncadd.s32 $0xFFFFF400  }
0x38: {  	[bflag:$0x0] =	sbarrier.arrive $0xFFFF  }
0x39: {  	s25 =	simm.s32 $0x0;
	s8 =	rddreg [dreg:$0xa]  }
0x3a: {  	[tilespmem:s25], [sflag:$0x7] =	stream.linear.gather [hbm4b:s8+s25], $0x2880, $0x38;
	[tilespmem:$0x13500] =	vst v63  }
0x3b: {  	_ =	swait.ge [sflag:s16], $0x2880  }
0x3c: {  	[sflag:s16] =	ssyncset.done $0x0  }
0x3d: {  	s7 =	simm.s32 $0x2880;
	s9 =	rddreg [dreg:$0xb];
	[sflag:s16] =	ssyncadd.s32 $0xFFFFD780  }
0x3e: {  	[tilespmem:s7], [sflag:$0x7] =	stream.linear.gather [hbm4b:s9+s25], $0x2880, $0x38;
	[tilespmem:$0x13500] =	vst v63  }
0x3f: {  	_ =	swait.ge [sflag:s16], $0x2880  }
0x40: {  	[sflag:s16] =	ssyncset.done $0x0  }
0x41: {  	[sflag:s16] =	ssyncadd.s32 $0xFFFFD780  }
0x42: {  	[tilespmem:s15], [sflag:$0x1] =	stream.indirect.gather [hbm4b:s1+s18], $0x30, s25, s18, $0xb8;
	[tilespmem:$0x13500] =	vst v63  }
0x43: {  	s10 =	simm.s32 $0x6300  }
0x44: {  	[tilespmem:s10], [sflag:$0x2] =	stream.indirect.gather [hbm4b:s1+s18], $0x30, s18, s18, $0xb8;
	[tilespmem:$0x13500] =	vst v63  }
0x45: {  	s11 =	simm.s32 $0xC0  }
0x46: {  	[tilespmem:s21], [sflag:$0x3] =	stream.indirect.gather [hbm4b:s1+s18], $0x30, s11, s18, $0xb8;
	[tilespmem:$0x13500] =	vst v63  }
0x47: {  	s12 =	simm.s32 $0x120;
	s13 =	simm.s32 $0x8700  }
0x48: {  	[tilespmem:s13], [sflag:$0x4] =	stream.indirect.gather [hbm4b:s1+s18], $0x30, s12, s18, $0xb8;
	[tilespmem:$0x13500] =	vst v63  }
0x49: {  	s17 =	simm.s32 $0x180  }
0x4a: {  	[tilespmem:s26], [sflag:$0x5] =	stream.indirect.gather [hbm4b:s1+s18], $0x30, s17, s18, $0xb8;
	[tilespmem:$0x13500] =	vst v63  }
0x4b: {  	_ =	swait.ge [sflag:s28], $0x1200  }
0x4c: {  	[sflag:s28] =	ssyncset.done $0x0  }
0x4d: {  	s19 =	simm.s32 $0x1E0;
	[sflag:s28] =	ssyncadd.s32 $0xFFFFEE00  }
0x4e: {  	[tilespmem:s29], [sflag:$0x6] =	stream.indirect.gather [hbm4b:s1+s18], $0x30, s19, s18, $0xb8;
	[tilespmem:$0x13500] =	vst v63  }
0x4f: {  	s20 =	simm.s32 $0x2880  }
0x50: {  	[spmem:s3] =	stream.indirect.scatter.add.f32 [tilespmem:s15], [sflag:$0x7], $0x30, s20, s18, $0xb8;
	[tilespmem:$0x13500] =	vst v63  }
0x51: {  	_ =	swait.ge [sflag:s16], $0x1200  }
0x52: {  	[sflag:s16] =	ssyncset.done $0x0  }
0x53: {  	[sflag:s16] =	ssyncadd.s32 $0xFFFFEE00  }
0x54: {  	p0 =	por $0x0, $0x0;
	_ =	swait.ge [sflag:s30], $0x1200  }
0x55: {  	s6 =	simm.s32 @p0 $0x28E0;
	[sflag:s30] =	ssyncset.done $0x0  }
0x56: {  	s0 =	simm.s32 @p0 $0x60;
	s7 =	simm.s32 @p0 $0x6300;
	[sflag:s30] =	ssyncadd.s32 $0xFFFFEE00  }
0x57: {  	[spmem:s3] =	stream.indirect.scatter.add.f32 @p0 [tilespmem:s7], [sflag:$0x7], $0x30, s6, s0, $0xb8;
	[tilespmem:$0x13500] =	vst v63  }
0x58: {  	s6 =	simm.s32 @p0 $0x7  }
0x59: {  	_ =	swait.ge @p0 [sflag:s6], $0x1200  }
0x5a: {  	[sflag:s6] =	ssyncset.done @p0 $0x0  }
0x5b: {  	s7 =	simm.s32 @p0 $0x3;
	[sflag:s6] =	ssyncadd.s32 @p0 $0xFFFFEE00  }
0x5c: {  	_ =	swait.ge @p0 [sflag:s7], $0x1200  }
0x5d: {  	s8 =	simm.s32 @!p0 $0x240;
	[sflag:s7] =	ssyncset.done @p0 $0x0  }
0x5e: {  	s9 =	simm.s32 @!p0 $0x60;
	s17 =	simm.s32 @!p0 $0x5100;
	[sflag:s7] =	ssyncadd.s32 @p0 $0xFFFFEE00  }
0x5f: {  	[tilespmem:s17], [sflag:$0x1] =	stream.indirect.gather @!p0 [hbm4b:s1+s9], $0x30, s8, s9, $0xb8;
	[tilespmem:$0x13500] =	vst v63  }
0x60: {  	s7 =	simm.s32 @!p0 $0x28E0;
	s8 =	simm.s32 @!p0 $0x6300;
	s17 =	simm.s32 @!p0 $0x7  }
0x61: {  	[spmem:s3] =	stream.indirect.scatter.add.f32 @!p0 [tilespmem:s8], [sflag:$0x7], $0x30, s7, s9, $0xb8;
	[tilespmem:$0x13500] =	vst v63  }
0x62: {  	_ =	swait.ge @!p0 [sflag:s17], $0x1200  }
0x63: {  	[sflag:s17] =	ssyncset.done @!p0 $0x0  }
0x64: {  	s7 =	simm.s32 @!p0 $0x3;
	[sflag:s17] =	ssyncadd.s32 @!p0 $0xFFFFEE00  }
0x65: {  	_ =	swait.ge @!p0 [sflag:s7], $0x1200  }
0x66: {  	[sflag:s7] =	ssyncset.done @!p0 $0x0  }
0x67: {  	[sflag:s7] =	ssyncadd.s32 @!p0 $0xFFFFEE00;
	s7 =	simm.s32 @!p0 $0x2A0  }
0x68: {  	[tilespmem:s8], [sflag:$0x2] =	stream.indirect.gather @!p0 [hbm4b:s1+s9], $0x30, s7, s9, $0xb8;
	[tilespmem:$0x13500] =	vst v63  }
0x69: {  	s22 =	simm.s32 $0x2940  }
0x6a: {  	[spmem:s3] =	stream.indirect.scatter.add.f32 [tilespmem:s21], [sflag:$0x7], $0x30, s22, s18, $0xb8;
	[tilespmem:$0x13500] =	vst v63  }
0x6b: {  	_ =	swait.ge [sflag:s16], $0x1200  }
0x6c: {  	[sflag:s16] =	ssyncset.done $0x0  }
0x6d: {  	[sflag:s16] =	ssyncadd.s32 $0xFFFFEE00  }
0x6e: {  	_ =	swait.ge [sflag:s31], $0x1200  }
0x6f: {  	[sflag:s31] =	ssyncset.done $0x0  }
0x70: {  	s7 =	simm.s32 @p0 $0x29A0;
	s8 =	simm.s32 @p0 $0x8700;
	[sflag:s31] =	ssyncadd.s32 $0xFFFFEE00  }
0x71: {  	[spmem:s3] =	stream.indirect.scatter.add.f32 @p0 [tilespmem:s8], [sflag:$0x7], $0x30, s7, s0, $0xb8;
	[tilespmem:$0x13500] =	vst v63  }
0x72: {  	_ =	swait.ge @p0 [sflag:s6], $0x1200  }
0x73: {  	[sflag:s6] =	ssyncset.done @p0 $0x0  }
0x74: {  	s0 =	simm.s32 @p0 $0x5;
	[sflag:s6] =	ssyncadd.s32 @p0 $0xFFFFEE00  }
0x75: {  	_ =	swait.ge @p0 [sflag:s0], $0x1200  }
0x76: {  	[sflag:s0] =	ssyncset.done @p0 $0x0  }
0x77: {  	s6 =	simm.s32 @!p0 $0x300;
	[sflag:s0] =	ssyncadd.s32 @p0 $0xFFFFEE00;
	s0 =	simm.s32 @!p0 $0x7500  }
0x78: {  	[tilespmem:s0], [sflag:$0x3] =	stream.indirect.gather @!p0 [hbm4b:s1+s9], $0x30, s6, s9, $0xb8;
	[tilespmem:$0x13500] =	vst v63  }
0x79: {  	s0 =	simm.s32 @!p0 $0x29A0;
	s6 =	simm.s32 @!p0 $0x8700  }
0x7a: {  	[spmem:s3] =	stream.indirect.scatter.add.f32 @!p0 [tilespmem:s6], [sflag:$0x7], $0x30, s0, s9, $0xb8;
	[tilespmem:$0x13500] =	vst v63  }
0x7b: {  	_ =	swait.ge @!p0 [sflag:s17], $0x1200  }
0x7c: {  	[sflag:s17] =	ssyncset.done @!p0 $0x0  }
0x7d: {  	s0 =	simm.s32 @!p0 $0x5;
	[sflag:s17] =	ssyncadd.s32 @!p0 $0xFFFFEE00  }
0x7e: {  	_ =	swait.ge @!p0 [sflag:s0], $0x1200  }
0x7f: {  	[sflag:s0] =	ssyncset.done @!p0 $0x0  }
0x80: {  	[sflag:s0] =	ssyncadd.s32 @!p0 $0xFFFFEE00;
	s0 =	simm.s32 @!p0 $0x360  }
0x81: {  	[tilespmem:s6], [sflag:$0x4] =	stream.indirect.gather @!p0 [hbm4b:s1+s9], $0x30, s0, s9, $0xb8;
	[tilespmem:$0x13500] =	vst v63  }
0x82: {  	s23 =	simm.s32 $0x2A00  }
0x83: {  	[spmem:s3] =	stream.indirect.scatter.add.f32 [tilespmem:s26], [sflag:$0x7], $0x30, s23, s18, $0xb8;
	[tilespmem:$0x13500] =	vst v63  }
0x84: {  	_ =	swait.ge [sflag:s16], $0x1200  }
0x85: {  	[sflag:s16] =	ssyncset.done $0x0  }
0x86: {  	[sflag:s16] =	ssyncadd.s32 $0xFFFFEE00  }
0x87: {  	_ =	swait.ge [sflag:s2], $0x1200  }
0x88: {  	[sflag:s2] =	ssyncset.done $0x0  }
0x89: {  	s0 =	simm.s32 @!p0 $0x3C0;
	s6 =	simm.s32 @!p0 $0x9900;
	[sflag:s2] =	ssyncadd.s32 $0xFFFFEE00  }
0x8a: {  	[tilespmem:s6], [sflag:$0x5] =	stream.indirect.gather @!p0 [hbm4b:s1+s9], $0x30, s0, s9, $0xb8;
	[tilespmem:$0x13500] =	vst v63  }
0x8b: {  	s25 =	simm.s32 $0x2A60  }
0x8c: {  	[spmem:s3] =	stream.indirect.scatter.add.f32 [tilespmem:s29], [sflag:$0x7], $0x30, s25, s18, $0xb8;
	[tilespmem:$0x13500] =	vst v63  }
0x8d: {  	s17 =	simm.s32 $0x900;
	_ =	swait.ge [sflag:s16], $0x1200  }
.LBB2_4:
0x8e: {  	[sflag:s16] =	ssyncset.done $0x0;
	s6 =	smov.u32 s17;
	s17 =	sadd.s32 $0x900, s17  }
0x8f: {  	p0 =	sne.s32 s17, $0xA200;
	[sflag:s16] =	ssyncadd.s32 $0xFFFFEE00  }
0x90: {  	_ =	swait.ge [sflag:s28], $0x1200  }
0x91: {  	s19 =	sshra.s32 s6, $0x2;
	[sflag:s28] =	ssyncset.done $0x0  }
0x92: {  	s0 =	sadd.s32 $0x1E0, s19;
	[sflag:s28] =	ssyncadd.s32 $0xFFFFEE00  }
0x93: {  	[tilespmem:s29], [sflag:$0x6] =	stream.indirect.gather [hbm4b:s1+s18], $0x30, s0, s18, $0xb8;
	[tilespmem:$0x13500] =	vst v63  }
0x94: {  	s0 =	sadd.s32 $0x2880, s19  }
0x95: {  	[spmem:s3] =	stream.indirect.scatter.add.f32 [tilespmem:s15], [sflag:$0x7], $0x30, s0, s18, $0xb8;
	[tilespmem:$0x13500] =	vst v63  }
0x96: {  	_ =	swait.ge [sflag:s16], $0x1200  }
0x97: {  	[sflag:s16] =	ssyncset.done $0x0  }
0x98: {  	[sflag:s16] =	ssyncadd.s32 $0xFFFFEE00  }
0x99: {  	p1 =	seq.s32 s6, $0x9900;
	_ =	swait.ge [sflag:s30], $0x1200  }
0x9a: {  	s7 =	sshra.s32 @p1 s6, $0x2;
	s0 =	simm.s32 @p1 $0x60;
	[sflag:s30] =	ssyncset.done $0x0  }
0x9b: {  	s9 =	simm.s32 @p1 $0x6300;
	s8 =	sadd.s32 @p1 $0x28E0, s7;
	[sflag:s30] =	ssyncadd.s32 $0xFFFFEE00  }
0x9c: {  	[spmem:s3] =	stream.indirect.scatter.add.f32 @p1 [tilespmem:s9], [sflag:$0x7], $0x30, s8, s0, $0xb8;
	[tilespmem:$0x13500] =	vst v63  }
0x9d: {  	s25 =	simm.s32 @p1 $0x7;
	s8 =	sshra.s32 @!p1 s6, $0x2;
	s9 =	sadd.s32 @p1 $0x29A0, s7  }
0x9e: {  	s10 =	sadd.s32 @!p1 $0x240, s8;
	s11 =	sadd.s32 @!p1 $0x28E0, s8;
	_ =	swait.ge @p1 [sflag:s25], $0x1200  }
0x9f: {  	s12 =	simm.s32 @p1 $0x3;
	s13 =	sadd.s32 @!p1 $0x2A0, s8;
	[sflag:s25] =	ssyncset.done @p1 $0x0  }
0xa0: {  	s7 =	sadd.s32 @!p1 $0x300, s8;
	s6 =	sadd.s32 @!p1 $0x29A0, s8;
	[sflag:s25] =	ssyncadd.s32 @p1 $0xFFFFEE00  }
0xa1: {  	s23 =	sadd.s32 @!p1 $0x360, s8;
	s20 =	sadd.s32 @!p1 $0x3C0, s8;
	_ =	swait.ge @p1 [sflag:s12], $0x1200  }
0xa2: {  	s22 =	simm.s32 @!p1 $0x60;
	s8 =	simm.s32 @!p1 $0x5100;
	[sflag:s12] =	ssyncset.done @p1 $0x0  }
0xa3: {  	[sflag:s12] =	ssyncadd.s32 @p1 $0xFFFFEE00;
	s12 =	simm.s32 @!p1 $0x6300  }
0xa4: {  	[tilespmem:s8], [sflag:$0x1] =	stream.indirect.gather @!p1 [hbm4b:s1+s22], $0x30, s10, s22, $0xb8;
	[tilespmem:$0x13500] =	vst v63  }
0xa5: {  	s8 =	simm.s32 @!p1 $0x7  }
0xa6: {  	[spmem:s3] =	stream.indirect.scatter.add.f32 @!p1 [tilespmem:s12], [sflag:$0x7], $0x30, s11, s22, $0xb8;
	[tilespmem:$0x13500] =	vst v63  }
0xa7: {  	_ =	swait.ge @!p1 [sflag:s8], $0x1200  }
0xa8: {  	s10 =	simm.s32 @!p1 $0x3;
	[sflag:s8] =	ssyncset.done @!p1 $0x0  }
0xa9: {  	[sflag:s8] =	ssyncadd.s32 @!p1 $0xFFFFEE00  }
0xaa: {  	_ =	swait.ge @!p1 [sflag:s10], $0x1200  }
0xab: {  	[sflag:s10] =	ssyncset.done @!p1 $0x0  }
0xac: {  	[sflag:s10] =	ssyncadd.s32 @!p1 $0xFFFFEE00;
	s10 =	sadd.s32 $0x2940, s19  }
0xad: {  	[tilespmem:s12], [sflag:$0x2] =	stream.indirect.gather @!p1 [hbm4b:s1+s22], $0x30, s13, s22, $0xb8;
	[tilespmem:$0x13500] =	vst v63  }
0xae: {  	_ = 	snop  }
0xaf: {  	[spmem:s3] =	stream.indirect.scatter.add.f32 [tilespmem:s21], [sflag:$0x7], $0x30, s10, s18, $0xb8;
	[tilespmem:$0x13500] =	vst v63  }
0xb0: {  	_ =	swait.ge [sflag:s16], $0x1200  }
0xb1: {  	[sflag:s16] =	ssyncset.done $0x0  }
0xb2: {  	[sflag:s16] =	ssyncadd.s32 $0xFFFFEE00  }
0xb3: {  	_ =	swait.ge [sflag:s31], $0x1200  }
0xb4: {  	s10 =	simm.s32 @p1 $0x8700;
	[sflag:s31] =	ssyncset.done $0x0  }
0xb5: {  	[sflag:s31] =	ssyncadd.s32 $0xFFFFEE00  }
0xb6: {  	[spmem:s3] =	stream.indirect.scatter.add.f32 @p1 [tilespmem:s10], [sflag:$0x7], $0x30, s9, s0, $0xb8;
	[tilespmem:$0x13500] =	vst v63  }
0xb7: {  	_ =	swait.ge @p1 [sflag:s25], $0x1200  }
0xb8: {  	s0 =	simm.s32 @p1 $0x5;
	[sflag:s25] =	ssyncset.done @p1 $0x0  }
0xb9: {  	[sflag:s25] =	ssyncadd.s32 @p1 $0xFFFFEE00  }
0xba: {  	_ =	swait.ge @p1 [sflag:s0], $0x1200  }
0xbb: {  	s9 =	simm.s32 @!p1 $0x7500;
	[sflag:s0] =	ssyncset.done @p1 $0x0  }
0xbc: {  	[sflag:s0] =	ssyncadd.s32 @p1 $0xFFFFEE00;
	s0 =	simm.s32 @!p1 $0x8700  }
0xbd: {  	[tilespmem:s9], [sflag:$0x3] =	stream.indirect.gather @!p1 [hbm4b:s1+s22], $0x30, s7, s22, $0xb8;
	[tilespmem:$0x13500] =	vst v63  }
0xbe: {  	_ = 	snop  }
0xbf: {  	[spmem:s3] =	stream.indirect.scatter.add.f32 @!p1 [tilespmem:s0], [sflag:$0x7], $0x30, s6, s22, $0xb8;
	[tilespmem:$0x13500] =	vst v63  }
0xc0: {  	_ =	swait.ge @!p1 [sflag:s8], $0x1200  }
0xc1: {  	s6 =	simm.s32 @!p1 $0x5;
	[sflag:s8] =	ssyncset.done @!p1 $0x0  }
0xc2: {  	[sflag:s8] =	ssyncadd.s32 @!p1 $0xFFFFEE00  }
0xc3: {  	_ =	swait.ge @!p1 [sflag:s6], $0x1200  }
0xc4: {  	[sflag:s6] =	ssyncset.done @!p1 $0x0  }
0xc5: {  	[sflag:s6] =	ssyncadd.s32 @!p1 $0xFFFFEE00;
	s6 =	sadd.s32 $0x2A00, s19  }
0xc6: {  	[tilespmem:s0], [sflag:$0x4] =	stream.indirect.gather @!p1 [hbm4b:s1+s22], $0x30, s23, s22, $0xb8;
	[tilespmem:$0x13500] =	vst v63  }
0xc7: {  	_ = 	snop  }
0xc8: {  	[spmem:s3] =	stream.indirect.scatter.add.f32 [tilespmem:s26], [sflag:$0x7], $0x30, s6, s18, $0xb8;
	[tilespmem:$0x13500] =	vst v63  }
0xc9: {  	_ =	swait.ge [sflag:s16], $0x1200  }
0xca: {  	[sflag:s16] =	ssyncset.done $0x0  }
0xcb: {  	[sflag:s16] =	ssyncadd.s32 $0xFFFFEE00  }
0xcc: {  	_ =	swait.ge [sflag:s2], $0x1200  }
0xcd: {  	s0 =	simm.s32 @!p1 $0x9900;
	[sflag:s2] =	ssyncset.done $0x0  }
.Ltmp1:
0xce: {  	s6 =	sadd.s32 $0x2A60, s19;
	[sflag:s2] =	ssyncadd.s32 $0xFFFFEE00;
	(pc) =	sbr.rel @p0 .LBB2_4-.Ltmp1, $4  }
0xcf: {  	[tilespmem:s0], [sflag:$0x5] =	stream.indirect.gather @!p1 [hbm4b:s1+s22], $0x30, s20, s22, $0xb8;
	[tilespmem:$0x13500] =	vst v63  }
0xd0: {  	_ = 	snop  }
0xd1: {  	[spmem:s3] =	stream.indirect.scatter.add.f32 [tilespmem:s29], [sflag:$0x7], $0x30, s6, s18, $0xb8;
	[tilespmem:$0x13500] =	vst v63  }
0xd2: {  	_ =	swait.ge [sflag:s16], $0x1200  }
0xd3: {  	[sflag:s16] =	ssyncset.done $0x0  }
0xd4: {  	s0 =	stileid.u32;
	s6 =	sshrl.u32 s5, $0x3;
	s4 =	sadd.s32 $0x1, s4  }
0xd5: {  	[sflag:s16] =	ssyncadd.s32 $0xFFFFEE00;
	s0 =	sshll.u32 s0, $0x6;
	p0 =	sne.s32 s4, s14  }
.Ltmp2:
0xd6: {  	[bflag:$0x0] =	sbarrier.arrive $0xFFFF;
	s0 =	sor.u32 $0x1C07, s0;
	(pc) =	sbr.rel @p0 .LBB2_1-.Ltmp2, $4  }
0xd7: {  	[hbm:s24], [sflag:s0] =	dma.local [spmem:s6], $0xF00  }
0xd8: {  	_ =	swait.ge [sflag:s16], $0xF00  }
0xd9: {  	[sflag:s16] =	ssyncset.done $0x0  }
0xda: {  	[sflag:s16] =	ssyncadd.s32 $0xFFFFF100  }
0xdb: {  	_ =	sfence.sel $0x180000  }
0xdc: {  	[bflag:$0x0] =	sbarrier.arrive $0xFFFF  }
0xdd: {  	_ =	strace $0x9000004D  }
0xde: {  	s0 =	stileid.u32;
	[bflag:$0x2] =	sbarrier.arrive $0xFFFF  }
0xdf: {  	p0 =	sne.s32 s0, $0x0;
	s0 =	rddreg [dreg:$0x3]  }
0xe0: {  	s0 =	sadd.s32 @!p0 $0x100000, s0  }
0xe1: {  	[sflag:s0] =	ssyncadd.tile.s32 @!p0 $0x1;
	_ =	shalt  }
.Lfunc_end2:
_tile_overlayer_lowered:
.L_overlay_start_2:
0xe2: {  	(tag) =	ssettag $0x2  }
0xe3: {  	s0 =	rddreg [dreg:$0x0];
	s2 =	stileid.u32  }
0xe4: {  	s1 =	rddreg [dreg:$0x1];
	p0 =	sne.s32 s2, $0x0  }
0xe5: {  	s3 =	rddreg [dreg:$0x2];
	[bflag:$0x3] =	sbarrier.arrive $0xFFFF;
	s2 =	simm.s32 @!p0 $0x1C07  }
0xe6: {  	[timem:s3], [sflag:s2] =	dma.local @!p0 [hbm:s0], s1  }
0xe7: {  	s0 =	simm.s32 @!p0 $0x7  }
0xe8: {  	_ =	swait.ge @!p0 [sflag:s0], s1  }
0xe9: {  	s1 =	ssub.s32 @!p0 $0x0, s1;
	[sflag:s0] =	ssyncset.done @!p0 $0x0  }
0xea: {  	[sflag:s0] =	ssyncadd.s32 @!p0 s1  }
0xeb: {  	[bflag:$0x3] =	sbarrier.arrive $0xFFFF  }
0xec: {  	_ =	shalt  }

// kernel: kernel.8.cloned.1.call-start
scs
__scs_entry_jumppad:
0x0: {  	(pc) =	sbr.rel $0x88, $3  }
0x1: {  	(tag) =	ssettag $0x0;
	lr =	simm.s32 $0x1  }
0x2: {  	[smem:$0x3F99] =	sst lr;
	_ =	strace $0xD0000000  }
0x3: {  	_ = 	snop  }
0x4: {  	_ = 	snop  }
0x5: {  	_ = 	snop  }
0x6: {  	_ = 	snop  }
0x7: {  	_ = 	snop  }
__scs_overlays_trampoline_lowered:
0x8: {  	[smem:$0x3FA8] =	sst s0  }
0x9: {  	[smem:$0x3FA9] =	sst s1  }
0xa: {  	[smem:$0x3FAA] =	sst s2  }
0xb: {  	[smem:$0x3FAB] =	sst s3  }
0xc: {  	[smem:$0x3FAC] =	sst s4  }
0xd: {  	[smem:$0x3FAD] =	sst s5  }
0xe: {  	[smem:$0x3FAE] =	sst s6  }
0xf: {  	[smem:$0x3FAF] =	sst s7  }
0x10: {  	[smem:$0x3FB0] =	sst s8  }
0x11: {  	[smem:$0x3FB1] =	sst s9;
	s0 =	simm.s32 @!p0 $0x0  }
0x12: {  	s1 =	sld [smem:$0x3F97];
	s0 =	simm.s32 @p0 $0x1  }
0x13: {  	[smem:$0x3FB2] =	sst s0;
	s0 =	simm.s32 @!p1 $0x0  }
0x14: {  	s2 =	sld [smem:$0x3F96];
	s0 =	simm.s32 @p1 $0x1  }
0x15: {  	[smem:$0x3FB3] =	sst s0;
	s0 =	simm.s32 @!p2 $0x0  }
0x16: {  	s3 =	sld [smem:$0x3FDB];
	s0 =	simm.s32 @p2 $0x1  }
0x17: {  	s4 =	simm.s32 $0x1BF5;
	[smem:$0x3FB5] =	sst s0  }
0x18: {  	s0 =	sld [smem:$0x3F98];
	_ =	swait.ge [sflag:s4], $0x0  }
0x19: {  	s7 =	sld [smem:$0x3F99]  }
0x1a: {  	s8 =	sadd.s32 $0xFFFFE003, lr  }
0x1b: {  	s9 =	sadd.s32 $0xFFFFFEF7, lr;
	s5 =	simm.s32 $0xFFFFFFFF;
	p2 =	slt.u32 s8, $0xFFFFF086  }
0x1c: {  	p1 =	slt.u32 s9, $0xF7A;
	s5 =	simm.s32 @!p2 $0x0  }
0x1d: {  	s5 =	simm.s32 @p1 $0x1;
	p0 =	seq.s32 s7, s2  }
0x1e: {  	s7 =	smul.u32 @!p0 $0xF7A, s2;
	p2 =	seq.s32 @!p0 s5, $0x0  }
0x1f: {  	s9 =	smul.u32 $0xF7A, s1;
	s8 =	simm.s32 @!p0 $0x1BF5;
	p2 =	por !p2, p0  }
0x20: {  	[sflag:s8] =	ssyncset.s32 @!p0 $0xFFFFF086;
	s6 =	sadd.s32 @!p0 s3, s7;
	s7 =	simm.s32 @!p0 $0x108  }
0x21: {  	s3 =	sadd.s32 s3, s9;
	s6 =	sadd.s32 @!p0 $0x88, s6;
	s7 =	simm.s32 @p2 $0x1082  }
0x22: {  	[simem:s7], [sflag:s8] =	dma.local @!p0 [hbm:s6], $0xF7A  }
0x23: {  	s9 =	sor.u32 $0xD0000000, s2;
	s6 =	simm.s32 $0x108;
	_ =	swait.ge @!p0 [sflag:s8], $0x0  }
0x24: {  	s3 =	sadd.s32 $0x88, s3;
	s6 =	simm.s32 @!p1 $0x1082;
	[sflag:s4] =	ssyncset.s32 $0xFFFFF086  }
0x25: {  	[simem:s6], [sflag:s4] =	dma.local [hbm:s3], $0xF7A  }
0x26: {  	[smem:$0x3F99] =	sst s1;
	(tag) =	ssettag s2;
	_ =	strace s9  }
0x27: {  	s1 =	sld [smem:$0x3FA9]  }
0x28: {  	s2 =	sld [smem:$0x3FAA]  }
0x29: {  	s4 =	sld [smem:$0x3FAC]  }
0x2a: {  	p0 =	seq.s32 s5, $0x0;
	s5 =	sld [smem:$0x3FAD]  }
0x2b: {  	s6 =	sld [smem:$0x3FAE]  }
0x2c: {  	s7 =	sld [smem:$0x3FAF]  }
0x2d: {  	s3 =	simm.s32 $0x108;
	s8 =	sld [smem:$0x3FB0]  }
0x2e: {  	s3 =	simm.s32 @!p0 $0x1082;
	s9 =	sld [smem:$0x3FB1]  }
0x2f: {  	lr =	sadd.s32 s0, s3;
	s0 =	sld [smem:$0x3FA8]  }
0x30: {  	s3 =	sld [smem:$0x3FAB]  }
0x31: {  	[smem:$0x3FB4] =	sst s10  }
0x32: {  	s10 =	sld [smem:$0x3FB2];
	_ =	sdelay $0x3  }
0x33: {  	p0 =	seq.s32 s10, $0x1;
	s10 =	sld [smem:$0x3FB4];
	_ =	sdelay $0x3  }
0x34: {  	[smem:$0x3FB4] =	sst s10  }
0x35: {  	s10 =	sld [smem:$0x3FB3];
	_ =	sdelay $0x3  }
0x36: {  	p1 =	seq.s32 s10, $0x1;
	s10 =	sld [smem:$0x3FB4];
	_ =	sdelay $0x3  }
0x37: {  	[smem:$0x3FB4] =	sst s10  }
0x38: {  	s10 =	sld [smem:$0x3FB5]  }
0x39: {  	_ = 	snop;
	(pc) =	sbr.ind lr, $3  }
0x3a: {  	_ = 	snop  }
0x3b: {  	_ = 	snop  }
0x3c: {  	p2 =	seq.s32 s10, $0x1;
	s10 =	sld [smem:$0x3FB4]  }
0x3d: {  	_ =	shalt  }
0x3e: {  	_ =	shalt  }
0x3f: {  	_ =	shalt  }
0x40: {  	_ =	shalt  }
0x41: {  	_ =	shalt  }
0x42: {  	_ =	shalt  }
0x43: {  	_ =	shalt  }
0x44: {  	_ =	shalt  }
0x45: {  	_ =	shalt  }
0x46: {  	_ =	shalt  }
0x47: {  	_ =	shalt  }
0x48: {  	_ =	shalt  }
0x49: {  	_ =	shalt  }
0x4a: {  	_ =	shalt  }
0x4b: {  	_ =	shalt  }
0x4c: {  	_ =	shalt  }
0x4d: {  	_ =	shalt  }
0x4e: {  	_ =	shalt  }
0x4f: {  	_ =	shalt  }
0x50: {  	_ =	shalt  }
0x51: {  	_ =	shalt  }
0x52: {  	_ =	shalt  }
0x53: {  	_ =	shalt  }
0x54: {  	_ =	shalt  }
0x55: {  	_ =	shalt  }
0x56: {  	_ =	shalt  }
0x57: {  	_ =	shalt  }
0x58: {  	_ =	shalt  }
0x59: {  	_ =	shalt  }
0x5a: {  	_ =	shalt  }
0x5b: {  	_ =	shalt  }
0x5c: {  	_ =	shalt  }
0x5d: {  	_ =	shalt  }
0x5e: {  	_ =	shalt  }
0x5f: {  	_ =	shalt  }
0x60: {  	_ =	shalt  }
0x61: {  	_ =	shalt  }
0x62: {  	_ =	shalt  }
0x63: {  	_ =	shalt  }
0x64: {  	_ =	shalt  }
0x65: {  	_ =	shalt  }
0x66: {  	_ =	shalt  }
0x67: {  	_ =	shalt  }
0x68: {  	_ =	shalt  }
0x69: {  	_ =	shalt  }
0x6a: {  	_ =	shalt  }
0x6b: {  	_ =	shalt  }
0x6c: {  	_ =	shalt  }
0x6d: {  	_ =	shalt  }
0x6e: {  	_ =	shalt  }
0x6f: {  	_ =	shalt  }
0x70: {  	_ =	shalt  }
0x71: {  	_ =	shalt  }
0x72: {  	_ =	shalt  }
0x73: {  	_ =	shalt  }
0x74: {  	_ =	shalt  }
0x75: {  	_ =	shalt  }
0x76: {  	_ =	shalt  }
0x77: {  	_ =	shalt  }
0x78: {  	_ =	shalt  }
0x79: {  	_ =	shalt  }
0x7a: {  	_ =	shalt  }
0x7b: {  	_ =	shalt  }
0x7c: {  	_ =	shalt  }
0x7d: {  	_ =	shalt  }
0x7e: {  	_ =	shalt  }
0x7f: {  	_ =	shalt  }
0x80: {  	_ =	shalt  }
0x81: {  	_ =	shalt  }
0x82: {  	_ =	shalt  }
0x83: {  	_ =	shalt  }
0x84: {  	_ =	shalt  }
0x85: {  	_ =	shalt  }
0x86: {  	_ =	shalt  }
0x87: {  	_ =	shalt  }
.Lfunc_end0:
.L_simem_size_0:
called_computation_lowered:
.L_overlay_start_0:
0x88: {  	s2 =	sld [smem:$0x3FD9]  }
0x89: {  	s3 =	sld [smem:$0x3FFE];
	_ =	sdelay $0x1  }
0x8a: {  	s1 =	srdreg.scid  }
0x8b: {  	s0 =	sand.u32 $0x1, s1  }
0x8c: {  	s17 =	sshll.u32 s0, $0xA;
	s2 =	sadd.s32 s3, s2  }
0x8d: {  	s2 =	sadd.s32 s2, s17  }
0x8e: {  	[smem:$0x3FC0] =	sst s2  }
0x8f: {  	_ = 	snop  }
0x90: {  	s2 =	sld [smem:$0x3FD0];
	(tm) =	ssettm $0x1  }
0x91: {  	s18 =	sld [smem:$0x3FFB];
	_ =	sdelay $0x3  }
0x92: {  	_ =	strace s18  }
0x93: {  	s3 =	sld [smem:$0x3FFC];
	_ =	sdelay $0x3  }
0x94: {  	_ =	strace s3  }
0x95: {  	s3 =	sld [smem:$0x3FFD];
	_ =	sdelay $0x3  }
0x96: {  	_ =	strace s3  }
0x97: {  	_ =	strace $0x8FFFFFFF  }
0x98: {  	s19 =	sld [smem:$0x3FDB];
	_ =	sdelay $0x1  }
0x99: {  	s4 =	simm.s32 $_scs_section_size  }
0x9a: {  	s5 =	simm.s32 $_size__tile_overlayer_lowered;
	s6 =	simm.s32 $_tile_overlayer_lowered  }
0x9b: {  	s22 =	simm.s32 $0x1BFF;
	s21 =	sshll.u32 s6, $0x1;
	s3 =	sadd.s32 s4, s19  }
0x9c: {  	s7 =	simm.s32 $0x0;
	s20 =	sshll.u32 s5, $0x1;
	s5 =	sadd.s32 s21, s3  }
0x9d: {  	[timem:s7], [sflag:s22] =	dma.local [hbm:s5], s20  }
0x9e: {  	_ =	swait.ge [sflag:s22], s20  }
0x9f: {  	s4 =	ssub.s32 $0x0, s20;
	[sflag:s22] =	ssyncset.done $0x0  }
0xa0: {  	[sflag:s22] =	ssyncadd.s32 s4;
	_ =	sdelay $0x1  }
0xa1: {  	s23 =	simm.s32 $0x1B8B  }
0xa2: {  	_ =	swait.ge [sflag:s23], $0x1  }
0xa3: {  	[sflag:s23] =	ssyncset.done $0x0  }
0xa4: {  	s25 =	simm.s32 $0x1B8E;
	s24 =	sld [smem:$0x3FFE];
	[sflag:s23] =	ssyncadd.s32 $0xFFFFFFFF  }
0xa5: {  	s26 =	simm.s32 $execute0_lowered;
	[smem:$0x3FD2] =	sst s25  }
0xa6: {  	s5 =	sshll.u32 s26, $0x1;
	_ =	strace $0x80000046;
	[dreg:$0x1] =	wrdreg $0xFFFFFFFF  }
0xa7: {  	s28 =	simm.s32 $_size_execute0_lowered;
	s3 =	sadd.s32 s3, s5;
	[dreg:$0x0] =	wrdreg $0x0  }
0xa8: {  	s5 =	sshll.u32 s28, $0x1;
	[dreg:$0x2] =	wrdreg s3  }
0xa9: {  	[dreg:$0x3] =	wrdreg s5  }
0xaa: {  	[dreg:$0x4] =	wrdreg $0xC0  }
0xab: {  	_ =	task [dreg:s7], $0x5FFFF  }
0xac: {  	[dreg:$0x1] =	wrdreg $0xFFFFFFFF  }
0xad: {  	[dreg:$0x0] =	wrdreg $0x60  }
0xae: {  	[dreg:$0x2] =	wrdreg s24  }
0xaf: {  	[dreg:$0x3] =	wrdreg s2  }
0xb0: {  	[dreg:$0x4] =	wrdreg $0x2E800  }
0xb1: {  	[dreg:$0x5] =	wrdreg $0x9  }
0xb2: {  	_ =	task.clear_ibuf [dreg:s7], $0x6FFFF;
	_ =	strace $0x90000046  }
0xb3: {  	s29 =	simm.s32 $0x9;
	_ =	strace $0x80000048  }
0xb4: {  	_ =	swait.ge [sflag:s29], $0x1  }
0xb5: {  	[sflag:s29] =	ssyncadd.s32 $0xFFFFFFFF  }
0xb6: {  	_ =	strace $0x90000048  }
0xb7: {  	_ =	sfence  }
0xb8: {  	s30 =	sld [smem:$0x0];
	_ =	sdelay $0x2  }
0xb9: {  	s31 =	sshll.u32 s1, $0xD;
	s1 =	sshrl.u32 s1, $0x2  }
0xba: {  	s3 =	sand.u32 $0x4000, s31;
	s1 =	sadd.s32 s1, s30  }
0xbb: {  	s0 =	sor.u32 s3, s0;
	s1 =	sshll.u32 s1, $0x11  }
0xbc: {  	s0 =	sor.u32 s1, s0  }
0xbd: {  	s0 =	sadd.s32 $0x8F2B, s0  }
0xbe: {  	[sflag:s0] =	ssyncadd.remote.s32 $0x1  }
0xbf: {  	_ =	sfence.sel $0xFFFF  }
0xc0: {  	[dreg:$0x0] =	wrdreg $0xFFFFFFFF;
	(pc) =	sbr.abs _section_cstart, $3  }
0xc1: {  	[dreg:$0x1] =	wrdreg $0xFFFFFFFF  }
0xc2: {  	_ =	task.clear_ibuf [dreg:s7], $0x2FFFF;
	_ =	strace $0x9FFFFFFF  }
0xc3: {  	(tm) =	ssettm $0x7FFFFFFF  }
tec
execute0_lowered:
.L_overlay_start_1:
0x0: {  	(tag) =	ssettag $0x1  }
0x1: {  	s4 =	rddreg [dreg:$0x0]  }
0x2: {  	s12 =	rddreg [dreg:$0x1]  }
0x3: {  	s2 =	rddreg [dreg:$0x2]  }
0x4: {  	s0 =	rddreg [dreg:$0x3];
	s5 =	srdreg.scid  }
0x5: {  	s1 =	stileid.u32;
	s3 =	simm.s32 $0x0;
	s16 =	simm.s32 $0x1  }
0x6: {  	s8 =	sand.u32 $0x1, s5;
	s30 =	sshll.u32 s1, $0x1;
	s6 =	smul.u32 $0xA000, s1  }
0x7: {  	[smem:$0x7FF] =	sst s3;
	s13 =	smul.u32 $0x2800, s1;
	s19 =	sshll.u32 s1, $0x6  }
0x8: {  	s5 =	sor.u32 s8, s30;
	_ =	strace $0x80000047;
	s15 =	smul.u32 $0x5000, s8  }
0x9: {  	s7 =	ssub.s32 $0x2, s8;
	s5 =	smul.u32 $0x510, s5;
	s6 =	sshrl.u32 s6, $0x2  }
0xa: {  	s31 =	sshrl.u32 s7, $0x1;
	s18 =	sshrl.u32 s13, $0x3;
	s10 =	sadd.s32 s6, s2  }
0xb: {  	s14 =	ssub.s32 s7, s31;
	s17 =	sadd.s32 s12, s15;
	s15 =	simm.s32 $0x60  }
0xc: {  	s11 =	sadd.s32 s5, s4;
	s4 =	sadd.s32 s13, s2;
	s5 =	sadd.s32 $0x600, s10  }
0xd: {  	s6 =	sadd.s32 $0xC00, s10;
	s7 =	sadd.s32 $0x1200, s10;
	s8 =	sadd.s32 $0x1800, s10  }
0xe: {  	s9 =	sadd.s32 $0x1E00, s10;
	s10 =	sadd.s32 $0x2400, s10;
	s12 =	smax.u32 s14, $0x1  }
0xf: {  	s13 =	simm.s32 $0x2880;
	s14 =	simm.s32 $0x2;
	s17 =	sadd.s32 s18, s17  }
0x10: {  	v0 =	vimm.f32 $0.0e+00;
	v1 =	vimm.f32 $1.000000000e+00;
	s18 =	sor.u32 $0x1C02, s19;
	s11 =	sadd.s32 $0xBE00, s11;
	s19 =	sshrl.u32 s4, $0x3  }
.LBB2_1:
0x11: {  	s20 =	simm.s32 $0x40;
	s21 =	simm.s32 $0x0  }
.LBB2_2:
0x12: {  	p0 =	sne.s32 s20, $0x17C0;
	[tilespmem:s21+$0x2880] =	vst v0;
	s21 =	smov.u32 s20;
	s20 =	sadd.s32 $0x40, s20  }
.Ltmp0:
0x13: {  	(pc) =	sbr.rel @p0 .LBB2_2-.Ltmp0, $2  }
0x14: {  	_ =	sdelay $0x2  }
0x15: {  	s21 =	sshra.s32 s21, $0x2  }
0x16: {  	[tilespmem:s21+$0x2880] =	vst v0  }
0x17: {  	[spmem:s4] =	stream.linear.scatter [tilespmem:s13], [sflag:$0x2], $0x600, $0x38;
	[tilespmem:$0x5680] =	vst v63  }
0x18: {  	_ =	swait.ge [sflag:s14], $0x600  }
0x19: {  	[sflag:s14] =	ssyncset.done $0x0  }
0x1a: {  	[sflag:s14] =	ssyncadd.s32 $0xFFFFFA00  }
0x1b: {  	[spmem:s5] =	stream.linear.scatter [tilespmem:s13], [sflag:$0x2], $0x600, $0x38;
	[tilespmem:$0x5680] =	vst v63  }
0x1c: {  	_ =	swait.ge [sflag:s14], $0x600  }
0x1d: {  	[sflag:s14] =	ssyncset.done $0x0  }
0x1e: {  	[sflag:s14] =	ssyncadd.s32 $0xFFFFFA00  }
0x1f: {  	[spmem:s6] =	stream.linear.scatter [tilespmem:s13], [sflag:$0x2], $0x600, $0x38;
	[tilespmem:$0x5680] =	vst v63  }
0x20: {  	_ =	swait.ge [sflag:s14], $0x600  }
0x21: {  	[sflag:s14] =	ssyncset.done $0x0  }
0x22: {  	[sflag:s14] =	ssyncadd.s32 $0xFFFFFA00  }
0x23: {  	[spmem:s7] =	stream.linear.scatter [tilespmem:s13], [sflag:$0x2], $0x600, $0x38;
	[tilespmem:$0x5680] =	vst v63  }
0x24: {  	_ =	swait.ge [sflag:s14], $0x600  }
0x25: {  	[sflag:s14] =	ssyncset.done $0x0  }
0x26: {  	[sflag:s14] =	ssyncadd.s32 $0xFFFFFA00  }
0x27: {  	[spmem:s8] =	stream.linear.scatter [tilespmem:s13], [sflag:$0x2], $0x600, $0x38;
	[tilespmem:$0x5680] =	vst v63  }
0x28: {  	_ =	swait.ge [sflag:s14], $0x600  }
0x29: {  	[sflag:s14] =	ssyncset.done $0x0  }
0x2a: {  	[sflag:s14] =	ssyncadd.s32 $0xFFFFFA00  }
0x2b: {  	[spmem:s9] =	stream.linear.scatter [tilespmem:s13], [sflag:$0x2], $0x600, $0x38;
	[tilespmem:$0x5680] =	vst v63  }
0x2c: {  	_ =	swait.ge [sflag:s14], $0x600  }
0x2d: {  	[sflag:s14] =	ssyncset.done $0x0  }
0x2e: {  	[sflag:s14] =	ssyncadd.s32 $0xFFFFFA00  }
0x2f: {  	[spmem:s10] =	stream.linear.scatter [tilespmem:s13], [sflag:$0x2], $0x400, $0x38;
	[tilespmem:$0x5680] =	vst v63  }
0x30: {  	_ =	swait.ge [sflag:s14], $0x400  }
0x31: {  	[sflag:s14] =	ssyncset.done $0x0  }
0x32: {  	s20 =	simm.s32 $0x40;
	s21 =	simm.s32 $0x0;
	[sflag:s14] =	ssyncadd.s32 $0xFFFFFC00  }
.LBB2_4:
0x33: {  	p0 =	sne.s32 s20, $0x17C0;
	[tilespmem:s21+$0x2880] =	vst v1;
	s21 =	smov.u32 s20;
	s20 =	sadd.s32 $0x40, s20  }
.Ltmp1:
0x34: {  	(pc) =	sbr.rel @p0 .LBB2_4-.Ltmp1, $2  }
0x35: {  	_ =	sdelay $0x2  }
0x36: {  	s21 =	sshra.s32 s21, $0x2  }
0x37: {  	[tilespmem:s21+$0x2880] =	vst v1  }
0x38: {  	s20 =	simm.s32 $0x0;
	[bflag:$0x0] =	sbarrier.arrive $0xFFFF  }
0x39: {  	[tilespmem:s20], [sflag:$0x2] =	stream.linear.gather [hbm4b:s11+s20], $0x2880, $0x38;
	[tilespmem:$0x5680] =	vst v63  }
0x3a: {  	_ =	swait.ge [sflag:s14], $0x2880  }
0x3b: {  	[sflag:s14] =	ssyncset.done $0x0  }
0x3c: {  	s25 =	simm.s32 $0x0;
	[sflag:s14] =	ssyncadd.s32 $0xFFFFD780  }
0x3d: {  	[spmem:s2] =	stream.indirect.scatter.add.f32 [tilespmem:s13], [sflag:$0x1], $0x10, s25, s15, $0xb8;
	[tilespmem:$0x5680] =	vst v63  }
0x3e: {  	s26 =	simm.s32 $0x60  }
0x3f: {  	[spmem:s2] =	stream.indirect.scatter.add.f32 [tilespmem:s13], [sflag:$0x1], $0x10, s26, s15, $0xb8;
	[tilespmem:$0x5680] =	vst v63  }
0x40: {  	s28 =	simm.s32 $0xC0  }
0x41: {  	[spmem:s2] =	stream.indirect.scatter.add.f32 [tilespmem:s13], [sflag:$0x1], $0x10, s28, s15, $0xb8;
	[tilespmem:$0x5680] =	vst v63  }
0x42: {  	s29 =	simm.s32 $0x120  }
0x43: {  	[spmem:s2] =	stream.indirect.scatter.add.f32 [tilespmem:s13], [sflag:$0x1], $0x10, s29, s15, $0xb8;
	[tilespmem:$0x5680] =	vst v63  }
0x44: {  	s30 =	simm.s32 $0x180  }
0x45: {  	[spmem:s2] =	stream.indirect.scatter.add.f32 [tilespmem:s13], [sflag:$0x1], $0x10, s30, s15, $0xb8;
	[tilespmem:$0x5680] =	vst v63  }
0x46: {  	s31 =	simm.s32 $0x1E0  }
0x47: {  	[spmem:s2] =	stream.indirect.scatter.add.f32 [tilespmem:s13], [sflag:$0x1], $0x10, s31, s15, $0xb8;
	[tilespmem:$0x5680] =	vst v63  }
0x48: {  	_ =	swait.ge [sflag:s16], $0x600  }
0x49: {  	[sflag:s16] =	ssyncset.done $0x0  }
0x4a: {  	[sflag:s16] =	ssyncadd.s32 $0xFFFFFA00  }
0x4b: {  	_ =	swait.ge [sflag:s16], $0x600  }
0x4c: {  	[sflag:s16] =	ssyncset.done $0x0  }
0x4d: {  	[sflag:s16] =	ssyncadd.s32 $0xFFFFFA00  }
0x4e: {  	_ =	swait.ge [sflag:s16], $0x600  }
0x4f: {  	[sflag:s16] =	ssyncset.done $0x0  }
0x50: {  	[sflag:s16] =	ssyncadd.s32 $0xFFFFFA00  }
0x51: {  	_ =	swait.ge [sflag:s16], $0x600  }
0x52: {  	[sflag:s16] =	ssyncset.done $0x0  }
0x53: {  	[sflag:s16] =	ssyncadd.s32 $0xFFFFFA00  }
0x54: {  	_ =	swait.ge [sflag:s16], $0x600  }
0x55: {  	[sflag:s16] =	ssyncset.done $0x0  }
0x56: {  	[sflag:s16] =	ssyncadd.s32 $0xFFFFFA00  }
0x57: {  	_ =	swait.ge [sflag:s16], $0x600  }
0x58: {  	s21 =	simm.s32 $0x1200;
	s20 =	simm.s32 $0x900;
	[sflag:s16] =	ssyncset.done $0x0  }
.LBB2_6:
0x59: {  	s22 =	sshra.s32 s20, $0x2  }
0x5a: {  	[sflag:s16] =	ssyncadd.s32 $0xFFFFFA00;
	s20 =	smov.u32 s21;
	s23 =	sadd.s32 $0x900, s21  }
0x5b: {  	[spmem:s2] =	stream.indirect.scatter.add.f32 [tilespmem:s13], [sflag:$0x1], $0x10, s22, s15, $0xb8;
	[tilespmem:$0x5680] =	vst v63  }
0x5c: {  	p0 =	sne.s32 s21, $0x9900;
	s21 =	sadd.s32 $0x60, s22  }
0x5d: {  	[spmem:s2] =	stream.indirect.scatter.add.f32 [tilespmem:s13], [sflag:$0x1], $0x10, s21, s15, $0xb8;
	[tilespmem:$0x5680] =	vst v63  }
0x5e: {  	s21 =	sadd.s32 $0xC0, s22  }
0x5f: {  	[spmem:s2] =	stream.indirect.scatter.add.f32 [tilespmem:s13], [sflag:$0x1], $0x10, s21, s15, $0xb8;
	[tilespmem:$0x5680] =	vst v63  }
0x60: {  	s21 =	sadd.s32 $0x120, s22  }
0x61: {  	[spmem:s2] =	stream.indirect.scatter.add.f32 [tilespmem:s13], [sflag:$0x1], $0x10, s21, s15, $0xb8;
	[tilespmem:$0x5680] =	vst v63  }
0x62: {  	s21 =	sadd.s32 $0x180, s22  }
0x63: {  	[spmem:s2] =	stream.indirect.scatter.add.f32 [tilespmem:s13], [sflag:$0x1], $0x10, s21, s15, $0xb8;
	[tilespmem:$0x5680] =	vst v63  }
0x64: {  	s21 =	sadd.s32 $0x1E0, s22  }
0x65: {  	[spmem:s2] =	stream.indirect.scatter.add.f32 [tilespmem:s13], [sflag:$0x1], $0x10, s21, s15, $0xb8;
	[tilespmem:$0x5680] =	vst v63  }
0x66: {  	_ =	swait.ge [sflag:s16], $0x600  }
0x67: {  	[sflag:s16] =	ssyncset.done $0x0  }
0x68: {  	[sflag:s16] =	ssyncadd.s32 $0xFFFFFA00  }
0x69: {  	_ =	swait.ge [sflag:s16], $0x600  }
0x6a: {  	[sflag:s16] =	ssyncset.done $0x0  }
0x6b: {  	[sflag:s16] =	ssyncadd.s32 $0xFFFFFA00  }
0x6c: {  	_ =	swait.ge [sflag:s16], $0x600  }
0x6d: {  	[sflag:s16] =	ssyncset.done $0x0  }
0x6e: {  	[sflag:s16] =	ssyncadd.s32 $0xFFFFFA00  }
0x6f: {  	_ =	swait.ge [sflag:s16], $0x600  }
0x70: {  	[sflag:s16] =	ssyncset.done $0x0  }
0x71: {  	[sflag:s16] =	ssyncadd.s32 $0xFFFFFA00  }
.Ltmp2:
0x72: {  	_ =	swait.ge [sflag:s16], $0x600;
	(pc) =	sbr.rel @p0 .LBB2_6-.Ltmp2, $4  }
0x73: {  	[sflag:s16] =	ssyncset.done $0x0  }
0x74: {  	[sflag:s16] =	ssyncadd.s32 $0xFFFFFA00  }
0x75: {  	_ =	swait.ge [sflag:s16], $0x600  }
0x76: {  	s21 =	smov.u32 s23;
	[sflag:s16] =	ssyncset.done $0x0  }
0x77: {  	s20 =	sshra.s32 s20, $0x2;
	[sflag:s16] =	ssyncadd.s32 $0xFFFFFA00  }
0x78: {  	[spmem:s2] =	stream.indirect.scatter.add.f32 [tilespmem:s13], [sflag:$0x1], $0x10, s20, s15, $0xb8;
	[tilespmem:$0x5680] =	vst v63  }
0x79: {  	s21 =	sadd.s32 $0x60, s20  }
0x7a: {  	[spmem:s2] =	stream.indirect.scatter.add.f32 [tilespmem:s13], [sflag:$0x1], $0x10, s21, s15, $0xb8;
	[tilespmem:$0x5680] =	vst v63  }
0x7b: {  	s29 =	sadd.s32 $0xC0, s20  }
0x7c: {  	[spmem:s2] =	stream.indirect.scatter.add.f32 [tilespmem:s13], [sflag:$0x1], $0x10, s29, s15, $0xb8;
	[tilespmem:$0x5680] =	vst v63  }
0x7d: {  	s30 =	sadd.s32 $0x120, s20  }
0x7e: {  	[spmem:s2] =	stream.indirect.scatter.add.f32 [tilespmem:s13], [sflag:$0x1], $0x10, s30, s15, $0xb8;
	[tilespmem:$0x5680] =	vst v63  }
0x7f: {  	s31 =	sadd.s32 $0x180, s20  }
0x80: {  	[spmem:s2] =	stream.indirect.scatter.add.f32 [tilespmem:s13], [sflag:$0x1], $0x10, s31, s15, $0xb8;
	[tilespmem:$0x5680] =	vst v63  }
0x81: {  	s20 =	sadd.s32 $0x1E0, s20  }
0x82: {  	[spmem:s2] =	stream.indirect.scatter.add.f32 [tilespmem:s13], [sflag:$0x1], $0x10, s20, s15, $0xb8;
	[tilespmem:$0x5680] =	vst v63  }
0x83: {  	_ =	swait.ge [sflag:s16], $0x600  }
0x84: {  	[sflag:s16] =	ssyncset.done $0x0  }
0x85: {  	[sflag:s16] =	ssyncadd.s32 $0xFFFFFA00  }
0x86: {  	_ =	swait.ge [sflag:s16], $0x600  }
0x87: {  	[sflag:s16] =	ssyncset.done $0x0  }
0x88: {  	[sflag:s16] =	ssyncadd.s32 $0xFFFFFA00  }
0x89: {  	_ =	swait.ge [sflag:s16], $0x600  }
0x8a: {  	[sflag:s16] =	ssyncset.done $0x0  }
0x8b: {  	[sflag:s16] =	ssyncadd.s32 $0xFFFFFA00  }
0x8c: {  	_ =	swait.ge [sflag:s16], $0x600  }
0x8d: {  	[sflag:s16] =	ssyncset.done $0x0  }
0x8e: {  	[sflag:s16] =	ssyncadd.s32 $0xFFFFFA00  }
0x8f: {  	_ =	swait.ge [sflag:s16], $0x600  }
0x90: {  	[sflag:s16] =	ssyncset.done $0x0  }
0x91: {  	[sflag:s16] =	ssyncadd.s32 $0xFFFFFA00  }
0x92: {  	_ =	swait.ge [sflag:s16], $0x600  }
0x93: {  	s3 =	sadd.s32 $0x1, s3;
	[sflag:s16] =	ssyncset.done $0x0  }
0x94: {  	p0 =	sne.s32 s3, s12;
	[sflag:s16] =	ssyncadd.s32 $0xFFFFFA00  }
.Ltmp3:
0x95: {  	[bflag:$0x0] =	sbarrier.arrive $0xFFFF;
	(pc) =	sbr.rel @p0 .LBB2_1-.Ltmp3, $4  }
0x96: {  	[hbm:s17], [sflag:s18] =	dma.local [spmem:s19], $0x500  }
0x97: {  	_ =	swait.ge [sflag:s14], $0x500  }
0x98: {  	[sflag:s14] =	ssyncset.done $0x0  }
0x99: {  	[sflag:s14] =	ssyncadd.s32 $0xFFFFFB00  }
0x9a: {  	_ =	sfence.sel $0x180000  }
0x9b: {  	[bflag:$0x0] =	sbarrier.arrive $0xFFFF  }
0x9c: {  	p0 =	sne.s32 s1, $0x0;
	_ =	strace $0x90000047  }
0x9d: {  	s0 =	sadd.s32 @!p0 $0x100000, s0;
	[bflag:$0x2] =	sbarrier.arrive $0xFFFF  }
0x9e: {  	[sflag:s0] =	ssyncadd.tile.s32 @!p0 $0x1;
	_ =	shalt  }
.Lfunc_end2:
_tile_overlayer_lowered:
.L_overlay_start_2:
0x9f: {  	(tag) =	ssettag $0x2  }
0xa0: {  	s0 =	rddreg [dreg:$0x0];
	s2 =	stileid.u32  }
0xa1: {  	s1 =	rddreg [dreg:$0x1];
	p0 =	sne.s32 s2, $0x0  }
0xa2: {  	s3 =	rddreg [dreg:$0x2];
	[bflag:$0x3] =	sbarrier.arrive $0xFFFF;
	s2 =	simm.s32 @!p0 $0x1C02  }
0xa3: {  	[timem:s3], [sflag:s2] =	dma.local @!p0 [hbm:s0], s1  }
0xa4: {  	s0 =	simm.s32 @!p0 $0x2  }
0xa5: {  	_ =	swait.ge @!p0 [sflag:s0], s1  }
0xa6: {  	s1 =	ssub.s32 @!p0 $0x0, s1;
	[sflag:s0] =	ssyncset.done @!p0 $0x0  }
0xa7: {  	[sflag:s0] =	ssyncadd.s32 @!p0 s1  }
0xa8: {  	[bflag:$0x3] =	sbarrier.arrive $0xFFFF  }
0xa9: {  	_ =	shalt  }

</sc_bundles>
